<compile_context>
chip_gen: v7x
topology: tpu7x:2x2x1
jax: 0.10.2.dev20260603
libtpu: 0.0.44.dev20260713+nightly
codegen_flags: <defaults>
</compile_context>

<pallas_src>
import functools

import jax
import jax.numpy as jnp
from jax import lax
from jax.experimental import pallas as pl
from jax.experimental.pallas import tpu as pltpu
from jax.experimental.pallas import tpu_sc as plsc

N = 10000
D = 128
E = 320000

NC = 2
NS = 16
NW = NC * NS
K = 128
GS = 4
KQ = K // GS
CHUNKS = 80
TOTCH = NW * CHUNKS
CH0 = 96
CH1 = 160 - CH0
CHMAX = max(CH0, CH1)
E_PAD = TOTCH * K
TOTCH_PAD = TOTCH + CHMAX
QD = 8
N_ACC = 10240
ZROWS = N_ACC // NS


@functools.cache
def _sc_kernels():
    mesh = plsc.VectorSubcoreMesh(core_axis_name="c", subcore_axis_name="s",
                                  num_cores=NC, num_subcores=NS)

    @functools.partial(
        pl.kernel,
        out_type=jax.ShapeDtypeStruct((NC, N_ACC, D), jnp.float32),
        mesh=mesh,
        scratch_types=[
            pltpu.VMEM_SHARED((N_ACC, D), jnp.float32),
            pltpu.VMEM((CHMAX, K), jnp.int32),
            pltpu.VMEM((2, K), jnp.int32),
            pltpu.VMEM((2, K, D), jnp.float32),
            pltpu.SemaphoreType.DMA,
            pltpu.SemaphoreType.DMA,
            pltpu.SemaphoreType.DMA,
        ],
    )
    def _agg(x_hbm, srcp, dstp, z128, out_p,
             acc, dst_all, si, rows, isem, gsem, ssem):
        c = lax.axis_index("c")
        s = lax.axis_index("s")
        nch = jnp.where(c == 0, CH0, CH1)
        base = jnp.where(c == 0, s * CH0, NS * CH0 + s * CH1)
        pltpu.sync_copy(z128, acc.at[pl.ds(s * ZROWS, ZROWS)])
        pltpu.sync_copy(dstp.at[pl.ds(base, CHMAX)], dst_all)
        pltpu.sync_copy(srcp.at[base], si.at[0])
        plsc.subcore_barrier()

        def load_idx(m, j):
            pltpu.async_copy(srcp.at[base + m], si.at[j], isem)

        def wait_idx():
            pltpu.make_async_copy(srcp.at[base], si.at[0], isem).wait()

        def start_gather(j):
            for q in range(GS):
                pltpu.async_copy(x_hbm.at[si.at[j, pl.ds(q * KQ, KQ)]],
                                 rows.at[j, pl.ds(q * KQ, KQ)], gsem)

        def wait_gather():
            for _ in range(GS):
                pltpu.make_async_copy(x_hbm.at[si.at[0, pl.ds(0, KQ)]],
                                      rows.at[0, pl.ds(0, KQ)], gsem).wait()

        def start_scatter(m, j):
            pltpu.async_copy(rows.at[j], acc.at[dst_all.at[m]], ssem, add=True)

        def wait_scatter():
            pltpu.make_async_copy(rows.at[0], acc.at[dst_all.at[0]], ssem).wait()

        start_gather(0)
        load_idx(1, 1)

        def outer(g, carry):
            for jj in range(2):
                m = g * 2 + jj
                wait_gather()
                start_scatter(m, jj)

                @pl.when(m + 2 < nch)
                def _():
                    load_idx(m + 2, jj)

                @pl.when(m >= 1)
                def _():
                    wait_scatter()

                @pl.when(m + 1 < nch)
                def _():
                    wait_idx()
                    start_gather(1 - jj)
            return carry

        lax.fori_loop(0, nch // 2, outer, 0)
        wait_scatter()
        plsc.subcore_barrier()
        orow = s * ZROWS
        pltpu.sync_copy(acc.at[pl.ds(orow, ZROWS)], out_p.at[c, pl.ds(orow, ZROWS)])

    @functools.partial(
        pl.kernel,
        out_type=jax.ShapeDtypeStruct((NC, N_ACC, D), jnp.float32),
        mesh=mesh,
        scratch_types=[
            pltpu.VMEM_SHARED((N_ACC, D), jnp.float32),
            pltpu.VMEM((CHUNKS, K), jnp.int32),
            pltpu.VMEM((K, D), jnp.float32),
            pltpu.SemaphoreType.DMA,
        ],
    )
    def _cnt(dstp, z128, ones128, out_c, acc, dst_all, ones_v, ssem):
        c = lax.axis_index("c")
        s = lax.axis_index("s")
        wid = c * NS + s
        pltpu.sync_copy(z128, acc.at[pl.ds(s * ZROWS, ZROWS)])
        pltpu.sync_copy(ones128, ones_v)
        pltpu.sync_copy(dstp.at[pl.ds(wid * CHUNKS, CHUNKS)], dst_all)
        plsc.subcore_barrier()

        def wait_scatter():
            pltpu.make_async_copy(ones_v, acc.at[dst_all.at[0]], ssem).wait()

        def chunk(m, carry):
            pltpu.async_copy(ones_v, acc.at[dst_all.at[m]], ssem, add=True)

            @pl.when(m >= QD)
            def _():
                wait_scatter()
            return carry

        lax.fori_loop(0, CHUNKS, chunk, 0)
        for _ in range(QD):
            wait_scatter()
        plsc.subcore_barrier()
        orow = s * ZROWS
        pltpu.sync_copy(acc.at[pl.ds(orow, ZROWS)], out_c.at[c, pl.ds(orow, ZROWS)])

    return _agg, _cnt


RB = 1000
G = N // RB


def _combine_body(p_ref, c_ref, x_ref, wl_ref, wr_ref, b_ref, o_ref, *, relu):
    cnt = c_ref[0, :, 0:1] + c_ref[1, :, 0:1]
    inv = 1.0 / jnp.maximum(cnt, 1.0)
    mean = (p_ref[0] + p_ref[1]) * inv
    dn = (((1,), (1,)), ((), ()))
    acc = lax.dot_general(mean, wl_ref[...], dn, preferred_element_type=jnp.float32)
    acc = acc + lax.dot_general(x_ref[...], wr_ref[...], dn,
                                preferred_element_type=jnp.float32)
    acc = acc + b_ref[...]
    if relu:
        acc = jnp.maximum(acc, 0.0)
    o_ref[...] = acc


def _combine(p, cnt2, x, Wl, Wr, b, relu):
    return pl.pallas_call(
        functools.partial(_combine_body, relu=relu),
        grid=(G,),
        in_specs=[
            pl.BlockSpec((2, RB, D), lambda i: (0, i, 0)),
            pl.BlockSpec((2, RB, D), lambda i: (0, i, 0)),
            pl.BlockSpec((RB, D), lambda i: (i, 0)),
            pl.BlockSpec((D, D), lambda i: (0, 0)),
            pl.BlockSpec((D, D), lambda i: (0, 0)),
            pl.BlockSpec((1, D), lambda i: (0, 0)),
        ],
        out_specs=pl.BlockSpec((RB, D), lambda i: (i, 0)),
        out_shape=jax.ShapeDtypeStruct((N, D), jnp.float32),
    )(p, cnt2, x, Wl, Wr, b.reshape(1, D))


def kernel(x, edge_index, W1l, W1r, b1, W2l, W2r, b2, W3l, W3r, b3):
    src = edge_index[0]
    dst = edge_index[1]
    pad = TOTCH_PAD * K - E
    srcp = jnp.concatenate([src, jnp.zeros((pad,), jnp.int32)]).reshape(TOTCH_PAD, K)
    dstp = jnp.concatenate([dst, jnp.full((pad,), N, jnp.int32)]).reshape(TOTCH_PAD, K)
    z128 = jnp.zeros((ZROWS, D), jnp.float32)
    ones128 = jnp.ones((K, D), jnp.float32)

    agg_fn, cnt_fn = _sc_kernels()
    cnt2 = cnt_fn(dstp, z128, ones128)
    p1 = agg_fn(x, srcp, dstp, z128)
    h1 = _combine(p1, cnt2, x, W1l, W1r, b1, relu=True)
    p2 = agg_fn(h1, srcp, dstp, z128)
    h2 = _combine(p2, cnt2, h1, W2l, W2r, b2, relu=True)
    p3 = agg_fn(h2, srcp, dstp, z128)
    return _combine(p3, cnt2, h2, W3l, W3r, b3, relu=False)

# --- scband reference (transcript-rebuilt; emitter-appended) ---
"""Pipeline reference for scband-graph-sage-33320356282736 (READ-ONLY COPY).

The authoritative reference and input builder live on the scoring server;
editing this copy changes nothing except your own understanding.
"""

import jax, jax.numpy as jnp
import numpy as np

N = 10000
E = 320000
D_IN = 128
D_HID = 128
D_OUT = 128


def _init_linear(key, out_dim, in_dim):
    kw, kb = jax.random.split(key)
    bound = 1.0 / np.sqrt(in_dim)
    W = jax.random.uniform(kw, (out_dim, in_dim), minval=-bound, maxval=bound, dtype=jnp.float32)
    b = jax.random.uniform(kb, (out_dim,), minval=-bound, maxval=bound, dtype=jnp.float32)
    return W, b


def setup_inputs(seed: int = 0) -> dict:
    key = jax.random.key(seed)
    ks = jax.random.split(key, 8)
    x = jax.random.normal(ks[0], (N, D_IN), dtype=jnp.float32)
    edge_index = jax.random.randint(ks[1], (2, E), 0, N, dtype=jnp.int32)
    W1l, b1 = _init_linear(ks[2], D_HID, D_IN)
    W1r, _ = _init_linear(ks[3], D_HID, D_IN)
    W2l, b2 = _init_linear(ks[4], D_HID, D_HID)
    W2r, _ = _init_linear(ks[5], D_HID, D_HID)
    W3l, b3 = _init_linear(ks[6], D_OUT, D_HID)
    W3r, _ = _init_linear(ks[7], D_OUT, D_HID)
    return {"x": x, "edge_index": edge_index,
            "W1l": W1l, "W1r": W1r, "b1": b1,
            "W2l": W2l, "W2r": W2r, "b2": b2,
            "W3l": W3l, "W3r": W3r, "b3": b3}


def _sage_conv(x, edge_index, Wl, Wr, b):
    # PyG SAGEConv (mean aggregation): out = lin_l(mean_{j in N(i)} x_j) + lin_r(x_i)
    src = edge_index[0]
    dst = edge_index[1]
    msgs = jnp.take(x, src, axis=0)                      # gather
    agg = jax.ops.segment_sum(msgs, dst, num_segments=N)  # scatter-add
    cnt = jax.ops.segment_sum(jnp.ones((edge_index.shape[1],), dtype=x.dtype), dst, num_segments=N)
    mean = agg / jnp.maximum(cnt, 1.0)[:, None]
    return mean @ Wl.T + x @ Wr.T + b


def reference(x, edge_index, W1l, W1r, b1, W2l, W2r, b2, W3l, W3r, b3):
    # eval mode: dropout is a no-op
    h = _sage_conv(x, edge_index, W1l, W1r, b1)
    h = jax.nn.relu(h)
    h = _sage_conv(h, edge_index, W2l, W2r, b2)
    h = jax.nn.relu(h)
    out = _sage_conv(h, edge_index, W3l, W3r, b3)
    return out

if __name__ == "__main__":
    import jax
    _d = setup_inputs()
    print(jax.jit(kernel)(*tuple(_d.values())))

</pallas_src>

<mosaic_0001>
#map = affine_map<(d0, d1) -> (0, 0)>
#map1 = affine_map<(d0, d1) -> (0, 0, 0)>
module attributes {stable_mosaic.version = 14 : i64} {
  func.func @_agg(%arg0: i32, %arg1: i32, %arg2: memref<10000x128xf32, #tpu.memory_space<hbm>>, %arg3: memref<2656x128xi32, #tpu.memory_space<hbm>>, %arg4: memref<2656x128xi32, #tpu.memory_space<hbm>>, %arg5: memref<640x128xf32, #tpu.memory_space<hbm>>, %arg6: memref<2x10240x128xf32, #tpu.memory_space<hbm>>, %arg7: memref<10240x128xf32, #tpu.memory_space<vmem_shared>>, %arg8: memref<96x128xi32, #tpu.memory_space<vmem>>, %arg9: memref<2x128xi32, #tpu.memory_space<vmem>>, %arg10: memref<2x128x128xf32, #tpu.memory_space<vmem>>, %arg11: memref<!tpu.dma_semaphore, #tpu.memory_space<semaphore_mem>>, %arg12: memref<!tpu.dma_semaphore, #tpu.memory_space<semaphore_mem>>, %arg13: memref<!tpu.dma_semaphore, #tpu.memory_space<semaphore_mem>>) attributes {dimension_semantics = [#tpu.dimension_semantics<core_parallel>, #tpu.dimension_semantics<subcore_parallel>], iteration_bounds = array<i64: 2, 16>, scalar_prefetch = 0 : i64, scratch_operands = 7 : i64, tpu.core_type = #tpu.core_type<sc_vector_subcore>, window_params = [{transform_indices = #map}, {transform_indices = #map}, {transform_indices = #map}, {transform_indices = #map}, {transform_indices = #map1}]} {
    %eq3A = arith.constant 0 : i32
    %eq3A_0 = arith.cmpi eq, %arg0, %eq3A : i32
    %jit3A = arith.constant 96 : i32
    %jit3A_1 = arith.constant 64 : i32
    %select_n3A = arith.select %eq3A_0, %jit3A, %jit3A_1 : i32
    %eq3A_2 = arith.constant 0 : i32
    %eq3A_3 = arith.cmpi eq, %arg0, %eq3A_2 : i32
    %mul3A = arith.constant 96 : i32
    %mul3A_4 = arith.muli %arg1, %mul3A : i32
    %mul3A_5 = arith.constant 64 : i32
    %mul3A_6 = arith.muli %arg1, %mul3A_5 : i32
    %add3A = arith.constant 1536 : i32
    %add3A_7 = arith.addi %add3A, %mul3A_6 : i32
    %select_n3A_8 = arith.select %eq3A_3, %mul3A_4, %add3A_7 : i32
    %mul3A_9 = arith.constant 640 : i32
    %mul3A_10 = arith.muli %arg1, %mul3A_9 : i32
    "tpu.region"() ({
      %run_scoped3A_114 = tpu.sem_alloc : memref<!tpu.dma_semaphore, #tpu.memory_space<semaphore_mem>>
      %dma_start3A_115 = arith.constant 0 : i32
      %dma_start3A_116 = tpu.memref_slice %arg7[%mul3A_10, %dma_start3A_115] : memref<10240x128xf32, #tpu.memory_space<vmem_shared>> -> memref<640x128xf32, #tpu.memory_space<vmem_shared>>
      tpu.enqueue_dma source(%arg5 : memref<640x128xf32, #tpu.memory_space<hbm>>) target(%dma_start3A_116 : memref<640x128xf32, #tpu.memory_space<vmem_shared>>) target_semaphore(%run_scoped3A_114 : memref<!tpu.dma_semaphore, #tpu.memory_space<semaphore_mem>>)
      %dma_wait3A_117 = arith.constant 0 : i32
      %dma_wait3A_118 = tpu.memref_slice %arg7[%mul3A_10, %dma_wait3A_117] : memref<10240x128xf32, #tpu.memory_space<vmem_shared>> -> memref<640x128xf32, #tpu.memory_space<vmem_shared>>
      tpu.wait_dma2 semaphore(%run_scoped3A_114 : memref<!tpu.dma_semaphore, #tpu.memory_space<semaphore_mem>>) src(%arg5 : memref<640x128xf32, #tpu.memory_space<hbm>>) dst(%dma_wait3A_118 : memref<640x128xf32, #tpu.memory_space<vmem_shared>>)
      tpu.yield
    }) : () -> ()
    "tpu.region"() ({
      %run_scoped3A_114 = tpu.sem_alloc : memref<!tpu.dma_semaphore, #tpu.memory_space<semaphore_mem>>
      %dma_start3A_115 = arith.constant 0 : i32
      %dma_start3A_116 = tpu.memref_slice %arg4[%select_n3A_8, %dma_start3A_115] : memref<2656x128xi32, #tpu.memory_space<hbm>> -> memref<96x128xi32, #tpu.memory_space<hbm>>
      %dma_start3A_117 = arith.constant 0 : i32
      %dma_start3A_118 = tpu.memref_slice %arg4[%select_n3A_8, %dma_start3A_117] : memref<2656x128xi32, #tpu.memory_space<hbm>> -> memref<96x128xi32, #tpu.memory_space<hbm>>
      tpu.enqueue_dma source(%dma_start3A_118 : memref<96x128xi32, #tpu.memory_space<hbm>>) target(%arg8 : memref<96x128xi32, #tpu.memory_space<vmem>>) target_semaphore(%run_scoped3A_114 : memref<!tpu.dma_semaphore, #tpu.memory_space<semaphore_mem>>)
      %dma_wait3A_119 = arith.constant 0 : i32
      %dma_wait3A_120 = tpu.memref_slice %arg4[%select_n3A_8, %dma_wait3A_119] : memref<2656x128xi32, #tpu.memory_space<hbm>> -> memref<96x128xi32, #tpu.memory_space<hbm>>
      %dma_wait3A_121 = arith.constant 0 : i32
      %dma_wait3A_122 = tpu.memref_slice %arg4[%select_n3A_8, %dma_wait3A_121] : memref<2656x128xi32, #tpu.memory_space<hbm>> -> memref<96x128xi32, #tpu.memory_space<hbm>>
      tpu.wait_dma2 semaphore(%run_scoped3A_114 : memref<!tpu.dma_semaphore, #tpu.memory_space<semaphore_mem>>) src(%dma_wait3A_122 : memref<96x128xi32, #tpu.memory_space<hbm>>) dst(%arg8 : memref<96x128xi32, #tpu.memory_space<vmem>>)
      tpu.yield
    }) : () -> ()
    %run_scoped3A = arith.constant 0 : i32
    "tpu.region"() ({
      %run_scoped3A_114 = tpu.sem_alloc : memref<!tpu.dma_semaphore, #tpu.memory_space<semaphore_mem>>
      %dma_start3A_115 = arith.constant 0 : i32
      %dma_start3A_116 = tpu.memref_slice %arg9[%run_scoped3A, %dma_start3A_115] : memref<2x128xi32, #tpu.memory_space<vmem>> -> memref<1x128xi32, #tpu.memory_space<vmem>>
      %dma_start3A_117 = tpu.memref_squeeze %dma_start3A_116 : memref<1x128xi32, #tpu.memory_space<vmem>> -> memref<128xi32, #tpu.memory_space<vmem>>
      %dma_start3A_118 = arith.constant 0 : i32
      %dma_start3A_119 = tpu.memref_slice %arg3[%select_n3A_8, %dma_start3A_118] : memref<2656x128xi32, #tpu.memory_space<hbm>> -> memref<1x128xi32, #tpu.memory_space<hbm>>
      %dma_start3A_120 = tpu.memref_squeeze %dma_start3A_119 : memref<1x128xi32, #tpu.memory_space<hbm>> -> memref<128xi32, #tpu.memory_space<hbm>>
      %dma_start3A_121 = arith.constant 0 : i32
      %dma_start3A_122 = tpu.memref_slice %arg9[%run_scoped3A, %dma_start3A_121] : memref<2x128xi32, #tpu.memory_space<vmem>> -> memref<1x128xi32, #tpu.memory_space<vmem>>
      %dma_start3A_123 = tpu.memref_squeeze %dma_start3A_122 : memref<1x128xi32, #tpu.memory_space<vmem>> -> memref<128xi32, #tpu.memory_space<vmem>>
      %dma_start3A_124 = arith.constant 0 : i32
      %dma_start3A_125 = tpu.memref_slice %arg3[%select_n3A_8, %dma_start3A_124] : memref<2656x128xi32, #tpu.memory_space<hbm>> -> memref<1x128xi32, #tpu.memory_space<hbm>>
      %dma_start3A_126 = tpu.memref_squeeze %dma_start3A_125 : memref<1x128xi32, #tpu.memory_space<hbm>> -> memref<128xi32, #tpu.memory_space<hbm>>
      tpu.enqueue_dma source(%dma_start3A_126 : memref<128xi32, #tpu.memory_space<hbm>>) target(%dma_start3A_123 : memref<128xi32, #tpu.memory_space<vmem>>) target_semaphore(%run_scoped3A_114 : memref<!tpu.dma_semaphore, #tpu.memory_space<semaphore_mem>>)
      %dma_wait3A_127 = arith.constant 0 : i32
      %dma_wait3A_128 = tpu.memref_slice %arg9[%run_scoped3A, %dma_wait3A_127] : memref<2x128xi32, #tpu.memory_space<vmem>> -> memref<1x128xi32, #tpu.memory_space<vmem>>
      %dma_wait3A_129 = tpu.memref_squeeze %dma_wait3A_128 : memref<1x128xi32, #tpu.memory_space<vmem>> -> memref<128xi32, #tpu.memory_space<vmem>>
      %dma_wait3A_130 = arith.constant 0 : i32
      %dma_wait3A_131 = tpu.memref_slice %arg3[%select_n3A_8, %dma_wait3A_130] : memref<2656x128xi32, #tpu.memory_space<hbm>> -> memref<1x128xi32, #tpu.memory_space<hbm>>
      %dma_wait3A_132 = tpu.memref_squeeze %dma_wait3A_131 : memref<1x128xi32, #tpu.memory_space<hbm>> -> memref<128xi32, #tpu.memory_space<hbm>>
      %dma_wait3A_133 = arith.constant 0 : i32
      %dma_wait3A_134 = tpu.memref_slice %arg9[%run_scoped3A, %dma_wait3A_133] : memref<2x128xi32, #tpu.memory_space<vmem>> -> memref<1x128xi32, #tpu.memory_space<vmem>>
      %dma_wait3A_135 = tpu.memref_squeeze %dma_wait3A_134 : memref<1x128xi32, #tpu.memory_space<vmem>> -> memref<128xi32, #tpu.memory_space<vmem>>
      %dma_wait3A_136 = arith.constant 0 : i32
      %dma_wait3A_137 = tpu.memref_slice %arg3[%select_n3A_8, %dma_wait3A_136] : memref<2656x128xi32, #tpu.memory_space<hbm>> -> memref<1x128xi32, #tpu.memory_space<hbm>>
      %dma_wait3A_138 = tpu.memref_squeeze %dma_wait3A_137 : memref<1x128xi32, #tpu.memory_space<hbm>> -> memref<128xi32, #tpu.memory_space<hbm>>
      tpu.wait_dma2 semaphore(%run_scoped3A_114 : memref<!tpu.dma_semaphore, #tpu.memory_space<semaphore_mem>>) src(%dma_wait3A_138 : memref<128xi32, #tpu.memory_space<hbm>>) dst(%dma_wait3A_135 : memref<128xi32, #tpu.memory_space<vmem>>)
      tpu.yield
    }) : () -> ()
    %barrier3A = arith.constant 0 : index
    tpu.barrier barrier_id(%barrier3A)
    %dma_start3A = arith.constant 0 : i32
    %dma_start3A_11 = arith.constant 0 : i32
    %dma_start3A_12 = arith.constant 0 : i32
    %dma_start3A_13 = arith.constant 0 : i32
    %dma_start3A_14 = tpu.memref_slice %arg10[%dma_start3A_11, %dma_start3A_12, %dma_start3A_13] : memref<2x128x128xf32, #tpu.memory_space<vmem>> -> memref<1x32x128xf32, #tpu.memory_space<vmem>>
    %dma_start3A_15 = tpu.memref_squeeze %dma_start3A_14 : memref<1x32x128xf32, #tpu.memory_space<vmem>> -> memref<32x128xf32, #tpu.memory_space<vmem>>
    %dma_start3A_16 = arith.constant 0 : i32
    %dma_start3A_17 = tpu.memref_slice %arg9[%dma_start3A, %dma_start3A_16] : memref<2x128xi32, #tpu.memory_space<vmem>> -> memref<1x32xi32, #tpu.memory_space<vmem>>
    %dma_start3A_18 = tpu.memref_squeeze %dma_start3A_17 : memref<1x32xi32, #tpu.memory_space<vmem>> -> memref<32xi32, #tpu.memory_space<vmem>>
    %dma_start3A_19 = arith.constant 0 : i32
    %dma_start3A_20 = arith.constant 0 : i32
    %dma_start3A_21 = tpu.memref_slice %arg2[%dma_start3A_19, %dma_start3A_20] : memref<10000x128xf32, #tpu.memory_space<hbm>> -> memref<10000x128xf32, #tpu.memory_space<hbm>>
    tpu.enqueue_indirect_dma source(%dma_start3A_21 : memref<10000x128xf32, #tpu.memory_space<hbm>>) target(%dma_start3A_15 : memref<32x128xf32, #tpu.memory_space<vmem>>) offsets(%dma_start3A_18 : memref<32xi32, #tpu.memory_space<vmem>>) semaphore(%arg12 : memref<!tpu.dma_semaphore, #tpu.memory_space<semaphore_mem>>)
    %dma_start3A_22 = arith.constant 0 : i32
    %dma_start3A_23 = arith.constant 0 : i32
    %dma_start3A_24 = arith.constant 32 : i32
    %dma_start3A_25 = arith.constant 0 : i32
    %dma_start3A_26 = tpu.memref_slice %arg10[%dma_start3A_23, %dma_start3A_24, %dma_start3A_25] : memref<2x128x128xf32, #tpu.memory_space<vmem>> -> memref<1x32x128xf32, #tpu.memory_space<vmem>>
    %dma_start3A_27 = tpu.memref_squeeze %dma_start3A_26 : memref<1x32x128xf32, #tpu.memory_space<vmem>> -> memref<32x128xf32, #tpu.memory_space<vmem>>
    %dma_start3A_28 = arith.constant 32 : i32
    %dma_start3A_29 = tpu.memref_slice %arg9[%dma_start3A_22, %dma_start3A_28] : memref<2x128xi32, #tpu.memory_space<vmem>> -> memref<1x32xi32, #tpu.memory_space<vmem>>
    %dma_start3A_30 = tpu.memref_squeeze %dma_start3A_29 : memref<1x32xi32, #tpu.memory_space<vmem>> -> memref<32xi32, #tpu.memory_space<vmem>>
    %dma_start3A_31 = arith.constant 0 : i32
    %dma_start3A_32 = arith.constant 0 : i32
    %dma_start3A_33 = tpu.memref_slice %arg2[%dma_start3A_31, %dma_start3A_32] : memref<10000x128xf32, #tpu.memory_space<hbm>> -> memref<10000x128xf32, #tpu.memory_space<hbm>>
    tpu.enqueue_indirect_dma source(%dma_start3A_33 : memref<10000x128xf32, #tpu.memory_space<hbm>>) target(%dma_start3A_27 : memref<32x128xf32, #tpu.memory_space<vmem>>) offsets(%dma_start3A_30 : memref<32xi32, #tpu.memory_space<vmem>>) semaphore(%arg12 : memref<!tpu.dma_semaphore, #tpu.memory_space<semaphore_mem>>)
    %dma_start3A_34 = arith.constant 0 : i32
    %dma_start3A_35 = arith.constant 0 : i32
    %dma_start3A_36 = arith.constant 64 : i32
    %dma_start3A_37 = arith.constant 0 : i32
    %dma_start3A_38 = tpu.memref_slice %arg10[%dma_start3A_35, %dma_start3A_36, %dma_start3A_37] : memref<2x128x128xf32, #tpu.memory_space<vmem>> -> memref<1x32x128xf32, #tpu.memory_space<vmem>>
    %dma_start3A_39 = tpu.memref_squeeze %dma_start3A_38 : memref<1x32x128xf32, #tpu.memory_space<vmem>> -> memref<32x128xf32, #tpu.memory_space<vmem>>
    %dma_start3A_40 = arith.constant 64 : i32
    %dma_start3A_41 = tpu.memref_slice %arg9[%dma_start3A_34, %dma_start3A_40] : memref<2x128xi32, #tpu.memory_space<vmem>> -> memref<1x32xi32, #tpu.memory_space<vmem>>
    %dma_start3A_42 = tpu.memref_squeeze %dma_start3A_41 : memref<1x32xi32, #tpu.memory_space<vmem>> -> memref<32xi32, #tpu.memory_space<vmem>>
    %dma_start3A_43 = arith.constant 0 : i32
    %dma_start3A_44 = arith.constant 0 : i32
    %dma_start3A_45 = tpu.memref_slice %arg2[%dma_start3A_43, %dma_start3A_44] : memref<10000x128xf32, #tpu.memory_space<hbm>> -> memref<10000x128xf32, #tpu.memory_space<hbm>>
    tpu.enqueue_indirect_dma source(%dma_start3A_45 : memref<10000x128xf32, #tpu.memory_space<hbm>>) target(%dma_start3A_39 : memref<32x128xf32, #tpu.memory_space<vmem>>) offsets(%dma_start3A_42 : memref<32xi32, #tpu.memory_space<vmem>>) semaphore(%arg12 : memref<!tpu.dma_semaphore, #tpu.memory_space<semaphore_mem>>)
    %dma_start3A_46 = arith.constant 0 : i32
    %dma_start3A_47 = arith.constant 0 : i32
    %dma_start3A_48 = arith.constant 96 : i32
    %dma_start3A_49 = arith.constant 0 : i32
    %dma_start3A_50 = tpu.memref_slice %arg10[%dma_start3A_47, %dma_start3A_48, %dma_start3A_49] : memref<2x128x128xf32, #tpu.memory_space<vmem>> -> memref<1x32x128xf32, #tpu.memory_space<vmem>>
    %dma_start3A_51 = tpu.memref_squeeze %dma_start3A_50 : memref<1x32x128xf32, #tpu.memory_space<vmem>> -> memref<32x128xf32, #tpu.memory_space<vmem>>
    %dma_start3A_52 = arith.constant 96 : i32
    %dma_start3A_53 = tpu.memref_slice %arg9[%dma_start3A_46, %dma_start3A_52] : memref<2x128xi32, #tpu.memory_space<vmem>> -> memref<1x32xi32, #tpu.memory_space<vmem>>
    %dma_start3A_54 = tpu.memref_squeeze %dma_start3A_53 : memref<1x32xi32, #tpu.memory_space<vmem>> -> memref<32xi32, #tpu.memory_space<vmem>>
    %dma_start3A_55 = arith.constant 0 : i32
    %dma_start3A_56 = arith.constant 0 : i32
    %dma_start3A_57 = tpu.memref_slice %arg2[%dma_start3A_55, %dma_start3A_56] : memref<10000x128xf32, #tpu.memory_space<hbm>> -> memref<10000x128xf32, #tpu.memory_space<hbm>>
    tpu.enqueue_indirect_dma source(%dma_start3A_57 : memref<10000x128xf32, #tpu.memory_space<hbm>>) target(%dma_start3A_51 : memref<32x128xf32, #tpu.memory_space<vmem>>) offsets(%dma_start3A_54 : memref<32xi32, #tpu.memory_space<vmem>>) semaphore(%arg12 : memref<!tpu.dma_semaphore, #tpu.memory_space<semaphore_mem>>)
    %add3A_58 = arith.constant 1 : i32
    %add3A_59 = arith.addi %select_n3A_8, %add3A_58 : i32
    %dma_start3A_60 = arith.constant 1 : i32
    %dma_start3A_61 = arith.constant 0 : i32
    %dma_start3A_62 = tpu.memref_slice %arg9[%dma_start3A_60, %dma_start3A_61] : memref<2x128xi32, #tpu.memory_space<vmem>> -> memref<1x128xi32, #tpu.memory_space<vmem>>
    %dma_start3A_63 = tpu.memref_squeeze %dma_start3A_62 : memref<1x128xi32, #tpu.memory_space<vmem>> -> memref<128xi32, #tpu.memory_space<vmem>>
    %dma_start3A_64 = arith.constant 0 : i32
    %dma_start3A_65 = tpu.memref_slice %arg3[%add3A_59, %dma_start3A_64] : memref<2656x128xi32, #tpu.memory_space<hbm>> -> memref<1x128xi32, #tpu.memory_space<hbm>>
    %dma_start3A_66 = tpu.memref_squeeze %dma_start3A_65 : memref<1x128xi32, #tpu.memory_space<hbm>> -> memref<128xi32, #tpu.memory_space<hbm>>
    %dma_start3A_67 = arith.constant 0 : i32
    %dma_start3A_68 = tpu.memref_slice %arg9[%dma_start3A_60, %dma_start3A_67] : memref<2x128xi32, #tpu.memory_space<vmem>> -> memref<1x128xi32, #tpu.memory_space<vmem>>
    %dma_start3A_69 = tpu.memref_squeeze %dma_start3A_68 : memref<1x128xi32, #tpu.memory_space<vmem>> -> memref<128xi32, #tpu.memory_space<vmem>>
    %dma_start3A_70 = arith.constant 0 : i32
    %dma_start3A_71 = tpu.memref_slice %arg3[%add3A_59, %dma_start3A_70] : memref<2656x128xi32, #tpu.memory_space<hbm>> -> memref<1x128xi32, #tpu.memory_space<hbm>>
    %dma_start3A_72 = tpu.memref_squeeze %dma_start3A_71 : memref<1x128xi32, #tpu.memory_space<hbm>> -> memref<128xi32, #tpu.memory_space<hbm>>
    tpu.enqueue_dma source(%dma_start3A_72 : memref<128xi32, #tpu.memory_space<hbm>>) target(%dma_start3A_69 : memref<128xi32, #tpu.memory_space<vmem>>) target_semaphore(%arg11 : memref<!tpu.dma_semaphore, #tpu.memory_space<semaphore_mem>>)
    %jit3A_73 = arith.constant 2 : i32
    %div3A = arith.divsi %select_n3A, %jit3A_73 : i32
    %sign3A = arith.constant 0 : i32
    %sign3A_74 = arith.cmpi sgt, %select_n3A, %sign3A : i32
    %sign3A_75 = arith.extui %sign3A_74 : i1 to i32
    %sign3A_76 = arith.constant 0 : i32
    %sign3A_77 = arith.cmpi slt, %select_n3A, %sign3A_76 : i32
    %sign3A_78 = arith.extui %sign3A_77 : i1 to i32
    %sign3A_79 = arith.subi %sign3A_75, %sign3A_78 : i32
    %sign3A_80 = arith.constant 0 : i32
    %sign3A_81 = arith.cmpi sgt, %jit3A_73, %sign3A_80 : i32
    %sign3A_82 = arith.extui %sign3A_81 : i1 to i32
    %sign3A_83 = arith.constant 0 : i32
    %sign3A_84 = arith.cmpi slt, %jit3A_73, %sign3A_83 : i32
    %sign3A_85 = arith.extui %sign3A_84 : i1 to i32
    %sign3A_86 = arith.subi %sign3A_82, %sign3A_85 : i32
    %ne3A = arith.cmpi ne, %sign3A_79, %sign3A_86 : i32
    %rem3A = arith.remsi %select_n3A, %jit3A_73 : i32
    %ne3A_87 = arith.constant 0 : i32
    %ne3A_88 = arith.cmpi ne, %rem3A, %ne3A_87 : i32
    %and3A = arith.andi %ne3A, %ne3A_88 : i1
    %sub3A = arith.constant 1 : i32
    %sub3A_89 = arith.subi %div3A, %sub3A : i32
    %select_n3A_90 = arith.select %and3A, %sub3A_89, %div3A : i32
    %while3A = arith.constant 0 : i32
    %while3A_91 = arith.constant 0 : i32
    %while3A_92 = arith.subi %select_n3A_90, %while3A_91 : i32
    %while3A_93 = arith.addi %while3A_91, %while3A_92 : i32
    %while3A_94 = arith.constant 1 : i32
    %while3A_95 = arith.divsi %while3A_92, %while3A_94 : i32
    %while3A_96 = arith.muli %while3A_95, %while3A_94 : i32
    %while3A_97 = arith.addi %while3A_91, %while3A_96 : i32
    %while3A_98 = arith.constant 1 : i32
    scf.for %while3A_114 = %while3A_91 to %while3A_97 step %while3A_98  : i32 {
      %mul3A_115 = arith.constant 2 : i32
      %mul3A_116 = arith.muli %while3A_114, %mul3A_115 : i32
      %add3A_117 = arith.constant 0 : i32
      %add3A_118 = arith.addi %mul3A_116, %add3A_117 : i32
      %dma_wait3A_119 = arith.constant 0 : i32
      %dma_wait3A_120 = arith.constant 0 : i32
      %dma_wait3A_121 = arith.constant 0 : i32
      %dma_wait3A_122 = arith.constant 0 : i32
      %dma_wait3A_123 = tpu.memref_slice %arg10[%dma_wait3A_120, %dma_wait3A_121, %dma_wait3A_122] : memref<2x128x128xf32, #tpu.memory_space<vmem>> -> memref<1x32x128xf32, #tpu.memory_space<vmem>>
      %dma_wait3A_124 = tpu.memref_squeeze %dma_wait3A_123 : memref<1x32x128xf32, #tpu.memory_space<vmem>> -> memref<32x128xf32, #tpu.memory_space<vmem>>
      %dma_wait3A_125 = arith.constant 0 : i32
      %dma_wait3A_126 = tpu.memref_slice %arg9[%dma_wait3A_119, %dma_wait3A_125] : memref<2x128xi32, #tpu.memory_space<vmem>> -> memref<1x32xi32, #tpu.memory_space<vmem>>
      %dma_wait3A_127 = tpu.memref_squeeze %dma_wait3A_126 : memref<1x32xi32, #tpu.memory_space<vmem>> -> memref<32xi32, #tpu.memory_space<vmem>>
      %dma_wait3A_128 = arith.constant 0 : i32
      %dma_wait3A_129 = arith.constant 0 : i32
      %dma_wait3A_130 = tpu.memref_slice %arg2[%dma_wait3A_128, %dma_wait3A_129] : memref<10000x128xf32, #tpu.memory_space<hbm>> -> memref<10000x128xf32, #tpu.memory_space<hbm>>
      tpu.wait_indirect_dma semaphore(%arg12 : memref<!tpu.dma_semaphore, #tpu.memory_space<semaphore_mem>>) src(%dma_wait3A_130 : memref<10000x128xf32, #tpu.memory_space<hbm>>) dst(%dma_wait3A_124 : memref<32x128xf32, #tpu.memory_space<vmem>>)
      %dma_wait3A_131 = arith.constant 0 : i32
      %dma_wait3A_132 = arith.constant 0 : i32
      %dma_wait3A_133 = arith.constant 0 : i32
      %dma_wait3A_134 = arith.constant 0 : i32
      %dma_wait3A_135 = tpu.memref_slice %arg10[%dma_wait3A_132, %dma_wait3A_133, %dma_wait3A_134] : memref<2x128x128xf32, #tpu.memory_space<vmem>> -> memref<1x32x128xf32, #tpu.memory_space<vmem>>
      %dma_wait3A_136 = tpu.memref_squeeze %dma_wait3A_135 : memref<1x32x128xf32, #tpu.memory_space<vmem>> -> memref<32x128xf32, #tpu.memory_space<vmem>>
      %dma_wait3A_137 = arith.constant 0 : i32
      %dma_wait3A_138 = tpu.memref_slice %arg9[%dma_wait3A_131, %dma_wait3A_137] : memref<2x128xi32, #tpu.memory_space<vmem>> -> memref<1x32xi32, #tpu.memory_space<vmem>>
      %dma_wait3A_139 = tpu.memref_squeeze %dma_wait3A_138 : memref<1x32xi32, #tpu.memory_space<vmem>> -> memref<32xi32, #tpu.memory_space<vmem>>
      %dma_wait3A_140 = arith.constant 0 : i32
      %dma_wait3A_141 = arith.constant 0 : i32
      %dma_wait3A_142 = tpu.memref_slice %arg2[%dma_wait3A_140, %dma_wait3A_141] : memref<10000x128xf32, #tpu.memory_space<hbm>> -> memref<10000x128xf32, #tpu.memory_space<hbm>>
      tpu.wait_indirect_dma semaphore(%arg12 : memref<!tpu.dma_semaphore, #tpu.memory_space<semaphore_mem>>) src(%dma_wait3A_142 : memref<10000x128xf32, #tpu.memory_space<hbm>>) dst(%dma_wait3A_136 : memref<32x128xf32, #tpu.memory_space<vmem>>)
      %dma_wait3A_143 = arith.constant 0 : i32
      %dma_wait3A_144 = arith.constant 0 : i32
      %dma_wait3A_145 = arith.constant 0 : i32
      %dma_wait3A_146 = arith.constant 0 : i32
      %dma_wait3A_147 = tpu.memref_slice %arg10[%dma_wait3A_144, %dma_wait3A_145, %dma_wait3A_146] : memref<2x128x128xf32, #tpu.memory_space<vmem>> -> memref<1x32x128xf32, #tpu.memory_space<vmem>>
      %dma_wait3A_148 = tpu.memref_squeeze %dma_wait3A_147 : memref<1x32x128xf32, #tpu.memory_space<vmem>> -> memref<32x128xf32, #tpu.memory_space<vmem>>
      %dma_wait3A_149 = arith.constant 0 : i32
      %dma_wait3A_150 = tpu.memref_slice %arg9[%dma_wait3A_143, %dma_wait3A_149] : memref<2x128xi32, #tpu.memory_space<vmem>> -> memref<1x32xi32, #tpu.memory_space<vmem>>
      %dma_wait3A_151 = tpu.memref_squeeze %dma_wait3A_150 : memref<1x32xi32, #tpu.memory_space<vmem>> -> memref<32xi32, #tpu.memory_space<vmem>>
      %dma_wait3A_152 = arith.constant 0 : i32
      %dma_wait3A_153 = arith.constant 0 : i32
      %dma_wait3A_154 = tpu.memref_slice %arg2[%dma_wait3A_152, %dma_wait3A_153] : memref<10000x128xf32, #tpu.memory_space<hbm>> -> memref<10000x128xf32, #tpu.memory_space<hbm>>
      tpu.wait_indirect_dma semaphore(%arg12 : memref<!tpu.dma_semaphore, #tpu.memory_space<semaphore_mem>>) src(%dma_wait3A_154 : memref<10000x128xf32, #tpu.memory_space<hbm>>) dst(%dma_wait3A_148 : memref<32x128xf32, #tpu.memory_space<vmem>>)
      %dma_wait3A_155 = arith.constant 0 : i32
      %dma_wait3A_156 = arith.constant 0 : i32
      %dma_wait3A_157 = arith.constant 0 : i32
      %dma_wait3A_158 = arith.constant 0 : i32
      %dma_wait3A_159 = tpu.memref_slice %arg10[%dma_wait3A_156, %dma_wait3A_157, %dma_wait3A_158] : memref<2x128x128xf32, #tpu.memory_space<vmem>> -> memref<1x32x128xf32, #tpu.memory_space<vmem>>
      %dma_wait3A_160 = tpu.memref_squeeze %dma_wait3A_159 : memref<1x32x128xf32, #tpu.memory_space<vmem>> -> memref<32x128xf32, #tpu.memory_space<vmem>>
      %dma_wait3A_161 = arith.constant 0 : i32
      %dma_wait3A_162 = tpu.memref_slice %arg9[%dma_wait3A_155, %dma_wait3A_161] : memref<2x128xi32, #tpu.memory_space<vmem>> -> memref<1x32xi32, #tpu.memory_space<vmem>>
      %dma_wait3A_163 = tpu.memref_squeeze %dma_wait3A_162 : memref<1x32xi32, #tpu.memory_space<vmem>> -> memref<32xi32, #tpu.memory_space<vmem>>
      %dma_wait3A_164 = arith.constant 0 : i32
      %dma_wait3A_165 = arith.constant 0 : i32
      %dma_wait3A_166 = tpu.memref_slice %arg2[%dma_wait3A_164, %dma_wait3A_165] : memref<10000x128xf32, #tpu.memory_space<hbm>> -> memref<10000x128xf32, #tpu.memory_space<hbm>>
      tpu.wait_indirect_dma semaphore(%arg12 : memref<!tpu.dma_semaphore, #tpu.memory_space<semaphore_mem>>) src(%dma_wait3A_166 : memref<10000x128xf32, #tpu.memory_space<hbm>>) dst(%dma_wait3A_160 : memref<32x128xf32, #tpu.memory_space<vmem>>)
      %dma_start3A_167 = arith.constant 0 : i32
      %dma_start3A_168 = arith.constant 0 : i32
      %dma_start3A_169 = arith.constant 0 : i32
      %dma_start3A_170 = tpu.memref_slice %arg10[%dma_start3A_167, %dma_start3A_168, %dma_start3A_169] : memref<2x128x128xf32, #tpu.memory_space<vmem>> -> memref<1x128x128xf32, #tpu.memory_space<vmem>>
      %dma_start3A_171 = tpu.memref_squeeze %dma_start3A_170 : memref<1x128x128xf32, #tpu.memory_space<vmem>> -> memref<128x128xf32, #tpu.memory_space<vmem>>
      %dma_start3A_172 = arith.constant 0 : i32
      %dma_start3A_173 = tpu.memref_slice %arg8[%add3A_118, %dma_start3A_172] : memref<96x128xi32, #tpu.memory_space<vmem>> -> memref<1x128xi32, #tpu.memory_space<vmem>>
      %dma_start3A_174 = tpu.memref_squeeze %dma_start3A_173 : memref<1x128xi32, #tpu.memory_space<vmem>> -> memref<128xi32, #tpu.memory_space<vmem>>
      %dma_start3A_175 = arith.constant 0 : i32
      %dma_start3A_176 = arith.constant 0 : i32
      %dma_start3A_177 = tpu.memref_slice %arg7[%dma_start3A_175, %dma_start3A_176] : memref<10240x128xf32, #tpu.memory_space<vmem_shared>> -> memref<10240x128xf32, #tpu.memory_space<vmem_shared>>
      tpu.enqueue_indirect_dma source(%dma_start3A_171 : memref<128x128xf32, #tpu.memory_space<vmem>>) target(%dma_start3A_177 : memref<10240x128xf32, #tpu.memory_space<vmem_shared>>) offsets(%dma_start3A_174 : memref<128xi32, #tpu.memory_space<vmem>>) semaphore(%arg13 : memref<!tpu.dma_semaphore, #tpu.memory_space<semaphore_mem>>) {add = true}
      %add3A_178 = arith.constant 2 : i32
      %add3A_179 = arith.addi %add3A_118, %add3A_178 : i32
      %lt3A = arith.cmpi slt, %add3A_179, %select_n3A : i32
      %convert_element_type3A = arith.extui %lt3A : i1 to i32
      %cond3A = arith.constant 0 : i32
      %cond3A_180 = arith.cmpi ne, %convert_element_type3A, %cond3A : i32
      scf.if %cond3A_180 {
        %add3A_271 = arith.constant 2 : i32
        %add3A_272 = arith.addi %add3A_118, %add3A_271 : i32
        %add3A_273 = arith.addi %select_n3A_8, %add3A_272 : i32
        %dma_start3A_274 = arith.constant 0 : i32
        %dma_start3A_275 = arith.constant 0 : i32
        %dma_start3A_276 = tpu.memref_slice %arg9[%dma_start3A_274, %dma_start3A_275] : memref<2x128xi32, #tpu.memory_space<vmem>> -> memref<1x128xi32, #tpu.memory_space<vmem>>
        %dma_start3A_277 = tpu.memref_squeeze %dma_start3A_276 : memref<1x128xi32, #tpu.memory_space<vmem>> -> memref<128xi32, #tpu.memory_space<vmem>>
        %dma_start3A_278 = arith.constant 0 : i32
        %dma_start3A_279 = tpu.memref_slice %arg3[%add3A_273, %dma_start3A_278] : memref<2656x128xi32, #tpu.memory_space<hbm>> -> memref<1x128xi32, #tpu.memory_space<hbm>>
        %dma_start3A_280 = tpu.memref_squeeze %dma_start3A_279 : memref<1x128xi32, #tpu.memory_space<hbm>> -> memref<128xi32, #tpu.memory_space<hbm>>
        %dma_start3A_281 = arith.constant 0 : i32
        %dma_start3A_282 = tpu.memref_slice %arg9[%dma_start3A_274, %dma_start3A_281] : memref<2x128xi32, #tpu.memory_space<vmem>> -> memref<1x128xi32, #tpu.memory_space<vmem>>
        %dma_start3A_283 = tpu.memref_squeeze %dma_start3A_282 : memref<1x128xi32, #tpu.memory_space<vmem>> -> memref<128xi32, #tpu.memory_space<vmem>>
        %dma_start3A_284 = arith.constant 0 : i32
        %dma_start3A_285 = tpu.memref_slice %arg3[%add3A_273, %dma_start3A_284] : memref<2656x128xi32, #tpu.memory_space<hbm>> -> memref<1x128xi32, #tpu.memory_space<hbm>>
        %dma_start3A_286 = tpu.memref_squeeze %dma_start3A_285 : memref<1x128xi32, #tpu.memory_space<hbm>> -> memref<128xi32, #tpu.memory_space<hbm>>
        tpu.enqueue_dma source(%dma_start3A_286 : memref<128xi32, #tpu.memory_space<hbm>>) target(%dma_start3A_283 : memref<128xi32, #tpu.memory_space<vmem>>) target_semaphore(%arg11 : memref<!tpu.dma_semaphore, #tpu.memory_space<semaphore_mem>>)
      } else {
      }
      %ge3A = arith.constant 1 : i32
      %ge3A_181 = arith.cmpi sge, %add3A_118, %ge3A : i32
      %convert_element_type3A_182 = arith.extui %ge3A_181 : i1 to i32
      %cond3A_183 = arith.constant 0 : i32
      %cond3A_184 = arith.cmpi ne, %convert_element_type3A_182, %cond3A_183 : i32
      scf.if %cond3A_184 {
        %dma_wait3A_271 = arith.constant 0 : i32
        %dma_wait3A_272 = arith.constant 0 : i32
        %dma_wait3A_273 = arith.constant 0 : i32
        %dma_wait3A_274 = arith.constant 0 : i32
        %dma_wait3A_275 = tpu.memref_slice %arg10[%dma_wait3A_271, %dma_wait3A_273, %dma_wait3A_274] : memref<2x128x128xf32, #tpu.memory_space<vmem>> -> memref<1x128x128xf32, #tpu.memory_space<vmem>>
        %dma_wait3A_276 = tpu.memref_squeeze %dma_wait3A_275 : memref<1x128x128xf32, #tpu.memory_space<vmem>> -> memref<128x128xf32, #tpu.memory_space<vmem>>
        %dma_wait3A_277 = arith.constant 0 : i32
        %dma_wait3A_278 = tpu.memref_slice %arg8[%dma_wait3A_272, %dma_wait3A_277] : memref<96x128xi32, #tpu.memory_space<vmem>> -> memref<1x128xi32, #tpu.memory_space<vmem>>
        %dma_wait3A_279 = tpu.memref_squeeze %dma_wait3A_278 : memref<1x128xi32, #tpu.memory_space<vmem>> -> memref<128xi32, #tpu.memory_space<vmem>>
        %dma_wait3A_280 = arith.constant 0 : i32
        %dma_wait3A_281 = arith.constant 0 : i32
        %dma_wait3A_282 = tpu.memref_slice %arg7[%dma_wait3A_280, %dma_wait3A_281] : memref<10240x128xf32, #tpu.memory_space<vmem_shared>> -> memref<10240x128xf32, #tpu.memory_space<vmem_shared>>
        tpu.wait_indirect_dma semaphore(%arg13 : memref<!tpu.dma_semaphore, #tpu.memory_space<semaphore_mem>>) src(%dma_wait3A_276 : memref<128x128xf32, #tpu.memory_space<vmem>>) dst(%dma_wait3A_282 : memref<10240x128xf32, #tpu.memory_space<vmem_shared>>)
      } else {
      }
      %add3A_185 = arith.constant 1 : i32
      %add3A_186 = arith.addi %add3A_118, %add3A_185 : i32
      %lt3A_187 = arith.cmpi slt, %add3A_186, %select_n3A : i32
      %convert_element_type3A_188 = arith.extui %lt3A_187 : i1 to i32
      %cond3A_189 = arith.constant 0 : i32
      %cond3A_190 = arith.cmpi ne, %convert_element_type3A_188, %cond3A_189 : i32
      scf.if %cond3A_190 {
        %dma_wait3A_271 = arith.constant 0 : i32
        %dma_wait3A_272 = arith.constant 0 : i32
        %dma_wait3A_273 = tpu.memref_slice %arg9[%dma_wait3A_271, %dma_wait3A_272] : memref<2x128xi32, #tpu.memory_space<vmem>> -> memref<1x128xi32, #tpu.memory_space<vmem>>
        %dma_wait3A_274 = tpu.memref_squeeze %dma_wait3A_273 : memref<1x128xi32, #tpu.memory_space<vmem>> -> memref<128xi32, #tpu.memory_space<vmem>>
        %dma_wait3A_275 = arith.constant 0 : i32
        %dma_wait3A_276 = tpu.memref_slice %arg3[%select_n3A_8, %dma_wait3A_275] : memref<2656x128xi32, #tpu.memory_space<hbm>> -> memref<1x128xi32, #tpu.memory_space<hbm>>
        %dma_wait3A_277 = tpu.memref_squeeze %dma_wait3A_276 : memref<1x128xi32, #tpu.memory_space<hbm>> -> memref<128xi32, #tpu.memory_space<hbm>>
        %dma_wait3A_278 = arith.constant 0 : i32
        %dma_wait3A_279 = tpu.memref_slice %arg9[%dma_wait3A_271, %dma_wait3A_278] : memref<2x128xi32, #tpu.memory_space<vmem>> -> memref<1x128xi32, #tpu.memory_space<vmem>>
        %dma_wait3A_280 = tpu.memref_squeeze %dma_wait3A_279 : memref<1x128xi32, #tpu.memory_space<vmem>> -> memref<128xi32, #tpu.memory_space<vmem>>
        %dma_wait3A_281 = arith.constant 0 : i32
        %dma_wait3A_282 = tpu.memref_slice %arg3[%select_n3A_8, %dma_wait3A_281] : memref<2656x128xi32, #tpu.memory_space<hbm>> -> memref<1x128xi32, #tpu.memory_space<hbm>>
        %dma_wait3A_283 = tpu.memref_squeeze %dma_wait3A_282 : memref<1x128xi32, #tpu.memory_space<hbm>> -> memref<128xi32, #tpu.memory_space<hbm>>
        tpu.wait_dma2 semaphore(%arg11 : memref<!tpu.dma_semaphore, #tpu.memory_space<semaphore_mem>>) src(%dma_wait3A_283 : memref<128xi32, #tpu.memory_space<hbm>>) dst(%dma_wait3A_280 : memref<128xi32, #tpu.memory_space<vmem>>)
        %dma_start3A_284 = arith.constant 1 : i32
        %dma_start3A_285 = arith.constant 1 : i32
        %dma_start3A_286 = arith.constant 0 : i32
        %dma_start3A_287 = arith.constant 0 : i32
        %dma_start3A_288 = tpu.memref_slice %arg10[%dma_start3A_285, %dma_start3A_286, %dma_start3A_287] : memref<2x128x128xf32, #tpu.memory_space<vmem>> -> memref<1x32x128xf32, #tpu.memory_space<vmem>>
        %dma_start3A_289 = tpu.memref_squeeze %dma_start3A_288 : memref<1x32x128xf32, #tpu.memory_space<vmem>> -> memref<32x128xf32, #tpu.memory_space<vmem>>
        %dma_start3A_290 = arith.constant 0 : i32
        %dma_start3A_291 = tpu.memref_slice %arg9[%dma_start3A_284, %dma_start3A_290] : memref<2x128xi32, #tpu.memory_space<vmem>> -> memref<1x32xi32, #tpu.memory_space<vmem>>
        %dma_start3A_292 = tpu.memref_squeeze %dma_start3A_291 : memref<1x32xi32, #tpu.memory_space<vmem>> -> memref<32xi32, #tpu.memory_space<vmem>>
        %dma_start3A_293 = arith.constant 0 : i32
        %dma_start3A_294 = arith.constant 0 : i32
        %dma_start3A_295 = tpu.memref_slice %arg2[%dma_start3A_293, %dma_start3A_294] : memref<10000x128xf32, #tpu.memory_space<hbm>> -> memref<10000x128xf32, #tpu.memory_space<hbm>>
        tpu.enqueue_indirect_dma source(%dma_start3A_295 : memref<10000x128xf32, #tpu.memory_space<hbm>>) target(%dma_start3A_289 : memref<32x128xf32, #tpu.memory_space<vmem>>) offsets(%dma_start3A_292 : memref<32xi32, #tpu.memory_space<vmem>>) semaphore(%arg12 : memref<!tpu.dma_semaphore, #tpu.memory_space<semaphore_mem>>)
        %dma_start3A_296 = arith.constant 1 : i32
        %dma_start3A_297 = arith.constant 1 : i32
        %dma_start3A_298 = arith.constant 32 : i32
        %dma_start3A_299 = arith.constant 0 : i32
        %dma_start3A_300 = tpu.memref_slice %arg10[%dma_start3A_297, %dma_start3A_298, %dma_start3A_299] : memref<2x128x128xf32, #tpu.memory_space<vmem>> -> memref<1x32x128xf32, #tpu.memory_space<vmem>>
        %dma_start3A_301 = tpu.memref_squeeze %dma_start3A_300 : memref<1x32x128xf32, #tpu.memory_space<vmem>> -> memref<32x128xf32, #tpu.memory_space<vmem>>
        %dma_start3A_302 = arith.constant 32 : i32
        %dma_start3A_303 = tpu.memref_slice %arg9[%dma_start3A_296, %dma_start3A_302] : memref<2x128xi32, #tpu.memory_space<vmem>> -> memref<1x32xi32, #tpu.memory_space<vmem>>
        %dma_start3A_304 = tpu.memref_squeeze %dma_start3A_303 : memref<1x32xi32, #tpu.memory_space<vmem>> -> memref<32xi32, #tpu.memory_space<vmem>>
        %dma_start3A_305 = arith.constant 0 : i32
        %dma_start3A_306 = arith.constant 0 : i32
        %dma_start3A_307 = tpu.memref_slice %arg2[%dma_start3A_305, %dma_start3A_306] : memref<10000x128xf32, #tpu.memory_space<hbm>> -> memref<10000x128xf32, #tpu.memory_space<hbm>>
        tpu.enqueue_indirect_dma source(%dma_start3A_307 : memref<10000x128xf32, #tpu.memory_space<hbm>>) target(%dma_start3A_301 : memref<32x128xf32, #tpu.memory_space<vmem>>) offsets(%dma_start3A_304 : memref<32xi32, #tpu.memory_space<vmem>>) semaphore(%arg12 : memref<!tpu.dma_semaphore, #tpu.memory_space<semaphore_mem>>)
        %dma_start3A_308 = arith.constant 1 : i32
        %dma_start3A_309 = arith.constant 1 : i32
        %dma_start3A_310 = arith.constant 64 : i32
        %dma_start3A_311 = arith.constant 0 : i32
        %dma_start3A_312 = tpu.memref_slice %arg10[%dma_start3A_309, %dma_start3A_310, %dma_start3A_311] : memref<2x128x128xf32, #tpu.memory_space<vmem>> -> memref<1x32x128xf32, #tpu.memory_space<vmem>>
        %dma_start3A_313 = tpu.memref_squeeze %dma_start3A_312 : memref<1x32x128xf32, #tpu.memory_space<vmem>> -> memref<32x128xf32, #tpu.memory_space<vmem>>
        %dma_start3A_314 = arith.constant 64 : i32
        %dma_start3A_315 = tpu.memref_slice %arg9[%dma_start3A_308, %dma_start3A_314] : memref<2x128xi32, #tpu.memory_space<vmem>> -> memref<1x32xi32, #tpu.memory_space<vmem>>
        %dma_start3A_316 = tpu.memref_squeeze %dma_start3A_315 : memref<1x32xi32, #tpu.memory_space<vmem>> -> memref<32xi32, #tpu.memory_space<vmem>>
        %dma_start3A_317 = arith.constant 0 : i32
        %dma_start3A_318 = arith.constant 0 : i32
        %dma_start3A_319 = tpu.memref_slice %arg2[%dma_start3A_317, %dma_start3A_318] : memref<10000x128xf32, #tpu.memory_space<hbm>> -> memref<10000x128xf32, #tpu.memory_space<hbm>>
        tpu.enqueue_indirect_dma source(%dma_start3A_319 : memref<10000x128xf32, #tpu.memory_space<hbm>>) target(%dma_start3A_313 : memref<32x128xf32, #tpu.memory_space<vmem>>) offsets(%dma_start3A_316 : memref<32xi32, #tpu.memory_space<vmem>>) semaphore(%arg12 : memref<!tpu.dma_semaphore, #tpu.memory_space<semaphore_mem>>)
        %dma_start3A_320 = arith.constant 1 : i32
        %dma_start3A_321 = arith.constant 1 : i32
        %dma_start3A_322 = arith.constant 96 : i32
        %dma_start3A_323 = arith.constant 0 : i32
        %dma_start3A_324 = tpu.memref_slice %arg10[%dma_start3A_321, %dma_start3A_322, %dma_start3A_323] : memref<2x128x128xf32, #tpu.memory_space<vmem>> -> memref<1x32x128xf32, #tpu.memory_space<vmem>>
        %dma_start3A_325 = tpu.memref_squeeze %dma_start3A_324 : memref<1x32x128xf32, #tpu.memory_space<vmem>> -> memref<32x128xf32, #tpu.memory_space<vmem>>
        %dma_start3A_326 = arith.constant 96 : i32
        %dma_start3A_327 = tpu.memref_slice %arg9[%dma_start3A_320, %dma_start3A_326] : memref<2x128xi32, #tpu.memory_space<vmem>> -> memref<1x32xi32, #tpu.memory_space<vmem>>
        %dma_start3A_328 = tpu.memref_squeeze %dma_start3A_327 : memref<1x32xi32, #tpu.memory_space<vmem>> -> memref<32xi32, #tpu.memory_space<vmem>>
        %dma_start3A_329 = arith.constant 0 : i32
        %dma_start3A_330 = arith.constant 0 : i32
        %dma_start3A_331 = tpu.memref_slice %arg2[%dma_start3A_329, %dma_start3A_330] : memref<10000x128xf32, #tpu.memory_space<hbm>> -> memref<10000x128xf32, #tpu.memory_space<hbm>>
        tpu.enqueue_indirect_dma source(%dma_start3A_331 : memref<10000x128xf32, #tpu.memory_space<hbm>>) target(%dma_start3A_325 : memref<32x128xf32, #tpu.memory_space<vmem>>) offsets(%dma_start3A_328 : memref<32xi32, #tpu.memory_space<vmem>>) semaphore(%arg12 : memref<!tpu.dma_semaphore, #tpu.memory_space<semaphore_mem>>)
      } else {
      }
      %mul3A_191 = arith.constant 2 : i32
      %mul3A_192 = arith.muli %while3A_114, %mul3A_191 : i32
      %add3A_193 = arith.constant 1 : i32
      %add3A_194 = arith.addi %mul3A_192, %add3A_193 : i32
      %dma_wait3A_195 = arith.constant 0 : i32
      %dma_wait3A_196 = arith.constant 0 : i32
      %dma_wait3A_197 = arith.constant 0 : i32
      %dma_wait3A_198 = arith.constant 0 : i32
      %dma_wait3A_199 = tpu.memref_slice %arg10[%dma_wait3A_196, %dma_wait3A_197, %dma_wait3A_198] : memref<2x128x128xf32, #tpu.memory_space<vmem>> -> memref<1x32x128xf32, #tpu.memory_space<vmem>>
      %dma_wait3A_200 = tpu.memref_squeeze %dma_wait3A_199 : memref<1x32x128xf32, #tpu.memory_space<vmem>> -> memref<32x128xf32, #tpu.memory_space<vmem>>
      %dma_wait3A_201 = arith.constant 0 : i32
      %dma_wait3A_202 = tpu.memref_slice %arg9[%dma_wait3A_195, %dma_wait3A_201] : memref<2x128xi32, #tpu.memory_space<vmem>> -> memref<1x32xi32, #tpu.memory_space<vmem>>
      %dma_wait3A_203 = tpu.memref_squeeze %dma_wait3A_202 : memref<1x32xi32, #tpu.memory_space<vmem>> -> memref<32xi32, #tpu.memory_space<vmem>>
      %dma_wait3A_204 = arith.constant 0 : i32
      %dma_wait3A_205 = arith.constant 0 : i32
      %dma_wait3A_206 = tpu.memref_slice %arg2[%dma_wait3A_204, %dma_wait3A_205] : memref<10000x128xf32, #tpu.memory_space<hbm>> -> memref<10000x128xf32, #tpu.memory_space<hbm>>
      tpu.wait_indirect_dma semaphore(%arg12 : memref<!tpu.dma_semaphore, #tpu.memory_space<semaphore_mem>>) src(%dma_wait3A_206 : memref<10000x128xf32, #tpu.memory_space<hbm>>) dst(%dma_wait3A_200 : memref<32x128xf32, #tpu.memory_space<vmem>>)
      %dma_wait3A_207 = arith.constant 0 : i32
      %dma_wait3A_208 = arith.constant 0 : i32
      %dma_wait3A_209 = arith.constant 0 : i32
      %dma_wait3A_210 = arith.constant 0 : i32
      %dma_wait3A_211 = tpu.memref_slice %arg10[%dma_wait3A_208, %dma_wait3A_209, %dma_wait3A_210] : memref<2x128x128xf32, #tpu.memory_space<vmem>> -> memref<1x32x128xf32, #tpu.memory_space<vmem>>
      %dma_wait3A_212 = tpu.memref_squeeze %dma_wait3A_211 : memref<1x32x128xf32, #tpu.memory_space<vmem>> -> memref<32x128xf32, #tpu.memory_space<vmem>>
      %dma_wait3A_213 = arith.constant 0 : i32
      %dma_wait3A_214 = tpu.memref_slice %arg9[%dma_wait3A_207, %dma_wait3A_213] : memref<2x128xi32, #tpu.memory_space<vmem>> -> memref<1x32xi32, #tpu.memory_space<vmem>>
      %dma_wait3A_215 = tpu.memref_squeeze %dma_wait3A_214 : memref<1x32xi32, #tpu.memory_space<vmem>> -> memref<32xi32, #tpu.memory_space<vmem>>
      %dma_wait3A_216 = arith.constant 0 : i32
      %dma_wait3A_217 = arith.constant 0 : i32
      %dma_wait3A_218 = tpu.memref_slice %arg2[%dma_wait3A_216, %dma_wait3A_217] : memref<10000x128xf32, #tpu.memory_space<hbm>> -> memref<10000x128xf32, #tpu.memory_space<hbm>>
      tpu.wait_indirect_dma semaphore(%arg12 : memref<!tpu.dma_semaphore, #tpu.memory_space<semaphore_mem>>) src(%dma_wait3A_218 : memref<10000x128xf32, #tpu.memory_space<hbm>>) dst(%dma_wait3A_212 : memref<32x128xf32, #tpu.memory_space<vmem>>)
      %dma_wait3A_219 = arith.constant 0 : i32
      %dma_wait3A_220 = arith.constant 0 : i32
      %dma_wait3A_221 = arith.constant 0 : i32
      %dma_wait3A_222 = arith.constant 0 : i32
      %dma_wait3A_223 = tpu.memref_slice %arg10[%dma_wait3A_220, %dma_wait3A_221, %dma_wait3A_222] : memref<2x128x128xf32, #tpu.memory_space<vmem>> -> memref<1x32x128xf32, #tpu.memory_space<vmem>>
      %dma_wait3A_224 = tpu.memref_squeeze %dma_wait3A_223 : memref<1x32x128xf32, #tpu.memory_space<vmem>> -> memref<32x128xf32, #tpu.memory_space<vmem>>
      %dma_wait3A_225 = arith.constant 0 : i32
      %dma_wait3A_226 = tpu.memref_slice %arg9[%dma_wait3A_219, %dma_wait3A_225] : memref<2x128xi32, #tpu.memory_space<vmem>> -> memref<1x32xi32, #tpu.memory_space<vmem>>
      %dma_wait3A_227 = tpu.memref_squeeze %dma_wait3A_226 : memref<1x32xi32, #tpu.memory_space<vmem>> -> memref<32xi32, #tpu.memory_space<vmem>>
      %dma_wait3A_228 = arith.constant 0 : i32
      %dma_wait3A_229 = arith.constant 0 : i32
      %dma_wait3A_230 = tpu.memref_slice %arg2[%dma_wait3A_228, %dma_wait3A_229] : memref<10000x128xf32, #tpu.memory_space<hbm>> -> memref<10000x128xf32, #tpu.memory_space<hbm>>
      tpu.wait_indirect_dma semaphore(%arg12 : memref<!tpu.dma_semaphore, #tpu.memory_space<semaphore_mem>>) src(%dma_wait3A_230 : memref<10000x128xf32, #tpu.memory_space<hbm>>) dst(%dma_wait3A_224 : memref<32x128xf32, #tpu.memory_space<vmem>>)
      %dma_wait3A_231 = arith.constant 0 : i32
      %dma_wait3A_232 = arith.constant 0 : i32
      %dma_wait3A_233 = arith.constant 0 : i32
      %dma_wait3A_234 = arith.constant 0 : i32
      %dma_wait3A_235 = tpu.memref_slice %arg10[%dma_wait3A_232, %dma_wait3A_233, %dma_wait3A_234] : memref<2x128x128xf32, #tpu.memory_space<vmem>> -> memref<1x32x128xf32, #tpu.memory_space<vmem>>
      %dma_wait3A_236 = tpu.memref_squeeze %dma_wait3A_235 : memref<1x32x128xf32, #tpu.memory_space<vmem>> -> memref<32x128xf32, #tpu.memory_space<vmem>>
      %dma_wait3A_237 = arith.constant 0 : i32
      %dma_wait3A_238 = tpu.memref_slice %arg9[%dma_wait3A_231, %dma_wait3A_237] : memref<2x128xi32, #tpu.memory_space<vmem>> -> memref<1x32xi32, #tpu.memory_space<vmem>>
      %dma_wait3A_239 = tpu.memref_squeeze %dma_wait3A_238 : memref<1x32xi32, #tpu.memory_space<vmem>> -> memref<32xi32, #tpu.memory_space<vmem>>
      %dma_wait3A_240 = arith.constant 0 : i32
      %dma_wait3A_241 = arith.constant 0 : i32
      %dma_wait3A_242 = tpu.memref_slice %arg2[%dma_wait3A_240, %dma_wait3A_241] : memref<10000x128xf32, #tpu.memory_space<hbm>> -> memref<10000x128xf32, #tpu.memory_space<hbm>>
      tpu.wait_indirect_dma semaphore(%arg12 : memref<!tpu.dma_semaphore, #tpu.memory_space<semaphore_mem>>) src(%dma_wait3A_242 : memref<10000x128xf32, #tpu.memory_space<hbm>>) dst(%dma_wait3A_236 : memref<32x128xf32, #tpu.memory_space<vmem>>)
      %dma_start3A_243 = arith.constant 1 : i32
      %dma_start3A_244 = arith.constant 0 : i32
      %dma_start3A_245 = arith.constant 0 : i32
      %dma_start3A_246 = tpu.memref_slice %arg10[%dma_start3A_243, %dma_start3A_244, %dma_start3A_245] : memref<2x128x128xf32, #tpu.memory_space<vmem>> -> memref<1x128x128xf32, #tpu.memory_space<vmem>>
      %dma_start3A_247 = tpu.memref_squeeze %dma_start3A_246 : memref<1x128x128xf32, #tpu.memory_space<vmem>> -> memref<128x128xf32, #tpu.memory_space<vmem>>
      %dma_start3A_248 = arith.constant 0 : i32
      %dma_start3A_249 = tpu.memref_slice %arg8[%add3A_194, %dma_start3A_248] : memref<96x128xi32, #tpu.memory_space<vmem>> -> memref<1x128xi32, #tpu.memory_space<vmem>>
      %dma_start3A_250 = tpu.memref_squeeze %dma_start3A_249 : memref<1x128xi32, #tpu.memory_space<vmem>> -> memref<128xi32, #tpu.memory_space<vmem>>
      %dma_start3A_251 = arith.constant 0 : i32
      %dma_start3A_252 = arith.constant 0 : i32
      %dma_start3A_253 = tpu.memref_slice %arg7[%dma_start3A_251, %dma_start3A_252] : memref<10240x128xf32, #tpu.memory_space<vmem_shared>> -> memref<10240x128xf32, #tpu.memory_space<vmem_shared>>
      tpu.enqueue_indirect_dma source(%dma_start3A_247 : memref<128x128xf32, #tpu.memory_space<vmem>>) target(%dma_start3A_253 : memref<10240x128xf32, #tpu.memory_space<vmem_shared>>) offsets(%dma_start3A_250 : memref<128xi32, #tpu.memory_space<vmem>>) semaphore(%arg13 : memref<!tpu.dma_semaphore, #tpu.memory_space<semaphore_mem>>) {add = true}
      %add3A_254 = arith.constant 2 : i32
      %add3A_255 = arith.addi %add3A_194, %add3A_254 : i32
      %lt3A_256 = arith.cmpi slt, %add3A_255, %select_n3A : i32
      %convert_element_type3A_257 = arith.extui %lt3A_256 : i1 to i32
      %cond3A_258 = arith.constant 0 : i32
      %cond3A_259 = arith.cmpi ne, %convert_element_type3A_257, %cond3A_258 : i32
      scf.if %cond3A_259 {
        %add3A_271 = arith.constant 2 : i32
        %add3A_272 = arith.addi %add3A_194, %add3A_271 : i32
        %add3A_273 = arith.addi %select_n3A_8, %add3A_272 : i32
        %dma_start3A_274 = arith.constant 1 : i32
        %dma_start3A_275 = arith.constant 0 : i32
        %dma_start3A_276 = tpu.memref_slice %arg9[%dma_start3A_274, %dma_start3A_275] : memref<2x128xi32, #tpu.memory_space<vmem>> -> memref<1x128xi32, #tpu.memory_space<vmem>>
        %dma_start3A_277 = tpu.memref_squeeze %dma_start3A_276 : memref<1x128xi32, #tpu.memory_space<vmem>> -> memref<128xi32, #tpu.memory_space<vmem>>
        %dma_start3A_278 = arith.constant 0 : i32
        %dma_start3A_279 = tpu.memref_slice %arg3[%add3A_273, %dma_start3A_278] : memref<2656x128xi32, #tpu.memory_space<hbm>> -> memref<1x128xi32, #tpu.memory_space<hbm>>
        %dma_start3A_280 = tpu.memref_squeeze %dma_start3A_279 : memref<1x128xi32, #tpu.memory_space<hbm>> -> memref<128xi32, #tpu.memory_space<hbm>>
        %dma_start3A_281 = arith.constant 0 : i32
        %dma_start3A_282 = tpu.memref_slice %arg9[%dma_start3A_274, %dma_start3A_281] : memref<2x128xi32, #tpu.memory_space<vmem>> -> memref<1x128xi32, #tpu.memory_space<vmem>>
        %dma_start3A_283 = tpu.memref_squeeze %dma_start3A_282 : memref<1x128xi32, #tpu.memory_space<vmem>> -> memref<128xi32, #tpu.memory_space<vmem>>
        %dma_start3A_284 = arith.constant 0 : i32
        %dma_start3A_285 = tpu.memref_slice %arg3[%add3A_273, %dma_start3A_284] : memref<2656x128xi32, #tpu.memory_space<hbm>> -> memref<1x128xi32, #tpu.memory_space<hbm>>
        %dma_start3A_286 = tpu.memref_squeeze %dma_start3A_285 : memref<1x128xi32, #tpu.memory_space<hbm>> -> memref<128xi32, #tpu.memory_space<hbm>>
        tpu.enqueue_dma source(%dma_start3A_286 : memref<128xi32, #tpu.memory_space<hbm>>) target(%dma_start3A_283 : memref<128xi32, #tpu.memory_space<vmem>>) target_semaphore(%arg11 : memref<!tpu.dma_semaphore, #tpu.memory_space<semaphore_mem>>)
      } else {
      }
      %ge3A_260 = arith.constant 1 : i32
      %ge3A_261 = arith.cmpi sge, %add3A_194, %ge3A_260 : i32
      %convert_element_type3A_262 = arith.extui %ge3A_261 : i1 to i32
      %cond3A_263 = arith.constant 0 : i32
      %cond3A_264 = arith.cmpi ne, %convert_element_type3A_262, %cond3A_263 : i32
      scf.if %cond3A_264 {
        %dma_wait3A_271 = arith.constant 0 : i32
        %dma_wait3A_272 = arith.constant 0 : i32
        %dma_wait3A_273 = arith.constant 0 : i32
        %dma_wait3A_274 = arith.constant 0 : i32
        %dma_wait3A_275 = tpu.memref_slice %arg10[%dma_wait3A_271, %dma_wait3A_273, %dma_wait3A_274] : memref<2x128x128xf32, #tpu.memory_space<vmem>> -> memref<1x128x128xf32, #tpu.memory_space<vmem>>
        %dma_wait3A_276 = tpu.memref_squeeze %dma_wait3A_275 : memref<1x128x128xf32, #tpu.memory_space<vmem>> -> memref<128x128xf32, #tpu.memory_space<vmem>>
        %dma_wait3A_277 = arith.constant 0 : i32
        %dma_wait3A_278 = tpu.memref_slice %arg8[%dma_wait3A_272, %dma_wait3A_277] : memref<96x128xi32, #tpu.memory_space<vmem>> -> memref<1x128xi32, #tpu.memory_space<vmem>>
        %dma_wait3A_279 = tpu.memref_squeeze %dma_wait3A_278 : memref<1x128xi32, #tpu.memory_space<vmem>> -> memref<128xi32, #tpu.memory_space<vmem>>
        %dma_wait3A_280 = arith.constant 0 : i32
        %dma_wait3A_281 = arith.constant 0 : i32
        %dma_wait3A_282 = tpu.memref_slice %arg7[%dma_wait3A_280, %dma_wait3A_281] : memref<10240x128xf32, #tpu.memory_space<vmem_shared>> -> memref<10240x128xf32, #tpu.memory_space<vmem_shared>>
        tpu.wait_indirect_dma semaphore(%arg13 : memref<!tpu.dma_semaphore, #tpu.memory_space<semaphore_mem>>) src(%dma_wait3A_276 : memref<128x128xf32, #tpu.memory_space<vmem>>) dst(%dma_wait3A_282 : memref<10240x128xf32, #tpu.memory_space<vmem_shared>>)
      } else {
      }
      %add3A_265 = arith.constant 1 : i32
      %add3A_266 = arith.addi %add3A_194, %add3A_265 : i32
      %lt3A_267 = arith.cmpi slt, %add3A_266, %select_n3A : i32
      %convert_element_type3A_268 = arith.extui %lt3A_267 : i1 to i32
      %cond3A_269 = arith.constant 0 : i32
      %cond3A_270 = arith.cmpi ne, %convert_element_type3A_268, %cond3A_269 : i32
      scf.if %cond3A_270 {
        %dma_wait3A_271 = arith.constant 0 : i32
        %dma_wait3A_272 = arith.constant 0 : i32
        %dma_wait3A_273 = tpu.memref_slice %arg9[%dma_wait3A_271, %dma_wait3A_272] : memref<2x128xi32, #tpu.memory_space<vmem>> -> memref<1x128xi32, #tpu.memory_space<vmem>>
        %dma_wait3A_274 = tpu.memref_squeeze %dma_wait3A_273 : memref<1x128xi32, #tpu.memory_space<vmem>> -> memref<128xi32, #tpu.memory_space<vmem>>
        %dma_wait3A_275 = arith.constant 0 : i32
        %dma_wait3A_276 = tpu.memref_slice %arg3[%select_n3A_8, %dma_wait3A_275] : memref<2656x128xi32, #tpu.memory_space<hbm>> -> memref<1x128xi32, #tpu.memory_space<hbm>>
        %dma_wait3A_277 = tpu.memref_squeeze %dma_wait3A_276 : memref<1x128xi32, #tpu.memory_space<hbm>> -> memref<128xi32, #tpu.memory_space<hbm>>
        %dma_wait3A_278 = arith.constant 0 : i32
        %dma_wait3A_279 = tpu.memref_slice %arg9[%dma_wait3A_271, %dma_wait3A_278] : memref<2x128xi32, #tpu.memory_space<vmem>> -> memref<1x128xi32, #tpu.memory_space<vmem>>
        %dma_wait3A_280 = tpu.memref_squeeze %dma_wait3A_279 : memref<1x128xi32, #tpu.memory_space<vmem>> -> memref<128xi32, #tpu.memory_space<vmem>>
        %dma_wait3A_281 = arith.constant 0 : i32
        %dma_wait3A_282 = tpu.memref_slice %arg3[%select_n3A_8, %dma_wait3A_281] : memref<2656x128xi32, #tpu.memory_space<hbm>> -> memref<1x128xi32, #tpu.memory_space<hbm>>
        %dma_wait3A_283 = tpu.memref_squeeze %dma_wait3A_282 : memref<1x128xi32, #tpu.memory_space<hbm>> -> memref<128xi32, #tpu.memory_space<hbm>>
        tpu.wait_dma2 semaphore(%arg11 : memref<!tpu.dma_semaphore, #tpu.memory_space<semaphore_mem>>) src(%dma_wait3A_283 : memref<128xi32, #tpu.memory_space<hbm>>) dst(%dma_wait3A_280 : memref<128xi32, #tpu.memory_space<vmem>>)
        %dma_start3A_284 = arith.constant 0 : i32
        %dma_start3A_285 = arith.constant 0 : i32
        %dma_start3A_286 = arith.constant 0 : i32
        %dma_start3A_287 = arith.constant 0 : i32
        %dma_start3A_288 = tpu.memref_slice %arg10[%dma_start3A_285, %dma_start3A_286, %dma_start3A_287] : memref<2x128x128xf32, #tpu.memory_space<vmem>> -> memref<1x32x128xf32, #tpu.memory_space<vmem>>
        %dma_start3A_289 = tpu.memref_squeeze %dma_start3A_288 : memref<1x32x128xf32, #tpu.memory_space<vmem>> -> memref<32x128xf32, #tpu.memory_space<vmem>>
        %dma_start3A_290 = arith.constant 0 : i32
        %dma_start3A_291 = tpu.memref_slice %arg9[%dma_start3A_284, %dma_start3A_290] : memref<2x128xi32, #tpu.memory_space<vmem>> -> memref<1x32xi32, #tpu.memory_space<vmem>>
        %dma_start3A_292 = tpu.memref_squeeze %dma_start3A_291 : memref<1x32xi32, #tpu.memory_space<vmem>> -> memref<32xi32, #tpu.memory_space<vmem>>
        %dma_start3A_293 = arith.constant 0 : i32
        %dma_start3A_294 = arith.constant 0 : i32
        %dma_start3A_295 = tpu.memref_slice %arg2[%dma_start3A_293, %dma_start3A_294] : memref<10000x128xf32, #tpu.memory_space<hbm>> -> memref<10000x128xf32, #tpu.memory_space<hbm>>
        tpu.enqueue_indirect_dma source(%dma_start3A_295 : memref<10000x128xf32, #tpu.memory_space<hbm>>) target(%dma_start3A_289 : memref<32x128xf32, #tpu.memory_space<vmem>>) offsets(%dma_start3A_292 : memref<32xi32, #tpu.memory_space<vmem>>) semaphore(%arg12 : memref<!tpu.dma_semaphore, #tpu.memory_space<semaphore_mem>>)
        %dma_start3A_296 = arith.constant 0 : i32
        %dma_start3A_297 = arith.constant 0 : i32
        %dma_start3A_298 = arith.constant 32 : i32
        %dma_start3A_299 = arith.constant 0 : i32
        %dma_start3A_300 = tpu.memref_slice %arg10[%dma_start3A_297, %dma_start3A_298, %dma_start3A_299] : memref<2x128x128xf32, #tpu.memory_space<vmem>> -> memref<1x32x128xf32, #tpu.memory_space<vmem>>
        %dma_start3A_301 = tpu.memref_squeeze %dma_start3A_300 : memref<1x32x128xf32, #tpu.memory_space<vmem>> -> memref<32x128xf32, #tpu.memory_space<vmem>>
        %dma_start3A_302 = arith.constant 32 : i32
        %dma_start3A_303 = tpu.memref_slice %arg9[%dma_start3A_296, %dma_start3A_302] : memref<2x128xi32, #tpu.memory_space<vmem>> -> memref<1x32xi32, #tpu.memory_space<vmem>>
        %dma_start3A_304 = tpu.memref_squeeze %dma_start3A_303 : memref<1x32xi32, #tpu.memory_space<vmem>> -> memref<32xi32, #tpu.memory_space<vmem>>
        %dma_start3A_305 = arith.constant 0 : i32
        %dma_start3A_306 = arith.constant 0 : i32
        %dma_start3A_307 = tpu.memref_slice %arg2[%dma_start3A_305, %dma_start3A_306] : memref<10000x128xf32, #tpu.memory_space<hbm>> -> memref<10000x128xf32, #tpu.memory_space<hbm>>
        tpu.enqueue_indirect_dma source(%dma_start3A_307 : memref<10000x128xf32, #tpu.memory_space<hbm>>) target(%dma_start3A_301 : memref<32x128xf32, #tpu.memory_space<vmem>>) offsets(%dma_start3A_304 : memref<32xi32, #tpu.memory_space<vmem>>) semaphore(%arg12 : memref<!tpu.dma_semaphore, #tpu.memory_space<semaphore_mem>>)
        %dma_start3A_308 = arith.constant 0 : i32
        %dma_start3A_309 = arith.constant 0 : i32
        %dma_start3A_310 = arith.constant 64 : i32
        %dma_start3A_311 = arith.constant 0 : i32
        %dma_start3A_312 = tpu.memref_slice %arg10[%dma_start3A_309, %dma_start3A_310, %dma_start3A_311] : memref<2x128x128xf32, #tpu.memory_space<vmem>> -> memref<1x32x128xf32, #tpu.memory_space<vmem>>
        %dma_start3A_313 = tpu.memref_squeeze %dma_start3A_312 : memref<1x32x128xf32, #tpu.memory_space<vmem>> -> memref<32x128xf32, #tpu.memory_space<vmem>>
        %dma_start3A_314 = arith.constant 64 : i32
        %dma_start3A_315 = tpu.memref_slice %arg9[%dma_start3A_308, %dma_start3A_314] : memref<2x128xi32, #tpu.memory_space<vmem>> -> memref<1x32xi32, #tpu.memory_space<vmem>>
        %dma_start3A_316 = tpu.memref_squeeze %dma_start3A_315 : memref<1x32xi32, #tpu.memory_space<vmem>> -> memref<32xi32, #tpu.memory_space<vmem>>
        %dma_start3A_317 = arith.constant 0 : i32
        %dma_start3A_318 = arith.constant 0 : i32
        %dma_start3A_319 = tpu.memref_slice %arg2[%dma_start3A_317, %dma_start3A_318] : memref<10000x128xf32, #tpu.memory_space<hbm>> -> memref<10000x128xf32, #tpu.memory_space<hbm>>
        tpu.enqueue_indirect_dma source(%dma_start3A_319 : memref<10000x128xf32, #tpu.memory_space<hbm>>) target(%dma_start3A_313 : memref<32x128xf32, #tpu.memory_space<vmem>>) offsets(%dma_start3A_316 : memref<32xi32, #tpu.memory_space<vmem>>) semaphore(%arg12 : memref<!tpu.dma_semaphore, #tpu.memory_space<semaphore_mem>>)
        %dma_start3A_320 = arith.constant 0 : i32
        %dma_start3A_321 = arith.constant 0 : i32
        %dma_start3A_322 = arith.constant 96 : i32
        %dma_start3A_323 = arith.constant 0 : i32
        %dma_start3A_324 = tpu.memref_slice %arg10[%dma_start3A_321, %dma_start3A_322, %dma_start3A_323] : memref<2x128x128xf32, #tpu.memory_space<vmem>> -> memref<1x32x128xf32, #tpu.memory_space<vmem>>
        %dma_start3A_325 = tpu.memref_squeeze %dma_start3A_324 : memref<1x32x128xf32, #tpu.memory_space<vmem>> -> memref<32x128xf32, #tpu.memory_space<vmem>>
        %dma_start3A_326 = arith.constant 96 : i32
        %dma_start3A_327 = tpu.memref_slice %arg9[%dma_start3A_320, %dma_start3A_326] : memref<2x128xi32, #tpu.memory_space<vmem>> -> memref<1x32xi32, #tpu.memory_space<vmem>>
        %dma_start3A_328 = tpu.memref_squeeze %dma_start3A_327 : memref<1x32xi32, #tpu.memory_space<vmem>> -> memref<32xi32, #tpu.memory_space<vmem>>
        %dma_start3A_329 = arith.constant 0 : i32
        %dma_start3A_330 = arith.constant 0 : i32
        %dma_start3A_331 = tpu.memref_slice %arg2[%dma_start3A_329, %dma_start3A_330] : memref<10000x128xf32, #tpu.memory_space<hbm>> -> memref<10000x128xf32, #tpu.memory_space<hbm>>
        tpu.enqueue_indirect_dma source(%dma_start3A_331 : memref<10000x128xf32, #tpu.memory_space<hbm>>) target(%dma_start3A_325 : memref<32x128xf32, #tpu.memory_space<vmem>>) offsets(%dma_start3A_328 : memref<32xi32, #tpu.memory_space<vmem>>) semaphore(%arg12 : memref<!tpu.dma_semaphore, #tpu.memory_space<semaphore_mem>>)
      } else {
      }
    }
    %while3A_99 = arith.constant 1 : i32
    scf.for %while3A_114 = %while3A_97 to %while3A_93 step %while3A_99  : i32 {
      %mul3A_115 = arith.constant 2 : i32
      %mul3A_116 = arith.muli %while3A_114, %mul3A_115 : i32
      %add3A_117 = arith.constant 0 : i32
      %add3A_118 = arith.addi %mul3A_116, %add3A_117 : i32
      %dma_wait3A_119 = arith.constant 0 : i32
      %dma_wait3A_120 = arith.constant 0 : i32
      %dma_wait3A_121 = arith.constant 0 : i32
      %dma_wait3A_122 = arith.constant 0 : i32
      %dma_wait3A_123 = tpu.memref_slice %arg10[%dma_wait3A_120, %dma_wait3A_121, %dma_wait3A_122] : memref<2x128x128xf32, #tpu.memory_space<vmem>> -> memref<1x32x128xf32, #tpu.memory_space<vmem>>
      %dma_wait3A_124 = tpu.memref_squeeze %dma_wait3A_123 : memref<1x32x128xf32, #tpu.memory_space<vmem>> -> memref<32x128xf32, #tpu.memory_space<vmem>>
      %dma_wait3A_125 = arith.constant 0 : i32
      %dma_wait3A_126 = tpu.memref_slice %arg9[%dma_wait3A_119, %dma_wait3A_125] : memref<2x128xi32, #tpu.memory_space<vmem>> -> memref<1x32xi32, #tpu.memory_space<vmem>>
      %dma_wait3A_127 = tpu.memref_squeeze %dma_wait3A_126 : memref<1x32xi32, #tpu.memory_space<vmem>> -> memref<32xi32, #tpu.memory_space<vmem>>
      %dma_wait3A_128 = arith.constant 0 : i32
      %dma_wait3A_129 = arith.constant 0 : i32
      %dma_wait3A_130 = tpu.memref_slice %arg2[%dma_wait3A_128, %dma_wait3A_129] : memref<10000x128xf32, #tpu.memory_space<hbm>> -> memref<10000x128xf32, #tpu.memory_space<hbm>>
      tpu.wait_indirect_dma semaphore(%arg12 : memref<!tpu.dma_semaphore, #tpu.memory_space<semaphore_mem>>) src(%dma_wait3A_130 : memref<10000x128xf32, #tpu.memory_space<hbm>>) dst(%dma_wait3A_124 : memref<32x128xf32, #tpu.memory_space<vmem>>)
      %dma_wait3A_131 = arith.constant 0 : i32
      %dma_wait3A_132 = arith.constant 0 : i32
      %dma_wait3A_133 = arith.constant 0 : i32
      %dma_wait3A_134 = arith.constant 0 : i32
      %dma_wait3A_135 = tpu.memref_slice %arg10[%dma_wait3A_132, %dma_wait3A_133, %dma_wait3A_134] : memref<2x128x128xf32, #tpu.memory_space<vmem>> -> memref<1x32x128xf32, #tpu.memory_space<vmem>>
      %dma_wait3A_136 = tpu.memref_squeeze %dma_wait3A_135 : memref<1x32x128xf32, #tpu.memory_space<vmem>> -> memref<32x128xf32, #tpu.memory_space<vmem>>
      %dma_wait3A_137 = arith.constant 0 : i32
      %dma_wait3A_138 = tpu.memref_slice %arg9[%dma_wait3A_131, %dma_wait3A_137] : memref<2x128xi32, #tpu.memory_space<vmem>> -> memref<1x32xi32, #tpu.memory_space<vmem>>
      %dma_wait3A_139 = tpu.memref_squeeze %dma_wait3A_138 : memref<1x32xi32, #tpu.memory_space<vmem>> -> memref<32xi32, #tpu.memory_space<vmem>>
      %dma_wait3A_140 = arith.constant 0 : i32
      %dma_wait3A_141 = arith.constant 0 : i32
      %dma_wait3A_142 = tpu.memref_slice %arg2[%dma_wait3A_140, %dma_wait3A_141] : memref<10000x128xf32, #tpu.memory_space<hbm>> -> memref<10000x128xf32, #tpu.memory_space<hbm>>
      tpu.wait_indirect_dma semaphore(%arg12 : memref<!tpu.dma_semaphore, #tpu.memory_space<semaphore_mem>>) src(%dma_wait3A_142 : memref<10000x128xf32, #tpu.memory_space<hbm>>) dst(%dma_wait3A_136 : memref<32x128xf32, #tpu.memory_space<vmem>>)
      %dma_wait3A_143 = arith.constant 0 : i32
      %dma_wait3A_144 = arith.constant 0 : i32
      %dma_wait3A_145 = arith.constant 0 : i32
      %dma_wait3A_146 = arith.constant 0 : i32
      %dma_wait3A_147 = tpu.memref_slice %arg10[%dma_wait3A_144, %dma_wait3A_145, %dma_wait3A_146] : memref<2x128x128xf32, #tpu.memory_space<vmem>> -> memref<1x32x128xf32, #tpu.memory_space<vmem>>
      %dma_wait3A_148 = tpu.memref_squeeze %dma_wait3A_147 : memref<1x32x128xf32, #tpu.memory_space<vmem>> -> memref<32x128xf32, #tpu.memory_space<vmem>>
      %dma_wait3A_149 = arith.constant 0 : i32
      %dma_wait3A_150 = tpu.memref_slice %arg9[%dma_wait3A_143, %dma_wait3A_149] : memref<2x128xi32, #tpu.memory_space<vmem>> -> memref<1x32xi32, #tpu.memory_space<vmem>>
      %dma_wait3A_151 = tpu.memref_squeeze %dma_wait3A_150 : memref<1x32xi32, #tpu.memory_space<vmem>> -> memref<32xi32, #tpu.memory_space<vmem>>
      %dma_wait3A_152 = arith.constant 0 : i32
      %dma_wait3A_153 = arith.constant 0 : i32
      %dma_wait3A_154 = tpu.memref_slice %arg2[%dma_wait3A_152, %dma_wait3A_153] : memref<10000x128xf32, #tpu.memory_space<hbm>> -> memref<10000x128xf32, #tpu.memory_space<hbm>>
      tpu.wait_indirect_dma semaphore(%arg12 : memref<!tpu.dma_semaphore, #tpu.memory_space<semaphore_mem>>) src(%dma_wait3A_154 : memref<10000x128xf32, #tpu.memory_space<hbm>>) dst(%dma_wait3A_148 : memref<32x128xf32, #tpu.memory_space<vmem>>)
      %dma_wait3A_155 = arith.constant 0 : i32
      %dma_wait3A_156 = arith.constant 0 : i32
      %dma_wait3A_157 = arith.constant 0 : i32
      %dma_wait3A_158 = arith.constant 0 : i32
      %dma_wait3A_159 = tpu.memref_slice %arg10[%dma_wait3A_156, %dma_wait3A_157, %dma_wait3A_158] : memref<2x128x128xf32, #tpu.memory_space<vmem>> -> memref<1x32x128xf32, #tpu.memory_space<vmem>>
      %dma_wait3A_160 = tpu.memref_squeeze %dma_wait3A_159 : memref<1x32x128xf32, #tpu.memory_space<vmem>> -> memref<32x128xf32, #tpu.memory_space<vmem>>
      %dma_wait3A_161 = arith.constant 0 : i32
      %dma_wait3A_162 = tpu.memref_slice %arg9[%dma_wait3A_155, %dma_wait3A_161] : memref<2x128xi32, #tpu.memory_space<vmem>> -> memref<1x32xi32, #tpu.memory_space<vmem>>
      %dma_wait3A_163 = tpu.memref_squeeze %dma_wait3A_162 : memref<1x32xi32, #tpu.memory_space<vmem>> -> memref<32xi32, #tpu.memory_space<vmem>>
      %dma_wait3A_164 = arith.constant 0 : i32
      %dma_wait3A_165 = arith.constant 0 : i32
      %dma_wait3A_166 = tpu.memref_slice %arg2[%dma_wait3A_164, %dma_wait3A_165] : memref<10000x128xf32, #tpu.memory_space<hbm>> -> memref<10000x128xf32, #tpu.memory_space<hbm>>
      tpu.wait_indirect_dma semaphore(%arg12 : memref<!tpu.dma_semaphore, #tpu.memory_space<semaphore_mem>>) src(%dma_wait3A_166 : memref<10000x128xf32, #tpu.memory_space<hbm>>) dst(%dma_wait3A_160 : memref<32x128xf32, #tpu.memory_space<vmem>>)
      %dma_start3A_167 = arith.constant 0 : i32
      %dma_start3A_168 = arith.constant 0 : i32
      %dma_start3A_169 = arith.constant 0 : i32
      %dma_start3A_170 = tpu.memref_slice %arg10[%dma_start3A_167, %dma_start3A_168, %dma_start3A_169] : memref<2x128x128xf32, #tpu.memory_space<vmem>> -> memref<1x128x128xf32, #tpu.memory_space<vmem>>
      %dma_start3A_171 = tpu.memref_squeeze %dma_start3A_170 : memref<1x128x128xf32, #tpu.memory_space<vmem>> -> memref<128x128xf32, #tpu.memory_space<vmem>>
      %dma_start3A_172 = arith.constant 0 : i32
      %dma_start3A_173 = tpu.memref_slice %arg8[%add3A_118, %dma_start3A_172] : memref<96x128xi32, #tpu.memory_space<vmem>> -> memref<1x128xi32, #tpu.memory_space<vmem>>
      %dma_start3A_174 = tpu.memref_squeeze %dma_start3A_173 : memref<1x128xi32, #tpu.memory_space<vmem>> -> memref<128xi32, #tpu.memory_space<vmem>>
      %dma_start3A_175 = arith.constant 0 : i32
      %dma_start3A_176 = arith.constant 0 : i32
      %dma_start3A_177 = tpu.memref_slice %arg7[%dma_start3A_175, %dma_start3A_176] : memref<10240x128xf32, #tpu.memory_space<vmem_shared>> -> memref<10240x128xf32, #tpu.memory_space<vmem_shared>>
      tpu.enqueue_indirect_dma source(%dma_start3A_171 : memref<128x128xf32, #tpu.memory_space<vmem>>) target(%dma_start3A_177 : memref<10240x128xf32, #tpu.memory_space<vmem_shared>>) offsets(%dma_start3A_174 : memref<128xi32, #tpu.memory_space<vmem>>) semaphore(%arg13 : memref<!tpu.dma_semaphore, #tpu.memory_space<semaphore_mem>>) {add = true}
      %add3A_178 = arith.constant 2 : i32
      %add3A_179 = arith.addi %add3A_118, %add3A_178 : i32
      %lt3A = arith.cmpi slt, %add3A_179, %select_n3A : i32
      %convert_element_type3A = arith.extui %lt3A : i1 to i32
      %cond3A = arith.constant 0 : i32
      %cond3A_180 = arith.cmpi ne, %convert_element_type3A, %cond3A : i32
      scf.if %cond3A_180 {
        %add3A_271 = arith.constant 2 : i32
        %add3A_272 = arith.addi %add3A_118, %add3A_271 : i32
        %add3A_273 = arith.addi %select_n3A_8, %add3A_272 : i32
        %dma_start3A_274 = arith.constant 0 : i32
        %dma_start3A_275 = arith.constant 0 : i32
        %dma_start3A_276 = tpu.memref_slice %arg9[%dma_start3A_274, %dma_start3A_275] : memref<2x128xi32, #tpu.memory_space<vmem>> -> memref<1x128xi32, #tpu.memory_space<vmem>>
        %dma_start3A_277 = tpu.memref_squeeze %dma_start3A_276 : memref<1x128xi32, #tpu.memory_space<vmem>> -> memref<128xi32, #tpu.memory_space<vmem>>
        %dma_start3A_278 = arith.constant 0 : i32
        %dma_start3A_279 = tpu.memref_slice %arg3[%add3A_273, %dma_start3A_278] : memref<2656x128xi32, #tpu.memory_space<hbm>> -> memref<1x128xi32, #tpu.memory_space<hbm>>
        %dma_start3A_280 = tpu.memref_squeeze %dma_start3A_279 : memref<1x128xi32, #tpu.memory_space<hbm>> -> memref<128xi32, #tpu.memory_space<hbm>>
        %dma_start3A_281 = arith.constant 0 : i32
        %dma_start3A_282 = tpu.memref_slice %arg9[%dma_start3A_274, %dma_start3A_281] : memref<2x128xi32, #tpu.memory_space<vmem>> -> memref<1x128xi32, #tpu.memory_space<vmem>>
        %dma_start3A_283 = tpu.memref_squeeze %dma_start3A_282 : memref<1x128xi32, #tpu.memory_space<vmem>> -> memref<128xi32, #tpu.memory_space<vmem>>
        %dma_start3A_284 = arith.constant 0 : i32
        %dma_start3A_285 = tpu.memref_slice %arg3[%add3A_273, %dma_start3A_284] : memref<2656x128xi32, #tpu.memory_space<hbm>> -> memref<1x128xi32, #tpu.memory_space<hbm>>
        %dma_start3A_286 = tpu.memref_squeeze %dma_start3A_285 : memref<1x128xi32, #tpu.memory_space<hbm>> -> memref<128xi32, #tpu.memory_space<hbm>>
        tpu.enqueue_dma source(%dma_start3A_286 : memref<128xi32, #tpu.memory_space<hbm>>) target(%dma_start3A_283 : memref<128xi32, #tpu.memory_space<vmem>>) target_semaphore(%arg11 : memref<!tpu.dma_semaphore, #tpu.memory_space<semaphore_mem>>)
      } else {
      }
      %ge3A = arith.constant 1 : i32
      %ge3A_181 = arith.cmpi sge, %add3A_118, %ge3A : i32
      %convert_element_type3A_182 = arith.extui %ge3A_181 : i1 to i32
      %cond3A_183 = arith.constant 0 : i32
      %cond3A_184 = arith.cmpi ne, %convert_element_type3A_182, %cond3A_183 : i32
      scf.if %cond3A_184 {
        %dma_wait3A_271 = arith.constant 0 : i32
        %dma_wait3A_272 = arith.constant 0 : i32
        %dma_wait3A_273 = arith.constant 0 : i32
        %dma_wait3A_274 = arith.constant 0 : i32
        %dma_wait3A_275 = tpu.memref_slice %arg10[%dma_wait3A_271, %dma_wait3A_273, %dma_wait3A_274] : memref<2x128x128xf32, #tpu.memory_space<vmem>> -> memref<1x128x128xf32, #tpu.memory_space<vmem>>
        %dma_wait3A_276 = tpu.memref_squeeze %dma_wait3A_275 : memref<1x128x128xf32, #tpu.memory_space<vmem>> -> memref<128x128xf32, #tpu.memory_space<vmem>>
        %dma_wait3A_277 = arith.constant 0 : i32
        %dma_wait3A_278 = tpu.memref_slice %arg8[%dma_wait3A_272, %dma_wait3A_277] : memref<96x128xi32, #tpu.memory_space<vmem>> -> memref<1x128xi32, #tpu.memory_space<vmem>>
        %dma_wait3A_279 = tpu.memref_squeeze %dma_wait3A_278 : memref<1x128xi32, #tpu.memory_space<vmem>> -> memref<128xi32, #tpu.memory_space<vmem>>
        %dma_wait3A_280 = arith.constant 0 : i32
        %dma_wait3A_281 = arith.constant 0 : i32
        %dma_wait3A_282 = tpu.memref_slice %arg7[%dma_wait3A_280, %dma_wait3A_281] : memref<10240x128xf32, #tpu.memory_space<vmem_shared>> -> memref<10240x128xf32, #tpu.memory_space<vmem_shared>>
        tpu.wait_indirect_dma semaphore(%arg13 : memref<!tpu.dma_semaphore, #tpu.memory_space<semaphore_mem>>) src(%dma_wait3A_276 : memref<128x128xf32, #tpu.memory_space<vmem>>) dst(%dma_wait3A_282 : memref<10240x128xf32, #tpu.memory_space<vmem_shared>>)
      } else {
      }
      %add3A_185 = arith.constant 1 : i32
      %add3A_186 = arith.addi %add3A_118, %add3A_185 : i32
      %lt3A_187 = arith.cmpi slt, %add3A_186, %select_n3A : i32
      %convert_element_type3A_188 = arith.extui %lt3A_187 : i1 to i32
      %cond3A_189 = arith.constant 0 : i32
      %cond3A_190 = arith.cmpi ne, %convert_element_type3A_188, %cond3A_189 : i32
      scf.if %cond3A_190 {
        %dma_wait3A_271 = arith.constant 0 : i32
        %dma_wait3A_272 = arith.constant 0 : i32
        %dma_wait3A_273 = tpu.memref_slice %arg9[%dma_wait3A_271, %dma_wait3A_272] : memref<2x128xi32, #tpu.memory_space<vmem>> -> memref<1x128xi32, #tpu.memory_space<vmem>>
        %dma_wait3A_274 = tpu.memref_squeeze %dma_wait3A_273 : memref<1x128xi32, #tpu.memory_space<vmem>> -> memref<128xi32, #tpu.memory_space<vmem>>
        %dma_wait3A_275 = arith.constant 0 : i32
        %dma_wait3A_276 = tpu.memref_slice %arg3[%select_n3A_8, %dma_wait3A_275] : memref<2656x128xi32, #tpu.memory_space<hbm>> -> memref<1x128xi32, #tpu.memory_space<hbm>>
        %dma_wait3A_277 = tpu.memref_squeeze %dma_wait3A_276 : memref<1x128xi32, #tpu.memory_space<hbm>> -> memref<128xi32, #tpu.memory_space<hbm>>
        %dma_wait3A_278 = arith.constant 0 : i32
        %dma_wait3A_279 = tpu.memref_slice %arg9[%dma_wait3A_271, %dma_wait3A_278] : memref<2x128xi32, #tpu.memory_space<vmem>> -> memref<1x128xi32, #tpu.memory_space<vmem>>
        %dma_wait3A_280 = tpu.memref_squeeze %dma_wait3A_279 : memref<1x128xi32, #tpu.memory_space<vmem>> -> memref<128xi32, #tpu.memory_space<vmem>>
        %dma_wait3A_281 = arith.constant 0 : i32
        %dma_wait3A_282 = tpu.memref_slice %arg3[%select_n3A_8, %dma_wait3A_281] : memref<2656x128xi32, #tpu.memory_space<hbm>> -> memref<1x128xi32, #tpu.memory_space<hbm>>
        %dma_wait3A_283 = tpu.memref_squeeze %dma_wait3A_282 : memref<1x128xi32, #tpu.memory_space<hbm>> -> memref<128xi32, #tpu.memory_space<hbm>>
        tpu.wait_dma2 semaphore(%arg11 : memref<!tpu.dma_semaphore, #tpu.memory_space<semaphore_mem>>) src(%dma_wait3A_283 : memref<128xi32, #tpu.memory_space<hbm>>) dst(%dma_wait3A_280 : memref<128xi32, #tpu.memory_space<vmem>>)
        %dma_start3A_284 = arith.constant 1 : i32
        %dma_start3A_285 = arith.constant 1 : i32
        %dma_start3A_286 = arith.constant 0 : i32
        %dma_start3A_287 = arith.constant 0 : i32
        %dma_start3A_288 = tpu.memref_slice %arg10[%dma_start3A_285, %dma_start3A_286, %dma_start3A_287] : memref<2x128x128xf32, #tpu.memory_space<vmem>> -> memref<1x32x128xf32, #tpu.memory_space<vmem>>
        %dma_start3A_289 = tpu.memref_squeeze %dma_start3A_288 : memref<1x32x128xf32, #tpu.memory_space<vmem>> -> memref<32x128xf32, #tpu.memory_space<vmem>>
        %dma_start3A_290 = arith.constant 0 : i32
        %dma_start3A_291 = tpu.memref_slice %arg9[%dma_start3A_284, %dma_start3A_290] : memref<2x128xi32, #tpu.memory_space<vmem>> -> memref<1x32xi32, #tpu.memory_space<vmem>>
        %dma_start3A_292 = tpu.memref_squeeze %dma_start3A_291 : memref<1x32xi32, #tpu.memory_space<vmem>> -> memref<32xi32, #tpu.memory_space<vmem>>
        %dma_start3A_293 = arith.constant 0 : i32
        %dma_start3A_294 = arith.constant 0 : i32
        %dma_start3A_295 = tpu.memref_slice %arg2[%dma_start3A_293, %dma_start3A_294] : memref<10000x128xf32, #tpu.memory_space<hbm>> -> memref<10000x128xf32, #tpu.memory_space<hbm>>
        tpu.enqueue_indirect_dma source(%dma_start3A_295 : memref<10000x128xf32, #tpu.memory_space<hbm>>) target(%dma_start3A_289 : memref<32x128xf32, #tpu.memory_space<vmem>>) offsets(%dma_start3A_292 : memref<32xi32, #tpu.memory_space<vmem>>) semaphore(%arg12 : memref<!tpu.dma_semaphore, #tpu.memory_space<semaphore_mem>>)
        %dma_start3A_296 = arith.constant 1 : i32
        %dma_start3A_297 = arith.constant 1 : i32
        %dma_start3A_298 = arith.constant 32 : i32
        %dma_start3A_299 = arith.constant 0 : i32
        %dma_start3A_300 = tpu.memref_slice %arg10[%dma_start3A_297, %dma_start3A_298, %dma_start3A_299] : memref<2x128x128xf32, #tpu.memory_space<vmem>> -> memref<1x32x128xf32, #tpu.memory_space<vmem>>
        %dma_start3A_301 = tpu.memref_squeeze %dma_start3A_300 : memref<1x32x128xf32, #tpu.memory_space<vmem>> -> memref<32x128xf32, #tpu.memory_space<vmem>>
        %dma_start3A_302 = arith.constant 32 : i32
        %dma_start3A_303 = tpu.memref_slice %arg9[%dma_start3A_296, %dma_start3A_302] : memref<2x128xi32, #tpu.memory_space<vmem>> -> memref<1x32xi32, #tpu.memory_space<vmem>>
        %dma_start3A_304 = tpu.memref_squeeze %dma_start3A_303 : memref<1x32xi32, #tpu.memory_space<vmem>> -> memref<32xi32, #tpu.memory_space<vmem>>
        %dma_start3A_305 = arith.constant 0 : i32
        %dma_start3A_306 = arith.constant 0 : i32
        %dma_start3A_307 = tpu.memref_slice %arg2[%dma_start3A_305, %dma_start3A_306] : memref<10000x128xf32, #tpu.memory_space<hbm>> -> memref<10000x128xf32, #tpu.memory_space<hbm>>
        tpu.enqueue_indirect_dma source(%dma_start3A_307 : memref<10000x128xf32, #tpu.memory_space<hbm>>) target(%dma_start3A_301 : memref<32x128xf32, #tpu.memory_space<vmem>>) offsets(%dma_start3A_304 : memref<32xi32, #tpu.memory_space<vmem>>) semaphore(%arg12 : memref<!tpu.dma_semaphore, #tpu.memory_space<semaphore_mem>>)
        %dma_start3A_308 = arith.constant 1 : i32
        %dma_start3A_309 = arith.constant 1 : i32
        %dma_start3A_310 = arith.constant 64 : i32
        %dma_start3A_311 = arith.constant 0 : i32
        %dma_start3A_312 = tpu.memref_slice %arg10[%dma_start3A_309, %dma_start3A_310, %dma_start3A_311] : memref<2x128x128xf32, #tpu.memory_space<vmem>> -> memref<1x32x128xf32, #tpu.memory_space<vmem>>
        %dma_start3A_313 = tpu.memref_squeeze %dma_start3A_312 : memref<1x32x128xf32, #tpu.memory_space<vmem>> -> memref<32x128xf32, #tpu.memory_space<vmem>>
        %dma_start3A_314 = arith.constant 64 : i32
        %dma_start3A_315 = tpu.memref_slice %arg9[%dma_start3A_308, %dma_start3A_314] : memref<2x128xi32, #tpu.memory_space<vmem>> -> memref<1x32xi32, #tpu.memory_space<vmem>>
        %dma_start3A_316 = tpu.memref_squeeze %dma_start3A_315 : memref<1x32xi32, #tpu.memory_space<vmem>> -> memref<32xi32, #tpu.memory_space<vmem>>
        %dma_start3A_317 = arith.constant 0 : i32
        %dma_start3A_318 = arith.constant 0 : i32
        %dma_start3A_319 = tpu.memref_slice %arg2[%dma_start3A_317, %dma_start3A_318] : memref<10000x128xf32, #tpu.memory_space<hbm>> -> memref<10000x128xf32, #tpu.memory_space<hbm>>
        tpu.enqueue_indirect_dma source(%dma_start3A_319 : memref<10000x128xf32, #tpu.memory_space<hbm>>) target(%dma_start3A_313 : memref<32x128xf32, #tpu.memory_space<vmem>>) offsets(%dma_start3A_316 : memref<32xi32, #tpu.memory_space<vmem>>) semaphore(%arg12 : memref<!tpu.dma_semaphore, #tpu.memory_space<semaphore_mem>>)
        %dma_start3A_320 = arith.constant 1 : i32
        %dma_start3A_321 = arith.constant 1 : i32
        %dma_start3A_322 = arith.constant 96 : i32
        %dma_start3A_323 = arith.constant 0 : i32
        %dma_start3A_324 = tpu.memref_slice %arg10[%dma_start3A_321, %dma_start3A_322, %dma_start3A_323] : memref<2x128x128xf32, #tpu.memory_space<vmem>> -> memref<1x32x128xf32, #tpu.memory_space<vmem>>
        %dma_start3A_325 = tpu.memref_squeeze %dma_start3A_324 : memref<1x32x128xf32, #tpu.memory_space<vmem>> -> memref<32x128xf32, #tpu.memory_space<vmem>>
        %dma_start3A_326 = arith.constant 96 : i32
        %dma_start3A_327 = tpu.memref_slice %arg9[%dma_start3A_320, %dma_start3A_326] : memref<2x128xi32, #tpu.memory_space<vmem>> -> memref<1x32xi32, #tpu.memory_space<vmem>>
        %dma_start3A_328 = tpu.memref_squeeze %dma_start3A_327 : memref<1x32xi32, #tpu.memory_space<vmem>> -> memref<32xi32, #tpu.memory_space<vmem>>
        %dma_start3A_329 = arith.constant 0 : i32
        %dma_start3A_330 = arith.constant 0 : i32
        %dma_start3A_331 = tpu.memref_slice %arg2[%dma_start3A_329, %dma_start3A_330] : memref<10000x128xf32, #tpu.memory_space<hbm>> -> memref<10000x128xf32, #tpu.memory_space<hbm>>
        tpu.enqueue_indirect_dma source(%dma_start3A_331 : memref<10000x128xf32, #tpu.memory_space<hbm>>) target(%dma_start3A_325 : memref<32x128xf32, #tpu.memory_space<vmem>>) offsets(%dma_start3A_328 : memref<32xi32, #tpu.memory_space<vmem>>) semaphore(%arg12 : memref<!tpu.dma_semaphore, #tpu.memory_space<semaphore_mem>>)
      } else {
      }
      %mul3A_191 = arith.constant 2 : i32
      %mul3A_192 = arith.muli %while3A_114, %mul3A_191 : i32
      %add3A_193 = arith.constant 1 : i32
      %add3A_194 = arith.addi %mul3A_192, %add3A_193 : i32
      %dma_wait3A_195 = arith.constant 0 : i32
      %dma_wait3A_196 = arith.constant 0 : i32
      %dma_wait3A_197 = arith.constant 0 : i32
      %dma_wait3A_198 = arith.constant 0 : i32
      %dma_wait3A_199 = tpu.memref_slice %arg10[%dma_wait3A_196, %dma_wait3A_197, %dma_wait3A_198] : memref<2x128x128xf32, #tpu.memory_space<vmem>> -> memref<1x32x128xf32, #tpu.memory_space<vmem>>
      %dma_wait3A_200 = tpu.memref_squeeze %dma_wait3A_199 : memref<1x32x128xf32, #tpu.memory_space<vmem>> -> memref<32x128xf32, #tpu.memory_space<vmem>>
      %dma_wait3A_201 = arith.constant 0 : i32
      %dma_wait3A_202 = tpu.memref_slice %arg9[%dma_wait3A_195, %dma_wait3A_201] : memref<2x128xi32, #tpu.memory_space<vmem>> -> memref<1x32xi32, #tpu.memory_space<vmem>>
      %dma_wait3A_203 = tpu.memref_squeeze %dma_wait3A_202 : memref<1x32xi32, #tpu.memory_space<vmem>> -> memref<32xi32, #tpu.memory_space<vmem>>
      %dma_wait3A_204 = arith.constant 0 : i32
      %dma_wait3A_205 = arith.constant 0 : i32
      %dma_wait3A_206 = tpu.memref_slice %arg2[%dma_wait3A_204, %dma_wait3A_205] : memref<10000x128xf32, #tpu.memory_space<hbm>> -> memref<10000x128xf32, #tpu.memory_space<hbm>>
      tpu.wait_indirect_dma semaphore(%arg12 : memref<!tpu.dma_semaphore, #tpu.memory_space<semaphore_mem>>) src(%dma_wait3A_206 : memref<10000x128xf32, #tpu.memory_space<hbm>>) dst(%dma_wait3A_200 : memref<32x128xf32, #tpu.memory_space<vmem>>)
      %dma_wait3A_207 = arith.constant 0 : i32
      %dma_wait3A_208 = arith.constant 0 : i32
      %dma_wait3A_209 = arith.constant 0 : i32
      %dma_wait3A_210 = arith.constant 0 : i32
      %dma_wait3A_211 = tpu.memref_slice %arg10[%dma_wait3A_208, %dma_wait3A_209, %dma_wait3A_210] : memref<2x128x128xf32, #tpu.memory_space<vmem>> -> memref<1x32x128xf32, #tpu.memory_space<vmem>>
      %dma_wait3A_212 = tpu.memref_squeeze %dma_wait3A_211 : memref<1x32x128xf32, #tpu.memory_space<vmem>> -> memref<32x128xf32, #tpu.memory_space<vmem>>
      %dma_wait3A_213 = arith.constant 0 : i32
      %dma_wait3A_214 = tpu.memref_slice %arg9[%dma_wait3A_207, %dma_wait3A_213] : memref<2x128xi32, #tpu.memory_space<vmem>> -> memref<1x32xi32, #tpu.memory_space<vmem>>
      %dma_wait3A_215 = tpu.memref_squeeze %dma_wait3A_214 : memref<1x32xi32, #tpu.memory_space<vmem>> -> memref<32xi32, #tpu.memory_space<vmem>>
      %dma_wait3A_216 = arith.constant 0 : i32
      %dma_wait3A_217 = arith.constant 0 : i32
      %dma_wait3A_218 = tpu.memref_slice %arg2[%dma_wait3A_216, %dma_wait3A_217] : memref<10000x128xf32, #tpu.memory_space<hbm>> -> memref<10000x128xf32, #tpu.memory_space<hbm>>
      tpu.wait_indirect_dma semaphore(%arg12 : memref<!tpu.dma_semaphore, #tpu.memory_space<semaphore_mem>>) src(%dma_wait3A_218 : memref<10000x128xf32, #tpu.memory_space<hbm>>) dst(%dma_wait3A_212 : memref<32x128xf32, #tpu.memory_space<vmem>>)
      %dma_wait3A_219 = arith.constant 0 : i32
      %dma_wait3A_220 = arith.constant 0 : i32
      %dma_wait3A_221 = arith.constant 0 : i32
      %dma_wait3A_222 = arith.constant 0 : i32
      %dma_wait3A_223 = tpu.memref_slice %arg10[%dma_wait3A_220, %dma_wait3A_221, %dma_wait3A_222] : memref<2x128x128xf32, #tpu.memory_space<vmem>> -> memref<1x32x128xf32, #tpu.memory_space<vmem>>
      %dma_wait3A_224 = tpu.memref_squeeze %dma_wait3A_223 : memref<1x32x128xf32, #tpu.memory_space<vmem>> -> memref<32x128xf32, #tpu.memory_space<vmem>>
      %dma_wait3A_225 = arith.constant 0 : i32
      %dma_wait3A_226 = tpu.memref_slice %arg9[%dma_wait3A_219, %dma_wait3A_225] : memref<2x128xi32, #tpu.memory_space<vmem>> -> memref<1x32xi32, #tpu.memory_space<vmem>>
      %dma_wait3A_227 = tpu.memref_squeeze %dma_wait3A_226 : memref<1x32xi32, #tpu.memory_space<vmem>> -> memref<32xi32, #tpu.memory_space<vmem>>
      %dma_wait3A_228 = arith.constant 0 : i32
      %dma_wait3A_229 = arith.constant 0 : i32
      %dma_wait3A_230 = tpu.memref_slice %arg2[%dma_wait3A_228, %dma_wait3A_229] : memref<10000x128xf32, #tpu.memory_space<hbm>> -> memref<10000x128xf32, #tpu.memory_space<hbm>>
      tpu.wait_indirect_dma semaphore(%arg12 : memref<!tpu.dma_semaphore, #tpu.memory_space<semaphore_mem>>) src(%dma_wait3A_230 : memref<10000x128xf32, #tpu.memory_space<hbm>>) dst(%dma_wait3A_224 : memref<32x128xf32, #tpu.memory_space<vmem>>)
      %dma_wait3A_231 = arith.constant 0 : i32
      %dma_wait3A_232 = arith.constant 0 : i32
      %dma_wait3A_233 = arith.constant 0 : i32
      %dma_wait3A_234 = arith.constant 0 : i32
      %dma_wait3A_235 = tpu.memref_slice %arg10[%dma_wait3A_232, %dma_wait3A_233, %dma_wait3A_234] : memref<2x128x128xf32, #tpu.memory_space<vmem>> -> memref<1x32x128xf32, #tpu.memory_space<vmem>>
      %dma_wait3A_236 = tpu.memref_squeeze %dma_wait3A_235 : memref<1x32x128xf32, #tpu.memory_space<vmem>> -> memref<32x128xf32, #tpu.memory_space<vmem>>
      %dma_wait3A_237 = arith.constant 0 : i32
      %dma_wait3A_238 = tpu.memref_slice %arg9[%dma_wait3A_231, %dma_wait3A_237] : memref<2x128xi32, #tpu.memory_space<vmem>> -> memref<1x32xi32, #tpu.memory_space<vmem>>
      %dma_wait3A_239 = tpu.memref_squeeze %dma_wait3A_238 : memref<1x32xi32, #tpu.memory_space<vmem>> -> memref<32xi32, #tpu.memory_space<vmem>>
      %dma_wait3A_240 = arith.constant 0 : i32
      %dma_wait3A_241 = arith.constant 0 : i32
      %dma_wait3A_242 = tpu.memref_slice %arg2[%dma_wait3A_240, %dma_wait3A_241] : memref<10000x128xf32, #tpu.memory_space<hbm>> -> memref<10000x128xf32, #tpu.memory_space<hbm>>
      tpu.wait_indirect_dma semaphore(%arg12 : memref<!tpu.dma_semaphore, #tpu.memory_space<semaphore_mem>>) src(%dma_wait3A_242 : memref<10000x128xf32, #tpu.memory_space<hbm>>) dst(%dma_wait3A_236 : memref<32x128xf32, #tpu.memory_space<vmem>>)
      %dma_start3A_243 = arith.constant 1 : i32
      %dma_start3A_244 = arith.constant 0 : i32
      %dma_start3A_245 = arith.constant 0 : i32
      %dma_start3A_246 = tpu.memref_slice %arg10[%dma_start3A_243, %dma_start3A_244, %dma_start3A_245] : memref<2x128x128xf32, #tpu.memory_space<vmem>> -> memref<1x128x128xf32, #tpu.memory_space<vmem>>
      %dma_start3A_247 = tpu.memref_squeeze %dma_start3A_246 : memref<1x128x128xf32, #tpu.memory_space<vmem>> -> memref<128x128xf32, #tpu.memory_space<vmem>>
      %dma_start3A_248 = arith.constant 0 : i32
      %dma_start3A_249 = tpu.memref_slice %arg8[%add3A_194, %dma_start3A_248] : memref<96x128xi32, #tpu.memory_space<vmem>> -> memref<1x128xi32, #tpu.memory_space<vmem>>
      %dma_start3A_250 = tpu.memref_squeeze %dma_start3A_249 : memref<1x128xi32, #tpu.memory_space<vmem>> -> memref<128xi32, #tpu.memory_space<vmem>>
      %dma_start3A_251 = arith.constant 0 : i32
      %dma_start3A_252 = arith.constant 0 : i32
      %dma_start3A_253 = tpu.memref_slice %arg7[%dma_start3A_251, %dma_start3A_252] : memref<10240x128xf32, #tpu.memory_space<vmem_shared>> -> memref<10240x128xf32, #tpu.memory_space<vmem_shared>>
      tpu.enqueue_indirect_dma source(%dma_start3A_247 : memref<128x128xf32, #tpu.memory_space<vmem>>) target(%dma_start3A_253 : memref<10240x128xf32, #tpu.memory_space<vmem_shared>>) offsets(%dma_start3A_250 : memref<128xi32, #tpu.memory_space<vmem>>) semaphore(%arg13 : memref<!tpu.dma_semaphore, #tpu.memory_space<semaphore_mem>>) {add = true}
      %add3A_254 = arith.constant 2 : i32
      %add3A_255 = arith.addi %add3A_194, %add3A_254 : i32
      %lt3A_256 = arith.cmpi slt, %add3A_255, %select_n3A : i32
      %convert_element_type3A_257 = arith.extui %lt3A_256 : i1 to i32
      %cond3A_258 = arith.constant 0 : i32
      %cond3A_259 = arith.cmpi ne, %convert_element_type3A_257, %cond3A_258 : i32
      scf.if %cond3A_259 {
        %add3A_271 = arith.constant 2 : i32
        %add3A_272 = arith.addi %add3A_194, %add3A_271 : i32
        %add3A_273 = arith.addi %select_n3A_8, %add3A_272 : i32
        %dma_start3A_274 = arith.constant 1 : i32
        %dma_start3A_275 = arith.constant 0 : i32
        %dma_start3A_276 = tpu.memref_slice %arg9[%dma_start3A_274, %dma_start3A_275] : memref<2x128xi32, #tpu.memory_space<vmem>> -> memref<1x128xi32, #tpu.memory_space<vmem>>
        %dma_start3A_277 = tpu.memref_squeeze %dma_start3A_276 : memref<1x128xi32, #tpu.memory_space<vmem>> -> memref<128xi32, #tpu.memory_space<vmem>>
        %dma_start3A_278 = arith.constant 0 : i32
        %dma_start3A_279 = tpu.memref_slice %arg3[%add3A_273, %dma_start3A_278] : memref<2656x128xi32, #tpu.memory_space<hbm>> -> memref<1x128xi32, #tpu.memory_space<hbm>>
        %dma_start3A_280 = tpu.memref_squeeze %dma_start3A_279 : memref<1x128xi32, #tpu.memory_space<hbm>> -> memref<128xi32, #tpu.memory_space<hbm>>
        %dma_start3A_281 = arith.constant 0 : i32
        %dma_start3A_282 = tpu.memref_slice %arg9[%dma_start3A_274, %dma_start3A_281] : memref<2x128xi32, #tpu.memory_space<vmem>> -> memref<1x128xi32, #tpu.memory_space<vmem>>
        %dma_start3A_283 = tpu.memref_squeeze %dma_start3A_282 : memref<1x128xi32, #tpu.memory_space<vmem>> -> memref<128xi32, #tpu.memory_space<vmem>>
        %dma_start3A_284 = arith.constant 0 : i32
        %dma_start3A_285 = tpu.memref_slice %arg3[%add3A_273, %dma_start3A_284] : memref<2656x128xi32, #tpu.memory_space<hbm>> -> memref<1x128xi32, #tpu.memory_space<hbm>>
        %dma_start3A_286 = tpu.memref_squeeze %dma_start3A_285 : memref<1x128xi32, #tpu.memory_space<hbm>> -> memref<128xi32, #tpu.memory_space<hbm>>
        tpu.enqueue_dma source(%dma_start3A_286 : memref<128xi32, #tpu.memory_space<hbm>>) target(%dma_start3A_283 : memref<128xi32, #tpu.memory_space<vmem>>) target_semaphore(%arg11 : memref<!tpu.dma_semaphore, #tpu.memory_space<semaphore_mem>>)
      } else {
      }
      %ge3A_260 = arith.constant 1 : i32
      %ge3A_261 = arith.cmpi sge, %add3A_194, %ge3A_260 : i32
      %convert_element_type3A_262 = arith.extui %ge3A_261 : i1 to i32
      %cond3A_263 = arith.constant 0 : i32
      %cond3A_264 = arith.cmpi ne, %convert_element_type3A_262, %cond3A_263 : i32
      scf.if %cond3A_264 {
        %dma_wait3A_271 = arith.constant 0 : i32
        %dma_wait3A_272 = arith.constant 0 : i32
        %dma_wait3A_273 = arith.constant 0 : i32
        %dma_wait3A_274 = arith.constant 0 : i32
        %dma_wait3A_275 = tpu.memref_slice %arg10[%dma_wait3A_271, %dma_wait3A_273, %dma_wait3A_274] : memref<2x128x128xf32, #tpu.memory_space<vmem>> -> memref<1x128x128xf32, #tpu.memory_space<vmem>>
        %dma_wait3A_276 = tpu.memref_squeeze %dma_wait3A_275 : memref<1x128x128xf32, #tpu.memory_space<vmem>> -> memref<128x128xf32, #tpu.memory_space<vmem>>
        %dma_wait3A_277 = arith.constant 0 : i32
        %dma_wait3A_278 = tpu.memref_slice %arg8[%dma_wait3A_272, %dma_wait3A_277] : memref<96x128xi32, #tpu.memory_space<vmem>> -> memref<1x128xi32, #tpu.memory_space<vmem>>
        %dma_wait3A_279 = tpu.memref_squeeze %dma_wait3A_278 : memref<1x128xi32, #tpu.memory_space<vmem>> -> memref<128xi32, #tpu.memory_space<vmem>>
        %dma_wait3A_280 = arith.constant 0 : i32
        %dma_wait3A_281 = arith.constant 0 : i32
        %dma_wait3A_282 = tpu.memref_slice %arg7[%dma_wait3A_280, %dma_wait3A_281] : memref<10240x128xf32, #tpu.memory_space<vmem_shared>> -> memref<10240x128xf32, #tpu.memory_space<vmem_shared>>
        tpu.wait_indirect_dma semaphore(%arg13 : memref<!tpu.dma_semaphore, #tpu.memory_space<semaphore_mem>>) src(%dma_wait3A_276 : memref<128x128xf32, #tpu.memory_space<vmem>>) dst(%dma_wait3A_282 : memref<10240x128xf32, #tpu.memory_space<vmem_shared>>)
      } else {
      }
      %add3A_265 = arith.constant 1 : i32
      %add3A_266 = arith.addi %add3A_194, %add3A_265 : i32
      %lt3A_267 = arith.cmpi slt, %add3A_266, %select_n3A : i32
      %convert_element_type3A_268 = arith.extui %lt3A_267 : i1 to i32
      %cond3A_269 = arith.constant 0 : i32
      %cond3A_270 = arith.cmpi ne, %convert_element_type3A_268, %cond3A_269 : i32
      scf.if %cond3A_270 {
        %dma_wait3A_271 = arith.constant 0 : i32
        %dma_wait3A_272 = arith.constant 0 : i32
        %dma_wait3A_273 = tpu.memref_slice %arg9[%dma_wait3A_271, %dma_wait3A_272] : memref<2x128xi32, #tpu.memory_space<vmem>> -> memref<1x128xi32, #tpu.memory_space<vmem>>
        %dma_wait3A_274 = tpu.memref_squeeze %dma_wait3A_273 : memref<1x128xi32, #tpu.memory_space<vmem>> -> memref<128xi32, #tpu.memory_space<vmem>>
        %dma_wait3A_275 = arith.constant 0 : i32
        %dma_wait3A_276 = tpu.memref_slice %arg3[%select_n3A_8, %dma_wait3A_275] : memref<2656x128xi32, #tpu.memory_space<hbm>> -> memref<1x128xi32, #tpu.memory_space<hbm>>
        %dma_wait3A_277 = tpu.memref_squeeze %dma_wait3A_276 : memref<1x128xi32, #tpu.memory_space<hbm>> -> memref<128xi32, #tpu.memory_space<hbm>>
        %dma_wait3A_278 = arith.constant 0 : i32
        %dma_wait3A_279 = tpu.memref_slice %arg9[%dma_wait3A_271, %dma_wait3A_278] : memref<2x128xi32, #tpu.memory_space<vmem>> -> memref<1x128xi32, #tpu.memory_space<vmem>>
        %dma_wait3A_280 = tpu.memref_squeeze %dma_wait3A_279 : memref<1x128xi32, #tpu.memory_space<vmem>> -> memref<128xi32, #tpu.memory_space<vmem>>
        %dma_wait3A_281 = arith.constant 0 : i32
        %dma_wait3A_282 = tpu.memref_slice %arg3[%select_n3A_8, %dma_wait3A_281] : memref<2656x128xi32, #tpu.memory_space<hbm>> -> memref<1x128xi32, #tpu.memory_space<hbm>>
        %dma_wait3A_283 = tpu.memref_squeeze %dma_wait3A_282 : memref<1x128xi32, #tpu.memory_space<hbm>> -> memref<128xi32, #tpu.memory_space<hbm>>
        tpu.wait_dma2 semaphore(%arg11 : memref<!tpu.dma_semaphore, #tpu.memory_space<semaphore_mem>>) src(%dma_wait3A_283 : memref<128xi32, #tpu.memory_space<hbm>>) dst(%dma_wait3A_280 : memref<128xi32, #tpu.memory_space<vmem>>)
        %dma_start3A_284 = arith.constant 0 : i32
        %dma_start3A_285 = arith.constant 0 : i32
        %dma_start3A_286 = arith.constant 0 : i32
        %dma_start3A_287 = arith.constant 0 : i32
        %dma_start3A_288 = tpu.memref_slice %arg10[%dma_start3A_285, %dma_start3A_286, %dma_start3A_287] : memref<2x128x128xf32, #tpu.memory_space<vmem>> -> memref<1x32x128xf32, #tpu.memory_space<vmem>>
        %dma_start3A_289 = tpu.memref_squeeze %dma_start3A_288 : memref<1x32x128xf32, #tpu.memory_space<vmem>> -> memref<32x128xf32, #tpu.memory_space<vmem>>
        %dma_start3A_290 = arith.constant 0 : i32
        %dma_start3A_291 = tpu.memref_slice %arg9[%dma_start3A_284, %dma_start3A_290] : memref<2x128xi32, #tpu.memory_space<vmem>> -> memref<1x32xi32, #tpu.memory_space<vmem>>
        %dma_start3A_292 = tpu.memref_squeeze %dma_start3A_291 : memref<1x32xi32, #tpu.memory_space<vmem>> -> memref<32xi32, #tpu.memory_space<vmem>>
        %dma_start3A_293 = arith.constant 0 : i32
        %dma_start3A_294 = arith.constant 0 : i32
        %dma_start3A_295 = tpu.memref_slice %arg2[%dma_start3A_293, %dma_start3A_294] : memref<10000x128xf32, #tpu.memory_space<hbm>> -> memref<10000x128xf32, #tpu.memory_space<hbm>>
        tpu.enqueue_indirect_dma source(%dma_start3A_295 : memref<10000x128xf32, #tpu.memory_space<hbm>>) target(%dma_start3A_289 : memref<32x128xf32, #tpu.memory_space<vmem>>) offsets(%dma_start3A_292 : memref<32xi32, #tpu.memory_space<vmem>>) semaphore(%arg12 : memref<!tpu.dma_semaphore, #tpu.memory_space<semaphore_mem>>)
        %dma_start3A_296 = arith.constant 0 : i32
        %dma_start3A_297 = arith.constant 0 : i32
        %dma_start3A_298 = arith.constant 32 : i32
        %dma_start3A_299 = arith.constant 0 : i32
        %dma_start3A_300 = tpu.memref_slice %arg10[%dma_start3A_297, %dma_start3A_298, %dma_start3A_299] : memref<2x128x128xf32, #tpu.memory_space<vmem>> -> memref<1x32x128xf32, #tpu.memory_space<vmem>>
        %dma_start3A_301 = tpu.memref_squeeze %dma_start3A_300 : memref<1x32x128xf32, #tpu.memory_space<vmem>> -> memref<32x128xf32, #tpu.memory_space<vmem>>
        %dma_start3A_302 = arith.constant 32 : i32
        %dma_start3A_303 = tpu.memref_slice %arg9[%dma_start3A_296, %dma_start3A_302] : memref<2x128xi32, #tpu.memory_space<vmem>> -> memref<1x32xi32, #tpu.memory_space<vmem>>
        %dma_start3A_304 = tpu.memref_squeeze %dma_start3A_303 : memref<1x32xi32, #tpu.memory_space<vmem>> -> memref<32xi32, #tpu.memory_space<vmem>>
        %dma_start3A_305 = arith.constant 0 : i32
        %dma_start3A_306 = arith.constant 0 : i32
        %dma_start3A_307 = tpu.memref_slice %arg2[%dma_start3A_305, %dma_start3A_306] : memref<10000x128xf32, #tpu.memory_space<hbm>> -> memref<10000x128xf32, #tpu.memory_space<hbm>>
        tpu.enqueue_indirect_dma source(%dma_start3A_307 : memref<10000x128xf32, #tpu.memory_space<hbm>>) target(%dma_start3A_301 : memref<32x128xf32, #tpu.memory_space<vmem>>) offsets(%dma_start3A_304 : memref<32xi32, #tpu.memory_space<vmem>>) semaphore(%arg12 : memref<!tpu.dma_semaphore, #tpu.memory_space<semaphore_mem>>)
        %dma_start3A_308 = arith.constant 0 : i32
        %dma_start3A_309 = arith.constant 0 : i32
        %dma_start3A_310 = arith.constant 64 : i32
        %dma_start3A_311 = arith.constant 0 : i32
        %dma_start3A_312 = tpu.memref_slice %arg10[%dma_start3A_309, %dma_start3A_310, %dma_start3A_311] : memref<2x128x128xf32, #tpu.memory_space<vmem>> -> memref<1x32x128xf32, #tpu.memory_space<vmem>>
        %dma_start3A_313 = tpu.memref_squeeze %dma_start3A_312 : memref<1x32x128xf32, #tpu.memory_space<vmem>> -> memref<32x128xf32, #tpu.memory_space<vmem>>
        %dma_start3A_314 = arith.constant 64 : i32
        %dma_start3A_315 = tpu.memref_slice %arg9[%dma_start3A_308, %dma_start3A_314] : memref<2x128xi32, #tpu.memory_space<vmem>> -> memref<1x32xi32, #tpu.memory_space<vmem>>
        %dma_start3A_316 = tpu.memref_squeeze %dma_start3A_315 : memref<1x32xi32, #tpu.memory_space<vmem>> -> memref<32xi32, #tpu.memory_space<vmem>>
        %dma_start3A_317 = arith.constant 0 : i32
        %dma_start3A_318 = arith.constant 0 : i32
        %dma_start3A_319 = tpu.memref_slice %arg2[%dma_start3A_317, %dma_start3A_318] : memref<10000x128xf32, #tpu.memory_space<hbm>> -> memref<10000x128xf32, #tpu.memory_space<hbm>>
        tpu.enqueue_indirect_dma source(%dma_start3A_319 : memref<10000x128xf32, #tpu.memory_space<hbm>>) target(%dma_start3A_313 : memref<32x128xf32, #tpu.memory_space<vmem>>) offsets(%dma_start3A_316 : memref<32xi32, #tpu.memory_space<vmem>>) semaphore(%arg12 : memref<!tpu.dma_semaphore, #tpu.memory_space<semaphore_mem>>)
        %dma_start3A_320 = arith.constant 0 : i32
        %dma_start3A_321 = arith.constant 0 : i32
        %dma_start3A_322 = arith.constant 96 : i32
        %dma_start3A_323 = arith.constant 0 : i32
        %dma_start3A_324 = tpu.memref_slice %arg10[%dma_start3A_321, %dma_start3A_322, %dma_start3A_323] : memref<2x128x128xf32, #tpu.memory_space<vmem>> -> memref<1x32x128xf32, #tpu.memory_space<vmem>>
        %dma_start3A_325 = tpu.memref_squeeze %dma_start3A_324 : memref<1x32x128xf32, #tpu.memory_space<vmem>> -> memref<32x128xf32, #tpu.memory_space<vmem>>
        %dma_start3A_326 = arith.constant 96 : i32
        %dma_start3A_327 = tpu.memref_slice %arg9[%dma_start3A_320, %dma_start3A_326] : memref<2x128xi32, #tpu.memory_space<vmem>> -> memref<1x32xi32, #tpu.memory_space<vmem>>
        %dma_start3A_328 = tpu.memref_squeeze %dma_start3A_327 : memref<1x32xi32, #tpu.memory_space<vmem>> -> memref<32xi32, #tpu.memory_space<vmem>>
        %dma_start3A_329 = arith.constant 0 : i32
        %dma_start3A_330 = arith.constant 0 : i32
        %dma_start3A_331 = tpu.memref_slice %arg2[%dma_start3A_329, %dma_start3A_330] : memref<10000x128xf32, #tpu.memory_space<hbm>> -> memref<10000x128xf32, #tpu.memory_space<hbm>>
        tpu.enqueue_indirect_dma source(%dma_start3A_331 : memref<10000x128xf32, #tpu.memory_space<hbm>>) target(%dma_start3A_325 : memref<32x128xf32, #tpu.memory_space<vmem>>) offsets(%dma_start3A_328 : memref<32xi32, #tpu.memory_space<vmem>>) semaphore(%arg12 : memref<!tpu.dma_semaphore, #tpu.memory_space<semaphore_mem>>)
      } else {
      }
    }
    %dma_wait3A = arith.constant 0 : i32
    %dma_wait3A_100 = arith.constant 0 : i32
    %dma_wait3A_101 = arith.constant 0 : i32
    %dma_wait3A_102 = arith.constant 0 : i32
    %dma_wait3A_103 = tpu.memref_slice %arg10[%dma_wait3A, %dma_wait3A_101, %dma_wait3A_102] : memref<2x128x128xf32, #tpu.memory_space<vmem>> -> memref<1x128x128xf32, #tpu.memory_space<vmem>>
    %dma_wait3A_104 = tpu.memref_squeeze %dma_wait3A_103 : memref<1x128x128xf32, #tpu.memory_space<vmem>> -> memref<128x128xf32, #tpu.memory_space<vmem>>
    %dma_wait3A_105 = arith.constant 0 : i32
    %dma_wait3A_106 = tpu.memref_slice %arg8[%dma_wait3A_100, %dma_wait3A_105] : memref<96x128xi32, #tpu.memory_space<vmem>> -> memref<1x128xi32, #tpu.memory_space<vmem>>
    %dma_wait3A_107 = tpu.memref_squeeze %dma_wait3A_106 : memref<1x128xi32, #tpu.memory_space<vmem>> -> memref<128xi32, #tpu.memory_space<vmem>>
    %dma_wait3A_108 = arith.constant 0 : i32
    %dma_wait3A_109 = arith.constant 0 : i32
    %dma_wait3A_110 = tpu.memref_slice %arg7[%dma_wait3A_108, %dma_wait3A_109] : memref<10240x128xf32, #tpu.memory_space<vmem_shared>> -> memref<10240x128xf32, #tpu.memory_space<vmem_shared>>
    tpu.wait_indirect_dma semaphore(%arg13 : memref<!tpu.dma_semaphore, #tpu.memory_space<semaphore_mem>>) src(%dma_wait3A_104 : memref<128x128xf32, #tpu.memory_space<vmem>>) dst(%dma_wait3A_110 : memref<10240x128xf32, #tpu.memory_space<vmem_shared>>)
    %barrier3A_111 = arith.constant 0 : index
    tpu.barrier barrier_id(%barrier3A_111)
    %mul3A_112 = arith.constant 640 : i32
    %mul3A_113 = arith.muli %arg1, %mul3A_112 : i32
    "tpu.region"() ({
      %run_scoped3A_114 = tpu.sem_alloc : memref<!tpu.dma_semaphore, #tpu.memory_space<semaphore_mem>>
      %dma_start3A_115 = arith.constant 0 : i32
      %dma_start3A_116 = tpu.memref_slice %arg6[%arg0, %mul3A_113, %dma_start3A_115] : memref<2x10240x128xf32, #tpu.memory_space<hbm>> -> memref<1x640x128xf32, #tpu.memory_space<hbm>>
      %dma_start3A_117 = tpu.memref_squeeze %dma_start3A_116 : memref<1x640x128xf32, #tpu.memory_space<hbm>> -> memref<640x128xf32, #tpu.memory_space<hbm>>
      %dma_start3A_118 = arith.constant 0 : i32
      %dma_start3A_119 = tpu.memref_slice %arg7[%mul3A_113, %dma_start3A_118] : memref<10240x128xf32, #tpu.memory_space<vmem_shared>> -> memref<640x128xf32, #tpu.memory_space<vmem_shared>>
      tpu.enqueue_dma source(%dma_start3A_119 : memref<640x128xf32, #tpu.memory_space<vmem_shared>>) target(%dma_start3A_117 : memref<640x128xf32, #tpu.memory_space<hbm>>) target_semaphore(%run_scoped3A_114 : memref<!tpu.dma_semaphore, #tpu.memory_space<semaphore_mem>>)
      %dma_wait3A_120 = arith.constant 0 : i32
      %dma_wait3A_121 = tpu.memref_slice %arg6[%arg0, %mul3A_113, %dma_wait3A_120] : memref<2x10240x128xf32, #tpu.memory_space<hbm>> -> memref<1x640x128xf32, #tpu.memory_space<hbm>>
      %dma_wait3A_122 = tpu.memref_squeeze %dma_wait3A_121 : memref<1x640x128xf32, #tpu.memory_space<hbm>> -> memref<640x128xf32, #tpu.memory_space<hbm>>
      %dma_wait3A_123 = arith.constant 0 : i32
      %dma_wait3A_124 = tpu.memref_slice %arg7[%mul3A_113, %dma_wait3A_123] : memref<10240x128xf32, #tpu.memory_space<vmem_shared>> -> memref<640x128xf32, #tpu.memory_space<vmem_shared>>
      tpu.wait_dma2 semaphore(%run_scoped3A_114 : memref<!tpu.dma_semaphore, #tpu.memory_space<semaphore_mem>>) src(%dma_wait3A_124 : memref<640x128xf32, #tpu.memory_space<vmem_shared>>) dst(%dma_wait3A_122 : memref<640x128xf32, #tpu.memory_space<hbm>>)
      tpu.yield
    }) : () -> ()
    return
  }
}

#map = affine_map<(d0, d1) -> (0, 0)>
#map1 = affine_map<(d0, d1) -> (0, 0, 0)>
module attributes {stable_mosaic.version = 14 : i64} {
  func.func @_agg(%arg0: i32, %arg1: i32, %arg2: memref<10000x128xf32, #tpu.memory_space<hbm>>, %arg3: memref<2656x128xi32, #tpu.memory_space<hbm>>, %arg4: memref<2656x128xi32, #tpu.memory_space<hbm>>, %arg5: memref<640x128xf32, #tpu.memory_space<hbm>>, %arg6: memref<2x10240x128xf32, #tpu.memory_space<hbm>>, %arg7: memref<10240x128xf32, #tpu.memory_space<vmem_shared>>, %arg8: memref<96x128xi32, #tpu.memory_space<vmem>>, %arg9: memref<2x128xi32, #tpu.memory_space<vmem>>, %arg10: memref<2x128x128xf32, #tpu.memory_space<vmem>>, %arg11: memref<!tpu.dma_semaphore, #tpu.memory_space<semaphore_mem>>, %arg12: memref<!tpu.dma_semaphore, #tpu.memory_space<semaphore_mem>>, %arg13: memref<!tpu.dma_semaphore, #tpu.memory_space<semaphore_mem>>) attributes {dimension_semantics = [#tpu.dimension_semantics<core_parallel>, #tpu.dimension_semantics<subcore_parallel>], iteration_bounds = array<i64: 2, 16>, scalar_prefetch = 0 : i64, scratch_operands = 7 : i64, tpu.core_type = #tpu.core_type<sc_vector_subcore>, window_params = [{transform_indices = #map}, {transform_indices = #map}, {transform_indices = #map}, {transform_indices = #map}, {transform_indices = #map1}]} {
    %eq3A = arith.constant 0 : i32
    %eq3A_0 = arith.cmpi eq, %arg0, %eq3A : i32
    %jit3A = arith.constant 96 : i32
    %jit3A_1 = arith.constant 64 : i32
    %select_n3A = arith.select %eq3A_0, %jit3A, %jit3A_1 : i32
    %eq3A_2 = arith.constant 0 : i32
    %eq3A_3 = arith.cmpi eq, %arg0, %eq3A_2 : i32
    %mul3A = arith.constant 96 : i32
    %mul3A_4 = arith.muli %arg1, %mul3A : i32
    %mul3A_5 = arith.constant 64 : i32
    %mul3A_6 = arith.muli %arg1, %mul3A_5 : i32
    %add3A = arith.constant 1536 : i32
    %add3A_7 = arith.addi %add3A, %mul3A_6 : i32
    %select_n3A_8 = arith.select %eq3A_3, %mul3A_4, %add3A_7 : i32
    %mul3A_9 = arith.constant 640 : i32
    %mul3A_10 = arith.muli %arg1, %mul3A_9 : i32
    "tpu.region"() ({
      %run_scoped3A_114 = tpu.sem_alloc : memref<!tpu.dma_semaphore, #tpu.memory_space<semaphore_mem>>
      %dma_start3A_115 = arith.constant 0 : i32
      %dma_start3A_116 = tpu.memref_slice %arg7[%mul3A_10, %dma_start3A_115] : memref<10240x128xf32, #tpu.memory_space<vmem_shared>> -> memref<640x128xf32, #tpu.memory_space<vmem_shared>>
      tpu.enqueue_dma source(%arg5 : memref<640x128xf32, #tpu.memory_space<hbm>>) target(%dma_start3A_116 : memref<640x128xf32, #tpu.memory_space<vmem_shared>>) target_semaphore(%run_scoped3A_114 : memref<!tpu.dma_semaphore, #tpu.memory_space<semaphore_mem>>)
      %dma_wait3A_117 = arith.constant 0 : i32
      %dma_wait3A_118 = tpu.memref_slice %arg7[%mul3A_10, %dma_wait3A_117] : memref<10240x128xf32, #tpu.memory_space<vmem_shared>> -> memref<640x128xf32, #tpu.memory_space<vmem_shared>>
      tpu.wait_dma2 semaphore(%run_scoped3A_114 : memref<!tpu.dma_semaphore, #tpu.memory_space<semaphore_mem>>) src(%arg5 : memref<640x128xf32, #tpu.memory_space<hbm>>) dst(%dma_wait3A_118 : memref<640x128xf32, #tpu.memory_space<vmem_shared>>)
      tpu.yield
    }) : () -> ()
    "tpu.region"() ({
      %run_scoped3A_114 = tpu.sem_alloc : memref<!tpu.dma_semaphore, #tpu.memory_space<semaphore_mem>>
      %dma_start3A_115 = arith.constant 0 : i32
      %dma_start3A_116 = tpu.memref_slice %arg4[%select_n3A_8, %dma_start3A_115] : memref<2656x128xi32, #tpu.memory_space<hbm>> -> memref<96x128xi32, #tpu.memory_space<hbm>>
      %dma_start3A_117 = arith.constant 0 : i32
      %dma_start3A_118 = tpu.memref_slice %arg4[%select_n3A_8, %dma_start3A_117] : memref<2656x128xi32, #tpu.memory_space<hbm>> -> memref<96x128xi32, #tpu.memory_space<hbm>>
      tpu.enqueue_dma source(%dma_start3A_118 : memref<96x128xi32, #tpu.memory_space<hbm>>) target(%arg8 : memref<96x128xi32, #tpu.memory_space<vmem>>) target_semaphore(%run_scoped3A_114 : memref<!tpu.dma_semaphore, #tpu.memory_space<semaphore_mem>>)
      %dma_wait3A_119 = arith.constant 0 : i32
      %dma_wait3A_120 = tpu.memref_slice %arg4[%select_n3A_8, %dma_wait3A_119] : memref<2656x128xi32, #tpu.memory_space<hbm>> -> memref<96x128xi32, #tpu.memory_space<hbm>>
      %dma_wait3A_121 = arith.constant 0 : i32
      %dma_wait3A_122 = tpu.memref_slice %arg4[%select_n3A_8, %dma_wait3A_121] : memref<2656x128xi32, #tpu.memory_space<hbm>> -> memref<96x128xi32, #tpu.memory_space<hbm>>
      tpu.wait_dma2 semaphore(%run_scoped3A_114 : memref<!tpu.dma_semaphore, #tpu.memory_space<semaphore_mem>>) src(%dma_wait3A_122 : memref<96x128xi32, #tpu.memory_space<hbm>>) dst(%arg8 : memref<96x128xi32, #tpu.memory_space<vmem>>)
      tpu.yield
    }) : () -> ()
    %run_scoped3A = arith.constant 0 : i32
    "tpu.region"() ({
      %run_scoped3A_114 = tpu.sem_alloc : memref<!tpu.dma_semaphore, #tpu.memory_space<semaphore_mem>>
      %dma_start3A_115 = arith.constant 0 : i32
      %dma_start3A_116 = tpu.memref_slice %arg9[%run_scoped3A, %dma_start3A_115] : memref<2x128xi32, #tpu.memory_space<vmem>> -> memref<1x128xi32, #tpu.memory_space<vmem>>
      %dma_start3A_117 = tpu.memref_squeeze %dma_start3A_116 : memref<1x128xi32, #tpu.memory_space<vmem>> -> memref<128xi32, #tpu.memory_space<vmem>>
      %dma_start3A_118 = arith.constant 0 : i32
      %dma_start3A_119 = tpu.memref_slice %arg3[%select_n3A_8, %dma_start3A_118] : memref<2656x128xi32, #tpu.memory_space<hbm>> -> memref<1x128xi32, #tpu.memory_space<hbm>>
      %dma_start3A_120 = tpu.memref_squeeze %dma_start3A_119 : memref<1x128xi32, #tpu.memory_space<hbm>> -> memref<128xi32, #tpu.memory_space<hbm>>
      %dma_start3A_121 = arith.constant 0 : i32
      %dma_start3A_122 = tpu.memref_slice %arg9[%run_scoped3A, %dma_start3A_121] : memref<2x128xi32, #tpu.memory_space<vmem>> -> memref<1x128xi32, #tpu.memory_space<vmem>>
      %dma_start3A_123 = tpu.memref_squeeze %dma_start3A_122 : memref<1x128xi32, #tpu.memory_space<vmem>> -> memref<128xi32, #tpu.memory_space<vmem>>
      %dma_start3A_124 = arith.constant 0 : i32
      %dma_start3A_125 = tpu.memref_slice %arg3[%select_n3A_8, %dma_start3A_124] : memref<2656x128xi32, #tpu.memory_space<hbm>> -> memref<1x128xi32, #tpu.memory_space<hbm>>
      %dma_start3A_126 = tpu.memref_squeeze %dma_start3A_125 : memref<1x128xi32, #tpu.memory_space<hbm>> -> memref<128xi32, #tpu.memory_space<hbm>>
      tpu.enqueue_dma source(%dma_start3A_126 : memref<128xi32, #tpu.memory_space<hbm>>) target(%dma_start3A_123 : memref<128xi32, #tpu.memory_space<vmem>>) target_semaphore(%run_scoped3A_114 : memref<!tpu.dma_semaphore, #tpu.memory_space<semaphore_mem>>)
      %dma_wait3A_127 = arith.constant 0 : i32
      %dma_wait3A_128 = tpu.memref_slice %arg9[%run_scoped3A, %dma_wait3A_127] : memref<2x128xi32, #tpu.memory_space<vmem>> -> memref<1x128xi32, #tpu.memory_space<vmem>>
      %dma_wait3A_129 = tpu.memref_squeeze %dma_wait3A_128 : memref<1x128xi32, #tpu.memory_space<vmem>> -> memref<128xi32, #tpu.memory_space<vmem>>
      %dma_wait3A_130 = arith.constant 0 : i32
      %dma_wait3A_131 = tpu.memref_slice %arg3[%select_n3A_8, %dma_wait3A_130] : memref<2656x128xi32, #tpu.memory_space<hbm>> -> memref<1x128xi32, #tpu.memory_space<hbm>>
      %dma_wait3A_132 = tpu.memref_squeeze %dma_wait3A_131 : memref<1x128xi32, #tpu.memory_space<hbm>> -> memref<128xi32, #tpu.memory_space<hbm>>
      %dma_wait3A_133 = arith.constant 0 : i32
      %dma_wait3A_134 = tpu.memref_slice %arg9[%run_scoped3A, %dma_wait3A_133] : memref<2x128xi32, #tpu.memory_space<vmem>> -> memref<1x128xi32, #tpu.memory_space<vmem>>
      %dma_wait3A_135 = tpu.memref_squeeze %dma_wait3A_134 : memref<1x128xi32, #tpu.memory_space<vmem>> -> memref<128xi32, #tpu.memory_space<vmem>>
      %dma_wait3A_136 = arith.constant 0 : i32
      %dma_wait3A_137 = tpu.memref_slice %arg3[%select_n3A_8, %dma_wait3A_136] : memref<2656x128xi32, #tpu.memory_space<hbm>> -> memref<1x128xi32, #tpu.memory_space<hbm>>
      %dma_wait3A_138 = tpu.memref_squeeze %dma_wait3A_137 : memref<1x128xi32, #tpu.memory_space<hbm>> -> memref<128xi32, #tpu.memory_space<hbm>>
      tpu.wait_dma2 semaphore(%run_scoped3A_114 : memref<!tpu.dma_semaphore, #tpu.memory_space<semaphore_mem>>) src(%dma_wait3A_138 : memref<128xi32, #tpu.memory_space<hbm>>) dst(%dma_wait3A_135 : memref<128xi32, #tpu.memory_space<vmem>>)
      tpu.yield
    }) : () -> ()
    %barrier3A = arith.constant 0 : index
    tpu.barrier barrier_id(%barrier3A)
    %dma_start3A = arith.constant 0 : i32
    %dma_start3A_11 = arith.constant 0 : i32
    %dma_start3A_12 = arith.constant 0 : i32
    %dma_start3A_13 = arith.constant 0 : i32
    %dma_start3A_14 = tpu.memref_slice %arg10[%dma_start3A_11, %dma_start3A_12, %dma_start3A_13] : memref<2x128x128xf32, #tpu.memory_space<vmem>> -> memref<1x32x128xf32, #tpu.memory_space<vmem>>
    %dma_start3A_15 = tpu.memref_squeeze %dma_start3A_14 : memref<1x32x128xf32, #tpu.memory_space<vmem>> -> memref<32x128xf32, #tpu.memory_space<vmem>>
    %dma_start3A_16 = arith.constant 0 : i32
    %dma_start3A_17 = tpu.memref_slice %arg9[%dma_start3A, %dma_start3A_16] : memref<2x128xi32, #tpu.memory_space<vmem>> -> memref<1x32xi32, #tpu.memory_space<vmem>>
    %dma_start3A_18 = tpu.memref_squeeze %dma_start3A_17 : memref<1x32xi32, #tpu.memory_space<vmem>> -> memref<32xi32, #tpu.memory_space<vmem>>
    %dma_start3A_19 = arith.constant 0 : i32
    %dma_start3A_20 = arith.constant 0 : i32
    %dma_start3A_21 = tpu.memref_slice %arg2[%dma_start3A_19, %dma_start3A_20] : memref<10000x128xf32, #tpu.memory_space<hbm>> -> memref<10000x128xf32, #tpu.memory_space<hbm>>
    tpu.enqueue_indirect_dma source(%dma_start3A_21 : memref<10000x128xf32, #tpu.memory_space<hbm>>) target(%dma_start3A_15 : memref<32x128xf32, #tpu.memory_space<vmem>>) offsets(%dma_start3A_18 : memref<32xi32, #tpu.memory_space<vmem>>) semaphore(%arg12 : memref<!tpu.dma_semaphore, #tpu.memory_space<semaphore_mem>>)
    %dma_start3A_22 = arith.constant 0 : i32
    %dma_start3A_23 = arith.constant 0 : i32
    %dma_start3A_24 = arith.constant 32 : i32
    %dma_start3A_25 = arith.constant 0 : i32
    %dma_start3A_26 = tpu.memref_slice %arg10[%dma_start3A_23, %dma_start3A_24, %dma_start3A_25] : memref<2x128x128xf32, #tpu.memory_space<vmem>> -> memref<1x32x128xf32, #tpu.memory_space<vmem>>
    %dma_start3A_27 = tpu.memref_squeeze %dma_start3A_26 : memref<1x32x128xf32, #tpu.memory_space<vmem>> -> memref<32x128xf32, #tpu.memory_space<vmem>>
    %dma_start3A_28 = arith.constant 32 : i32
    %dma_start3A_29 = tpu.memref_slice %arg9[%dma_start3A_22, %dma_start3A_28] : memref<2x128xi32, #tpu.memory_space<vmem>> -> memref<1x32xi32, #tpu.memory_space<vmem>>
    %dma_start3A_30 = tpu.memref_squeeze %dma_start3A_29 : memref<1x32xi32, #tpu.memory_space<vmem>> -> memref<32xi32, #tpu.memory_space<vmem>>
    %dma_start3A_31 = arith.constant 0 : i32
    %dma_start3A_32 = arith.constant 0 : i32
    %dma_start3A_33 = tpu.memref_slice %arg2[%dma_start3A_31, %dma_start3A_32] : memref<10000x128xf32, #tpu.memory_space<hbm>> -> memref<10000x128xf32, #tpu.memory_space<hbm>>
    tpu.enqueue_indirect_dma source(%dma_start3A_33 : memref<10000x128xf32, #tpu.memory_space<hbm>>) target(%dma_start3A_27 : memref<32x128xf32, #tpu.memory_space<vmem>>) offsets(%dma_start3A_30 : memref<32xi32, #tpu.memory_space<vmem>>) semaphore(%arg12 : memref<!tpu.dma_semaphore, #tpu.memory_space<semaphore_mem>>)
    %dma_start3A_34 = arith.constant 0 : i32
    %dma_start3A_35 = arith.constant 0 : i32
    %dma_start3A_36 = arith.constant 64 : i32
    %dma_start3A_37 = arith.constant 0 : i32
    %dma_start3A_38 = tpu.memref_slice %arg10[%dma_start3A_35, %dma_start3A_36, %dma_start3A_37] : memref<2x128x128xf32, #tpu.memory_space<vmem>> -> memref<1x32x128xf32, #tpu.memory_space<vmem>>
    %dma_start3A_39 = tpu.memref_squeeze %dma_start3A_38 : memref<1x32x128xf32, #tpu.memory_space<vmem>> -> memref<32x128xf32, #tpu.memory_space<vmem>>
    %dma_start3A_40 = arith.constant 64 : i32
    %dma_start3A_41 = tpu.memref_slice %arg9[%dma_start3A_34, %dma_start3A_40] : memref<2x128xi32, #tpu.memory_space<vmem>> -> memref<1x32xi32, #tpu.memory_space<vmem>>
    %dma_start3A_42 = tpu.memref_squeeze %dma_start3A_41 : memref<1x32xi32, #tpu.memory_space<vmem>> -> memref<32xi32, #tpu.memory_space<vmem>>
    %dma_start3A_43 = arith.constant 0 : i32
    %dma_start3A_44 = arith.constant 0 : i32
    %dma_start3A_45 = tpu.memref_slice %arg2[%dma_start3A_43, %dma_start3A_44] : memref<10000x128xf32, #tpu.memory_space<hbm>> -> memref<10000x128xf32, #tpu.memory_space<hbm>>
    tpu.enqueue_indirect_dma source(%dma_start3A_45 : memref<10000x128xf32, #tpu.memory_space<hbm>>) target(%dma_start3A_39 : memref<32x128xf32, #tpu.memory_space<vmem>>) offsets(%dma_start3A_42 : memref<32xi32, #tpu.memory_space<vmem>>) semaphore(%arg12 : memref<!tpu.dma_semaphore, #tpu.memory_space<semaphore_mem>>)
    %dma_start3A_46 = arith.constant 0 : i32
    %dma_start3A_47 = arith.constant 0 : i32
    %dma_start3A_48 = arith.constant 96 : i32
    %dma_start3A_49 = arith.constant 0 : i32
    %dma_start3A_50 = tpu.memref_slice %arg10[%dma_start3A_47, %dma_start3A_48, %dma_start3A_49] : memref<2x128x128xf32, #tpu.memory_space<vmem>> -> memref<1x32x128xf32, #tpu.memory_space<vmem>>
    %dma_start3A_51 = tpu.memref_squeeze %dma_start3A_50 : memref<1x32x128xf32, #tpu.memory_space<vmem>> -> memref<32x128xf32, #tpu.memory_space<vmem>>
    %dma_start3A_52 = arith.constant 96 : i32
    %dma_start3A_53 = tpu.memref_slice %arg9[%dma_start3A_46, %dma_start3A_52] : memref<2x128xi32, #tpu.memory_space<vmem>> -> memref<1x32xi32, #tpu.memory_space<vmem>>
    %dma_start3A_54 = tpu.memref_squeeze %dma_start3A_53 : memref<1x32xi32, #tpu.memory_space<vmem>> -> memref<32xi32, #tpu.memory_space<vmem>>
    %dma_start3A_55 = arith.constant 0 : i32
    %dma_start3A_56 = arith.constant 0 : i32
    %dma_start3A_57 = tpu.memref_slice %arg2[%dma_start3A_55, %dma_start3A_56] : memref<10000x128xf32, #tpu.memory_space<hbm>> -> memref<10000x128xf32, #tpu.memory_space<hbm>>
    tpu.enqueue_indirect_dma source(%dma_start3A_57 : memref<10000x128xf32, #tpu.memory_space<hbm>>) target(%dma_start3A_51 : memref<32x128xf32, #tpu.memory_space<vmem>>) offsets(%dma_start3A_54 : memref<32xi32, #tpu.memory_space<vmem>>) semaphore(%arg12 : memref<!tpu.dma_semaphore, #tpu.memory_space<semaphore_mem>>)
    %add3A_58 = arith.constant 1 : i32
    %add3A_59 = arith.addi %select_n3A_8, %add3A_58 : i32
    %dma_start3A_60 = arith.constant 1 : i32
    %dma_start3A_61 = arith.constant 0 : i32
    %dma_start3A_62 = tpu.memref_slice %arg9[%dma_start3A_60, %dma_start3A_61] : memref<2x128xi32, #tpu.memory_space<vmem>> -> memref<1x128xi32, #tpu.memory_space<vmem>>
    %dma_start3A_63 = tpu.memref_squeeze %dma_start3A_62 : memref<1x128xi32, #tpu.memory_space<vmem>> -> memref<128xi32, #tpu.memory_space<vmem>>
    %dma_start3A_64 = arith.constant 0 : i32
    %dma_start3A_65 = tpu.memref_slice %arg3[%add3A_59, %dma_start3A_64] : memref<2656x128xi32, #tpu.memory_space<hbm>> -> memref<1x128xi32, #tpu.memory_space<hbm>>
    %dma_start3A_66 = tpu.memref_squeeze %dma_start3A_65 : memref<1x128xi32, #tpu.memory_space<hbm>> -> memref<128xi32, #tpu.memory_space<hbm>>
    %dma_start3A_67 = arith.constant 0 : i32
    %dma_start3A_68 = tpu.memref_slice %arg9[%dma_start3A_60, %dma_start3A_67] : memref<2x128xi32, #tpu.memory_space<vmem>> -> memref<1x128xi32, #tpu.memory_space<vmem>>
    %dma_start3A_69 = tpu.memref_squeeze %dma_start3A_68 : memref<1x128xi32, #tpu.memory_space<vmem>> -> memref<128xi32, #tpu.memory_space<vmem>>
    %dma_start3A_70 = arith.constant 0 : i32
    %dma_start3A_71 = tpu.memref_slice %arg3[%add3A_59, %dma_start3A_70] : memref<2656x128xi32, #tpu.memory_space<hbm>> -> memref<1x128xi32, #tpu.memory_space<hbm>>
    %dma_start3A_72 = tpu.memref_squeeze %dma_start3A_71 : memref<1x128xi32, #tpu.memory_space<hbm>> -> memref<128xi32, #tpu.memory_space<hbm>>
    tpu.enqueue_dma source(%dma_start3A_72 : memref<128xi32, #tpu.memory_space<hbm>>) target(%dma_start3A_69 : memref<128xi32, #tpu.memory_space<vmem>>) target_semaphore(%arg11 : memref<!tpu.dma_semaphore, #tpu.memory_space<semaphore_mem>>)
    %jit3A_73 = arith.constant 2 : i32
    %div3A = arith.divsi %select_n3A, %jit3A_73 : i32
    %sign3A = arith.constant 0 : i32
    %sign3A_74 = arith.cmpi sgt, %select_n3A, %sign3A : i32
    %sign3A_75 = arith.extui %sign3A_74 : i1 to i32
    %sign3A_76 = arith.constant 0 : i32
    %sign3A_77 = arith.cmpi slt, %select_n3A, %sign3A_76 : i32
    %sign3A_78 = arith.extui %sign3A_77 : i1 to i32
    %sign3A_79 = arith.subi %sign3A_75, %sign3A_78 : i32
    %sign3A_80 = arith.constant 0 : i32
    %sign3A_81 = arith.cmpi sgt, %jit3A_73, %sign3A_80 : i32
    %sign3A_82 = arith.extui %sign3A_81 : i1 to i32
    %sign3A_83 = arith.constant 0 : i32
    %sign3A_84 = arith.cmpi slt, %jit3A_73, %sign3A_83 : i32
    %sign3A_85 = arith.extui %sign3A_84 : i1 to i32
    %sign3A_86 = arith.subi %sign3A_82, %sign3A_85 : i32
    %ne3A = arith.cmpi ne, %sign3A_79, %sign3A_86 : i32
    %rem3A = arith.remsi %select_n3A, %jit3A_73 : i32
    %ne3A_87 = arith.constant 0 : i32
    %ne3A_88 = arith.cmpi ne, %rem3A, %ne3A_87 : i32
    %and3A = arith.andi %ne3A, %ne3A_88 : i1
    %sub3A = arith.constant 1 : i32
    %sub3A_89 = arith.subi %div3A, %sub3A : i32
    %select_n3A_90 = arith.select %and3A, %sub3A_89, %div3A : i32
    %while3A = arith.constant 0 : i32
    %while3A_91 = arith.constant 0 : i32
    %while3A_92 = arith.subi %select_n3A_90, %while3A_91 : i32
    %while3A_93 = arith.addi %while3A_91, %while3A_92 : i32
    %while3A_94 = arith.constant 1 : i32
    %while3A_95 = arith.divsi %while3A_92, %while3A_94 : i32
    %while3A_96 = arith.muli %while3A_95, %while3A_94 : i32
    %while3A_97 = arith.addi %while3A_91, %while3A_96 : i32
    %while3A_98 = arith.constant 1 : i32
    scf.for %while3A_114 = %while3A_91 to %while3A_97 step %while3A_98  : i32 {
      %mul3A_115 = arith.constant 2 : i32
      %mul3A_116 = arith.muli %while3A_114, %mul3A_115 : i32
      %add3A_117 = arith.constant 0 : i32
      %add3A_118 = arith.addi %mul3A_116, %add3A_117 : i32
      %dma_wait3A_119 = arith.constant 0 : i32
      %dma_wait3A_120 = arith.constant 0 : i32
      %dma_wait3A_121 = arith.constant 0 : i32
      %dma_wait3A_122 = arith.constant 0 : i32
      %dma_wait3A_123 = tpu.memref_slice %arg10[%dma_wait3A_120, %dma_wait3A_121, %dma_wait3A_122] : memref<2x128x128xf32, #tpu.memory_space<vmem>> -> memref<1x32x128xf32, #tpu.memory_space<vmem>>
      %dma_wait3A_124 = tpu.memref_squeeze %dma_wait3A_123 : memref<1x32x128xf32, #tpu.memory_space<vmem>> -> memref<32x128xf32, #tpu.memory_space<vmem>>
      %dma_wait3A_125 = arith.constant 0 : i32
      %dma_wait3A_126 = tpu.memref_slice %arg9[%dma_wait3A_119, %dma_wait3A_125] : memref<2x128xi32, #tpu.memory_space<vmem>> -> memref<1x32xi32, #tpu.memory_space<vmem>>
      %dma_wait3A_127 = tpu.memref_squeeze %dma_wait3A_126 : memref<1x32xi32, #tpu.memory_space<vmem>> -> memref<32xi32, #tpu.memory_space<vmem>>
      %dma_wait3A_128 = arith.constant 0 : i32
      %dma_wait3A_129 = arith.constant 0 : i32
      %dma_wait3A_130 = tpu.memref_slice %arg2[%dma_wait3A_128, %dma_wait3A_129] : memref<10000x128xf32, #tpu.memory_space<hbm>> -> memref<10000x128xf32, #tpu.memory_space<hbm>>
      tpu.wait_indirect_dma semaphore(%arg12 : memref<!tpu.dma_semaphore, #tpu.memory_space<semaphore_mem>>) src(%dma_wait3A_130 : memref<10000x128xf32, #tpu.memory_space<hbm>>) dst(%dma_wait3A_124 : memref<32x128xf32, #tpu.memory_space<vmem>>)
      %dma_wait3A_131 = arith.constant 0 : i32
      %dma_wait3A_132 = arith.constant 0 : i32
      %dma_wait3A_133 = arith.constant 0 : i32
      %dma_wait3A_134 = arith.constant 0 : i32
      %dma_wait3A_135 = tpu.memref_slice %arg10[%dma_wait3A_132, %dma_wait3A_133, %dma_wait3A_134] : memref<2x128x128xf32, #tpu.memory_space<vmem>> -> memref<1x32x128xf32, #tpu.memory_space<vmem>>
      %dma_wait3A_136 = tpu.memref_squeeze %dma_wait3A_135 : memref<1x32x128xf32, #tpu.memory_space<vmem>> -> memref<32x128xf32, #tpu.memory_space<vmem>>
      %dma_wait3A_137 = arith.constant 0 : i32
      %dma_wait3A_138 = tpu.memref_slice %arg9[%dma_wait3A_131, %dma_wait3A_137] : memref<2x128xi32, #tpu.memory_space<vmem>> -> memref<1x32xi32, #tpu.memory_space<vmem>>
      %dma_wait3A_139 = tpu.memref_squeeze %dma_wait3A_138 : memref<1x32xi32, #tpu.memory_space<vmem>> -> memref<32xi32, #tpu.memory_space<vmem>>
      %dma_wait3A_140 = arith.constant 0 : i32
      %dma_wait3A_141 = arith.constant 0 : i32
      %dma_wait3A_142 = tpu.memref_slice %arg2[%dma_wait3A_140, %dma_wait3A_141] : memref<10000x128xf32, #tpu.memory_space<hbm>> -> memref<10000x128xf32, #tpu.memory_space<hbm>>
      tpu.wait_indirect_dma semaphore(%arg12 : memref<!tpu.dma_semaphore, #tpu.memory_space<semaphore_mem>>) src(%dma_wait3A_142 : memref<10000x128xf32, #tpu.memory_space<hbm>>) dst(%dma_wait3A_136 : memref<32x128xf32, #tpu.memory_space<vmem>>)
      %dma_wait3A_143 = arith.constant 0 : i32
      %dma_wait3A_144 = arith.constant 0 : i32
      %dma_wait3A_145 = arith.constant 0 : i32
      %dma_wait3A_146 = arith.constant 0 : i32
      %dma_wait3A_147 = tpu.memref_slice %arg10[%dma_wait3A_144, %dma_wait3A_145, %dma_wait3A_146] : memref<2x128x128xf32, #tpu.memory_space<vmem>> -> memref<1x32x128xf32, #tpu.memory_space<vmem>>
      %dma_wait3A_148 = tpu.memref_squeeze %dma_wait3A_147 : memref<1x32x128xf32, #tpu.memory_space<vmem>> -> memref<32x128xf32, #tpu.memory_space<vmem>>
      %dma_wait3A_149 = arith.constant 0 : i32
      %dma_wait3A_150 = tpu.memref_slice %arg9[%dma_wait3A_143, %dma_wait3A_149] : memref<2x128xi32, #tpu.memory_space<vmem>> -> memref<1x32xi32, #tpu.memory_space<vmem>>
      %dma_wait3A_151 = tpu.memref_squeeze %dma_wait3A_150 : memref<1x32xi32, #tpu.memory_space<vmem>> -> memref<32xi32, #tpu.memory_space<vmem>>
      %dma_wait3A_152 = arith.constant 0 : i32
      %dma_wait3A_153 = arith.constant 0 : i32
      %dma_wait3A_154 = tpu.memref_slice %arg2[%dma_wait3A_152, %dma_wait3A_153] : memref<10000x128xf32, #tpu.memory_space<hbm>> -> memref<10000x128xf32, #tpu.memory_space<hbm>>
      tpu.wait_indirect_dma semaphore(%arg12 : memref<!tpu.dma_semaphore, #tpu.memory_space<semaphore_mem>>) src(%dma_wait3A_154 : memref<10000x128xf32, #tpu.memory_space<hbm>>) dst(%dma_wait3A_148 : memref<32x128xf32, #tpu.memory_space<vmem>>)
      %dma_wait3A_155 = arith.constant 0 : i32
      %dma_wait3A_156 = arith.constant 0 : i32
      %dma_wait3A_157 = arith.constant 0 : i32
      %dma_wait3A_158 = arith.constant 0 : i32
      %dma_wait3A_159 = tpu.memref_slice %arg10[%dma_wait3A_156, %dma_wait3A_157, %dma_wait3A_158] : memref<2x128x128xf32, #tpu.memory_space<vmem>> -> memref<1x32x128xf32, #tpu.memory_space<vmem>>
      %dma_wait3A_160 = tpu.memref_squeeze %dma_wait3A_159 : memref<1x32x128xf32, #tpu.memory_space<vmem>> -> memref<32x128xf32, #tpu.memory_space<vmem>>
      %dma_wait3A_161 = arith.constant 0 : i32
      %dma_wait3A_162 = tpu.memref_slice %arg9[%dma_wait3A_155, %dma_wait3A_161] : memref<2x128xi32, #tpu.memory_space<vmem>> -> memref<1x32xi32, #tpu.memory_space<vmem>>
      %dma_wait3A_163 = tpu.memref_squeeze %dma_wait3A_162 : memref<1x32xi32, #tpu.memory_space<vmem>> -> memref<32xi32, #tpu.memory_space<vmem>>
      %dma_wait3A_164 = arith.constant 0 : i32
      %dma_wait3A_165 = arith.constant 0 : i32
      %dma_wait3A_166 = tpu.memref_slice %arg2[%dma_wait3A_164, %dma_wait3A_165] : memref<10000x128xf32, #tpu.memory_space<hbm>> -> memref<10000x128xf32, #tpu.memory_space<hbm>>
      tpu.wait_indirect_dma semaphore(%arg12 : memref<!tpu.dma_semaphore, #tpu.memory_space<semaphore_mem>>) src(%dma_wait3A_166 : memref<10000x128xf32, #tpu.memory_space<hbm>>) dst(%dma_wait3A_160 : memref<32x128xf32, #tpu.memory_space<vmem>>)
      %dma_start3A_167 = arith.constant 0 : i32
      %dma_start3A_168 = arith.constant 0 : i32
      %dma_start3A_169 = arith.constant 0 : i32
      %dma_start3A_170 = tpu.memref_slice %arg10[%dma_start3A_167, %dma_start3A_168, %dma_start3A_169] : memref<2x128x128xf32, #tpu.memory_space<vmem>> -> memref<1x128x128xf32, #tpu.memory_space<vmem>>
      %dma_start3A_171 = tpu.memref_squeeze %dma_start3A_170 : memref<1x128x128xf32, #tpu.memory_space<vmem>> -> memref<128x128xf32, #tpu.memory_space<vmem>>
      %dma_start3A_172 = arith.constant 0 : i32
      %dma_start3A_173 = tpu.memref_slice %arg8[%add3A_118, %dma_start3A_172] : memref<96x128xi32, #tpu.memory_space<vmem>> -> memref<1x128xi32, #tpu.memory_space<vmem>>
      %dma_start3A_174 = tpu.memref_squeeze %dma_start3A_173 : memref<1x128xi32, #tpu.memory_space<vmem>> -> memref<128xi32, #tpu.memory_space<vmem>>
      %dma_start3A_175 = arith.constant 0 : i32
      %dma_start3A_176 = arith.constant 0 : i32
      %dma_start3A_177 = tpu.memref_slice %arg7[%dma_start3A_175, %dma_start3A_176] : memref<10240x128xf32, #tpu.memory_space<vmem_shared>> -> memref<10240x128xf32, #tpu.memory_space<vmem_shared>>
      tpu.enqueue_indirect_dma source(%dma_start3A_171 : memref<128x128xf32, #tpu.memory_space<vmem>>) target(%dma_start3A_177 : memref<10240x128xf32, #tpu.memory_space<vmem_shared>>) offsets(%dma_start3A_174 : memref<128xi32, #tpu.memory_space<vmem>>) semaphore(%arg13 : memref<!tpu.dma_semaphore, #tpu.memory_space<semaphore_mem>>) {add = true}
      %add3A_178 = arith.constant 2 : i32
      %add3A_179 = arith.addi %add3A_118, %add3A_178 : i32
      %lt3A = arith.cmpi slt, %add3A_179, %select_n3A : i32
      %convert_element_type3A = arith.extui %lt3A : i1 to i32
      %cond3A = arith.constant 0 : i32
      %cond3A_180 = arith.cmpi ne, %convert_element_type3A, %cond3A : i32
      scf.if %cond3A_180 {
        %add3A_271 = arith.constant 2 : i32
        %add3A_272 = arith.addi %add3A_118, %add3A_271 : i32
        %add3A_273 = arith.addi %select_n3A_8, %add3A_272 : i32
        %dma_start3A_274 = arith.constant 0 : i32
        %dma_start3A_275 = arith.constant 0 : i32
        %dma_start3A_276 = tpu.memref_slice %arg9[%dma_start3A_274, %dma_start3A_275] : memref<2x128xi32, #tpu.memory_space<vmem>> -> memref<1x128xi32, #tpu.memory_space<vmem>>
        %dma_start3A_277 = tpu.memref_squeeze %dma_start3A_276 : memref<1x128xi32, #tpu.memory_space<vmem>> -> memref<128xi32, #tpu.memory_space<vmem>>
        %dma_start3A_278 = arith.constant 0 : i32
        %dma_start3A_279 = tpu.memref_slice %arg3[%add3A_273, %dma_start3A_278] : memref<2656x128xi32, #tpu.memory_space<hbm>> -> memref<1x128xi32, #tpu.memory_space<hbm>>
        %dma_start3A_280 = tpu.memref_squeeze %dma_start3A_279 : memref<1x128xi32, #tpu.memory_space<hbm>> -> memref<128xi32, #tpu.memory_space<hbm>>
        %dma_start3A_281 = arith.constant 0 : i32
        %dma_start3A_282 = tpu.memref_slice %arg9[%dma_start3A_274, %dma_start3A_281] : memref<2x128xi32, #tpu.memory_space<vmem>> -> memref<1x128xi32, #tpu.memory_space<vmem>>
        %dma_start3A_283 = tpu.memref_squeeze %dma_start3A_282 : memref<1x128xi32, #tpu.memory_space<vmem>> -> memref<128xi32, #tpu.memory_space<vmem>>
        %dma_start3A_284 = arith.constant 0 : i32
        %dma_start3A_285 = tpu.memref_slice %arg3[%add3A_273, %dma_start3A_284] : memref<2656x128xi32, #tpu.memory_space<hbm>> -> memref<1x128xi32, #tpu.memory_space<hbm>>
        %dma_start3A_286 = tpu.memref_squeeze %dma_start3A_285 : memref<1x128xi32, #tpu.memory_space<hbm>> -> memref<128xi32, #tpu.memory_space<hbm>>
        tpu.enqueue_dma source(%dma_start3A_286 : memref<128xi32, #tpu.memory_space<hbm>>) target(%dma_start3A_283 : memref<128xi32, #tpu.memory_space<vmem>>) target_semaphore(%arg11 : memref<!tpu.dma_semaphore, #tpu.memory_space<semaphore_mem>>)
      } else {
      }
      %ge3A = arith.constant 1 : i32
      %ge3A_181 = arith.cmpi sge, %add3A_118, %ge3A : i32
      %convert_element_type3A_182 = arith.extui %ge3A_181 : i1 to i32
      %cond3A_183 = arith.constant 0 : i32
      %cond3A_184 = arith.cmpi ne, %convert_element_type3A_182, %cond3A_183 : i32
      scf.if %cond3A_184 {
        %dma_wait3A_271 = arith.constant 0 : i32
        %dma_wait3A_272 = arith.constant 0 : i32
        %dma_wait3A_273 = arith.constant 0 : i32
        %dma_wait3A_274 = arith.constant 0 : i32
        %dma_wait3A_275 = tpu.memref_slice %arg10[%dma_wait3A_271, %dma_wait3A_273, %dma_wait3A_274] : memref<2x128x128xf32, #tpu.memory_space<vmem>> -> memref<1x128x128xf32, #tpu.memory_space<vmem>>
        %dma_wait3A_276 = tpu.memref_squeeze %dma_wait3A_275 : memref<1x128x128xf32, #tpu.memory_space<vmem>> -> memref<128x128xf32, #tpu.memory_space<vmem>>
        %dma_wait3A_277 = arith.constant 0 : i32
        %dma_wait3A_278 = tpu.memref_slice %arg8[%dma_wait3A_272, %dma_wait3A_277] : memref<96x128xi32, #tpu.memory_space<vmem>> -> memref<1x128xi32, #tpu.memory_space<vmem>>
        %dma_wait3A_279 = tpu.memref_squeeze %dma_wait3A_278 : memref<1x128xi32, #tpu.memory_space<vmem>> -> memref<128xi32, #tpu.memory_space<vmem>>
        %dma_wait3A_280 = arith.constant 0 : i32
        %dma_wait3A_281 = arith.constant 0 : i32
        %dma_wait3A_282 = tpu.memref_slice %arg7[%dma_wait3A_280, %dma_wait3A_281] : memref<10240x128xf32, #tpu.memory_space<vmem_shared>> -> memref<10240x128xf32, #tpu.memory_space<vmem_shared>>
        tpu.wait_indirect_dma semaphore(%arg13 : memref<!tpu.dma_semaphore, #tpu.memory_space<semaphore_mem>>) src(%dma_wait3A_276 : memref<128x128xf32, #tpu.memory_space<vmem>>) dst(%dma_wait3A_282 : memref<10240x128xf32, #tpu.memory_space<vmem_shared>>)
      } else {
      }
      %add3A_185 = arith.constant 1 : i32
      %add3A_186 = arith.addi %add3A_118, %add3A_185 : i32
      %lt3A_187 = arith.cmpi slt, %add3A_186, %select_n3A : i32
      %convert_element_type3A_188 = arith.extui %lt3A_187 : i1 to i32
      %cond3A_189 = arith.constant 0 : i32
      %cond3A_190 = arith.cmpi ne, %convert_element_type3A_188, %cond3A_189 : i32
      scf.if %cond3A_190 {
        %dma_wait3A_271 = arith.constant 0 : i32
        %dma_wait3A_272 = arith.constant 0 : i32
        %dma_wait3A_273 = tpu.memref_slice %arg9[%dma_wait3A_271, %dma_wait3A_272] : memref<2x128xi32, #tpu.memory_space<vmem>> -> memref<1x128xi32, #tpu.memory_space<vmem>>
        %dma_wait3A_274 = tpu.memref_squeeze %dma_wait3A_273 : memref<1x128xi32, #tpu.memory_space<vmem>> -> memref<128xi32, #tpu.memory_space<vmem>>
        %dma_wait3A_275 = arith.constant 0 : i32
        %dma_wait3A_276 = tpu.memref_slice %arg3[%select_n3A_8, %dma_wait3A_275] : memref<2656x128xi32, #tpu.memory_space<hbm>> -> memref<1x128xi32, #tpu.memory_space<hbm>>
        %dma_wait3A_277 = tpu.memref_squeeze %dma_wait3A_276 : memref<1x128xi32, #tpu.memory_space<hbm>> -> memref<128xi32, #tpu.memory_space<hbm>>
        %dma_wait3A_278 = arith.constant 0 : i32
        %dma_wait3A_279 = tpu.memref_slice %arg9[%dma_wait3A_271, %dma_wait3A_278] : memref<2x128xi32, #tpu.memory_space<vmem>> -> memref<1x128xi32, #tpu.memory_space<vmem>>
        %dma_wait3A_280 = tpu.memref_squeeze %dma_wait3A_279 : memref<1x128xi32, #tpu.memory_space<vmem>> -> memref<128xi32, #tpu.memory_space<vmem>>
        %dma_wait3A_281 = arith.constant 0 : i32
        %dma_wait3A_282 = tpu.memref_slice %arg3[%select_n3A_8, %dma_wait3A_281] : memref<2656x128xi32, #tpu.memory_space<hbm>> -> memref<1x128xi32, #tpu.memory_space<hbm>>
        %dma_wait3A_283 = tpu.memref_squeeze %dma_wait3A_282 : memref<1x128xi32, #tpu.memory_space<hbm>> -> memref<128xi32, #tpu.memory_space<hbm>>
        tpu.wait_dma2 semaphore(%arg11 : memref<!tpu.dma_semaphore, #tpu.memory_space<semaphore_mem>>) src(%dma_wait3A_283 : memref<128xi32, #tpu.memory_space<hbm>>) dst(%dma_wait3A_280 : memref<128xi32, #tpu.memory_space<vmem>>)
        %dma_start3A_284 = arith.constant 1 : i32
        %dma_start3A_285 = arith.constant 1 : i32
        %dma_start3A_286 = arith.constant 0 : i32
        %dma_start3A_287 = arith.constant 0 : i32
        %dma_start3A_288 = tpu.memref_slice %arg10[%dma_start3A_285, %dma_start3A_286, %dma_start3A_287] : memref<2x128x128xf32, #tpu.memory_space<vmem>> -> memref<1x32x128xf32, #tpu.memory_space<vmem>>
        %dma_start3A_289 = tpu.memref_squeeze %dma_start3A_288 : memref<1x32x128xf32, #tpu.memory_space<vmem>> -> memref<32x128xf32, #tpu.memory_space<vmem>>
        %dma_start3A_290 = arith.constant 0 : i32
        %dma_start3A_291 = tpu.memref_slice %arg9[%dma_start3A_284, %dma_start3A_290] : memref<2x128xi32, #tpu.memory_space<vmem>> -> memref<1x32xi32, #tpu.memory_space<vmem>>
        %dma_start3A_292 = tpu.memref_squeeze %dma_start3A_291 : memref<1x32xi32, #tpu.memory_space<vmem>> -> memref<32xi32, #tpu.memory_space<vmem>>
        %dma_start3A_293 = arith.constant 0 : i32
        %dma_start3A_294 = arith.constant 0 : i32
        %dma_start3A_295 = tpu.memref_slice %arg2[%dma_start3A_293, %dma_start3A_294] : memref<10000x128xf32, #tpu.memory_space<hbm>> -> memref<10000x128xf32, #tpu.memory_space<hbm>>
        tpu.enqueue_indirect_dma source(%dma_start3A_295 : memref<10000x128xf32, #tpu.memory_space<hbm>>) target(%dma_start3A_289 : memref<32x128xf32, #tpu.memory_space<vmem>>) offsets(%dma_start3A_292 : memref<32xi32, #tpu.memory_space<vmem>>) semaphore(%arg12 : memref<!tpu.dma_semaphore, #tpu.memory_space<semaphore_mem>>)
        %dma_start3A_296 = arith.constant 1 : i32
        %dma_start3A_297 = arith.constant 1 : i32
        %dma_start3A_298 = arith.constant 32 : i32
        %dma_start3A_299 = arith.constant 0 : i32
        %dma_start3A_300 = tpu.memref_slice %arg10[%dma_start3A_297, %dma_start3A_298, %dma_start3A_299] : memref<2x128x128xf32, #tpu.memory_space<vmem>> -> memref<1x32x128xf32, #tpu.memory_space<vmem>>
        %dma_start3A_301 = tpu.memref_squeeze %dma_start3A_300 : memref<1x32x128xf32, #tpu.memory_space<vmem>> -> memref<32x128xf32, #tpu.memory_space<vmem>>
        %dma_start3A_302 = arith.constant 32 : i32
        %dma_start3A_303 = tpu.memref_slice %arg9[%dma_start3A_296, %dma_start3A_302] : memref<2x128xi32, #tpu.memory_space<vmem>> -> memref<1x32xi32, #tpu.memory_space<vmem>>
        %dma_start3A_304 = tpu.memref_squeeze %dma_start3A_303 : memref<1x32xi32, #tpu.memory_space<vmem>> -> memref<32xi32, #tpu.memory_space<vmem>>
        %dma_start3A_305 = arith.constant 0 : i32
        %dma_start3A_306 = arith.constant 0 : i32
        %dma_start3A_307 = tpu.memref_slice %arg2[%dma_start3A_305, %dma_start3A_306] : memref<10000x128xf32, #tpu.memory_space<hbm>> -> memref<10000x128xf32, #tpu.memory_space<hbm>>
        tpu.enqueue_indirect_dma source(%dma_start3A_307 : memref<10000x128xf32, #tpu.memory_space<hbm>>) target(%dma_start3A_301 : memref<32x128xf32, #tpu.memory_space<vmem>>) offsets(%dma_start3A_304 : memref<32xi32, #tpu.memory_space<vmem>>) semaphore(%arg12 : memref<!tpu.dma_semaphore, #tpu.memory_space<semaphore_mem>>)
        %dma_start3A_308 = arith.constant 1 : i32
        %dma_start3A_309 = arith.constant 1 : i32
        %dma_start3A_310 = arith.constant 64 : i32
        %dma_start3A_311 = arith.constant 0 : i32
        %dma_start3A_312 = tpu.memref_slice %arg10[%dma_start3A_309, %dma_start3A_310, %dma_start3A_311] : memref<2x128x128xf32, #tpu.memory_space<vmem>> -> memref<1x32x128xf32, #tpu.memory_space<vmem>>
        %dma_start3A_313 = tpu.memref_squeeze %dma_start3A_312 : memref<1x32x128xf32, #tpu.memory_space<vmem>> -> memref<32x128xf32, #tpu.memory_space<vmem>>
        %dma_start3A_314 = arith.constant 64 : i32
        %dma_start3A_315 = tpu.memref_slice %arg9[%dma_start3A_308, %dma_start3A_314] : memref<2x128xi32, #tpu.memory_space<vmem>> -> memref<1x32xi32, #tpu.memory_space<vmem>>
        %dma_start3A_316 = tpu.memref_squeeze %dma_start3A_315 : memref<1x32xi32, #tpu.memory_space<vmem>> -> memref<32xi32, #tpu.memory_space<vmem>>
        %dma_start3A_317 = arith.constant 0 : i32
        %dma_start3A_318 = arith.constant 0 : i32
        %dma_start3A_319 = tpu.memref_slice %arg2[%dma_start3A_317, %dma_start3A_318] : memref<10000x128xf32, #tpu.memory_space<hbm>> -> memref<10000x128xf32, #tpu.memory_space<hbm>>
        tpu.enqueue_indirect_dma source(%dma_start3A_319 : memref<10000x128xf32, #tpu.memory_space<hbm>>) target(%dma_start3A_313 : memref<32x128xf32, #tpu.memory_space<vmem>>) offsets(%dma_start3A_316 : memref<32xi32, #tpu.memory_space<vmem>>) semaphore(%arg12 : memref<!tpu.dma_semaphore, #tpu.memory_space<semaphore_mem>>)
        %dma_start3A_320 = arith.constant 1 : i32
        %dma_start3A_321 = arith.constant 1 : i32
        %dma_start3A_322 = arith.constant 96 : i32
        %dma_start3A_323 = arith.constant 0 : i32
        %dma_start3A_324 = tpu.memref_slice %arg10[%dma_start3A_321, %dma_start3A_322, %dma_start3A_323] : memref<2x128x128xf32, #tpu.memory_space<vmem>> -> memref<1x32x128xf32, #tpu.memory_space<vmem>>
        %dma_start3A_325 = tpu.memref_squeeze %dma_start3A_324 : memref<1x32x128xf32, #tpu.memory_space<vmem>> -> memref<32x128xf32, #tpu.memory_space<vmem>>
        %dma_start3A_326 = arith.constant 96 : i32
        %dma_start3A_327 = tpu.memref_slice %arg9[%dma_start3A_320, %dma_start3A_326] : memref<2x128xi32, #tpu.memory_space<vmem>> -> memref<1x32xi32, #tpu.memory_space<vmem>>
        %dma_start3A_328 = tpu.memref_squeeze %dma_start3A_327 : memref<1x32xi32, #tpu.memory_space<vmem>> -> memref<32xi32, #tpu.memory_space<vmem>>
        %dma_start3A_329 = arith.constant 0 : i32
        %dma_start3A_330 = arith.constant 0 : i32
        %dma_start3A_331 = tpu.memref_slice %arg2[%dma_start3A_329, %dma_start3A_330] : memref<10000x128xf32, #tpu.memory_space<hbm>> -> memref<10000x128xf32, #tpu.memory_space<hbm>>
        tpu.enqueue_indirect_dma source(%dma_start3A_331 : memref<10000x128xf32, #tpu.memory_space<hbm>>) target(%dma_start3A_325 : memref<32x128xf32, #tpu.memory_space<vmem>>) offsets(%dma_start3A_328 : memref<32xi32, #tpu.memory_space<vmem>>) semaphore(%arg12 : memref<!tpu.dma_semaphore, #tpu.memory_space<semaphore_mem>>)
      } else {
      }
      %mul3A_191 = arith.constant 2 : i32
      %mul3A_192 = arith.muli %while3A_114, %mul3A_191 : i32
      %add3A_193 = arith.constant 1 : i32
      %add3A_194 = arith.addi %mul3A_192, %add3A_193 : i32
      %dma_wait3A_195 = arith.constant 0 : i32
      %dma_wait3A_196 = arith.constant 0 : i32
      %dma_wait3A_197 = arith.constant 0 : i32
      %dma_wait3A_198 = arith.constant 0 : i32
      %dma_wait3A_199 = tpu.memref_slice %arg10[%dma_wait3A_196, %dma_wait3A_197, %dma_wait3A_198] : memref<2x128x128xf32, #tpu.memory_space<vmem>> -> memref<1x32x128xf32, #tpu.memory_space<vmem>>
      %dma_wait3A_200 = tpu.memref_squeeze %dma_wait3A_199 : memref<1x32x128xf32, #tpu.memory_space<vmem>> -> memref<32x128xf32, #tpu.memory_space<vmem>>
      %dma_wait3A_201 = arith.constant 0 : i32
      %dma_wait3A_202 = tpu.memref_slice %arg9[%dma_wait3A_195, %dma_wait3A_201] : memref<2x128xi32, #tpu.memory_space<vmem>> -> memref<1x32xi32, #tpu.memory_space<vmem>>
      %dma_wait3A_203 = tpu.memref_squeeze %dma_wait3A_202 : memref<1x32xi32, #tpu.memory_space<vmem>> -> memref<32xi32, #tpu.memory_space<vmem>>
      %dma_wait3A_204 = arith.constant 0 : i32
      %dma_wait3A_205 = arith.constant 0 : i32
      %dma_wait3A_206 = tpu.memref_slice %arg2[%dma_wait3A_204, %dma_wait3A_205] : memref<10000x128xf32, #tpu.memory_space<hbm>> -> memref<10000x128xf32, #tpu.memory_space<hbm>>
      tpu.wait_indirect_dma semaphore(%arg12 : memref<!tpu.dma_semaphore, #tpu.memory_space<semaphore_mem>>) src(%dma_wait3A_206 : memref<10000x128xf32, #tpu.memory_space<hbm>>) dst(%dma_wait3A_200 : memref<32x128xf32, #tpu.memory_space<vmem>>)
      %dma_wait3A_207 = arith.constant 0 : i32
      %dma_wait3A_208 = arith.constant 0 : i32
      %dma_wait3A_209 = arith.constant 0 : i32
      %dma_wait3A_210 = arith.constant 0 : i32
      %dma_wait3A_211 = tpu.memref_slice %arg10[%dma_wait3A_208, %dma_wait3A_209, %dma_wait3A_210] : memref<2x128x128xf32, #tpu.memory_space<vmem>> -> memref<1x32x128xf32, #tpu.memory_space<vmem>>
      %dma_wait3A_212 = tpu.memref_squeeze %dma_wait3A_211 : memref<1x32x128xf32, #tpu.memory_space<vmem>> -> memref<32x128xf32, #tpu.memory_space<vmem>>
      %dma_wait3A_213 = arith.constant 0 : i32
      %dma_wait3A_214 = tpu.memref_slice %arg9[%dma_wait3A_207, %dma_wait3A_213] : memref<2x128xi32, #tpu.memory_space<vmem>> -> memref<1x32xi32, #tpu.memory_space<vmem>>
      %dma_wait3A_215 = tpu.memref_squeeze %dma_wait3A_214 : memref<1x32xi32, #tpu.memory_space<vmem>> -> memref<32xi32, #tpu.memory_space<vmem>>
      %dma_wait3A_216 = arith.constant 0 : i32
      %dma_wait3A_217 = arith.constant 0 : i32
      %dma_wait3A_218 = tpu.memref_slice %arg2[%dma_wait3A_216, %dma_wait3A_217] : memref<10000x128xf32, #tpu.memory_space<hbm>> -> memref<10000x128xf32, #tpu.memory_space<hbm>>
      tpu.wait_indirect_dma semaphore(%arg12 : memref<!tpu.dma_semaphore, #tpu.memory_space<semaphore_mem>>) src(%dma_wait3A_218 : memref<10000x128xf32, #tpu.memory_space<hbm>>) dst(%dma_wait3A_212 : memref<32x128xf32, #tpu.memory_space<vmem>>)
      %dma_wait3A_219 = arith.constant 0 : i32
      %dma_wait3A_220 = arith.constant 0 : i32
      %dma_wait3A_221 = arith.constant 0 : i32
      %dma_wait3A_222 = arith.constant 0 : i32
      %dma_wait3A_223 = tpu.memref_slice %arg10[%dma_wait3A_220, %dma_wait3A_221, %dma_wait3A_222] : memref<2x128x128xf32, #tpu.memory_space<vmem>> -> memref<1x32x128xf32, #tpu.memory_space<vmem>>
      %dma_wait3A_224 = tpu.memref_squeeze %dma_wait3A_223 : memref<1x32x128xf32, #tpu.memory_space<vmem>> -> memref<32x128xf32, #tpu.memory_space<vmem>>
      %dma_wait3A_225 = arith.constant 0 : i32
      %dma_wait3A_226 = tpu.memref_slice %arg9[%dma_wait3A_219, %dma_wait3A_225] : memref<2x128xi32, #tpu.memory_space<vmem>> -> memref<1x32xi32, #tpu.memory_space<vmem>>
      %dma_wait3A_227 = tpu.memref_squeeze %dma_wait3A_226 : memref<1x32xi32, #tpu.memory_space<vmem>> -> memref<32xi32, #tpu.memory_space<vmem>>
      %dma_wait3A_228 = arith.constant 0 : i32
      %dma_wait3A_229 = arith.constant 0 : i32
      %dma_wait3A_230 = tpu.memref_slice %arg2[%dma_wait3A_228, %dma_wait3A_229] : memref<10000x128xf32, #tpu.memory_space<hbm>> -> memref<10000x128xf32, #tpu.memory_space<hbm>>
      tpu.wait_indirect_dma semaphore(%arg12 : memref<!tpu.dma_semaphore, #tpu.memory_space<semaphore_mem>>) src(%dma_wait3A_230 : memref<10000x128xf32, #tpu.memory_space<hbm>>) dst(%dma_wait3A_224 : memref<32x128xf32, #tpu.memory_space<vmem>>)
      %dma_wait3A_231 = arith.constant 0 : i32
      %dma_wait3A_232 = arith.constant 0 : i32
      %dma_wait3A_233 = arith.constant 0 : i32
      %dma_wait3A_234 = arith.constant 0 : i32
      %dma_wait3A_235 = tpu.memref_slice %arg10[%dma_wait3A_232, %dma_wait3A_233, %dma_wait3A_234] : memref<2x128x128xf32, #tpu.memory_space<vmem>> -> memref<1x32x128xf32, #tpu.memory_space<vmem>>
      %dma_wait3A_236 = tpu.memref_squeeze %dma_wait3A_235 : memref<1x32x128xf32, #tpu.memory_space<vmem>> -> memref<32x128xf32, #tpu.memory_space<vmem>>
      %dma_wait3A_237 = arith.constant 0 : i32
      %dma_wait3A_238 = tpu.memref_slice %arg9[%dma_wait3A_231, %dma_wait3A_237] : memref<2x128xi32, #tpu.memory_space<vmem>> -> memref<1x32xi32, #tpu.memory_space<vmem>>
      %dma_wait3A_239 = tpu.memref_squeeze %dma_wait3A_238 : memref<1x32xi32, #tpu.memory_space<vmem>> -> memref<32xi32, #tpu.memory_space<vmem>>
      %dma_wait3A_240 = arith.constant 0 : i32
      %dma_wait3A_241 = arith.constant 0 : i32
      %dma_wait3A_242 = tpu.memref_slice %arg2[%dma_wait3A_240, %dma_wait3A_241] : memref<10000x128xf32, #tpu.memory_space<hbm>> -> memref<10000x128xf32, #tpu.memory_space<hbm>>
      tpu.wait_indirect_dma semaphore(%arg12 : memref<!tpu.dma_semaphore, #tpu.memory_space<semaphore_mem>>) src(%dma_wait3A_242 : memref<10000x128xf32, #tpu.memory_space<hbm>>) dst(%dma_wait3A_236 : memref<32x128xf32, #tpu.memory_space<vmem>>)
      %dma_start3A_243 = arith.constant 1 : i32
      %dma_start3A_244 = arith.constant 0 : i32
      %dma_start3A_245 = arith.constant 0 : i32
      %dma_start3A_246 = tpu.memref_slice %arg10[%dma_start3A_243, %dma_start3A_244, %dma_start3A_245] : memref<2x128x128xf32, #tpu.memory_space<vmem>> -> memref<1x128x128xf32, #tpu.memory_space<vmem>>
      %dma_start3A_247 = tpu.memref_squeeze %dma_start3A_246 : memref<1x128x128xf32, #tpu.memory_space<vmem>> -> memref<128x128xf32, #tpu.memory_space<vmem>>
      %dma_start3A_248 = arith.constant 0 : i32
      %dma_start3A_249 = tpu.memref_slice %arg8[%add3A_194, %dma_start3A_248] : memref<96x128xi32, #tpu.memory_space<vmem>> -> memref<1x128xi32, #tpu.memory_space<vmem>>
      %dma_start3A_250 = tpu.memref_squeeze %dma_start3A_249 : memref<1x128xi32, #tpu.memory_space<vmem>> -> memref<128xi32, #tpu.memory_space<vmem>>
      %dma_start3A_251 = arith.constant 0 : i32
      %dma_start3A_252 = arith.constant 0 : i32
      %dma_start3A_253 = tpu.memref_slice %arg7[%dma_start3A_251, %dma_start3A_252] : memref<10240x128xf32, #tpu.memory_space<vmem_shared>> -> memref<10240x128xf32, #tpu.memory_space<vmem_shared>>
      tpu.enqueue_indirect_dma source(%dma_start3A_247 : memref<128x128xf32, #tpu.memory_space<vmem>>) target(%dma_start3A_253 : memref<10240x128xf32, #tpu.memory_space<vmem_shared>>) offsets(%dma_start3A_250 : memref<128xi32, #tpu.memory_space<vmem>>) semaphore(%arg13 : memref<!tpu.dma_semaphore, #tpu.memory_space<semaphore_mem>>) {add = true}
      %add3A_254 = arith.constant 2 : i32
      %add3A_255 = arith.addi %add3A_194, %add3A_254 : i32
      %lt3A_256 = arith.cmpi slt, %add3A_255, %select_n3A : i32
      %convert_element_type3A_257 = arith.extui %lt3A_256 : i1 to i32
      %cond3A_258 = arith.constant 0 : i32
      %cond3A_259 = arith.cmpi ne, %convert_element_type3A_257, %cond3A_258 : i32
      scf.if %cond3A_259 {
        %add3A_271 = arith.constant 2 : i32
        %add3A_272 = arith.addi %add3A_194, %add3A_271 : i32
        %add3A_273 = arith.addi %select_n3A_8, %add3A_272 : i32
        %dma_start3A_274 = arith.constant 1 : i32
        %dma_start3A_275 = arith.constant 0 : i32
        %dma_start3A_276 = tpu.memref_slice %arg9[%dma_start3A_274, %dma_start3A_275] : memref<2x128xi32, #tpu.memory_space<vmem>> -> memref<1x128xi32, #tpu.memory_space<vmem>>
        %dma_start3A_277 = tpu.memref_squeeze %dma_start3A_276 : memref<1x128xi32, #tpu.memory_space<vmem>> -> memref<128xi32, #tpu.memory_space<vmem>>
        %dma_start3A_278 = arith.constant 0 : i32
        %dma_start3A_279 = tpu.memref_slice %arg3[%add3A_273, %dma_start3A_278] : memref<2656x128xi32, #tpu.memory_space<hbm>> -> memref<1x128xi32, #tpu.memory_space<hbm>>
        %dma_start3A_280 = tpu.memref_squeeze %dma_start3A_279 : memref<1x128xi32, #tpu.memory_space<hbm>> -> memref<128xi32, #tpu.memory_space<hbm>>
        %dma_start3A_281 = arith.constant 0 : i32
        %dma_start3A_282 = tpu.memref_slice %arg9[%dma_start3A_274, %dma_start3A_281] : memref<2x128xi32, #tpu.memory_space<vmem>> -> memref<1x128xi32, #tpu.memory_space<vmem>>
        %dma_start3A_283 = tpu.memref_squeeze %dma_start3A_282 : memref<1x128xi32, #tpu.memory_space<vmem>> -> memref<128xi32, #tpu.memory_space<vmem>>
        %dma_start3A_284 = arith.constant 0 : i32
        %dma_start3A_285 = tpu.memref_slice %arg3[%add3A_273, %dma_start3A_284] : memref<2656x128xi32, #tpu.memory_space<hbm>> -> memref<1x128xi32, #tpu.memory_space<hbm>>
        %dma_start3A_286 = tpu.memref_squeeze %dma_start3A_285 : memref<1x128xi32, #tpu.memory_space<hbm>> -> memref<128xi32, #tpu.memory_space<hbm>>
        tpu.enqueue_dma source(%dma_start3A_286 : memref<128xi32, #tpu.memory_space<hbm>>) target(%dma_start3A_283 : memref<128xi32, #tpu.memory_space<vmem>>) target_semaphore(%arg11 : memref<!tpu.dma_semaphore, #tpu.memory_space<semaphore_mem>>)
      } else {
      }
      %ge3A_260 = arith.constant 1 : i32
      %ge3A_261 = arith.cmpi sge, %add3A_194, %ge3A_260 : i32
      %convert_element_type3A_262 = arith.extui %ge3A_261 : i1 to i32
      %cond3A_263 = arith.constant 0 : i32
      %cond3A_264 = arith.cmpi ne, %convert_element_type3A_262, %cond3A_263 : i32
      scf.if %cond3A_264 {
        %dma_wait3A_271 = arith.constant 0 : i32
        %dma_wait3A_272 = arith.constant 0 : i32
        %dma_wait3A_273 = arith.constant 0 : i32
        %dma_wait3A_274 = arith.constant 0 : i32
        %dma_wait3A_275 = tpu.memref_slice %arg10[%dma_wait3A_271, %dma_wait3A_273, %dma_wait3A_274] : memref<2x128x128xf32, #tpu.memory_space<vmem>> -> memref<1x128x128xf32, #tpu.memory_space<vmem>>
        %dma_wait3A_276 = tpu.memref_squeeze %dma_wait3A_275 : memref<1x128x128xf32, #tpu.memory_space<vmem>> -> memref<128x128xf32, #tpu.memory_space<vmem>>
        %dma_wait3A_277 = arith.constant 0 : i32
        %dma_wait3A_278 = tpu.memref_slice %arg8[%dma_wait3A_272, %dma_wait3A_277] : memref<96x128xi32, #tpu.memory_space<vmem>> -> memref<1x128xi32, #tpu.memory_space<vmem>>
        %dma_wait3A_279 = tpu.memref_squeeze %dma_wait3A_278 : memref<1x128xi32, #tpu.memory_space<vmem>> -> memref<128xi32, #tpu.memory_space<vmem>>
        %dma_wait3A_280 = arith.constant 0 : i32
        %dma_wait3A_281 = arith.constant 0 : i32
        %dma_wait3A_282 = tpu.memref_slice %arg7[%dma_wait3A_280, %dma_wait3A_281] : memref<10240x128xf32, #tpu.memory_space<vmem_shared>> -> memref<10240x128xf32, #tpu.memory_space<vmem_shared>>
        tpu.wait_indirect_dma semaphore(%arg13 : memref<!tpu.dma_semaphore, #tpu.memory_space<semaphore_mem>>) src(%dma_wait3A_276 : memref<128x128xf32, #tpu.memory_space<vmem>>) dst(%dma_wait3A_282 : memref<10240x128xf32, #tpu.memory_space<vmem_shared>>)
      } else {
      }
      %add3A_265 = arith.constant 1 : i32
      %add3A_266 = arith.addi %add3A_194, %add3A_265 : i32
      %lt3A_267 = arith.cmpi slt, %add3A_266, %select_n3A : i32
      %convert_element_type3A_268 = arith.extui %lt3A_267 : i1 to i32
      %cond3A_269 = arith.constant 0 : i32
      %cond3A_270 = arith.cmpi ne, %convert_element_type3A_268, %cond3A_269 : i32
      scf.if %cond3A_270 {
        %dma_wait3A_271 = arith.constant 0 : i32
        %dma_wait3A_272 = arith.constant 0 : i32
        %dma_wait3A_273 = tpu.memref_slice %arg9[%dma_wait3A_271, %dma_wait3A_272] : memref<2x128xi32, #tpu.memory_space<vmem>> -> memref<1x128xi32, #tpu.memory_space<vmem>>
        %dma_wait3A_274 = tpu.memref_squeeze %dma_wait3A_273 : memref<1x128xi32, #tpu.memory_space<vmem>> -> memref<128xi32, #tpu.memory_space<vmem>>
        %dma_wait3A_275 = arith.constant 0 : i32
        %dma_wait3A_276 = tpu.memref_slice %arg3[%select_n3A_8, %dma_wait3A_275] : memref<2656x128xi32, #tpu.memory_space<hbm>> -> memref<1x128xi32, #tpu.memory_space<hbm>>
        %dma_wait3A_277 = tpu.memref_squeeze %dma_wait3A_276 : memref<1x128xi32, #tpu.memory_space<hbm>> -> memref<128xi32, #tpu.memory_space<hbm>>
        %dma_wait3A_278 = arith.constant 0 : i32
        %dma_wait3A_279 = tpu.memref_slice %arg9[%dma_wait3A_271, %dma_wait3A_278] : memref<2x128xi32, #tpu.memory_space<vmem>> -> memref<1x128xi32, #tpu.memory_space<vmem>>
        %dma_wait3A_280 = tpu.memref_squeeze %dma_wait3A_279 : memref<1x128xi32, #tpu.memory_space<vmem>> -> memref<128xi32, #tpu.memory_space<vmem>>
        %dma_wait3A_281 = arith.constant 0 : i32
        %dma_wait3A_282 = tpu.memref_slice %arg3[%select_n3A_8, %dma_wait3A_281] : memref<2656x128xi32, #tpu.memory_space<hbm>> -> memref<1x128xi32, #tpu.memory_space<hbm>>
        %dma_wait3A_283 = tpu.memref_squeeze %dma_wait3A_282 : memref<1x128xi32, #tpu.memory_space<hbm>> -> memref<128xi32, #tpu.memory_space<hbm>>
        tpu.wait_dma2 semaphore(%arg11 : memref<!tpu.dma_semaphore, #tpu.memory_space<semaphore_mem>>) src(%dma_wait3A_283 : memref<128xi32, #tpu.memory_space<hbm>>) dst(%dma_wait3A_280 : memref<128xi32, #tpu.memory_space<vmem>>)
        %dma_start3A_284 = arith.constant 0 : i32
        %dma_start3A_285 = arith.constant 0 : i32
        %dma_start3A_286 = arith.constant 0 : i32
        %dma_start3A_287 = arith.constant 0 : i32
        %dma_start3A_288 = tpu.memref_slice %arg10[%dma_start3A_285, %dma_start3A_286, %dma_start3A_287] : memref<2x128x128xf32, #tpu.memory_space<vmem>> -> memref<1x32x128xf32, #tpu.memory_space<vmem>>
        %dma_start3A_289 = tpu.memref_squeeze %dma_start3A_288 : memref<1x32x128xf32, #tpu.memory_space<vmem>> -> memref<32x128xf32, #tpu.memory_space<vmem>>
        %dma_start3A_290 = arith.constant 0 : i32
        %dma_start3A_291 = tpu.memref_slice %arg9[%dma_start3A_284, %dma_start3A_290] : memref<2x128xi32, #tpu.memory_space<vmem>> -> memref<1x32xi32, #tpu.memory_space<vmem>>
        %dma_start3A_292 = tpu.memref_squeeze %dma_start3A_291 : memref<1x32xi32, #tpu.memory_space<vmem>> -> memref<32xi32, #tpu.memory_space<vmem>>
        %dma_start3A_293 = arith.constant 0 : i32
        %dma_start3A_294 = arith.constant 0 : i32
        %dma_start3A_295 = tpu.memref_slice %arg2[%dma_start3A_293, %dma_start3A_294] : memref<10000x128xf32, #tpu.memory_space<hbm>> -> memref<10000x128xf32, #tpu.memory_space<hbm>>
        tpu.enqueue_indirect_dma source(%dma_start3A_295 : memref<10000x128xf32, #tpu.memory_space<hbm>>) target(%dma_start3A_289 : memref<32x128xf32, #tpu.memory_space<vmem>>) offsets(%dma_start3A_292 : memref<32xi32, #tpu.memory_space<vmem>>) semaphore(%arg12 : memref<!tpu.dma_semaphore, #tpu.memory_space<semaphore_mem>>)
        %dma_start3A_296 = arith.constant 0 : i32
        %dma_start3A_297 = arith.constant 0 : i32
        %dma_start3A_298 = arith.constant 32 : i32
        %dma_start3A_299 = arith.constant 0 : i32
        %dma_start3A_300 = tpu.memref_slice %arg10[%dma_start3A_297, %dma_start3A_298, %dma_start3A_299] : memref<2x128x128xf32, #tpu.memory_space<vmem>> -> memref<1x32x128xf32, #tpu.memory_space<vmem>>
        %dma_start3A_301 = tpu.memref_squeeze %dma_start3A_300 : memref<1x32x128xf32, #tpu.memory_space<vmem>> -> memref<32x128xf32, #tpu.memory_space<vmem>>
        %dma_start3A_302 = arith.constant 32 : i32
        %dma_start3A_303 = tpu.memref_slice %arg9[%dma_start3A_296, %dma_start3A_302] : memref<2x128xi32, #tpu.memory_space<vmem>> -> memref<1x32xi32, #tpu.memory_space<vmem>>
        %dma_start3A_304 = tpu.memref_squeeze %dma_start3A_303 : memref<1x32xi32, #tpu.memory_space<vmem>> -> memref<32xi32, #tpu.memory_space<vmem>>
        %dma_start3A_305 = arith.constant 0 : i32
        %dma_start3A_306 = arith.constant 0 : i32
        %dma_start3A_307 = tpu.memref_slice %arg2[%dma_start3A_305, %dma_start3A_306] : memref<10000x128xf32, #tpu.memory_space<hbm>> -> memref<10000x128xf32, #tpu.memory_space<hbm>>
        tpu.enqueue_indirect_dma source(%dma_start3A_307 : memref<10000x128xf32, #tpu.memory_space<hbm>>) target(%dma_start3A_301 : memref<32x128xf32, #tpu.memory_space<vmem>>) offsets(%dma_start3A_304 : memref<32xi32, #tpu.memory_space<vmem>>) semaphore(%arg12 : memref<!tpu.dma_semaphore, #tpu.memory_space<semaphore_mem>>)
        %dma_start3A_308 = arith.constant 0 : i32
        %dma_start3A_309 = arith.constant 0 : i32
        %dma_start3A_310 = arith.constant 64 : i32
        %dma_start3A_311 = arith.constant 0 : i32
        %dma_start3A_312 = tpu.memref_slice %arg10[%dma_start3A_309, %dma_start3A_310, %dma_start3A_311] : memref<2x128x128xf32, #tpu.memory_space<vmem>> -> memref<1x32x128xf32, #tpu.memory_space<vmem>>
        %dma_start3A_313 = tpu.memref_squeeze %dma_start3A_312 : memref<1x32x128xf32, #tpu.memory_space<vmem>> -> memref<32x128xf32, #tpu.memory_space<vmem>>
        %dma_start3A_314 = arith.constant 64 : i32
        %dma_start3A_315 = tpu.memref_slice %arg9[%dma_start3A_308, %dma_start3A_314] : memref<2x128xi32, #tpu.memory_space<vmem>> -> memref<1x32xi32, #tpu.memory_space<vmem>>
        %dma_start3A_316 = tpu.memref_squeeze %dma_start3A_315 : memref<1x32xi32, #tpu.memory_space<vmem>> -> memref<32xi32, #tpu.memory_space<vmem>>
        %dma_start3A_317 = arith.constant 0 : i32
        %dma_start3A_318 = arith.constant 0 : i32
        %dma_start3A_319 = tpu.memref_slice %arg2[%dma_start3A_317, %dma_start3A_318] : memref<10000x128xf32, #tpu.memory_space<hbm>> -> memref<10000x128xf32, #tpu.memory_space<hbm>>
        tpu.enqueue_indirect_dma source(%dma_start3A_319 : memref<10000x128xf32, #tpu.memory_space<hbm>>) target(%dma_start3A_313 : memref<32x128xf32, #tpu.memory_space<vmem>>) offsets(%dma_start3A_316 : memref<32xi32, #tpu.memory_space<vmem>>) semaphore(%arg12 : memref<!tpu.dma_semaphore, #tpu.memory_space<semaphore_mem>>)
        %dma_start3A_320 = arith.constant 0 : i32
        %dma_start3A_321 = arith.constant 0 : i32
        %dma_start3A_322 = arith.constant 96 : i32
        %dma_start3A_323 = arith.constant 0 : i32
        %dma_start3A_324 = tpu.memref_slice %arg10[%dma_start3A_321, %dma_start3A_322, %dma_start3A_323] : memref<2x128x128xf32, #tpu.memory_space<vmem>> -> memref<1x32x128xf32, #tpu.memory_space<vmem>>
        %dma_start3A_325 = tpu.memref_squeeze %dma_start3A_324 : memref<1x32x128xf32, #tpu.memory_space<vmem>> -> memref<32x128xf32, #tpu.memory_space<vmem>>
        %dma_start3A_326 = arith.constant 96 : i32
        %dma_start3A_327 = tpu.memref_slice %arg9[%dma_start3A_320, %dma_start3A_326] : memref<2x128xi32, #tpu.memory_space<vmem>> -> memref<1x32xi32, #tpu.memory_space<vmem>>
        %dma_start3A_328 = tpu.memref_squeeze %dma_start3A_327 : memref<1x32xi32, #tpu.memory_space<vmem>> -> memref<32xi32, #tpu.memory_space<vmem>>
        %dma_start3A_329 = arith.constant 0 : i32
        %dma_start3A_330 = arith.constant 0 : i32
        %dma_start3A_331 = tpu.memref_slice %arg2[%dma_start3A_329, %dma_start3A_330] : memref<10000x128xf32, #tpu.memory_space<hbm>> -> memref<10000x128xf32, #tpu.memory_space<hbm>>
        tpu.enqueue_indirect_dma source(%dma_start3A_331 : memref<10000x128xf32, #tpu.memory_space<hbm>>) target(%dma_start3A_325 : memref<32x128xf32, #tpu.memory_space<vmem>>) offsets(%dma_start3A_328 : memref<32xi32, #tpu.memory_space<vmem>>) semaphore(%arg12 : memref<!tpu.dma_semaphore, #tpu.memory_space<semaphore_mem>>)
      } else {
      }
    }
    %while3A_99 = arith.constant 1 : i32
    scf.for %while3A_114 = %while3A_97 to %while3A_93 step %while3A_99  : i32 {
      %mul3A_115 = arith.constant 2 : i32
      %mul3A_116 = arith.muli %while3A_114, %mul3A_115 : i32
      %add3A_117 = arith.constant 0 : i32
      %add3A_118 = arith.addi %mul3A_116, %add3A_117 : i32
      %dma_wait3A_119 = arith.constant 0 : i32
      %dma_wait3A_120 = arith.constant 0 : i32
      %dma_wait3A_121 = arith.constant 0 : i32
      %dma_wait3A_122 = arith.constant 0 : i32
      %dma_wait3A_123 = tpu.memref_slice %arg10[%dma_wait3A_120, %dma_wait3A_121, %dma_wait3A_122] : memref<2x128x128xf32, #tpu.memory_space<vmem>> -> memref<1x32x128xf32, #tpu.memory_space<vmem>>
      %dma_wait3A_124 = tpu.memref_squeeze %dma_wait3A_123 : memref<1x32x128xf32, #tpu.memory_space<vmem>> -> memref<32x128xf32, #tpu.memory_space<vmem>>
      %dma_wait3A_125 = arith.constant 0 : i32
      %dma_wait3A_126 = tpu.memref_slice %arg9[%dma_wait3A_119, %dma_wait3A_125] : memref<2x128xi32, #tpu.memory_space<vmem>> -> memref<1x32xi32, #tpu.memory_space<vmem>>
      %dma_wait3A_127 = tpu.memref_squeeze %dma_wait3A_126 : memref<1x32xi32, #tpu.memory_space<vmem>> -> memref<32xi32, #tpu.memory_space<vmem>>
      %dma_wait3A_128 = arith.constant 0 : i32
      %dma_wait3A_129 = arith.constant 0 : i32
      %dma_wait3A_130 = tpu.memref_slice %arg2[%dma_wait3A_128, %dma_wait3A_129] : memref<10000x128xf32, #tpu.memory_space<hbm>> -> memref<10000x128xf32, #tpu.memory_space<hbm>>
      tpu.wait_indirect_dma semaphore(%arg12 : memref<!tpu.dma_semaphore, #tpu.memory_space<semaphore_mem>>) src(%dma_wait3A_130 : memref<10000x128xf32, #tpu.memory_space<hbm>>) dst(%dma_wait3A_124 : memref<32x128xf32, #tpu.memory_space<vmem>>)
      %dma_wait3A_131 = arith.constant 0 : i32
      %dma_wait3A_132 = arith.constant 0 : i32
      %dma_wait3A_133 = arith.constant 0 : i32
      %dma_wait3A_134 = arith.constant 0 : i32
      %dma_wait3A_135 = tpu.memref_slice %arg10[%dma_wait3A_132, %dma_wait3A_133, %dma_wait3A_134] : memref<2x128x128xf32, #tpu.memory_space<vmem>> -> memref<1x32x128xf32, #tpu.memory_space<vmem>>
      %dma_wait3A_136 = tpu.memref_squeeze %dma_wait3A_135 : memref<1x32x128xf32, #tpu.memory_space<vmem>> -> memref<32x128xf32, #tpu.memory_space<vmem>>
      %dma_wait3A_137 = arith.constant 0 : i32
      %dma_wait3A_138 = tpu.memref_slice %arg9[%dma_wait3A_131, %dma_wait3A_137] : memref<2x128xi32, #tpu.memory_space<vmem>> -> memref<1x32xi32, #tpu.memory_space<vmem>>
      %dma_wait3A_139 = tpu.memref_squeeze %dma_wait3A_138 : memref<1x32xi32, #tpu.memory_space<vmem>> -> memref<32xi32, #tpu.memory_space<vmem>>
      %dma_wait3A_140 = arith.constant 0 : i32
      %dma_wait3A_141 = arith.constant 0 : i32
      %dma_wait3A_142 = tpu.memref_slice %arg2[%dma_wait3A_140, %dma_wait3A_141] : memref<10000x128xf32, #tpu.memory_space<hbm>> -> memref<10000x128xf32, #tpu.memory_space<hbm>>
      tpu.wait_indirect_dma semaphore(%arg12 : memref<!tpu.dma_semaphore, #tpu.memory_space<semaphore_mem>>) src(%dma_wait3A_142 : memref<10000x128xf32, #tpu.memory_space<hbm>>) dst(%dma_wait3A_136 : memref<32x128xf32, #tpu.memory_space<vmem>>)
      %dma_wait3A_143 = arith.constant 0 : i32
      %dma_wait3A_144 = arith.constant 0 : i32
      %dma_wait3A_145 = arith.constant 0 : i32
      %dma_wait3A_146 = arith.constant 0 : i32
      %dma_wait3A_147 = tpu.memref_slice %arg10[%dma_wait3A_144, %dma_wait3A_145, %dma_wait3A_146] : memref<2x128x128xf32, #tpu.memory_space<vmem>> -> memref<1x32x128xf32, #tpu.memory_space<vmem>>
      %dma_wait3A_148 = tpu.memref_squeeze %dma_wait3A_147 : memref<1x32x128xf32, #tpu.memory_space<vmem>> -> memref<32x128xf32, #tpu.memory_space<vmem>>
      %dma_wait3A_149 = arith.constant 0 : i32
      %dma_wait3A_150 = tpu.memref_slice %arg9[%dma_wait3A_143, %dma_wait3A_149] : memref<2x128xi32, #tpu.memory_space<vmem>> -> memref<1x32xi32, #tpu.memory_space<vmem>>
      %dma_wait3A_151 = tpu.memref_squeeze %dma_wait3A_150 : memref<1x32xi32, #tpu.memory_space<vmem>> -> memref<32xi32, #tpu.memory_space<vmem>>
      %dma_wait3A_152 = arith.constant 0 : i32
      %dma_wait3A_153 = arith.constant 0 : i32
      %dma_wait3A_154 = tpu.memref_slice %arg2[%dma_wait3A_152, %dma_wait3A_153] : memref<10000x128xf32, #tpu.memory_space<hbm>> -> memref<10000x128xf32, #tpu.memory_space<hbm>>
      tpu.wait_indirect_dma semaphore(%arg12 : memref<!tpu.dma_semaphore, #tpu.memory_space<semaphore_mem>>) src(%dma_wait3A_154 : memref<10000x128xf32, #tpu.memory_space<hbm>>) dst(%dma_wait3A_148 : memref<32x128xf32, #tpu.memory_space<vmem>>)
      %dma_wait3A_155 = arith.constant 0 : i32
      %dma_wait3A_156 = arith.constant 0 : i32
      %dma_wait3A_157 = arith.constant 0 : i32
      %dma_wait3A_158 = arith.constant 0 : i32
      %dma_wait3A_159 = tpu.memref_slice %arg10[%dma_wait3A_156, %dma_wait3A_157, %dma_wait3A_158] : memref<2x128x128xf32, #tpu.memory_space<vmem>> -> memref<1x32x128xf32, #tpu.memory_space<vmem>>
      %dma_wait3A_160 = tpu.memref_squeeze %dma_wait3A_159 : memref<1x32x128xf32, #tpu.memory_space<vmem>> -> memref<32x128xf32, #tpu.memory_space<vmem>>
      %dma_wait3A_161 = arith.constant 0 : i32
      %dma_wait3A_162 = tpu.memref_slice %arg9[%dma_wait3A_155, %dma_wait3A_161] : memref<2x128xi32, #tpu.memory_space<vmem>> -> memref<1x32xi32, #tpu.memory_space<vmem>>
      %dma_wait3A_163 = tpu.memref_squeeze %dma_wait3A_162 : memref<1x32xi32, #tpu.memory_space<vmem>> -> memref<32xi32, #tpu.memory_space<vmem>>
      %dma_wait3A_164 = arith.constant 0 : i32
      %dma_wait3A_165 = arith.constant 0 : i32
      %dma_wait3A_166 = tpu.memref_slice %arg2[%dma_wait3A_164, %dma_wait3A_165] : memref<10000x128xf32, #tpu.memory_space<hbm>> -> memref<10000x128xf32, #tpu.memory_space<hbm>>
      tpu.wait_indirect_dma semaphore(%arg12 : memref<!tpu.dma_semaphore, #tpu.memory_space<semaphore_mem>>) src(%dma_wait3A_166 : memref<10000x128xf32, #tpu.memory_space<hbm>>) dst(%dma_wait3A_160 : memref<32x128xf32, #tpu.memory_space<vmem>>)
      %dma_start3A_167 = arith.constant 0 : i32
      %dma_start3A_168 = arith.constant 0 : i32
      %dma_start3A_169 = arith.constant 0 : i32
      %dma_start3A_170 = tpu.memref_slice %arg10[%dma_start3A_167, %dma_start3A_168, %dma_start3A_169] : memref<2x128x128xf32, #tpu.memory_space<vmem>> -> memref<1x128x128xf32, #tpu.memory_space<vmem>>
      %dma_start3A_171 = tpu.memref_squeeze %dma_start3A_170 : memref<1x128x128xf32, #tpu.memory_space<vmem>> -> memref<128x128xf32, #tpu.memory_space<vmem>>
      %dma_start3A_172 = arith.constant 0 : i32
      %dma_start3A_173 = tpu.memref_slice %arg8[%add3A_118, %dma_start3A_172] : memref<96x128xi32, #tpu.memory_space<vmem>> -> memref<1x128xi32, #tpu.memory_space<vmem>>
      %dma_start3A_174 = tpu.memref_squeeze %dma_start3A_173 : memref<1x128xi32, #tpu.memory_space<vmem>> -> memref<128xi32, #tpu.memory_space<vmem>>
      %dma_start3A_175 = arith.constant 0 : i32
      %dma_start3A_176 = arith.constant 0 : i32
      %dma_start3A_177 = tpu.memref_slice %arg7[%dma_start3A_175, %dma_start3A_176] : memref<10240x128xf32, #tpu.memory_space<vmem_shared>> -> memref<10240x128xf32, #tpu.memory_space<vmem_shared>>
      tpu.enqueue_indirect_dma source(%dma_start3A_171 : memref<128x128xf32, #tpu.memory_space<vmem>>) target(%dma_start3A_177 : memref<10240x128xf32, #tpu.memory_space<vmem_shared>>) offsets(%dma_start3A_174 : memref<128xi32, #tpu.memory_space<vmem>>) semaphore(%arg13 : memref<!tpu.dma_semaphore, #tpu.memory_space<semaphore_mem>>) {add = true}
      %add3A_178 = arith.constant 2 : i32
      %add3A_179 = arith.addi %add3A_118, %add3A_178 : i32
      %lt3A = arith.cmpi slt, %add3A_179, %select_n3A : i32
      %convert_element_type3A = arith.extui %lt3A : i1 to i32
      %cond3A = arith.constant 0 : i32
      %cond3A_180 = arith.cmpi ne, %convert_element_type3A, %cond3A : i32
      scf.if %cond3A_180 {
        %add3A_271 = arith.constant 2 : i32
        %add3A_272 = arith.addi %add3A_118, %add3A_271 : i32
        %add3A_273 = arith.addi %select_n3A_8, %add3A_272 : i32
        %dma_start3A_274 = arith.constant 0 : i32
        %dma_start3A_275 = arith.constant 0 : i32
        %dma_start3A_276 = tpu.memref_slice %arg9[%dma_start3A_274, %dma_start3A_275] : memref<2x128xi32, #tpu.memory_space<vmem>> -> memref<1x128xi32, #tpu.memory_space<vmem>>
        %dma_start3A_277 = tpu.memref_squeeze %dma_start3A_276 : memref<1x128xi32, #tpu.memory_space<vmem>> -> memref<128xi32, #tpu.memory_space<vmem>>
        %dma_start3A_278 = arith.constant 0 : i32
        %dma_start3A_279 = tpu.memref_slice %arg3[%add3A_273, %dma_start3A_278] : memref<2656x128xi32, #tpu.memory_space<hbm>> -> memref<1x128xi32, #tpu.memory_space<hbm>>
        %dma_start3A_280 = tpu.memref_squeeze %dma_start3A_279 : memref<1x128xi32, #tpu.memory_space<hbm>> -> memref<128xi32, #tpu.memory_space<hbm>>
        %dma_start3A_281 = arith.constant 0 : i32
        %dma_start3A_282 = tpu.memref_slice %arg9[%dma_start3A_274, %dma_start3A_281] : memref<2x128xi32, #tpu.memory_space<vmem>> -> memref<1x128xi32, #tpu.memory_space<vmem>>
        %dma_start3A_283 = tpu.memref_squeeze %dma_start3A_282 : memref<1x128xi32, #tpu.memory_space<vmem>> -> memref<128xi32, #tpu.memory_space<vmem>>
        %dma_start3A_284 = arith.constant 0 : i32
        %dma_start3A_285 = tpu.memref_slice %arg3[%add3A_273, %dma_start3A_284] : memref<2656x128xi32, #tpu.memory_space<hbm>> -> memref<1x128xi32, #tpu.memory_space<hbm>>
        %dma_start3A_286 = tpu.memref_squeeze %dma_start3A_285 : memref<1x128xi32, #tpu.memory_space<hbm>> -> memref<128xi32, #tpu.memory_space<hbm>>
        tpu.enqueue_dma source(%dma_start3A_286 : memref<128xi32, #tpu.memory_space<hbm>>) target(%dma_start3A_283 : memref<128xi32, #tpu.memory_space<vmem>>) target_semaphore(%arg11 : memref<!tpu.dma_semaphore, #tpu.memory_space<semaphore_mem>>)
      } else {
      }
      %ge3A = arith.constant 1 : i32
      %ge3A_181 = arith.cmpi sge, %add3A_118, %ge3A : i32
      %convert_element_type3A_182 = arith.extui %ge3A_181 : i1 to i32
      %cond3A_183 = arith.constant 0 : i32
      %cond3A_184 = arith.cmpi ne, %convert_element_type3A_182, %cond3A_183 : i32
      scf.if %cond3A_184 {
        %dma_wait3A_271 = arith.constant 0 : i32
        %dma_wait3A_272 = arith.constant 0 : i32
        %dma_wait3A_273 = arith.constant 0 : i32
        %dma_wait3A_274 = arith.constant 0 : i32
        %dma_wait3A_275 = tpu.memref_slice %arg10[%dma_wait3A_271, %dma_wait3A_273, %dma_wait3A_274] : memref<2x128x128xf32, #tpu.memory_space<vmem>> -> memref<1x128x128xf32, #tpu.memory_space<vmem>>
        %dma_wait3A_276 = tpu.memref_squeeze %dma_wait3A_275 : memref<1x128x128xf32, #tpu.memory_space<vmem>> -> memref<128x128xf32, #tpu.memory_space<vmem>>
        %dma_wait3A_277 = arith.constant 0 : i32
        %dma_wait3A_278 = tpu.memref_slice %arg8[%dma_wait3A_272, %dma_wait3A_277] : memref<96x128xi32, #tpu.memory_space<vmem>> -> memref<1x128xi32, #tpu.memory_space<vmem>>
        %dma_wait3A_279 = tpu.memref_squeeze %dma_wait3A_278 : memref<1x128xi32, #tpu.memory_space<vmem>> -> memref<128xi32, #tpu.memory_space<vmem>>
        %dma_wait3A_280 = arith.constant 0 : i32
        %dma_wait3A_281 = arith.constant 0 : i32
        %dma_wait3A_282 = tpu.memref_slice %arg7[%dma_wait3A_280, %dma_wait3A_281] : memref<10240x128xf32, #tpu.memory_space<vmem_shared>> -> memref<10240x128xf32, #tpu.memory_space<vmem_shared>>
        tpu.wait_indirect_dma semaphore(%arg13 : memref<!tpu.dma_semaphore, #tpu.memory_space<semaphore_mem>>) src(%dma_wait3A_276 : memref<128x128xf32, #tpu.memory_space<vmem>>) dst(%dma_wait3A_282 : memref<10240x128xf32, #tpu.memory_space<vmem_shared>>)
      } else {
      }
      %add3A_185 = arith.constant 1 : i32
      %add3A_186 = arith.addi %add3A_118, %add3A_185 : i32
      %lt3A_187 = arith.cmpi slt, %add3A_186, %select_n3A : i32
      %convert_element_type3A_188 = arith.extui %lt3A_187 : i1 to i32
      %cond3A_189 = arith.constant 0 : i32
      %cond3A_190 = arith.cmpi ne, %convert_element_type3A_188, %cond3A_189 : i32
      scf.if %cond3A_190 {
        %dma_wait3A_271 = arith.constant 0 : i32
        %dma_wait3A_272 = arith.constant 0 : i32
        %dma_wait3A_273 = tpu.memref_slice %arg9[%dma_wait3A_271, %dma_wait3A_272] : memref<2x128xi32, #tpu.memory_space<vmem>> -> memref<1x128xi32, #tpu.memory_space<vmem>>
        %dma_wait3A_274 = tpu.memref_squeeze %dma_wait3A_273 : memref<1x128xi32, #tpu.memory_space<vmem>> -> memref<128xi32, #tpu.memory_space<vmem>>
        %dma_wait3A_275 = arith.constant 0 : i32
        %dma_wait3A_276 = tpu.memref_slice %arg3[%select_n3A_8, %dma_wait3A_275] : memref<2656x128xi32, #tpu.memory_space<hbm>> -> memref<1x128xi32, #tpu.memory_space<hbm>>
        %dma_wait3A_277 = tpu.memref_squeeze %dma_wait3A_276 : memref<1x128xi32, #tpu.memory_space<hbm>> -> memref<128xi32, #tpu.memory_space<hbm>>
        %dma_wait3A_278 = arith.constant 0 : i32
        %dma_wait3A_279 = tpu.memref_slice %arg9[%dma_wait3A_271, %dma_wait3A_278] : memref<2x128xi32, #tpu.memory_space<vmem>> -> memref<1x128xi32, #tpu.memory_space<vmem>>
        %dma_wait3A_280 = tpu.memref_squeeze %dma_wait3A_279 : memref<1x128xi32, #tpu.memory_space<vmem>> -> memref<128xi32, #tpu.memory_space<vmem>>
        %dma_wait3A_281 = arith.constant 0 : i32
        %dma_wait3A_282 = tpu.memref_slice %arg3[%select_n3A_8, %dma_wait3A_281] : memref<2656x128xi32, #tpu.memory_space<hbm>> -> memref<1x128xi32, #tpu.memory_space<hbm>>
        %dma_wait3A_283 = tpu.memref_squeeze %dma_wait3A_282 : memref<1x128xi32, #tpu.memory_space<hbm>> -> memref<128xi32, #tpu.memory_space<hbm>>
        tpu.wait_dma2 semaphore(%arg11 : memref<!tpu.dma_semaphore, #tpu.memory_space<semaphore_mem>>) src(%dma_wait3A_283 : memref<128xi32, #tpu.memory_space<hbm>>) dst(%dma_wait3A_280 : memref<128xi32, #tpu.memory_space<vmem>>)
        %dma_start3A_284 = arith.constant 1 : i32
        %dma_start3A_285 = arith.constant 1 : i32
        %dma_start3A_286 = arith.constant 0 : i32
        %dma_start3A_287 = arith.constant 0 : i32
        %dma_start3A_288 = tpu.memref_slice %arg10[%dma_start3A_285, %dma_start3A_286, %dma_start3A_287] : memref<2x128x128xf32, #tpu.memory_space<vmem>> -> memref<1x32x128xf32, #tpu.memory_space<vmem>>
        %dma_start3A_289 = tpu.memref_squeeze %dma_start3A_288 : memref<1x32x128xf32, #tpu.memory_space<vmem>> -> memref<32x128xf32, #tpu.memory_space<vmem>>
        %dma_start3A_290 = arith.constant 0 : i32
        %dma_start3A_291 = tpu.memref_slice %arg9[%dma_start3A_284, %dma_start3A_290] : memref<2x128xi32, #tpu.memory_space<vmem>> -> memref<1x32xi32, #tpu.memory_space<vmem>>
        %dma_start3A_292 = tpu.memref_squeeze %dma_start3A_291 : memref<1x32xi32, #tpu.memory_space<vmem>> -> memref<32xi32, #tpu.memory_space<vmem>>
        %dma_start3A_293 = arith.constant 0 : i32
        %dma_start3A_294 = arith.constant 0 : i32
        %dma_start3A_295 = tpu.memref_slice %arg2[%dma_start3A_293, %dma_start3A_294] : memref<10000x128xf32, #tpu.memory_space<hbm>> -> memref<10000x128xf32, #tpu.memory_space<hbm>>
        tpu.enqueue_indirect_dma source(%dma_start3A_295 : memref<10000x128xf32, #tpu.memory_space<hbm>>) target(%dma_start3A_289 : memref<32x128xf32, #tpu.memory_space<vmem>>) offsets(%dma_start3A_292 : memref<32xi32, #tpu.memory_space<vmem>>) semaphore(%arg12 : memref<!tpu.dma_semaphore, #tpu.memory_space<semaphore_mem>>)
        %dma_start3A_296 = arith.constant 1 : i32
        %dma_start3A_297 = arith.constant 1 : i32
        %dma_start3A_298 = arith.constant 32 : i32
        %dma_start3A_299 = arith.constant 0 : i32
        %dma_start3A_300 = tpu.memref_slice %arg10[%dma_start3A_297, %dma_start3A_298, %dma_start3A_299] : memref<2x128x128xf32, #tpu.memory_space<vmem>> -> memref<1x32x128xf32, #tpu.memory_space<vmem>>
        %dma_start3A_301 = tpu.memref_squeeze %dma_start3A_300 : memref<1x32x128xf32, #tpu.memory_space<vmem>> -> memref<32x128xf32, #tpu.memory_space<vmem>>
        %dma_start3A_302 = arith.constant 32 : i32
        %dma_start3A_303 = tpu.memref_slice %arg9[%dma_start3A_296, %dma_start3A_302] : memref<2x128xi32, #tpu.memory_space<vmem>> -> memref<1x32xi32, #tpu.memory_space<vmem>>
        %dma_start3A_304 = tpu.memref_squeeze %dma_start3A_303 : memref<1x32xi32, #tpu.memory_space<vmem>> -> memref<32xi32, #tpu.memory_space<vmem>>
        %dma_start3A_305 = arith.constant 0 : i32
        %dma_start3A_306 = arith.constant 0 : i32
        %dma_start3A_307 = tpu.memref_slice %arg2[%dma_start3A_305, %dma_start3A_306] : memref<10000x128xf32, #tpu.memory_space<hbm>> -> memref<10000x128xf32, #tpu.memory_space<hbm>>
        tpu.enqueue_indirect_dma source(%dma_start3A_307 : memref<10000x128xf32, #tpu.memory_space<hbm>>) target(%dma_start3A_301 : memref<32x128xf32, #tpu.memory_space<vmem>>) offsets(%dma_start3A_304 : memref<32xi32, #tpu.memory_space<vmem>>) semaphore(%arg12 : memref<!tpu.dma_semaphore, #tpu.memory_space<semaphore_mem>>)
        %dma_start3A_308 = arith.constant 1 : i32
        %dma_start3A_309 = arith.constant 1 : i32
        %dma_start3A_310 = arith.constant 64 : i32
        %dma_start3A_311 = arith.constant 0 : i32
        %dma_start3A_312 = tpu.memref_slice %arg10[%dma_start3A_309, %dma_start3A_310, %dma_start3A_311] : memref<2x128x128xf32, #tpu.memory_space<vmem>> -> memref<1x32x128xf32, #tpu.memory_space<vmem>>
        %dma_start3A_313 = tpu.memref_squeeze %dma_start3A_312 : memref<1x32x128xf32, #tpu.memory_space<vmem>> -> memref<32x128xf32, #tpu.memory_space<vmem>>
        %dma_start3A_314 = arith.constant 64 : i32
        %dma_start3A_315 = tpu.memref_slice %arg9[%dma_start3A_308, %dma_start3A_314] : memref<2x128xi32, #tpu.memory_space<vmem>> -> memref<1x32xi32, #tpu.memory_space<vmem>>
        %dma_start3A_316 = tpu.memref_squeeze %dma_start3A_315 : memref<1x32xi32, #tpu.memory_space<vmem>> -> memref<32xi32, #tpu.memory_space<vmem>>
        %dma_start3A_317 = arith.constant 0 : i32
        %dma_start3A_318 = arith.constant 0 : i32
        %dma_start3A_319 = tpu.memref_slice %arg2[%dma_start3A_317, %dma_start3A_318] : memref<10000x128xf32, #tpu.memory_space<hbm>> -> memref<10000x128xf32, #tpu.memory_space<hbm>>
        tpu.enqueue_indirect_dma source(%dma_start3A_319 : memref<10000x128xf32, #tpu.memory_space<hbm>>) target(%dma_start3A_313 : memref<32x128xf32, #tpu.memory_space<vmem>>) offsets(%dma_start3A_316 : memref<32xi32, #tpu.memory_space<vmem>>) semaphore(%arg12 : memref<!tpu.dma_semaphore, #tpu.memory_space<semaphore_mem>>)
        %dma_start3A_320 = arith.constant 1 : i32
        %dma_start3A_321 = arith.constant 1 : i32
        %dma_start3A_322 = arith.constant 96 : i32
        %dma_start3A_323 = arith.constant 0 : i32
        %dma_start3A_324 = tpu.memref_slice %arg10[%dma_start3A_321, %dma_start3A_322, %dma_start3A_323] : memref<2x128x128xf32, #tpu.memory_space<vmem>> -> memref<1x32x128xf32, #tpu.memory_space<vmem>>
        %dma_start3A_325 = tpu.memref_squeeze %dma_start3A_324 : memref<1x32x128xf32, #tpu.memory_space<vmem>> -> memref<32x128xf32, #tpu.memory_space<vmem>>
        %dma_start3A_326 = arith.constant 96 : i32
        %dma_start3A_327 = tpu.memref_slice %arg9[%dma_start3A_320, %dma_start3A_326] : memref<2x128xi32, #tpu.memory_space<vmem>> -> memref<1x32xi32, #tpu.memory_space<vmem>>
        %dma_start3A_328 = tpu.memref_squeeze %dma_start3A_327 : memref<1x32xi32, #tpu.memory_space<vmem>> -> memref<32xi32, #tpu.memory_space<vmem>>
        %dma_start3A_329 = arith.constant 0 : i32
        %dma_start3A_330 = arith.constant 0 : i32
        %dma_start3A_331 = tpu.memref_slice %arg2[%dma_start3A_329, %dma_start3A_330] : memref<10000x128xf32, #tpu.memory_space<hbm>> -> memref<10000x128xf32, #tpu.memory_space<hbm>>
        tpu.enqueue_indirect_dma source(%dma_start3A_331 : memref<10000x128xf32, #tpu.memory_space<hbm>>) target(%dma_start3A_325 : memref<32x128xf32, #tpu.memory_space<vmem>>) offsets(%dma_start3A_328 : memref<32xi32, #tpu.memory_space<vmem>>) semaphore(%arg12 : memref<!tpu.dma_semaphore, #tpu.memory_space<semaphore_mem>>)
      } else {
      }
      %mul3A_191 = arith.constant 2 : i32
      %mul3A_192 = arith.muli %while3A_114, %mul3A_191 : i32
      %add3A_193 = arith.constant 1 : i32
      %add3A_194 = arith.addi %mul3A_192, %add3A_193 : i32
      %dma_wait3A_195 = arith.constant 0 : i32
      %dma_wait3A_196 = arith.constant 0 : i32
      %dma_wait3A_197 = arith.constant 0 : i32
      %dma_wait3A_198 = arith.constant 0 : i32
      %dma_wait3A_199 = tpu.memref_slice %arg10[%dma_wait3A_196, %dma_wait3A_197, %dma_wait3A_198] : memref<2x128x128xf32, #tpu.memory_space<vmem>> -> memref<1x32x128xf32, #tpu.memory_space<vmem>>
      %dma_wait3A_200 = tpu.memref_squeeze %dma_wait3A_199 : memref<1x32x128xf32, #tpu.memory_space<vmem>> -> memref<32x128xf32, #tpu.memory_space<vmem>>
      %dma_wait3A_201 = arith.constant 0 : i32
      %dma_wait3A_202 = tpu.memref_slice %arg9[%dma_wait3A_195, %dma_wait3A_201] : memref<2x128xi32, #tpu.memory_space<vmem>> -> memref<1x32xi32, #tpu.memory_space<vmem>>
      %dma_wait3A_203 = tpu.memref_squeeze %dma_wait3A_202 : memref<1x32xi32, #tpu.memory_space<vmem>> -> memref<32xi32, #tpu.memory_space<vmem>>
      %dma_wait3A_204 = arith.constant 0 : i32
      %dma_wait3A_205 = arith.constant 0 : i32
      %dma_wait3A_206 = tpu.memref_slice %arg2[%dma_wait3A_204, %dma_wait3A_205] : memref<10000x128xf32, #tpu.memory_space<hbm>> -> memref<10000x128xf32, #tpu.memory_space<hbm>>
      tpu.wait_indirect_dma semaphore(%arg12 : memref<!tpu.dma_semaphore, #tpu.memory_space<semaphore_mem>>) src(%dma_wait3A_206 : memref<10000x128xf32, #tpu.memory_space<hbm>>) dst(%dma_wait3A_200 : memref<32x128xf32, #tpu.memory_space<vmem>>)
      %dma_wait3A_207 = arith.constant 0 : i32
      %dma_wait3A_208 = arith.constant 0 : i32
      %dma_wait3A_209 = arith.constant 0 : i32
      %dma_wait3A_210 = arith.constant 0 : i32
      %dma_wait3A_211 = tpu.memref_slice %arg10[%dma_wait3A_208, %dma_wait3A_209, %dma_wait3A_210] : memref<2x128x128xf32, #tpu.memory_space<vmem>> -> memref<1x32x128xf32, #tpu.memory_space<vmem>>
      %dma_wait3A_212 = tpu.memref_squeeze %dma_wait3A_211 : memref<1x32x128xf32, #tpu.memory_space<vmem>> -> memref<32x128xf32, #tpu.memory_space<vmem>>
      %dma_wait3A_213 = arith.constant 0 : i32
      %dma_wait3A_214 = tpu.memref_slice %arg9[%dma_wait3A_207, %dma_wait3A_213] : memref<2x128xi32, #tpu.memory_space<vmem>> -> memref<1x32xi32, #tpu.memory_space<vmem>>
      %dma_wait3A_215 = tpu.memref_squeeze %dma_wait3A_214 : memref<1x32xi32, #tpu.memory_space<vmem>> -> memref<32xi32, #tpu.memory_space<vmem>>
      %dma_wait3A_216 = arith.constant 0 : i32
      %dma_wait3A_217 = arith.constant 0 : i32
      %dma_wait3A_218 = tpu.memref_slice %arg2[%dma_wait3A_216, %dma_wait3A_217] : memref<10000x128xf32, #tpu.memory_space<hbm>> -> memref<10000x128xf32, #tpu.memory_space<hbm>>
      tpu.wait_indirect_dma semaphore(%arg12 : memref<!tpu.dma_semaphore, #tpu.memory_space<semaphore_mem>>) src(%dma_wait3A_218 : memref<10000x128xf32, #tpu.memory_space<hbm>>) dst(%dma_wait3A_212 : memref<32x128xf32, #tpu.memory_space<vmem>>)
      %dma_wait3A_219 = arith.constant 0 : i32
      %dma_wait3A_220 = arith.constant 0 : i32
      %dma_wait3A_221 = arith.constant 0 : i32
      %dma_wait3A_222 = arith.constant 0 : i32
      %dma_wait3A_223 = tpu.memref_slice %arg10[%dma_wait3A_220, %dma_wait3A_221, %dma_wait3A_222] : memref<2x128x128xf32, #tpu.memory_space<vmem>> -> memref<1x32x128xf32, #tpu.memory_space<vmem>>
      %dma_wait3A_224 = tpu.memref_squeeze %dma_wait3A_223 : memref<1x32x128xf32, #tpu.memory_space<vmem>> -> memref<32x128xf32, #tpu.memory_space<vmem>>
      %dma_wait3A_225 = arith.constant 0 : i32
      %dma_wait3A_226 = tpu.memref_slice %arg9[%dma_wait3A_219, %dma_wait3A_225] : memref<2x128xi32, #tpu.memory_space<vmem>> -> memref<1x32xi32, #tpu.memory_space<vmem>>
      %dma_wait3A_227 = tpu.memref_squeeze %dma_wait3A_226 : memref<1x32xi32, #tpu.memory_space<vmem>> -> memref<32xi32, #tpu.memory_space<vmem>>
      %dma_wait3A_228 = arith.constant 0 : i32
      %dma_wait3A_229 = arith.constant 0 : i32
      %dma_wait3A_230 = tpu.memref_slice %arg2[%dma_wait3A_228, %dma_wait3A_229] : memref<10000x128xf32, #tpu.memory_space<hbm>> -> memref<10000x128xf32, #tpu.memory_space<hbm>>
      tpu.wait_indirect_dma semaphore(%arg12 : memref<!tpu.dma_semaphore, #tpu.memory_space<semaphore_mem>>) src(%dma_wait3A_230 : memref<10000x128xf32, #tpu.memory_space<hbm>>) dst(%dma_wait3A_224 : memref<32x128xf32, #tpu.memory_space<vmem>>)
      %dma_wait3A_231 = arith.constant 0 : i32
      %dma_wait3A_232 = arith.constant 0 : i32
      %dma_wait3A_233 = arith.constant 0 : i32
      %dma_wait3A_234 = arith.constant 0 : i32
      %dma_wait3A_235 = tpu.memref_slice %arg10[%dma_wait3A_232, %dma_wait3A_233, %dma_wait3A_234] : memref<2x128x128xf32, #tpu.memory_space<vmem>> -> memref<1x32x128xf32, #tpu.memory_space<vmem>>
      %dma_wait3A_236 = tpu.memref_squeeze %dma_wait3A_235 : memref<1x32x128xf32, #tpu.memory_space<vmem>> -> memref<32x128xf32, #tpu.memory_space<vmem>>
      %dma_wait3A_237 = arith.constant 0 : i32
      %dma_wait3A_238 = tpu.memref_slice %arg9[%dma_wait3A_231, %dma_wait3A_237] : memref<2x128xi32, #tpu.memory_space<vmem>> -> memref<1x32xi32, #tpu.memory_space<vmem>>
      %dma_wait3A_239 = tpu.memref_squeeze %dma_wait3A_238 : memref<1x32xi32, #tpu.memory_space<vmem>> -> memref<32xi32, #tpu.memory_space<vmem>>
      %dma_wait3A_240 = arith.constant 0 : i32
      %dma_wait3A_241 = arith.constant 0 : i32
      %dma_wait3A_242 = tpu.memref_slice %arg2[%dma_wait3A_240, %dma_wait3A_241] : memref<10000x128xf32, #tpu.memory_space<hbm>> -> memref<10000x128xf32, #tpu.memory_space<hbm>>
      tpu.wait_indirect_dma semaphore(%arg12 : memref<!tpu.dma_semaphore, #tpu.memory_space<semaphore_mem>>) src(%dma_wait3A_242 : memref<10000x128xf32, #tpu.memory_space<hbm>>) dst(%dma_wait3A_236 : memref<32x128xf32, #tpu.memory_space<vmem>>)
      %dma_start3A_243 = arith.constant 1 : i32
      %dma_start3A_244 = arith.constant 0 : i32
      %dma_start3A_245 = arith.constant 0 : i32
      %dma_start3A_246 = tpu.memref_slice %arg10[%dma_start3A_243, %dma_start3A_244, %dma_start3A_245] : memref<2x128x128xf32, #tpu.memory_space<vmem>> -> memref<1x128x128xf32, #tpu.memory_space<vmem>>
      %dma_start3A_247 = tpu.memref_squeeze %dma_start3A_246 : memref<1x128x128xf32, #tpu.memory_space<vmem>> -> memref<128x128xf32, #tpu.memory_space<vmem>>
      %dma_start3A_248 = arith.constant 0 : i32
      %dma_start3A_249 = tpu.memref_slice %arg8[%add3A_194, %dma_start3A_248] : memref<96x128xi32, #tpu.memory_space<vmem>> -> memref<1x128xi32, #tpu.memory_space<vmem>>
      %dma_start3A_250 = tpu.memref_squeeze %dma_start3A_249 : memref<1x128xi32, #tpu.memory_space<vmem>> -> memref<128xi32, #tpu.memory_space<vmem>>
      %dma_start3A_251 = arith.constant 0 : i32
      %dma_start3A_252 = arith.constant 0 : i32
      %dma_start3A_253 = tpu.memref_slice %arg7[%dma_start3A_251, %dma_start3A_252] : memref<10240x128xf32, #tpu.memory_space<vmem_shared>> -> memref<10240x128xf32, #tpu.memory_space<vmem_shared>>
      tpu.enqueue_indirect_dma source(%dma_start3A_247 : memref<128x128xf32, #tpu.memory_space<vmem>>) target(%dma_start3A_253 : memref<10240x128xf32, #tpu.memory_space<vmem_shared>>) offsets(%dma_start3A_250 : memref<128xi32, #tpu.memory_space<vmem>>) semaphore(%arg13 : memref<!tpu.dma_semaphore, #tpu.memory_space<semaphore_mem>>) {add = true}
      %add3A_254 = arith.constant 2 : i32
      %add3A_255 = arith.addi %add3A_194, %add3A_254 : i32
      %lt3A_256 = arith.cmpi slt, %add3A_255, %select_n3A : i32
      %convert_element_type3A_257 = arith.extui %lt3A_256 : i1 to i32
      %cond3A_258 = arith.constant 0 : i32
      %cond3A_259 = arith.cmpi ne, %convert_element_type3A_257, %cond3A_258 : i32
      scf.if %cond3A_259 {
        %add3A_271 = arith.constant 2 : i32
        %add3A_272 = arith.addi %add3A_194, %add3A_271 : i32
        %add3A_273 = arith.addi %select_n3A_8, %add3A_272 : i32
        %dma_start3A_274 = arith.constant 1 : i32
        %dma_start3A_275 = arith.constant 0 : i32
        %dma_start3A_276 = tpu.memref_slice %arg9[%dma_start3A_274, %dma_start3A_275] : memref<2x128xi32, #tpu.memory_space<vmem>> -> memref<1x128xi32, #tpu.memory_space<vmem>>
        %dma_start3A_277 = tpu.memref_squeeze %dma_start3A_276 : memref<1x128xi32, #tpu.memory_space<vmem>> -> memref<128xi32, #tpu.memory_space<vmem>>
        %dma_start3A_278 = arith.constant 0 : i32
        %dma_start3A_279 = tpu.memref_slice %arg3[%add3A_273, %dma_start3A_278] : memref<2656x128xi32, #tpu.memory_space<hbm>> -> memref<1x128xi32, #tpu.memory_space<hbm>>
        %dma_start3A_280 = tpu.memref_squeeze %dma_start3A_279 : memref<1x128xi32, #tpu.memory_space<hbm>> -> memref<128xi32, #tpu.memory_space<hbm>>
        %dma_start3A_281 = arith.constant 0 : i32
        %dma_start3A_282 = tpu.memref_slice %arg9[%dma_start3A_274, %dma_start3A_281] : memref<2x128xi32, #tpu.memory_space<vmem>> -> memref<1x128xi32, #tpu.memory_space<vmem>>
        %dma_start3A_283 = tpu.memref_squeeze %dma_start3A_282 : memref<1x128xi32, #tpu.memory_space<vmem>> -> memref<128xi32, #tpu.memory_space<vmem>>
        %dma_start3A_284 = arith.constant 0 : i32
        %dma_start3A_285 = tpu.memref_slice %arg3[%add3A_273, %dma_start3A_284] : memref<2656x128xi32, #tpu.memory_space<hbm>> -> memref<1x128xi32, #tpu.memory_space<hbm>>
        %dma_start3A_286 = tpu.memref_squeeze %dma_start3A_285 : memref<1x128xi32, #tpu.memory_space<hbm>> -> memref<128xi32, #tpu.memory_space<hbm>>
        tpu.enqueue_dma source(%dma_start3A_286 : memref<128xi32, #tpu.memory_space<hbm>>) target(%dma_start3A_283 : memref<128xi32, #tpu.memory_space<vmem>>) target_semaphore(%arg11 : memref<!tpu.dma_semaphore, #tpu.memory_space<semaphore_mem>>)
      } else {
      }
      %ge3A_260 = arith.constant 1 : i32
      %ge3A_261 = arith.cmpi sge, %add3A_194, %ge3A_260 : i32
      %convert_element_type3A_262 = arith.extui %ge3A_261 : i1 to i32
      %cond3A_263 = arith.constant 0 : i32
      %cond3A_264 = arith.cmpi ne, %convert_element_type3A_262, %cond3A_263 : i32
      scf.if %cond3A_264 {
        %dma_wait3A_271 = arith.constant 0 : i32
        %dma_wait3A_272 = arith.constant 0 : i32
        %dma_wait3A_273 = arith.constant 0 : i32
        %dma_wait3A_274 = arith.constant 0 : i32
        %dma_wait3A_275 = tpu.memref_slice %arg10[%dma_wait3A_271, %dma_wait3A_273, %dma_wait3A_274] : memref<2x128x128xf32, #tpu.memory_space<vmem>> -> memref<1x128x128xf32, #tpu.memory_space<vmem>>
        %dma_wait3A_276 = tpu.memref_squeeze %dma_wait3A_275 : memref<1x128x128xf32, #tpu.memory_space<vmem>> -> memref<128x128xf32, #tpu.memory_space<vmem>>
        %dma_wait3A_277 = arith.constant 0 : i32
        %dma_wait3A_278 = tpu.memref_slice %arg8[%dma_wait3A_272, %dma_wait3A_277] : memref<96x128xi32, #tpu.memory_space<vmem>> -> memref<1x128xi32, #tpu.memory_space<vmem>>
        %dma_wait3A_279 = tpu.memref_squeeze %dma_wait3A_278 : memref<1x128xi32, #tpu.memory_space<vmem>> -> memref<128xi32, #tpu.memory_space<vmem>>
        %dma_wait3A_280 = arith.constant 0 : i32
        %dma_wait3A_281 = arith.constant 0 : i32
        %dma_wait3A_282 = tpu.memref_slice %arg7[%dma_wait3A_280, %dma_wait3A_281] : memref<10240x128xf32, #tpu.memory_space<vmem_shared>> -> memref<10240x128xf32, #tpu.memory_space<vmem_shared>>
        tpu.wait_indirect_dma semaphore(%arg13 : memref<!tpu.dma_semaphore, #tpu.memory_space<semaphore_mem>>) src(%dma_wait3A_276 : memref<128x128xf32, #tpu.memory_space<vmem>>) dst(%dma_wait3A_282 : memref<10240x128xf32, #tpu.memory_space<vmem_shared>>)
      } else {
      }
      %add3A_265 = arith.constant 1 : i32
      %add3A_266 = arith.addi %add3A_194, %add3A_265 : i32
      %lt3A_267 = arith.cmpi slt, %add3A_266, %select_n3A : i32
      %convert_element_type3A_268 = arith.extui %lt3A_267 : i1 to i32
      %cond3A_269 = arith.constant 0 : i32
      %cond3A_270 = arith.cmpi ne, %convert_element_type3A_268, %cond3A_269 : i32
      scf.if %cond3A_270 {
        %dma_wait3A_271 = arith.constant 0 : i32
        %dma_wait3A_272 = arith.constant 0 : i32
        %dma_wait3A_273 = tpu.memref_slice %arg9[%dma_wait3A_271, %dma_wait3A_272] : memref<2x128xi32, #tpu.memory_space<vmem>> -> memref<1x128xi32, #tpu.memory_space<vmem>>
        %dma_wait3A_274 = tpu.memref_squeeze %dma_wait3A_273 : memref<1x128xi32, #tpu.memory_space<vmem>> -> memref<128xi32, #tpu.memory_space<vmem>>
        %dma_wait3A_275 = arith.constant 0 : i32
        %dma_wait3A_276 = tpu.memref_slice %arg3[%select_n3A_8, %dma_wait3A_275] : memref<2656x128xi32, #tpu.memory_space<hbm>> -> memref<1x128xi32, #tpu.memory_space<hbm>>
        %dma_wait3A_277 = tpu.memref_squeeze %dma_wait3A_276 : memref<1x128xi32, #tpu.memory_space<hbm>> -> memref<128xi32, #tpu.memory_space<hbm>>
        %dma_wait3A_278 = arith.constant 0 : i32
        %dma_wait3A_279 = tpu.memref_slice %arg9[%dma_wait3A_271, %dma_wait3A_278] : memref<2x128xi32, #tpu.memory_space<vmem>> -> memref<1x128xi32, #tpu.memory_space<vmem>>
        %dma_wait3A_280 = tpu.memref_squeeze %dma_wait3A_279 : memref<1x128xi32, #tpu.memory_space<vmem>> -> memref<128xi32, #tpu.memory_space<vmem>>
        %dma_wait3A_281 = arith.constant 0 : i32
        %dma_wait3A_282 = tpu.memref_slice %arg3[%select_n3A_8, %dma_wait3A_281] : memref<2656x128xi32, #tpu.memory_space<hbm>> -> memref<1x128xi32, #tpu.memory_space<hbm>>
        %dma_wait3A_283 = tpu.memref_squeeze %dma_wait3A_282 : memref<1x128xi32, #tpu.memory_space<hbm>> -> memref<128xi32, #tpu.memory_space<hbm>>
        tpu.wait_dma2 semaphore(%arg11 : memref<!tpu.dma_semaphore, #tpu.memory_space<semaphore_mem>>) src(%dma_wait3A_283 : memref<128xi32, #tpu.memory_space<hbm>>) dst(%dma_wait3A_280 : memref<128xi32, #tpu.memory_space<vmem>>)
        %dma_start3A_284 = arith.constant 0 : i32
        %dma_start3A_285 = arith.constant 0 : i32
        %dma_start3A_286 = arith.constant 0 : i32
        %dma_start3A_287 = arith.constant 0 : i32
        %dma_start3A_288 = tpu.memref_slice %arg10[%dma_start3A_285, %dma_start3A_286, %dma_start3A_287] : memref<2x128x128xf32, #tpu.memory_space<vmem>> -> memref<1x32x128xf32, #tpu.memory_space<vmem>>
        %dma_start3A_289 = tpu.memref_squeeze %dma_start3A_288 : memref<1x32x128xf32, #tpu.memory_space<vmem>> -> memref<32x128xf32, #tpu.memory_space<vmem>>
        %dma_start3A_290 = arith.constant 0 : i32
        %dma_start3A_291 = tpu.memref_slice %arg9[%dma_start3A_284, %dma_start3A_290] : memref<2x128xi32, #tpu.memory_space<vmem>> -> memref<1x32xi32, #tpu.memory_space<vmem>>
        %dma_start3A_292 = tpu.memref_squeeze %dma_start3A_291 : memref<1x32xi32, #tpu.memory_space<vmem>> -> memref<32xi32, #tpu.memory_space<vmem>>
        %dma_start3A_293 = arith.constant 0 : i32
        %dma_start3A_294 = arith.constant 0 : i32
        %dma_start3A_295 = tpu.memref_slice %arg2[%dma_start3A_293, %dma_start3A_294] : memref<10000x128xf32, #tpu.memory_space<hbm>> -> memref<10000x128xf32, #tpu.memory_space<hbm>>
        tpu.enqueue_indirect_dma source(%dma_start3A_295 : memref<10000x128xf32, #tpu.memory_space<hbm>>) target(%dma_start3A_289 : memref<32x128xf32, #tpu.memory_space<vmem>>) offsets(%dma_start3A_292 : memref<32xi32, #tpu.memory_space<vmem>>) semaphore(%arg12 : memref<!tpu.dma_semaphore, #tpu.memory_space<semaphore_mem>>)
        %dma_start3A_296 = arith.constant 0 : i32
        %dma_start3A_297 = arith.constant 0 : i32
        %dma_start3A_298 = arith.constant 32 : i32
        %dma_start3A_299 = arith.constant 0 : i32
        %dma_start3A_300 = tpu.memref_slice %arg10[%dma_start3A_297, %dma_start3A_298, %dma_start3A_299] : memref<2x128x128xf32, #tpu.memory_space<vmem>> -> memref<1x32x128xf32, #tpu.memory_space<vmem>>
        %dma_start3A_301 = tpu.memref_squeeze %dma_start3A_300 : memref<1x32x128xf32, #tpu.memory_space<vmem>> -> memref<32x128xf32, #tpu.memory_space<vmem>>
        %dma_start3A_302 = arith.constant 32 : i32
        %dma_start3A_303 = tpu.memref_slice %arg9[%dma_start3A_296, %dma_start3A_302] : memref<2x128xi32, #tpu.memory_space<vmem>> -> memref<1x32xi32, #tpu.memory_space<vmem>>
        %dma_start3A_304 = tpu.memref_squeeze %dma_start3A_303 : memref<1x32xi32, #tpu.memory_space<vmem>> -> memref<32xi32, #tpu.memory_space<vmem>>
        %dma_start3A_305 = arith.constant 0 : i32
        %dma_start3A_306 = arith.constant 0 : i32
        %dma_start3A_307 = tpu.memref_slice %arg2[%dma_start3A_305, %dma_start3A_306] : memref<10000x128xf32, #tpu.memory_space<hbm>> -> memref<10000x128xf32, #tpu.memory_space<hbm>>
        tpu.enqueue_indirect_dma source(%dma_start3A_307 : memref<10000x128xf32, #tpu.memory_space<hbm>>) target(%dma_start3A_301 : memref<32x128xf32, #tpu.memory_space<vmem>>) offsets(%dma_start3A_304 : memref<32xi32, #tpu.memory_space<vmem>>) semaphore(%arg12 : memref<!tpu.dma_semaphore, #tpu.memory_space<semaphore_mem>>)
        %dma_start3A_308 = arith.constant 0 : i32
        %dma_start3A_309 = arith.constant 0 : i32
        %dma_start3A_310 = arith.constant 64 : i32
        %dma_start3A_311 = arith.constant 0 : i32
        %dma_start3A_312 = tpu.memref_slice %arg10[%dma_start3A_309, %dma_start3A_310, %dma_start3A_311] : memref<2x128x128xf32, #tpu.memory_space<vmem>> -> memref<1x32x128xf32, #tpu.memory_space<vmem>>
        %dma_start3A_313 = tpu.memref_squeeze %dma_start3A_312 : memref<1x32x128xf32, #tpu.memory_space<vmem>> -> memref<32x128xf32, #tpu.memory_space<vmem>>
        %dma_start3A_314 = arith.constant 64 : i32
        %dma_start3A_315 = tpu.memref_slice %arg9[%dma_start3A_308, %dma_start3A_314] : memref<2x128xi32, #tpu.memory_space<vmem>> -> memref<1x32xi32, #tpu.memory_space<vmem>>
        %dma_start3A_316 = tpu.memref_squeeze %dma_start3A_315 : memref<1x32xi32, #tpu.memory_space<vmem>> -> memref<32xi32, #tpu.memory_space<vmem>>
        %dma_start3A_317 = arith.constant 0 : i32
        %dma_start3A_318 = arith.constant 0 : i32
        %dma_start3A_319 = tpu.memref_slice %arg2[%dma_start3A_317, %dma_start3A_318] : memref<10000x128xf32, #tpu.memory_space<hbm>> -> memref<10000x128xf32, #tpu.memory_space<hbm>>
        tpu.enqueue_indirect_dma source(%dma_start3A_319 : memref<10000x128xf32, #tpu.memory_space<hbm>>) target(%dma_start3A_313 : memref<32x128xf32, #tpu.memory_space<vmem>>) offsets(%dma_start3A_316 : memref<32xi32, #tpu.memory_space<vmem>>) semaphore(%arg12 : memref<!tpu.dma_semaphore, #tpu.memory_space<semaphore_mem>>)
        %dma_start3A_320 = arith.constant 0 : i32
        %dma_start3A_321 = arith.constant 0 : i32
        %dma_start3A_322 = arith.constant 96 : i32
        %dma_start3A_323 = arith.constant 0 : i32
        %dma_start3A_324 = tpu.memref_slice %arg10[%dma_start3A_321, %dma_start3A_322, %dma_start3A_323] : memref<2x128x128xf32, #tpu.memory_space<vmem>> -> memref<1x32x128xf32, #tpu.memory_space<vmem>>
        %dma_start3A_325 = tpu.memref_squeeze %dma_start3A_324 : memref<1x32x128xf32, #tpu.memory_space<vmem>> -> memref<32x128xf32, #tpu.memory_space<vmem>>
        %dma_start3A_326 = arith.constant 96 : i32
        %dma_start3A_327 = tpu.memref_slice %arg9[%dma_start3A_320, %dma_start3A_326] : memref<2x128xi32, #tpu.memory_space<vmem>> -> memref<1x32xi32, #tpu.memory_space<vmem>>
        %dma_start3A_328 = tpu.memref_squeeze %dma_start3A_327 : memref<1x32xi32, #tpu.memory_space<vmem>> -> memref<32xi32, #tpu.memory_space<vmem>>
        %dma_start3A_329 = arith.constant 0 : i32
        %dma_start3A_330 = arith.constant 0 : i32
        %dma_start3A_331 = tpu.memref_slice %arg2[%dma_start3A_329, %dma_start3A_330] : memref<10000x128xf32, #tpu.memory_space<hbm>> -> memref<10000x128xf32, #tpu.memory_space<hbm>>
        tpu.enqueue_indirect_dma source(%dma_start3A_331 : memref<10000x128xf32, #tpu.memory_space<hbm>>) target(%dma_start3A_325 : memref<32x128xf32, #tpu.memory_space<vmem>>) offsets(%dma_start3A_328 : memref<32xi32, #tpu.memory_space<vmem>>) semaphore(%arg12 : memref<!tpu.dma_semaphore, #tpu.memory_space<semaphore_mem>>)
      } else {
      }
    }
    %dma_wait3A = arith.constant 0 : i32
    %dma_wait3A_100 = arith.constant 0 : i32
    %dma_wait3A_101 = arith.constant 0 : i32
    %dma_wait3A_102 = arith.constant 0 : i32
    %dma_wait3A_103 = tpu.memref_slice %arg10[%dma_wait3A, %dma_wait3A_101, %dma_wait3A_102] : memref<2x128x128xf32, #tpu.memory_space<vmem>> -> memref<1x128x128xf32, #tpu.memory_space<vmem>>
    %dma_wait3A_104 = tpu.memref_squeeze %dma_wait3A_103 : memref<1x128x128xf32, #tpu.memory_space<vmem>> -> memref<128x128xf32, #tpu.memory_space<vmem>>
    %dma_wait3A_105 = arith.constant 0 : i32
    %dma_wait3A_106 = tpu.memref_slice %arg8[%dma_wait3A_100, %dma_wait3A_105] : memref<96x128xi32, #tpu.memory_space<vmem>> -> memref<1x128xi32, #tpu.memory_space<vmem>>
    %dma_wait3A_107 = tpu.memref_squeeze %dma_wait3A_106 : memref<1x128xi32, #tpu.memory_space<vmem>> -> memref<128xi32, #tpu.memory_space<vmem>>
    %dma_wait3A_108 = arith.constant 0 : i32
    %dma_wait3A_109 = arith.constant 0 : i32
    %dma_wait3A_110 = tpu.memref_slice %arg7[%dma_wait3A_108, %dma_wait3A_109] : memref<10240x128xf32, #tpu.memory_space<vmem_shared>> -> memref<10240x128xf32, #tpu.memory_space<vmem_shared>>
    tpu.wait_indirect_dma semaphore(%arg13 : memref<!tpu.dma_semaphore, #tpu.memory_space<semaphore_mem>>) src(%dma_wait3A_104 : memref<128x128xf32, #tpu.memory_space<vmem>>) dst(%dma_wait3A_110 : memref<10240x128xf32, #tpu.memory_space<vmem_shared>>)
    %barrier3A_111 = arith.constant 0 : index
    tpu.barrier barrier_id(%barrier3A_111)
    %mul3A_112 = arith.constant 640 : i32
    %mul3A_113 = arith.muli %arg1, %mul3A_112 : i32
    "tpu.region"() ({
      %run_scoped3A_114 = tpu.sem_alloc : memref<!tpu.dma_semaphore, #tpu.memory_space<semaphore_mem>>
      %dma_start3A_115 = arith.constant 0 : i32
      %dma_start3A_116 = tpu.memref_slice %arg6[%arg0, %mul3A_113, %dma_start3A_115] : memref<2x10240x128xf32, #tpu.memory_space<hbm>> -> memref<1x640x128xf32, #tpu.memory_space<hbm>>
      %dma_start3A_117 = tpu.memref_squeeze %dma_start3A_116 : memref<1x640x128xf32, #tpu.memory_space<hbm>> -> memref<640x128xf32, #tpu.memory_space<hbm>>
      %dma_start3A_118 = arith.constant 0 : i32
      %dma_start3A_119 = tpu.memref_slice %arg7[%mul3A_113, %dma_start3A_118] : memref<10240x128xf32, #tpu.memory_space<vmem_shared>> -> memref<640x128xf32, #tpu.memory_space<vmem_shared>>
      tpu.enqueue_dma source(%dma_start3A_119 : memref<640x128xf32, #tpu.memory_space<vmem_shared>>) target(%dma_start3A_117 : memref<640x128xf32, #tpu.memory_space<hbm>>) target_semaphore(%run_scoped3A_114 : memref<!tpu.dma_semaphore, #tpu.memory_space<semaphore_mem>>)
      %dma_wait3A_120 = arith.constant 0 : i32
      %dma_wait3A_121 = tpu.memref_slice %arg6[%arg0, %mul3A_113, %dma_wait3A_120] : memref<2x10240x128xf32, #tpu.memory_space<hbm>> -> memref<1x640x128xf32, #tpu.memory_space<hbm>>
      %dma_wait3A_122 = tpu.memref_squeeze %dma_wait3A_121 : memref<1x640x128xf32, #tpu.memory_space<hbm>> -> memref<640x128xf32, #tpu.memory_space<hbm>>
      %dma_wait3A_123 = arith.constant 0 : i32
      %dma_wait3A_124 = tpu.memref_slice %arg7[%mul3A_113, %dma_wait3A_123] : memref<10240x128xf32, #tpu.memory_space<vmem_shared>> -> memref<640x128xf32, #tpu.memory_space<vmem_shared>>
      tpu.wait_dma2 semaphore(%run_scoped3A_114 : memref<!tpu.dma_semaphore, #tpu.memory_space<semaphore_mem>>) src(%dma_wait3A_124 : memref<640x128xf32, #tpu.memory_space<vmem_shared>>) dst(%dma_wait3A_122 : memref<640x128xf32, #tpu.memory_space<hbm>>)
      tpu.yield
    }) : () -> ()
    return
  }
}

#map = affine_map<(d0, d1) -> (0, 0)>
#map1 = affine_map<(d0, d1) -> (0, 0, 0)>
module attributes {stable_mosaic.version = 14 : i64} {
  func.func @_cnt(%arg0: i32, %arg1: i32, %arg2: memref<2656x128xi32, #tpu.memory_space<hbm>>, %arg3: memref<640x128xf32, #tpu.memory_space<hbm>>, %arg4: memref<128x128xf32, #tpu.memory_space<hbm>>, %arg5: memref<2x10240x128xf32, #tpu.memory_space<hbm>>, %arg6: memref<10240x128xf32, #tpu.memory_space<vmem_shared>>, %arg7: memref<80x128xi32, #tpu.memory_space<vmem>>, %arg8: memref<128x128xf32, #tpu.memory_space<vmem>>, %arg9: memref<!tpu.dma_semaphore, #tpu.memory_space<semaphore_mem>>) attributes {dimension_semantics = [#tpu.dimension_semantics<core_parallel>, #tpu.dimension_semantics<subcore_parallel>], iteration_bounds = array<i64: 2, 16>, scalar_prefetch = 0 : i64, scratch_operands = 4 : i64, tpu.core_type = #tpu.core_type<sc_vector_subcore>, window_params = [{transform_indices = #map}, {transform_indices = #map}, {transform_indices = #map}, {transform_indices = #map1}]} {
    %mul3A = arith.constant 16 : i32
    %mul3A_0 = arith.muli %arg0, %mul3A : i32
    %add3A = arith.addi %mul3A_0, %arg1 : i32
    %mul3A_1 = arith.constant 640 : i32
    %mul3A_2 = arith.muli %arg1, %mul3A_1 : i32
    "tpu.region"() ({
      %run_scoped3A = tpu.sem_alloc : memref<!tpu.dma_semaphore, #tpu.memory_space<semaphore_mem>>
      %dma_start3A = arith.constant 0 : i32
      %dma_start3A_68 = tpu.memref_slice %arg6[%mul3A_2, %dma_start3A] : memref<10240x128xf32, #tpu.memory_space<vmem_shared>> -> memref<640x128xf32, #tpu.memory_space<vmem_shared>>
      tpu.enqueue_dma source(%arg3 : memref<640x128xf32, #tpu.memory_space<hbm>>) target(%dma_start3A_68 : memref<640x128xf32, #tpu.memory_space<vmem_shared>>) target_semaphore(%run_scoped3A : memref<!tpu.dma_semaphore, #tpu.memory_space<semaphore_mem>>)
      %dma_wait3A_69 = arith.constant 0 : i32
      %dma_wait3A_70 = tpu.memref_slice %arg6[%mul3A_2, %dma_wait3A_69] : memref<10240x128xf32, #tpu.memory_space<vmem_shared>> -> memref<640x128xf32, #tpu.memory_space<vmem_shared>>
      tpu.wait_dma2 semaphore(%run_scoped3A : memref<!tpu.dma_semaphore, #tpu.memory_space<semaphore_mem>>) src(%arg3 : memref<640x128xf32, #tpu.memory_space<hbm>>) dst(%dma_wait3A_70 : memref<640x128xf32, #tpu.memory_space<vmem_shared>>)
      tpu.yield
    }) : () -> ()
    "tpu.region"() ({
      %run_scoped3A = tpu.sem_alloc : memref<!tpu.dma_semaphore, #tpu.memory_space<semaphore_mem>>
      tpu.enqueue_dma source(%arg4 : memref<128x128xf32, #tpu.memory_space<hbm>>) target(%arg8 : memref<128x128xf32, #tpu.memory_space<vmem>>) target_semaphore(%run_scoped3A : memref<!tpu.dma_semaphore, #tpu.memory_space<semaphore_mem>>)
      tpu.wait_dma2 semaphore(%run_scoped3A : memref<!tpu.dma_semaphore, #tpu.memory_space<semaphore_mem>>) src(%arg4 : memref<128x128xf32, #tpu.memory_space<hbm>>) dst(%arg8 : memref<128x128xf32, #tpu.memory_space<vmem>>)
      tpu.yield
    }) : () -> ()
    %mul3A_3 = arith.constant 80 : i32
    %mul3A_4 = arith.muli %add3A, %mul3A_3 : i32
    "tpu.region"() ({
      %run_scoped3A = tpu.sem_alloc : memref<!tpu.dma_semaphore, #tpu.memory_space<semaphore_mem>>
      %dma_start3A = arith.constant 0 : i32
      %dma_start3A_68 = tpu.memref_slice %arg2[%mul3A_4, %dma_start3A] : memref<2656x128xi32, #tpu.memory_space<hbm>> -> memref<80x128xi32, #tpu.memory_space<hbm>>
      %dma_start3A_69 = arith.constant 0 : i32
      %dma_start3A_70 = tpu.memref_slice %arg2[%mul3A_4, %dma_start3A_69] : memref<2656x128xi32, #tpu.memory_space<hbm>> -> memref<80x128xi32, #tpu.memory_space<hbm>>
      tpu.enqueue_dma source(%dma_start3A_70 : memref<80x128xi32, #tpu.memory_space<hbm>>) target(%arg7 : memref<80x128xi32, #tpu.memory_space<vmem>>) target_semaphore(%run_scoped3A : memref<!tpu.dma_semaphore, #tpu.memory_space<semaphore_mem>>)
      %dma_wait3A_71 = arith.constant 0 : i32
      %dma_wait3A_72 = tpu.memref_slice %arg2[%mul3A_4, %dma_wait3A_71] : memref<2656x128xi32, #tpu.memory_space<hbm>> -> memref<80x128xi32, #tpu.memory_space<hbm>>
      %dma_wait3A_73 = arith.constant 0 : i32
      %dma_wait3A_74 = tpu.memref_slice %arg2[%mul3A_4, %dma_wait3A_73] : memref<2656x128xi32, #tpu.memory_space<hbm>> -> memref<80x128xi32, #tpu.memory_space<hbm>>
      tpu.wait_dma2 semaphore(%run_scoped3A : memref<!tpu.dma_semaphore, #tpu.memory_space<semaphore_mem>>) src(%dma_wait3A_74 : memref<80x128xi32, #tpu.memory_space<hbm>>) dst(%arg7 : memref<80x128xi32, #tpu.memory_space<vmem>>)
      tpu.yield
    }) : () -> ()
    %barrier3A = arith.constant 0 : index
    tpu.barrier barrier_id(%barrier3A)
    %scan3A = arith.constant 0 : i32
    %scan3A_5 = arith.constant 0 : i32
    %scan3A_6 = arith.constant 80 : i32
    %scan3A_7 = arith.addi %scan3A_5, %scan3A_6 : i32
    %scan3A_8 = arith.constant 1 : i32
    scf.for %scan3A_68 = %scan3A_5 to %scan3A_7 step %scan3A_8  : i32 {
      %dma_start3A = arith.constant 0 : i32
      %dma_start3A_69 = tpu.memref_slice %arg7[%scan3A_68, %dma_start3A] : memref<80x128xi32, #tpu.memory_space<vmem>> -> memref<1x128xi32, #tpu.memory_space<vmem>>
      %dma_start3A_70 = tpu.memref_squeeze %dma_start3A_69 : memref<1x128xi32, #tpu.memory_space<vmem>> -> memref<128xi32, #tpu.memory_space<vmem>>
      %dma_start3A_71 = arith.constant 0 : i32
      %dma_start3A_72 = arith.constant 0 : i32
      %dma_start3A_73 = tpu.memref_slice %arg6[%dma_start3A_71, %dma_start3A_72] : memref<10240x128xf32, #tpu.memory_space<vmem_shared>> -> memref<10240x128xf32, #tpu.memory_space<vmem_shared>>
      tpu.enqueue_indirect_dma source(%arg8 : memref<128x128xf32, #tpu.memory_space<vmem>>) target(%dma_start3A_73 : memref<10240x128xf32, #tpu.memory_space<vmem_shared>>) offsets(%dma_start3A_70 : memref<128xi32, #tpu.memory_space<vmem>>) semaphore(%arg9 : memref<!tpu.dma_semaphore, #tpu.memory_space<semaphore_mem>>) {add = true}
      %ge3A = arith.constant 8 : i32
      %ge3A_74 = arith.cmpi sge, %scan3A_68, %ge3A : i32
      %convert_element_type3A = arith.extui %ge3A_74 : i1 to i32
      %cond3A = arith.constant 0 : i32
      %cond3A_75 = arith.cmpi ne, %convert_element_type3A, %cond3A : i32
      scf.if %cond3A_75 {
        %dma_wait3A_76 = arith.constant 0 : i32
        %dma_wait3A_77 = arith.constant 0 : i32
        %dma_wait3A_78 = tpu.memref_slice %arg7[%dma_wait3A_76, %dma_wait3A_77] : memref<80x128xi32, #tpu.memory_space<vmem>> -> memref<1x128xi32, #tpu.memory_space<vmem>>
        %dma_wait3A_79 = tpu.memref_squeeze %dma_wait3A_78 : memref<1x128xi32, #tpu.memory_space<vmem>> -> memref<128xi32, #tpu.memory_space<vmem>>
        %dma_wait3A_80 = arith.constant 0 : i32
        %dma_wait3A_81 = arith.constant 0 : i32
        %dma_wait3A_82 = tpu.memref_slice %arg6[%dma_wait3A_80, %dma_wait3A_81] : memref<10240x128xf32, #tpu.memory_space<vmem_shared>> -> memref<10240x128xf32, #tpu.memory_space<vmem_shared>>
        tpu.wait_indirect_dma semaphore(%arg9 : memref<!tpu.dma_semaphore, #tpu.memory_space<semaphore_mem>>) src(%arg8 : memref<128x128xf32, #tpu.memory_space<vmem>>) dst(%dma_wait3A_82 : memref<10240x128xf32, #tpu.memory_space<vmem_shared>>)
      } else {
      }
    }
    %scan3A_9 = arith.constant 80 : i32
    %dma_wait3A = arith.constant 0 : i32
    %dma_wait3A_10 = arith.constant 0 : i32
    %dma_wait3A_11 = tpu.memref_slice %arg7[%dma_wait3A, %dma_wait3A_10] : memref<80x128xi32, #tpu.memory_space<vmem>> -> memref<1x128xi32, #tpu.memory_space<vmem>>
    %dma_wait3A_12 = tpu.memref_squeeze %dma_wait3A_11 : memref<1x128xi32, #tpu.memory_space<vmem>> -> memref<128xi32, #tpu.memory_space<vmem>>
    %dma_wait3A_13 = arith.constant 0 : i32
    %dma_wait3A_14 = arith.constant 0 : i32
    %dma_wait3A_15 = tpu.memref_slice %arg6[%dma_wait3A_13, %dma_wait3A_14] : memref<10240x128xf32, #tpu.memory_space<vmem_shared>> -> memref<10240x128xf32, #tpu.memory_space<vmem_shared>>
    tpu.wait_indirect_dma semaphore(%arg9 : memref<!tpu.dma_semaphore, #tpu.memory_space<semaphore_mem>>) src(%arg8 : memref<128x128xf32, #tpu.memory_space<vmem>>) dst(%dma_wait3A_15 : memref<10240x128xf32, #tpu.memory_space<vmem_shared>>)
    %dma_wait3A_16 = arith.constant 0 : i32
    %dma_wait3A_17 = arith.constant 0 : i32
    %dma_wait3A_18 = tpu.memref_slice %arg7[%dma_wait3A_16, %dma_wait3A_17] : memref<80x128xi32, #tpu.memory_space<vmem>> -> memref<1x128xi32, #tpu.memory_space<vmem>>
    %dma_wait3A_19 = tpu.memref_squeeze %dma_wait3A_18 : memref<1x128xi32, #tpu.memory_space<vmem>> -> memref<128xi32, #tpu.memory_space<vmem>>
    %dma_wait3A_20 = arith.constant 0 : i32
    %dma_wait3A_21 = arith.constant 0 : i32
    %dma_wait3A_22 = tpu.memref_slice %arg6[%dma_wait3A_20, %dma_wait3A_21] : memref<10240x128xf32, #tpu.memory_space<vmem_shared>> -> memref<10240x128xf32, #tpu.memory_space<vmem_shared>>
    tpu.wait_indirect_dma semaphore(%arg9 : memref<!tpu.dma_semaphore, #tpu.memory_space<semaphore_mem>>) src(%arg8 : memref<128x128xf32, #tpu.memory_space<vmem>>) dst(%dma_wait3A_22 : memref<10240x128xf32, #tpu.memory_space<vmem_shared>>)
    %dma_wait3A_23 = arith.constant 0 : i32
    %dma_wait3A_24 = arith.constant 0 : i32
    %dma_wait3A_25 = tpu.memref_slice %arg7[%dma_wait3A_23, %dma_wait3A_24] : memref<80x128xi32, #tpu.memory_space<vmem>> -> memref<1x128xi32, #tpu.memory_space<vmem>>
    %dma_wait3A_26 = tpu.memref_squeeze %dma_wait3A_25 : memref<1x128xi32, #tpu.memory_space<vmem>> -> memref<128xi32, #tpu.memory_space<vmem>>
    %dma_wait3A_27 = arith.constant 0 : i32
    %dma_wait3A_28 = arith.constant 0 : i32
    %dma_wait3A_29 = tpu.memref_slice %arg6[%dma_wait3A_27, %dma_wait3A_28] : memref<10240x128xf32, #tpu.memory_space<vmem_shared>> -> memref<10240x128xf32, #tpu.memory_space<vmem_shared>>
    tpu.wait_indirect_dma semaphore(%arg9 : memref<!tpu.dma_semaphore, #tpu.memory_space<semaphore_mem>>) src(%arg8 : memref<128x128xf32, #tpu.memory_space<vmem>>) dst(%dma_wait3A_29 : memref<10240x128xf32, #tpu.memory_space<vmem_shared>>)
    %dma_wait3A_30 = arith.constant 0 : i32
    %dma_wait3A_31 = arith.constant 0 : i32
    %dma_wait3A_32 = tpu.memref_slice %arg7[%dma_wait3A_30, %dma_wait3A_31] : memref<80x128xi32, #tpu.memory_space<vmem>> -> memref<1x128xi32, #tpu.memory_space<vmem>>
    %dma_wait3A_33 = tpu.memref_squeeze %dma_wait3A_32 : memref<1x128xi32, #tpu.memory_space<vmem>> -> memref<128xi32, #tpu.memory_space<vmem>>
    %dma_wait3A_34 = arith.constant 0 : i32
    %dma_wait3A_35 = arith.constant 0 : i32
    %dma_wait3A_36 = tpu.memref_slice %arg6[%dma_wait3A_34, %dma_wait3A_35] : memref<10240x128xf32, #tpu.memory_space<vmem_shared>> -> memref<10240x128xf32, #tpu.memory_space<vmem_shared>>
    tpu.wait_indirect_dma semaphore(%arg9 : memref<!tpu.dma_semaphore, #tpu.memory_space<semaphore_mem>>) src(%arg8 : memref<128x128xf32, #tpu.memory_space<vmem>>) dst(%dma_wait3A_36 : memref<10240x128xf32, #tpu.memory_space<vmem_shared>>)
    %dma_wait3A_37 = arith.constant 0 : i32
    %dma_wait3A_38 = arith.constant 0 : i32
    %dma_wait3A_39 = tpu.memref_slice %arg7[%dma_wait3A_37, %dma_wait3A_38] : memref<80x128xi32, #tpu.memory_space<vmem>> -> memref<1x128xi32, #tpu.memory_space<vmem>>
    %dma_wait3A_40 = tpu.memref_squeeze %dma_wait3A_39 : memref<1x128xi32, #tpu.memory_space<vmem>> -> memref<128xi32, #tpu.memory_space<vmem>>
    %dma_wait3A_41 = arith.constant 0 : i32
    %dma_wait3A_42 = arith.constant 0 : i32
    %dma_wait3A_43 = tpu.memref_slice %arg6[%dma_wait3A_41, %dma_wait3A_42] : memref<10240x128xf32, #tpu.memory_space<vmem_shared>> -> memref<10240x128xf32, #tpu.memory_space<vmem_shared>>
    tpu.wait_indirect_dma semaphore(%arg9 : memref<!tpu.dma_semaphore, #tpu.memory_space<semaphore_mem>>) src(%arg8 : memref<128x128xf32, #tpu.memory_space<vmem>>) dst(%dma_wait3A_43 : memref<10240x128xf32, #tpu.memory_space<vmem_shared>>)
    %dma_wait3A_44 = arith.constant 0 : i32
    %dma_wait3A_45 = arith.constant 0 : i32
    %dma_wait3A_46 = tpu.memref_slice %arg7[%dma_wait3A_44, %dma_wait3A_45] : memref<80x128xi32, #tpu.memory_space<vmem>> -> memref<1x128xi32, #tpu.memory_space<vmem>>
    %dma_wait3A_47 = tpu.memref_squeeze %dma_wait3A_46 : memref<1x128xi32, #tpu.memory_space<vmem>> -> memref<128xi32, #tpu.memory_space<vmem>>
    %dma_wait3A_48 = arith.constant 0 : i32
    %dma_wait3A_49 = arith.constant 0 : i32
    %dma_wait3A_50 = tpu.memref_slice %arg6[%dma_wait3A_48, %dma_wait3A_49] : memref<10240x128xf32, #tpu.memory_space<vmem_shared>> -> memref<10240x128xf32, #tpu.memory_space<vmem_shared>>
    tpu.wait_indirect_dma semaphore(%arg9 : memref<!tpu.dma_semaphore, #tpu.memory_space<semaphore_mem>>) src(%arg8 : memref<128x128xf32, #tpu.memory_space<vmem>>) dst(%dma_wait3A_50 : memref<10240x128xf32, #tpu.memory_space<vmem_shared>>)
    %dma_wait3A_51 = arith.constant 0 : i32
    %dma_wait3A_52 = arith.constant 0 : i32
    %dma_wait3A_53 = tpu.memref_slice %arg7[%dma_wait3A_51, %dma_wait3A_52] : memref<80x128xi32, #tpu.memory_space<vmem>> -> memref<1x128xi32, #tpu.memory_space<vmem>>
    %dma_wait3A_54 = tpu.memref_squeeze %dma_wait3A_53 : memref<1x128xi32, #tpu.memory_space<vmem>> -> memref<128xi32, #tpu.memory_space<vmem>>
    %dma_wait3A_55 = arith.constant 0 : i32
    %dma_wait3A_56 = arith.constant 0 : i32
    %dma_wait3A_57 = tpu.memref_slice %arg6[%dma_wait3A_55, %dma_wait3A_56] : memref<10240x128xf32, #tpu.memory_space<vmem_shared>> -> memref<10240x128xf32, #tpu.memory_space<vmem_shared>>
    tpu.wait_indirect_dma semaphore(%arg9 : memref<!tpu.dma_semaphore, #tpu.memory_space<semaphore_mem>>) src(%arg8 : memref<128x128xf32, #tpu.memory_space<vmem>>) dst(%dma_wait3A_57 : memref<10240x128xf32, #tpu.memory_space<vmem_shared>>)
    %dma_wait3A_58 = arith.constant 0 : i32
    %dma_wait3A_59 = arith.constant 0 : i32
    %dma_wait3A_60 = tpu.memref_slice %arg7[%dma_wait3A_58, %dma_wait3A_59] : memref<80x128xi32, #tpu.memory_space<vmem>> -> memref<1x128xi32, #tpu.memory_space<vmem>>
    %dma_wait3A_61 = tpu.memref_squeeze %dma_wait3A_60 : memref<1x128xi32, #tpu.memory_space<vmem>> -> memref<128xi32, #tpu.memory_space<vmem>>
    %dma_wait3A_62 = arith.constant 0 : i32
    %dma_wait3A_63 = arith.constant 0 : i32
    %dma_wait3A_64 = tpu.memref_slice %arg6[%dma_wait3A_62, %dma_wait3A_63] : memref<10240x128xf32, #tpu.memory_space<vmem_shared>> -> memref<10240x128xf32, #tpu.memory_space<vmem_shared>>
    tpu.wait_indirect_dma semaphore(%arg9 : memref<!tpu.dma_semaphore, #tpu.memory_space<semaphore_mem>>) src(%arg8 : memref<128x128xf32, #tpu.memory_space<vmem>>) dst(%dma_wait3A_64 : memref<10240x128xf32, #tpu.memory_space<vmem_shared>>)
    %barrier3A_65 = arith.constant 0 : index
    tpu.barrier barrier_id(%barrier3A_65)
    %mul3A_66 = arith.constant 640 : i32
    %mul3A_67 = arith.muli %arg1, %mul3A_66 : i32
    "tpu.region"() ({
      %run_scoped3A = tpu.sem_alloc : memref<!tpu.dma_semaphore, #tpu.memory_space<semaphore_mem>>
      %dma_start3A = arith.constant 0 : i32
      %dma_start3A_68 = tpu.memref_slice %arg5[%arg0, %mul3A_67, %dma_start3A] : memref<2x10240x128xf32, #tpu.memory_space<hbm>> -> memref<1x640x128xf32, #tpu.memory_space<hbm>>
      %dma_start3A_69 = tpu.memref_squeeze %dma_start3A_68 : memref<1x640x128xf32, #tpu.memory_space<hbm>> -> memref<640x128xf32, #tpu.memory_space<hbm>>
      %dma_start3A_70 = arith.constant 0 : i32
      %dma_start3A_71 = tpu.memref_slice %arg6[%mul3A_67, %dma_start3A_70] : memref<10240x128xf32, #tpu.memory_space<vmem_shared>> -> memref<640x128xf32, #tpu.memory_space<vmem_shared>>
      tpu.enqueue_dma source(%dma_start3A_71 : memref<640x128xf32, #tpu.memory_space<vmem_shared>>) target(%dma_start3A_69 : memref<640x128xf32, #tpu.memory_space<hbm>>) target_semaphore(%run_scoped3A : memref<!tpu.dma_semaphore, #tpu.memory_space<semaphore_mem>>)
      %dma_wait3A_72 = arith.constant 0 : i32
      %dma_wait3A_73 = tpu.memref_slice %arg5[%arg0, %mul3A_67, %dma_wait3A_72] : memref<2x10240x128xf32, #tpu.memory_space<hbm>> -> memref<1x640x128xf32, #tpu.memory_space<hbm>>
      %dma_wait3A_74 = tpu.memref_squeeze %dma_wait3A_73 : memref<1x640x128xf32, #tpu.memory_space<hbm>> -> memref<640x128xf32, #tpu.memory_space<hbm>>
      %dma_wait3A_75 = arith.constant 0 : i32
      %dma_wait3A_76 = tpu.memref_slice %arg6[%mul3A_67, %dma_wait3A_75] : memref<10240x128xf32, #tpu.memory_space<vmem_shared>> -> memref<640x128xf32, #tpu.memory_space<vmem_shared>>
      tpu.wait_dma2 semaphore(%run_scoped3A : memref<!tpu.dma_semaphore, #tpu.memory_space<semaphore_mem>>) src(%dma_wait3A_76 : memref<640x128xf32, #tpu.memory_space<vmem_shared>>) dst(%dma_wait3A_74 : memref<640x128xf32, #tpu.memory_space<hbm>>)
      tpu.yield
    }) : () -> ()
    return
  }
}

#map = affine_map<(d0, d1) -> (0, 0)>
#map1 = affine_map<(d0, d1) -> (0, 0, 0)>
module attributes {stable_mosaic.version = 14 : i64} {
  func.func @_agg(%arg0: i32, %arg1: i32, %arg2: memref<10000x128xf32, #tpu.memory_space<hbm>>, %arg3: memref<2656x128xi32, #tpu.memory_space<hbm>>, %arg4: memref<2656x128xi32, #tpu.memory_space<hbm>>, %arg5: memref<640x128xf32, #tpu.memory_space<hbm>>, %arg6: memref<2x10240x128xf32, #tpu.memory_space<hbm>>, %arg7: memref<10240x128xf32, #tpu.memory_space<vmem_shared>>, %arg8: memref<96x128xi32, #tpu.memory_space<vmem>>, %arg9: memref<2x128xi32, #tpu.memory_space<vmem>>, %arg10: memref<2x128x128xf32, #tpu.memory_space<vmem>>, %arg11: memref<!tpu.dma_semaphore, #tpu.memory_space<semaphore_mem>>, %arg12: memref<!tpu.dma_semaphore, #tpu.memory_space<semaphore_mem>>, %arg13: memref<!tpu.dma_semaphore, #tpu.memory_space<semaphore_mem>>) attributes {dimension_semantics = [#tpu.dimension_semantics<core_parallel>, #tpu.dimension_semantics<subcore_parallel>], iteration_bounds = array<i64: 2, 16>, scalar_prefetch = 0 : i64, scratch_operands = 7 : i64, tpu.core_type = #tpu.core_type<sc_vector_subcore>, window_params = [{transform_indices = #map}, {transform_indices = #map}, {transform_indices = #map}, {transform_indices = #map}, {transform_indices = #map1}]} {
    %eq3A = arith.constant 0 : i32
    %eq3A_0 = arith.cmpi eq, %arg0, %eq3A : i32
    %jit3A = arith.constant 96 : i32
    %jit3A_1 = arith.constant 64 : i32
    %select_n3A = arith.select %eq3A_0, %jit3A, %jit3A_1 : i32
    %eq3A_2 = arith.constant 0 : i32
    %eq3A_3 = arith.cmpi eq, %arg0, %eq3A_2 : i32
    %mul3A = arith.constant 96 : i32
    %mul3A_4 = arith.muli %arg1, %mul3A : i32
    %mul3A_5 = arith.constant 64 : i32
    %mul3A_6 = arith.muli %arg1, %mul3A_5 : i32
    %add3A = arith.constant 1536 : i32
    %add3A_7 = arith.addi %add3A, %mul3A_6 : i32
    %select_n3A_8 = arith.select %eq3A_3, %mul3A_4, %add3A_7 : i32
    %mul3A_9 = arith.constant 640 : i32
    %mul3A_10 = arith.muli %arg1, %mul3A_9 : i32
    "tpu.region"() ({
      %run_scoped3A_114 = tpu.sem_alloc : memref<!tpu.dma_semaphore, #tpu.memory_space<semaphore_mem>>
      %dma_start3A_115 = arith.constant 0 : i32
      %dma_start3A_116 = tpu.memref_slice %arg7[%mul3A_10, %dma_start3A_115] : memref<10240x128xf32, #tpu.memory_space<vmem_shared>> -> memref<640x128xf32, #tpu.memory_space<vmem_shared>>
      tpu.enqueue_dma source(%arg5 : memref<640x128xf32, #tpu.memory_space<hbm>>) target(%dma_start3A_116 : memref<640x128xf32, #tpu.memory_space<vmem_shared>>) target_semaphore(%run_scoped3A_114 : memref<!tpu.dma_semaphore, #tpu.memory_space<semaphore_mem>>)
      %dma_wait3A_117 = arith.constant 0 : i32
      %dma_wait3A_118 = tpu.memref_slice %arg7[%mul3A_10, %dma_wait3A_117] : memref<10240x128xf32, #tpu.memory_space<vmem_shared>> -> memref<640x128xf32, #tpu.memory_space<vmem_shared>>
      tpu.wait_dma2 semaphore(%run_scoped3A_114 : memref<!tpu.dma_semaphore, #tpu.memory_space<semaphore_mem>>) src(%arg5 : memref<640x128xf32, #tpu.memory_space<hbm>>) dst(%dma_wait3A_118 : memref<640x128xf32, #tpu.memory_space<vmem_shared>>)
      tpu.yield
    }) : () -> ()
    "tpu.region"() ({
      %run_scoped3A_114 = tpu.sem_alloc : memref<!tpu.dma_semaphore, #tpu.memory_space<semaphore_mem>>
      %dma_start3A_115 = arith.constant 0 : i32
      %dma_start3A_116 = tpu.memref_slice %arg4[%select_n3A_8, %dma_start3A_115] : memref<2656x128xi32, #tpu.memory_space<hbm>> -> memref<96x128xi32, #tpu.memory_space<hbm>>
      %dma_start3A_117 = arith.constant 0 : i32
      %dma_start3A_118 = tpu.memref_slice %arg4[%select_n3A_8, %dma_start3A_117] : memref<2656x128xi32, #tpu.memory_space<hbm>> -> memref<96x128xi32, #tpu.memory_space<hbm>>
      tpu.enqueue_dma source(%dma_start3A_118 : memref<96x128xi32, #tpu.memory_space<hbm>>) target(%arg8 : memref<96x128xi32, #tpu.memory_space<vmem>>) target_semaphore(%run_scoped3A_114 : memref<!tpu.dma_semaphore, #tpu.memory_space<semaphore_mem>>)
      %dma_wait3A_119 = arith.constant 0 : i32
      %dma_wait3A_120 = tpu.memref_slice %arg4[%select_n3A_8, %dma_wait3A_119] : memref<2656x128xi32, #tpu.memory_space<hbm>> -> memref<96x128xi32, #tpu.memory_space<hbm>>
      %dma_wait3A_121 = arith.constant 0 : i32
      %dma_wait3A_122 = tpu.memref_slice %arg4[%select_n3A_8, %dma_wait3A_121] : memref<2656x128xi32, #tpu.memory_space<hbm>> -> memref<96x128xi32, #tpu.memory_space<hbm>>
      tpu.wait_dma2 semaphore(%run_scoped3A_114 : memref<!tpu.dma_semaphore, #tpu.memory_space<semaphore_mem>>) src(%dma_wait3A_122 : memref<96x128xi32, #tpu.memory_space<hbm>>) dst(%arg8 : memref<96x128xi32, #tpu.memory_space<vmem>>)
      tpu.yield
    }) : () -> ()
    %run_scoped3A = arith.constant 0 : i32
    "tpu.region"() ({
      %run_scoped3A_114 = tpu.sem_alloc : memref<!tpu.dma_semaphore, #tpu.memory_space<semaphore_mem>>
      %dma_start3A_115 = arith.constant 0 : i32
      %dma_start3A_116 = tpu.memref_slice %arg9[%run_scoped3A, %dma_start3A_115] : memref<2x128xi32, #tpu.memory_space<vmem>> -> memref<1x128xi32, #tpu.memory_space<vmem>>
      %dma_start3A_117 = tpu.memref_squeeze %dma_start3A_116 : memref<1x128xi32, #tpu.memory_space<vmem>> -> memref<128xi32, #tpu.memory_space<vmem>>
      %dma_start3A_118 = arith.constant 0 : i32
      %dma_start3A_119 = tpu.memref_slice %arg3[%select_n3A_8, %dma_start3A_118] : memref<2656x128xi32, #tpu.memory_space<hbm>> -> memref<1x128xi32, #tpu.memory_space<hbm>>
      %dma_start3A_120 = tpu.memref_squeeze %dma_start3A_119 : memref<1x128xi32, #tpu.memory_space<hbm>> -> memref<128xi32, #tpu.memory_space<hbm>>
      %dma_start3A_121 = arith.constant 0 : i32
      %dma_start3A_122 = tpu.memref_slice %arg9[%run_scoped3A, %dma_start3A_121] : memref<2x128xi32, #tpu.memory_space<vmem>> -> memref<1x128xi32, #tpu.memory_space<vmem>>
      %dma_start3A_123 = tpu.memref_squeeze %dma_start3A_122 : memref<1x128xi32, #tpu.memory_space<vmem>> -> memref<128xi32, #tpu.memory_space<vmem>>
      %dma_start3A_124 = arith.constant 0 : i32
      %dma_start3A_125 = tpu.memref_slice %arg3[%select_n3A_8, %dma_start3A_124] : memref<2656x128xi32, #tpu.memory_space<hbm>> -> memref<1x128xi32, #tpu.memory_space<hbm>>
      %dma_start3A_126 = tpu.memref_squeeze %dma_start3A_125 : memref<1x128xi32, #tpu.memory_space<hbm>> -> memref<128xi32, #tpu.memory_space<hbm>>
      tpu.enqueue_dma source(%dma_start3A_126 : memref<128xi32, #tpu.memory_space<hbm>>) target(%dma_start3A_123 : memref<128xi32, #tpu.memory_space<vmem>>) target_semaphore(%run_scoped3A_114 : memref<!tpu.dma_semaphore, #tpu.memory_space<semaphore_mem>>)
      %dma_wait3A_127 = arith.constant 0 : i32
      %dma_wait3A_128 = tpu.memref_slice %arg9[%run_scoped3A, %dma_wait3A_127] : memref<2x128xi32, #tpu.memory_space<vmem>> -> memref<1x128xi32, #tpu.memory_space<vmem>>
      %dma_wait3A_129 = tpu.memref_squeeze %dma_wait3A_128 : memref<1x128xi32, #tpu.memory_space<vmem>> -> memref<128xi32, #tpu.memory_space<vmem>>
      %dma_wait3A_130 = arith.constant 0 : i32
      %dma_wait3A_131 = tpu.memref_slice %arg3[%select_n3A_8, %dma_wait3A_130] : memref<2656x128xi32, #tpu.memory_space<hbm>> -> memref<1x128xi32, #tpu.memory_space<hbm>>
      %dma_wait3A_132 = tpu.memref_squeeze %dma_wait3A_131 : memref<1x128xi32, #tpu.memory_space<hbm>> -> memref<128xi32, #tpu.memory_space<hbm>>
      %dma_wait3A_133 = arith.constant 0 : i32
      %dma_wait3A_134 = tpu.memref_slice %arg9[%run_scoped3A, %dma_wait3A_133] : memref<2x128xi32, #tpu.memory_space<vmem>> -> memref<1x128xi32, #tpu.memory_space<vmem>>
      %dma_wait3A_135 = tpu.memref_squeeze %dma_wait3A_134 : memref<1x128xi32, #tpu.memory_space<vmem>> -> memref<128xi32, #tpu.memory_space<vmem>>
      %dma_wait3A_136 = arith.constant 0 : i32
      %dma_wait3A_137 = tpu.memref_slice %arg3[%select_n3A_8, %dma_wait3A_136] : memref<2656x128xi32, #tpu.memory_space<hbm>> -> memref<1x128xi32, #tpu.memory_space<hbm>>
      %dma_wait3A_138 = tpu.memref_squeeze %dma_wait3A_137 : memref<1x128xi32, #tpu.memory_space<hbm>> -> memref<128xi32, #tpu.memory_space<hbm>>
      tpu.wait_dma2 semaphore(%run_scoped3A_114 : memref<!tpu.dma_semaphore, #tpu.memory_space<semaphore_mem>>) src(%dma_wait3A_138 : memref<128xi32, #tpu.memory_space<hbm>>) dst(%dma_wait3A_135 : memref<128xi32, #tpu.memory_space<vmem>>)
      tpu.yield
    }) : () -> ()
    %barrier3A = arith.constant 0 : index
    tpu.barrier barrier_id(%barrier3A)
    %dma_start3A = arith.constant 0 : i32
    %dma_start3A_11 = arith.constant 0 : i32
    %dma_start3A_12 = arith.constant 0 : i32
    %dma_start3A_13 = arith.constant 0 : i32
    %dma_start3A_14 = tpu.memref_slice %arg10[%dma_start3A_11, %dma_start3A_12, %dma_start3A_13] : memref<2x128x128xf32, #tpu.memory_space<vmem>> -> memref<1x32x128xf32, #tpu.memory_space<vmem>>
    %dma_start3A_15 = tpu.memref_squeeze %dma_start3A_14 : memref<1x32x128xf32, #tpu.memory_space<vmem>> -> memref<32x128xf32, #tpu.memory_space<vmem>>
    %dma_start3A_16 = arith.constant 0 : i32
    %dma_start3A_17 = tpu.memref_slice %arg9[%dma_start3A, %dma_start3A_16] : memref<2x128xi32, #tpu.memory_space<vmem>> -> memref<1x32xi32, #tpu.memory_space<vmem>>
    %dma_start3A_18 = tpu.memref_squeeze %dma_start3A_17 : memref<1x32xi32, #tpu.memory_space<vmem>> -> memref<32xi32, #tpu.memory_space<vmem>>
    %dma_start3A_19 = arith.constant 0 : i32
    %dma_start3A_20 = arith.constant 0 : i32
    %dma_start3A_21 = tpu.memref_slice %arg2[%dma_start3A_19, %dma_start3A_20] : memref<10000x128xf32, #tpu.memory_space<hbm>> -> memref<10000x128xf32, #tpu.memory_space<hbm>>
    tpu.enqueue_indirect_dma source(%dma_start3A_21 : memref<10000x128xf32, #tpu.memory_space<hbm>>) target(%dma_start3A_15 : memref<32x128xf32, #tpu.memory_space<vmem>>) offsets(%dma_start3A_18 : memref<32xi32, #tpu.memory_space<vmem>>) semaphore(%arg12 : memref<!tpu.dma_semaphore, #tpu.memory_space<semaphore_mem>>)
    %dma_start3A_22 = arith.constant 0 : i32
    %dma_start3A_23 = arith.constant 0 : i32
    %dma_start3A_24 = arith.constant 32 : i32
    %dma_start3A_25 = arith.constant 0 : i32
    %dma_start3A_26 = tpu.memref_slice %arg10[%dma_start3A_23, %dma_start3A_24, %dma_start3A_25] : memref<2x128x128xf32, #tpu.memory_space<vmem>> -> memref<1x32x128xf32, #tpu.memory_space<vmem>>
    %dma_start3A_27 = tpu.memref_squeeze %dma_start3A_26 : memref<1x32x128xf32, #tpu.memory_space<vmem>> -> memref<32x128xf32, #tpu.memory_space<vmem>>
    %dma_start3A_28 = arith.constant 32 : i32
    %dma_start3A_29 = tpu.memref_slice %arg9[%dma_start3A_22, %dma_start3A_28] : memref<2x128xi32, #tpu.memory_space<vmem>> -> memref<1x32xi32, #tpu.memory_space<vmem>>
    %dma_start3A_30 = tpu.memref_squeeze %dma_start3A_29 : memref<1x32xi32, #tpu.memory_space<vmem>> -> memref<32xi32, #tpu.memory_space<vmem>>
    %dma_start3A_31 = arith.constant 0 : i32
    %dma_start3A_32 = arith.constant 0 : i32
    %dma_start3A_33 = tpu.memref_slice %arg2[%dma_start3A_31, %dma_start3A_32] : memref<10000x128xf32, #tpu.memory_space<hbm>> -> memref<10000x128xf32, #tpu.memory_space<hbm>>
    tpu.enqueue_indirect_dma source(%dma_start3A_33 : memref<10000x128xf32, #tpu.memory_space<hbm>>) target(%dma_start3A_27 : memref<32x128xf32, #tpu.memory_space<vmem>>) offsets(%dma_start3A_30 : memref<32xi32, #tpu.memory_space<vmem>>) semaphore(%arg12 : memref<!tpu.dma_semaphore, #tpu.memory_space<semaphore_mem>>)
    %dma_start3A_34 = arith.constant 0 : i32
    %dma_start3A_35 = arith.constant 0 : i32
    %dma_start3A_36 = arith.constant 64 : i32
    %dma_start3A_37 = arith.constant 0 : i32
    %dma_start3A_38 = tpu.memref_slice %arg10[%dma_start3A_35, %dma_start3A_36, %dma_start3A_37] : memref<2x128x128xf32, #tpu.memory_space<vmem>> -> memref<1x32x128xf32, #tpu.memory_space<vmem>>
    %dma_start3A_39 = tpu.memref_squeeze %dma_start3A_38 : memref<1x32x128xf32, #tpu.memory_space<vmem>> -> memref<32x128xf32, #tpu.memory_space<vmem>>
    %dma_start3A_40 = arith.constant 64 : i32
    %dma_start3A_41 = tpu.memref_slice %arg9[%dma_start3A_34, %dma_start3A_40] : memref<2x128xi32, #tpu.memory_space<vmem>> -> memref<1x32xi32, #tpu.memory_space<vmem>>
    %dma_start3A_42 = tpu.memref_squeeze %dma_start3A_41 : memref<1x32xi32, #tpu.memory_space<vmem>> -> memref<32xi32, #tpu.memory_space<vmem>>
    %dma_start3A_43 = arith.constant 0 : i32
    %dma_start3A_44 = arith.constant 0 : i32
    %dma_start3A_45 = tpu.memref_slice %arg2[%dma_start3A_43, %dma_start3A_44] : memref<10000x128xf32, #tpu.memory_space<hbm>> -> memref<10000x128xf32, #tpu.memory_space<hbm>>
    tpu.enqueue_indirect_dma source(%dma_start3A_45 : memref<10000x128xf32, #tpu.memory_space<hbm>>) target(%dma_start3A_39 : memref<32x128xf32, #tpu.memory_space<vmem>>) offsets(%dma_start3A_42 : memref<32xi32, #tpu.memory_space<vmem>>) semaphore(%arg12 : memref<!tpu.dma_semaphore, #tpu.memory_space<semaphore_mem>>)
    %dma_start3A_46 = arith.constant 0 : i32
    %dma_start3A_47 = arith.constant 0 : i32
    %dma_start3A_48 = arith.constant 96 : i32
    %dma_start3A_49 = arith.constant 0 : i32
    %dma_start3A_50 = tpu.memref_slice %arg10[%dma_start3A_47, %dma_start3A_48, %dma_start3A_49] : memref<2x128x128xf32, #tpu.memory_space<vmem>> -> memref<1x32x128xf32, #tpu.memory_space<vmem>>
    %dma_start3A_51 = tpu.memref_squeeze %dma_start3A_50 : memref<1x32x128xf32, #tpu.memory_space<vmem>> -> memref<32x128xf32, #tpu.memory_space<vmem>>
    %dma_start3A_52 = arith.constant 96 : i32
    %dma_start3A_53 = tpu.memref_slice %arg9[%dma_start3A_46, %dma_start3A_52] : memref<2x128xi32, #tpu.memory_space<vmem>> -> memref<1x32xi32, #tpu.memory_space<vmem>>
    %dma_start3A_54 = tpu.memref_squeeze %dma_start3A_53 : memref<1x32xi32, #tpu.memory_space<vmem>> -> memref<32xi32, #tpu.memory_space<vmem>>
    %dma_start3A_55 = arith.constant 0 : i32
    %dma_start3A_56 = arith.constant 0 : i32
    %dma_start3A_57 = tpu.memref_slice %arg2[%dma_start3A_55, %dma_start3A_56] : memref<10000x128xf32, #tpu.memory_space<hbm>> -> memref<10000x128xf32, #tpu.memory_space<hbm>>
    tpu.enqueue_indirect_dma source(%dma_start3A_57 : memref<10000x128xf32, #tpu.memory_space<hbm>>) target(%dma_start3A_51 : memref<32x128xf32, #tpu.memory_space<vmem>>) offsets(%dma_start3A_54 : memref<32xi32, #tpu.memory_space<vmem>>) semaphore(%arg12 : memref<!tpu.dma_semaphore, #tpu.memory_space<semaphore_mem>>)
    %add3A_58 = arith.constant 1 : i32
    %add3A_59 = arith.addi %select_n3A_8, %add3A_58 : i32
    %dma_start3A_60 = arith.constant 1 : i32
    %dma_start3A_61 = arith.constant 0 : i32
    %dma_start3A_62 = tpu.memref_slice %arg9[%dma_start3A_60, %dma_start3A_61] : memref<2x128xi32, #tpu.memory_space<vmem>> -> memref<1x128xi32, #tpu.memory_space<vmem>>
    %dma_start3A_63 = tpu.memref_squeeze %dma_start3A_62 : memref<1x128xi32, #tpu.memory_space<vmem>> -> memref<128xi32, #tpu.memory_space<vmem>>
    %dma_start3A_64 = arith.constant 0 : i32
    %dma_start3A_65 = tpu.memref_slice %arg3[%add3A_59, %dma_start3A_64] : memref<2656x128xi32, #tpu.memory_space<hbm>> -> memref<1x128xi32, #tpu.memory_space<hbm>>
    %dma_start3A_66 = tpu.memref_squeeze %dma_start3A_65 : memref<1x128xi32, #tpu.memory_space<hbm>> -> memref<128xi32, #tpu.memory_space<hbm>>
    %dma_start3A_67 = arith.constant 0 : i32
    %dma_start3A_68 = tpu.memref_slice %arg9[%dma_start3A_60, %dma_start3A_67] : memref<2x128xi32, #tpu.memory_space<vmem>> -> memref<1x128xi32, #tpu.memory_space<vmem>>
    %dma_start3A_69 = tpu.memref_squeeze %dma_start3A_68 : memref<1x128xi32, #tpu.memory_space<vmem>> -> memref<128xi32, #tpu.memory_space<vmem>>
    %dma_start3A_70 = arith.constant 0 : i32
    %dma_start3A_71 = tpu.memref_slice %arg3[%add3A_59, %dma_start3A_70] : memref<2656x128xi32, #tpu.memory_space<hbm>> -> memref<1x128xi32, #tpu.memory_space<hbm>>
    %dma_start3A_72 = tpu.memref_squeeze %dma_start3A_71 : memref<1x128xi32, #tpu.memory_space<hbm>> -> memref<128xi32, #tpu.memory_space<hbm>>
    tpu.enqueue_dma source(%dma_start3A_72 : memref<128xi32, #tpu.memory_space<hbm>>) target(%dma_start3A_69 : memref<128xi32, #tpu.memory_space<vmem>>) target_semaphore(%arg11 : memref<!tpu.dma_semaphore, #tpu.memory_space<semaphore_mem>>)
    %jit3A_73 = arith.constant 2 : i32
    %div3A = arith.divsi %select_n3A, %jit3A_73 : i32
    %sign3A = arith.constant 0 : i32
    %sign3A_74 = arith.cmpi sgt, %select_n3A, %sign3A : i32
    %sign3A_75 = arith.extui %sign3A_74 : i1 to i32
    %sign3A_76 = arith.constant 0 : i32
    %sign3A_77 = arith.cmpi slt, %select_n3A, %sign3A_76 : i32
    %sign3A_78 = arith.extui %sign3A_77 : i1 to i32
    %sign3A_79 = arith.subi %sign3A_75, %sign3A_78 : i32
    %sign3A_80 = arith.constant 0 : i32
    %sign3A_81 = arith.cmpi sgt, %jit3A_73, %sign3A_80 : i32
    %sign3A_82 = arith.extui %sign3A_81 : i1 to i32
    %sign3A_83 = arith.constant 0 : i32
    %sign3A_84 = arith.cmpi slt, %jit3A_73, %sign3A_83 : i32
    %sign3A_85 = arith.extui %sign3A_84 : i1 to i32
    %sign3A_86 = arith.subi %sign3A_82, %sign3A_85 : i32
    %ne3A = arith.cmpi ne, %sign3A_79, %sign3A_86 : i32
    %rem3A = arith.remsi %select_n3A, %jit3A_73 : i32
    %ne3A_87 = arith.constant 0 : i32
    %ne3A_88 = arith.cmpi ne, %rem3A, %ne3A_87 : i32
    %and3A = arith.andi %ne3A, %ne3A_88 : i1
    %sub3A = arith.constant 1 : i32
    %sub3A_89 = arith.subi %div3A, %sub3A : i32
    %select_n3A_90 = arith.select %and3A, %sub3A_89, %div3A : i32
    %while3A = arith.constant 0 : i32
    %while3A_91 = arith.constant 0 : i32
    %while3A_92 = arith.subi %select_n3A_90, %while3A_91 : i32
    %while3A_93 = arith.addi %while3A_91, %while3A_92 : i32
    %while3A_94 = arith.constant 1 : i32
    %while3A_95 = arith.divsi %while3A_92, %while3A_94 : i32
    %while3A_96 = arith.muli %while3A_95, %while3A_94 : i32
    %while3A_97 = arith.addi %while3A_91, %while3A_96 : i32
    %while3A_98 = arith.constant 1 : i32
    scf.for %while3A_114 = %while3A_91 to %while3A_97 step %while3A_98  : i32 {
      %mul3A_115 = arith.constant 2 : i32
      %mul3A_116 = arith.muli %while3A_114, %mul3A_115 : i32
      %add3A_117 = arith.constant 0 : i32
      %add3A_118 = arith.addi %mul3A_116, %add3A_117 : i32
      %dma_wait3A_119 = arith.constant 0 : i32
      %dma_wait3A_120 = arith.constant 0 : i32
      %dma_wait3A_121 = arith.constant 0 : i32
      %dma_wait3A_122 = arith.constant 0 : i32
      %dma_wait3A_123 = tpu.memref_slice %arg10[%dma_wait3A_120, %dma_wait3A_121, %dma_wait3A_122] : memref<2x128x128xf32, #tpu.memory_space<vmem>> -> memref<1x32x128xf32, #tpu.memory_space<vmem>>
      %dma_wait3A_124 = tpu.memref_squeeze %dma_wait3A_123 : memref<1x32x128xf32, #tpu.memory_space<vmem>> -> memref<32x128xf32, #tpu.memory_space<vmem>>
      %dma_wait3A_125 = arith.constant 0 : i32
      %dma_wait3A_126 = tpu.memref_slice %arg9[%dma_wait3A_119, %dma_wait3A_125] : memref<2x128xi32, #tpu.memory_space<vmem>> -> memref<1x32xi32, #tpu.memory_space<vmem>>
      %dma_wait3A_127 = tpu.memref_squeeze %dma_wait3A_126 : memref<1x32xi32, #tpu.memory_space<vmem>> -> memref<32xi32, #tpu.memory_space<vmem>>
      %dma_wait3A_128 = arith.constant 0 : i32
      %dma_wait3A_129 = arith.constant 0 : i32
      %dma_wait3A_130 = tpu.memref_slice %arg2[%dma_wait3A_128, %dma_wait3A_129] : memref<10000x128xf32, #tpu.memory_space<hbm>> -> memref<10000x128xf32, #tpu.memory_space<hbm>>
      tpu.wait_indirect_dma semaphore(%arg12 : memref<!tpu.dma_semaphore, #tpu.memory_space<semaphore_mem>>) src(%dma_wait3A_130 : memref<10000x128xf32, #tpu.memory_space<hbm>>) dst(%dma_wait3A_124 : memref<32x128xf32, #tpu.memory_space<vmem>>)
      %dma_wait3A_131 = arith.constant 0 : i32
      %dma_wait3A_132 = arith.constant 0 : i32
      %dma_wait3A_133 = arith.constant 0 : i32
      %dma_wait3A_134 = arith.constant 0 : i32
      %dma_wait3A_135 = tpu.memref_slice %arg10[%dma_wait3A_132, %dma_wait3A_133, %dma_wait3A_134] : memref<2x128x128xf32, #tpu.memory_space<vmem>> -> memref<1x32x128xf32, #tpu.memory_space<vmem>>
      %dma_wait3A_136 = tpu.memref_squeeze %dma_wait3A_135 : memref<1x32x128xf32, #tpu.memory_space<vmem>> -> memref<32x128xf32, #tpu.memory_space<vmem>>
      %dma_wait3A_137 = arith.constant 0 : i32
      %dma_wait3A_138 = tpu.memref_slice %arg9[%dma_wait3A_131, %dma_wait3A_137] : memref<2x128xi32, #tpu.memory_space<vmem>> -> memref<1x32xi32, #tpu.memory_space<vmem>>
      %dma_wait3A_139 = tpu.memref_squeeze %dma_wait3A_138 : memref<1x32xi32, #tpu.memory_space<vmem>> -> memref<32xi32, #tpu.memory_space<vmem>>
      %dma_wait3A_140 = arith.constant 0 : i32
      %dma_wait3A_141 = arith.constant 0 : i32
      %dma_wait3A_142 = tpu.memref_slice %arg2[%dma_wait3A_140, %dma_wait3A_141] : memref<10000x128xf32, #tpu.memory_space<hbm>> -> memref<10000x128xf32, #tpu.memory_space<hbm>>
      tpu.wait_indirect_dma semaphore(%arg12 : memref<!tpu.dma_semaphore, #tpu.memory_space<semaphore_mem>>) src(%dma_wait3A_142 : memref<10000x128xf32, #tpu.memory_space<hbm>>) dst(%dma_wait3A_136 : memref<32x128xf32, #tpu.memory_space<vmem>>)
      %dma_wait3A_143 = arith.constant 0 : i32
      %dma_wait3A_144 = arith.constant 0 : i32
      %dma_wait3A_145 = arith.constant 0 : i32
      %dma_wait3A_146 = arith.constant 0 : i32
      %dma_wait3A_147 = tpu.memref_slice %arg10[%dma_wait3A_144, %dma_wait3A_145, %dma_wait3A_146] : memref<2x128x128xf32, #tpu.memory_space<vmem>> -> memref<1x32x128xf32, #tpu.memory_space<vmem>>
      %dma_wait3A_148 = tpu.memref_squeeze %dma_wait3A_147 : memref<1x32x128xf32, #tpu.memory_space<vmem>> -> memref<32x128xf32, #tpu.memory_space<vmem>>
      %dma_wait3A_149 = arith.constant 0 : i32
      %dma_wait3A_150 = tpu.memref_slice %arg9[%dma_wait3A_143, %dma_wait3A_149] : memref<2x128xi32, #tpu.memory_space<vmem>> -> memref<1x32xi32, #tpu.memory_space<vmem>>
      %dma_wait3A_151 = tpu.memref_squeeze %dma_wait3A_150 : memref<1x32xi32, #tpu.memory_space<vmem>> -> memref<32xi32, #tpu.memory_space<vmem>>
      %dma_wait3A_152 = arith.constant 0 : i32
      %dma_wait3A_153 = arith.constant 0 : i32
      %dma_wait3A_154 = tpu.memref_slice %arg2[%dma_wait3A_152, %dma_wait3A_153] : memref<10000x128xf32, #tpu.memory_space<hbm>> -> memref<10000x128xf32, #tpu.memory_space<hbm>>
      tpu.wait_indirect_dma semaphore(%arg12 : memref<!tpu.dma_semaphore, #tpu.memory_space<semaphore_mem>>) src(%dma_wait3A_154 : memref<10000x128xf32, #tpu.memory_space<hbm>>) dst(%dma_wait3A_148 : memref<32x128xf32, #tpu.memory_space<vmem>>)
      %dma_wait3A_155 = arith.constant 0 : i32
      %dma_wait3A_156 = arith.constant 0 : i32
      %dma_wait3A_157 = arith.constant 0 : i32
      %dma_wait3A_158 = arith.constant 0 : i32
      %dma_wait3A_159 = tpu.memref_slice %arg10[%dma_wait3A_156, %dma_wait3A_157, %dma_wait3A_158] : memref<2x128x128xf32, #tpu.memory_space<vmem>> -> memref<1x32x128xf32, #tpu.memory_space<vmem>>
      %dma_wait3A_160 = tpu.memref_squeeze %dma_wait3A_159 : memref<1x32x128xf32, #tpu.memory_space<vmem>> -> memref<32x128xf32, #tpu.memory_space<vmem>>
      %dma_wait3A_161 = arith.constant 0 : i32
      %dma_wait3A_162 = tpu.memref_slice %arg9[%dma_wait3A_155, %dma_wait3A_161] : memref<2x128xi32, #tpu.memory_space<vmem>> -> memref<1x32xi32, #tpu.memory_space<vmem>>
      %dma_wait3A_163 = tpu.memref_squeeze %dma_wait3A_162 : memref<1x32xi32, #tpu.memory_space<vmem>> -> memref<32xi32, #tpu.memory_space<vmem>>
      %dma_wait3A_164 = arith.constant 0 : i32
      %dma_wait3A_165 = arith.constant 0 : i32
      %dma_wait3A_166 = tpu.memref_slice %arg2[%dma_wait3A_164, %dma_wait3A_165] : memref<10000x128xf32, #tpu.memory_space<hbm>> -> memref<10000x128xf32, #tpu.memory_space<hbm>>
      tpu.wait_indirect_dma semaphore(%arg12 : memref<!tpu.dma_semaphore, #tpu.memory_space<semaphore_mem>>) src(%dma_wait3A_166 : memref<10000x128xf32, #tpu.memory_space<hbm>>) dst(%dma_wait3A_160 : memref<32x128xf32, #tpu.memory_space<vmem>>)
      %dma_start3A_167 = arith.constant 0 : i32
      %dma_start3A_168 = arith.constant 0 : i32
      %dma_start3A_169 = arith.constant 0 : i32
      %dma_start3A_170 = tpu.memref_slice %arg10[%dma_start3A_167, %dma_start3A_168, %dma_start3A_169] : memref<2x128x128xf32, #tpu.memory_space<vmem>> -> memref<1x128x128xf32, #tpu.memory_space<vmem>>
      %dma_start3A_171 = tpu.memref_squeeze %dma_start3A_170 : memref<1x128x128xf32, #tpu.memory_space<vmem>> -> memref<128x128xf32, #tpu.memory_space<vmem>>
      %dma_start3A_172 = arith.constant 0 : i32
      %dma_start3A_173 = tpu.memref_slice %arg8[%add3A_118, %dma_start3A_172] : memref<96x128xi32, #tpu.memory_space<vmem>> -> memref<1x128xi32, #tpu.memory_space<vmem>>
      %dma_start3A_174 = tpu.memref_squeeze %dma_start3A_173 : memref<1x128xi32, #tpu.memory_space<vmem>> -> memref<128xi32, #tpu.memory_space<vmem>>
      %dma_start3A_175 = arith.constant 0 : i32
      %dma_start3A_176 = arith.constant 0 : i32
      %dma_start3A_177 = tpu.memref_slice %arg7[%dma_start3A_175, %dma_start3A_176] : memref<10240x128xf32, #tpu.memory_space<vmem_shared>> -> memref<10240x128xf32, #tpu.memory_space<vmem_shared>>
      tpu.enqueue_indirect_dma source(%dma_start3A_171 : memref<128x128xf32, #tpu.memory_space<vmem>>) target(%dma_start3A_177 : memref<10240x128xf32, #tpu.memory_space<vmem_shared>>) offsets(%dma_start3A_174 : memref<128xi32, #tpu.memory_space<vmem>>) semaphore(%arg13 : memref<!tpu.dma_semaphore, #tpu.memory_space<semaphore_mem>>) {add = true}
      %add3A_178 = arith.constant 2 : i32
      %add3A_179 = arith.addi %add3A_118, %add3A_178 : i32
      %lt3A = arith.cmpi slt, %add3A_179, %select_n3A : i32
      %convert_element_type3A = arith.extui %lt3A : i1 to i32
      %cond3A = arith.constant 0 : i32
      %cond3A_180 = arith.cmpi ne, %convert_element_type3A, %cond3A : i32
      scf.if %cond3A_180 {
        %add3A_271 = arith.constant 2 : i32
        %add3A_272 = arith.addi %add3A_118, %add3A_271 : i32
        %add3A_273 = arith.addi %select_n3A_8, %add3A_272 : i32
        %dma_start3A_274 = arith.constant 0 : i32
        %dma_start3A_275 = arith.constant 0 : i32
        %dma_start3A_276 = tpu.memref_slice %arg9[%dma_start3A_274, %dma_start3A_275] : memref<2x128xi32, #tpu.memory_space<vmem>> -> memref<1x128xi32, #tpu.memory_space<vmem>>
        %dma_start3A_277 = tpu.memref_squeeze %dma_start3A_276 : memref<1x128xi32, #tpu.memory_space<vmem>> -> memref<128xi32, #tpu.memory_space<vmem>>
        %dma_start3A_278 = arith.constant 0 : i32
        %dma_start3A_279 = tpu.memref_slice %arg3[%add3A_273, %dma_start3A_278] : memref<2656x128xi32, #tpu.memory_space<hbm>> -> memref<1x128xi32, #tpu.memory_space<hbm>>
        %dma_start3A_280 = tpu.memref_squeeze %dma_start3A_279 : memref<1x128xi32, #tpu.memory_space<hbm>> -> memref<128xi32, #tpu.memory_space<hbm>>
        %dma_start3A_281 = arith.constant 0 : i32
        %dma_start3A_282 = tpu.memref_slice %arg9[%dma_start3A_274, %dma_start3A_281] : memref<2x128xi32, #tpu.memory_space<vmem>> -> memref<1x128xi32, #tpu.memory_space<vmem>>
        %dma_start3A_283 = tpu.memref_squeeze %dma_start3A_282 : memref<1x128xi32, #tpu.memory_space<vmem>> -> memref<128xi32, #tpu.memory_space<vmem>>
        %dma_start3A_284 = arith.constant 0 : i32
        %dma_start3A_285 = tpu.memref_slice %arg3[%add3A_273, %dma_start3A_284] : memref<2656x128xi32, #tpu.memory_space<hbm>> -> memref<1x128xi32, #tpu.memory_space<hbm>>
        %dma_start3A_286 = tpu.memref_squeeze %dma_start3A_285 : memref<1x128xi32, #tpu.memory_space<hbm>> -> memref<128xi32, #tpu.memory_space<hbm>>
        tpu.enqueue_dma source(%dma_start3A_286 : memref<128xi32, #tpu.memory_space<hbm>>) target(%dma_start3A_283 : memref<128xi32, #tpu.memory_space<vmem>>) target_semaphore(%arg11 : memref<!tpu.dma_semaphore, #tpu.memory_space<semaphore_mem>>)
      } else {
      }
      %ge3A = arith.constant 1 : i32
      %ge3A_181 = arith.cmpi sge, %add3A_118, %ge3A : i32
      %convert_element_type3A_182 = arith.extui %ge3A_181 : i1 to i32
      %cond3A_183 = arith.constant 0 : i32
      %cond3A_184 = arith.cmpi ne, %convert_element_type3A_182, %cond3A_183 : i32
      scf.if %cond3A_184 {
        %dma_wait3A_271 = arith.constant 0 : i32
        %dma_wait3A_272 = arith.constant 0 : i32
        %dma_wait3A_273 = arith.constant 0 : i32
        %dma_wait3A_274 = arith.constant 0 : i32
        %dma_wait3A_275 = tpu.memref_slice %arg10[%dma_wait3A_271, %dma_wait3A_273, %dma_wait3A_274] : memref<2x128x128xf32, #tpu.memory_space<vmem>> -> memref<1x128x128xf32, #tpu.memory_space<vmem>>
        %dma_wait3A_276 = tpu.memref_squeeze %dma_wait3A_275 : memref<1x128x128xf32, #tpu.memory_space<vmem>> -> memref<128x128xf32, #tpu.memory_space<vmem>>
        %dma_wait3A_277 = arith.constant 0 : i32
        %dma_wait3A_278 = tpu.memref_slice %arg8[%dma_wait3A_272, %dma_wait3A_277] : memref<96x128xi32, #tpu.memory_space<vmem>> -> memref<1x128xi32, #tpu.memory_space<vmem>>
        %dma_wait3A_279 = tpu.memref_squeeze %dma_wait3A_278 : memref<1x128xi32, #tpu.memory_space<vmem>> -> memref<128xi32, #tpu.memory_space<vmem>>
        %dma_wait3A_280 = arith.constant 0 : i32
        %dma_wait3A_281 = arith.constant 0 : i32
        %dma_wait3A_282 = tpu.memref_slice %arg7[%dma_wait3A_280, %dma_wait3A_281] : memref<10240x128xf32, #tpu.memory_space<vmem_shared>> -> memref<10240x128xf32, #tpu.memory_space<vmem_shared>>
        tpu.wait_indirect_dma semaphore(%arg13 : memref<!tpu.dma_semaphore, #tpu.memory_space<semaphore_mem>>) src(%dma_wait3A_276 : memref<128x128xf32, #tpu.memory_space<vmem>>) dst(%dma_wait3A_282 : memref<10240x128xf32, #tpu.memory_space<vmem_shared>>)
      } else {
      }
      %add3A_185 = arith.constant 1 : i32
      %add3A_186 = arith.addi %add3A_118, %add3A_185 : i32
      %lt3A_187 = arith.cmpi slt, %add3A_186, %select_n3A : i32
      %convert_element_type3A_188 = arith.extui %lt3A_187 : i1 to i32
      %cond3A_189 = arith.constant 0 : i32
      %cond3A_190 = arith.cmpi ne, %convert_element_type3A_188, %cond3A_189 : i32
      scf.if %cond3A_190 {
        %dma_wait3A_271 = arith.constant 0 : i32
        %dma_wait3A_272 = arith.constant 0 : i32
        %dma_wait3A_273 = tpu.memref_slice %arg9[%dma_wait3A_271, %dma_wait3A_272] : memref<2x128xi32, #tpu.memory_space<vmem>> -> memref<1x128xi32, #tpu.memory_space<vmem>>
        %dma_wait3A_274 = tpu.memref_squeeze %dma_wait3A_273 : memref<1x128xi32, #tpu.memory_space<vmem>> -> memref<128xi32, #tpu.memory_space<vmem>>
        %dma_wait3A_275 = arith.constant 0 : i32
        %dma_wait3A_276 = tpu.memref_slice %arg3[%select_n3A_8, %dma_wait3A_275] : memref<2656x128xi32, #tpu.memory_space<hbm>> -> memref<1x128xi32, #tpu.memory_space<hbm>>
        %dma_wait3A_277 = tpu.memref_squeeze %dma_wait3A_276 : memref<1x128xi32, #tpu.memory_space<hbm>> -> memref<128xi32, #tpu.memory_space<hbm>>
        %dma_wait3A_278 = arith.constant 0 : i32
        %dma_wait3A_279 = tpu.memref_slice %arg9[%dma_wait3A_271, %dma_wait3A_278] : memref<2x128xi32, #tpu.memory_space<vmem>> -> memref<1x128xi32, #tpu.memory_space<vmem>>
        %dma_wait3A_280 = tpu.memref_squeeze %dma_wait3A_279 : memref<1x128xi32, #tpu.memory_space<vmem>> -> memref<128xi32, #tpu.memory_space<vmem>>
        %dma_wait3A_281 = arith.constant 0 : i32
        %dma_wait3A_282 = tpu.memref_slice %arg3[%select_n3A_8, %dma_wait3A_281] : memref<2656x128xi32, #tpu.memory_space<hbm>> -> memref<1x128xi32, #tpu.memory_space<hbm>>
        %dma_wait3A_283 = tpu.memref_squeeze %dma_wait3A_282 : memref<1x128xi32, #tpu.memory_space<hbm>> -> memref<128xi32, #tpu.memory_space<hbm>>
        tpu.wait_dma2 semaphore(%arg11 : memref<!tpu.dma_semaphore, #tpu.memory_space<semaphore_mem>>) src(%dma_wait3A_283 : memref<128xi32, #tpu.memory_space<hbm>>) dst(%dma_wait3A_280 : memref<128xi32, #tpu.memory_space<vmem>>)
        %dma_start3A_284 = arith.constant 1 : i32
        %dma_start3A_285 = arith.constant 1 : i32
        %dma_start3A_286 = arith.constant 0 : i32
        %dma_start3A_287 = arith.constant 0 : i32
        %dma_start3A_288 = tpu.memref_slice %arg10[%dma_start3A_285, %dma_start3A_286, %dma_start3A_287] : memref<2x128x128xf32, #tpu.memory_space<vmem>> -> memref<1x32x128xf32, #tpu.memory_space<vmem>>
        %dma_start3A_289 = tpu.memref_squeeze %dma_start3A_288 : memref<1x32x128xf32, #tpu.memory_space<vmem>> -> memref<32x128xf32, #tpu.memory_space<vmem>>
        %dma_start3A_290 = arith.constant 0 : i32
        %dma_start3A_291 = tpu.memref_slice %arg9[%dma_start3A_284, %dma_start3A_290] : memref<2x128xi32, #tpu.memory_space<vmem>> -> memref<1x32xi32, #tpu.memory_space<vmem>>
        %dma_start3A_292 = tpu.memref_squeeze %dma_start3A_291 : memref<1x32xi32, #tpu.memory_space<vmem>> -> memref<32xi32, #tpu.memory_space<vmem>>
        %dma_start3A_293 = arith.constant 0 : i32
        %dma_start3A_294 = arith.constant 0 : i32
        %dma_start3A_295 = tpu.memref_slice %arg2[%dma_start3A_293, %dma_start3A_294] : memref<10000x128xf32, #tpu.memory_space<hbm>> -> memref<10000x128xf32, #tpu.memory_space<hbm>>
        tpu.enqueue_indirect_dma source(%dma_start3A_295 : memref<10000x128xf32, #tpu.memory_space<hbm>>) target(%dma_start3A_289 : memref<32x128xf32, #tpu.memory_space<vmem>>) offsets(%dma_start3A_292 : memref<32xi32, #tpu.memory_space<vmem>>) semaphore(%arg12 : memref<!tpu.dma_semaphore, #tpu.memory_space<semaphore_mem>>)
        %dma_start3A_296 = arith.constant 1 : i32
        %dma_start3A_297 = arith.constant 1 : i32
        %dma_start3A_298 = arith.constant 32 : i32
        %dma_start3A_299 = arith.constant 0 : i32
        %dma_start3A_300 = tpu.memref_slice %arg10[%dma_start3A_297, %dma_start3A_298, %dma_start3A_299] : memref<2x128x128xf32, #tpu.memory_space<vmem>> -> memref<1x32x128xf32, #tpu.memory_space<vmem>>
        %dma_start3A_301 = tpu.memref_squeeze %dma_start3A_300 : memref<1x32x128xf32, #tpu.memory_space<vmem>> -> memref<32x128xf32, #tpu.memory_space<vmem>>
        %dma_start3A_302 = arith.constant 32 : i32
        %dma_start3A_303 = tpu.memref_slice %arg9[%dma_start3A_296, %dma_start3A_302] : memref<2x128xi32, #tpu.memory_space<vmem>> -> memref<1x32xi32, #tpu.memory_space<vmem>>
        %dma_start3A_304 = tpu.memref_squeeze %dma_start3A_303 : memref<1x32xi32, #tpu.memory_space<vmem>> -> memref<32xi32, #tpu.memory_space<vmem>>
        %dma_start3A_305 = arith.constant 0 : i32
        %dma_start3A_306 = arith.constant 0 : i32
        %dma_start3A_307 = tpu.memref_slice %arg2[%dma_start3A_305, %dma_start3A_306] : memref<10000x128xf32, #tpu.memory_space<hbm>> -> memref<10000x128xf32, #tpu.memory_space<hbm>>
        tpu.enqueue_indirect_dma source(%dma_start3A_307 : memref<10000x128xf32, #tpu.memory_space<hbm>>) target(%dma_start3A_301 : memref<32x128xf32, #tpu.memory_space<vmem>>) offsets(%dma_start3A_304 : memref<32xi32, #tpu.memory_space<vmem>>) semaphore(%arg12 : memref<!tpu.dma_semaphore, #tpu.memory_space<semaphore_mem>>)
        %dma_start3A_308 = arith.constant 1 : i32
        %dma_start3A_309 = arith.constant 1 : i32
        %dma_start3A_310 = arith.constant 64 : i32
        %dma_start3A_311 = arith.constant 0 : i32
        %dma_start3A_312 = tpu.memref_slice %arg10[%dma_start3A_309, %dma_start3A_310, %dma_start3A_311] : memref<2x128x128xf32, #tpu.memory_space<vmem>> -> memref<1x32x128xf32, #tpu.memory_space<vmem>>
        %dma_start3A_313 = tpu.memref_squeeze %dma_start3A_312 : memref<1x32x128xf32, #tpu.memory_space<vmem>> -> memref<32x128xf32, #tpu.memory_space<vmem>>
        %dma_start3A_314 = arith.constant 64 : i32
        %dma_start3A_315 = tpu.memref_slice %arg9[%dma_start3A_308, %dma_start3A_314] : memref<2x128xi32, #tpu.memory_space<vmem>> -> memref<1x32xi32, #tpu.memory_space<vmem>>
        %dma_start3A_316 = tpu.memref_squeeze %dma_start3A_315 : memref<1x32xi32, #tpu.memory_space<vmem>> -> memref<32xi32, #tpu.memory_space<vmem>>
        %dma_start3A_317 = arith.constant 0 : i32
        %dma_start3A_318 = arith.constant 0 : i32
        %dma_start3A_319 = tpu.memref_slice %arg2[%dma_start3A_317, %dma_start3A_318] : memref<10000x128xf32, #tpu.memory_space<hbm>> -> memref<10000x128xf32, #tpu.memory_space<hbm>>
        tpu.enqueue_indirect_dma source(%dma_start3A_319 : memref<10000x128xf32, #tpu.memory_space<hbm>>) target(%dma_start3A_313 : memref<32x128xf32, #tpu.memory_space<vmem>>) offsets(%dma_start3A_316 : memref<32xi32, #tpu.memory_space<vmem>>) semaphore(%arg12 : memref<!tpu.dma_semaphore, #tpu.memory_space<semaphore_mem>>)
        %dma_start3A_320 = arith.constant 1 : i32
        %dma_start3A_321 = arith.constant 1 : i32
        %dma_start3A_322 = arith.constant 96 : i32
        %dma_start3A_323 = arith.constant 0 : i32
        %dma_start3A_324 = tpu.memref_slice %arg10[%dma_start3A_321, %dma_start3A_322, %dma_start3A_323] : memref<2x128x128xf32, #tpu.memory_space<vmem>> -> memref<1x32x128xf32, #tpu.memory_space<vmem>>
        %dma_start3A_325 = tpu.memref_squeeze %dma_start3A_324 : memref<1x32x128xf32, #tpu.memory_space<vmem>> -> memref<32x128xf32, #tpu.memory_space<vmem>>
        %dma_start3A_326 = arith.constant 96 : i32
        %dma_start3A_327 = tpu.memref_slice %arg9[%dma_start3A_320, %dma_start3A_326] : memref<2x128xi32, #tpu.memory_space<vmem>> -> memref<1x32xi32, #tpu.memory_space<vmem>>
        %dma_start3A_328 = tpu.memref_squeeze %dma_start3A_327 : memref<1x32xi32, #tpu.memory_space<vmem>> -> memref<32xi32, #tpu.memory_space<vmem>>
        %dma_start3A_329 = arith.constant 0 : i32
        %dma_start3A_330 = arith.constant 0 : i32
        %dma_start3A_331 = tpu.memref_slice %arg2[%dma_start3A_329, %dma_start3A_330] : memref<10000x128xf32, #tpu.memory_space<hbm>> -> memref<10000x128xf32, #tpu.memory_space<hbm>>
        tpu.enqueue_indirect_dma source(%dma_start3A_331 : memref<10000x128xf32, #tpu.memory_space<hbm>>) target(%dma_start3A_325 : memref<32x128xf32, #tpu.memory_space<vmem>>) offsets(%dma_start3A_328 : memref<32xi32, #tpu.memory_space<vmem>>) semaphore(%arg12 : memref<!tpu.dma_semaphore, #tpu.memory_space<semaphore_mem>>)
      } else {
      }
      %mul3A_191 = arith.constant 2 : i32
      %mul3A_192 = arith.muli %while3A_114, %mul3A_191 : i32
      %add3A_193 = arith.constant 1 : i32
      %add3A_194 = arith.addi %mul3A_192, %add3A_193 : i32
      %dma_wait3A_195 = arith.constant 0 : i32
      %dma_wait3A_196 = arith.constant 0 : i32
      %dma_wait3A_197 = arith.constant 0 : i32
      %dma_wait3A_198 = arith.constant 0 : i32
      %dma_wait3A_199 = tpu.memref_slice %arg10[%dma_wait3A_196, %dma_wait3A_197, %dma_wait3A_198] : memref<2x128x128xf32, #tpu.memory_space<vmem>> -> memref<1x32x128xf32, #tpu.memory_space<vmem>>
      %dma_wait3A_200 = tpu.memref_squeeze %dma_wait3A_199 : memref<1x32x128xf32, #tpu.memory_space<vmem>> -> memref<32x128xf32, #tpu.memory_space<vmem>>
      %dma_wait3A_201 = arith.constant 0 : i32
      %dma_wait3A_202 = tpu.memref_slice %arg9[%dma_wait3A_195, %dma_wait3A_201] : memref<2x128xi32, #tpu.memory_space<vmem>> -> memref<1x32xi32, #tpu.memory_space<vmem>>
      %dma_wait3A_203 = tpu.memref_squeeze %dma_wait3A_202 : memref<1x32xi32, #tpu.memory_space<vmem>> -> memref<32xi32, #tpu.memory_space<vmem>>
      %dma_wait3A_204 = arith.constant 0 : i32
      %dma_wait3A_205 = arith.constant 0 : i32
      %dma_wait3A_206 = tpu.memref_slice %arg2[%dma_wait3A_204, %dma_wait3A_205] : memref<10000x128xf32, #tpu.memory_space<hbm>> -> memref<10000x128xf32, #tpu.memory_space<hbm>>
      tpu.wait_indirect_dma semaphore(%arg12 : memref<!tpu.dma_semaphore, #tpu.memory_space<semaphore_mem>>) src(%dma_wait3A_206 : memref<10000x128xf32, #tpu.memory_space<hbm>>) dst(%dma_wait3A_200 : memref<32x128xf32, #tpu.memory_space<vmem>>)
      %dma_wait3A_207 = arith.constant 0 : i32
      %dma_wait3A_208 = arith.constant 0 : i32
      %dma_wait3A_209 = arith.constant 0 : i32
      %dma_wait3A_210 = arith.constant 0 : i32
      %dma_wait3A_211 = tpu.memref_slice %arg10[%dma_wait3A_208, %dma_wait3A_209, %dma_wait3A_210] : memref<2x128x128xf32, #tpu.memory_space<vmem>> -> memref<1x32x128xf32, #tpu.memory_space<vmem>>
      %dma_wait3A_212 = tpu.memref_squeeze %dma_wait3A_211 : memref<1x32x128xf32, #tpu.memory_space<vmem>> -> memref<32x128xf32, #tpu.memory_space<vmem>>
      %dma_wait3A_213 = arith.constant 0 : i32
      %dma_wait3A_214 = tpu.memref_slice %arg9[%dma_wait3A_207, %dma_wait3A_213] : memref<2x128xi32, #tpu.memory_space<vmem>> -> memref<1x32xi32, #tpu.memory_space<vmem>>
      %dma_wait3A_215 = tpu.memref_squeeze %dma_wait3A_214 : memref<1x32xi32, #tpu.memory_space<vmem>> -> memref<32xi32, #tpu.memory_space<vmem>>
      %dma_wait3A_216 = arith.constant 0 : i32
      %dma_wait3A_217 = arith.constant 0 : i32
      %dma_wait3A_218 = tpu.memref_slice %arg2[%dma_wait3A_216, %dma_wait3A_217] : memref<10000x128xf32, #tpu.memory_space<hbm>> -> memref<10000x128xf32, #tpu.memory_space<hbm>>
      tpu.wait_indirect_dma semaphore(%arg12 : memref<!tpu.dma_semaphore, #tpu.memory_space<semaphore_mem>>) src(%dma_wait3A_218 : memref<10000x128xf32, #tpu.memory_space<hbm>>) dst(%dma_wait3A_212 : memref<32x128xf32, #tpu.memory_space<vmem>>)
      %dma_wait3A_219 = arith.constant 0 : i32
      %dma_wait3A_220 = arith.constant 0 : i32
      %dma_wait3A_221 = arith.constant 0 : i32
      %dma_wait3A_222 = arith.constant 0 : i32
      %dma_wait3A_223 = tpu.memref_slice %arg10[%dma_wait3A_220, %dma_wait3A_221, %dma_wait3A_222] : memref<2x128x128xf32, #tpu.memory_space<vmem>> -> memref<1x32x128xf32, #tpu.memory_space<vmem>>
      %dma_wait3A_224 = tpu.memref_squeeze %dma_wait3A_223 : memref<1x32x128xf32, #tpu.memory_space<vmem>> -> memref<32x128xf32, #tpu.memory_space<vmem>>
      %dma_wait3A_225 = arith.constant 0 : i32
      %dma_wait3A_226 = tpu.memref_slice %arg9[%dma_wait3A_219, %dma_wait3A_225] : memref<2x128xi32, #tpu.memory_space<vmem>> -> memref<1x32xi32, #tpu.memory_space<vmem>>
      %dma_wait3A_227 = tpu.memref_squeeze %dma_wait3A_226 : memref<1x32xi32, #tpu.memory_space<vmem>> -> memref<32xi32, #tpu.memory_space<vmem>>
      %dma_wait3A_228 = arith.constant 0 : i32
      %dma_wait3A_229 = arith.constant 0 : i32
      %dma_wait3A_230 = tpu.memref_slice %arg2[%dma_wait3A_228, %dma_wait3A_229] : memref<10000x128xf32, #tpu.memory_space<hbm>> -> memref<10000x128xf32, #tpu.memory_space<hbm>>
      tpu.wait_indirect_dma semaphore(%arg12 : memref<!tpu.dma_semaphore, #tpu.memory_space<semaphore_mem>>) src(%dma_wait3A_230 : memref<10000x128xf32, #tpu.memory_space<hbm>>) dst(%dma_wait3A_224 : memref<32x128xf32, #tpu.memory_space<vmem>>)
      %dma_wait3A_231 = arith.constant 0 : i32
      %dma_wait3A_232 = arith.constant 0 : i32
      %dma_wait3A_233 = arith.constant 0 : i32
      %dma_wait3A_234 = arith.constant 0 : i32
      %dma_wait3A_235 = tpu.memref_slice %arg10[%dma_wait3A_232, %dma_wait3A_233, %dma_wait3A_234] : memref<2x128x128xf32, #tpu.memory_space<vmem>> -> memref<1x32x128xf32, #tpu.memory_space<vmem>>
      %dma_wait3A_236 = tpu.memref_squeeze %dma_wait3A_235 : memref<1x32x128xf32, #tpu.memory_space<vmem>> -> memref<32x128xf32, #tpu.memory_space<vmem>>
      %dma_wait3A_237 = arith.constant 0 : i32
      %dma_wait3A_238 = tpu.memref_slice %arg9[%dma_wait3A_231, %dma_wait3A_237] : memref<2x128xi32, #tpu.memory_space<vmem>> -> memref<1x32xi32, #tpu.memory_space<vmem>>
      %dma_wait3A_239 = tpu.memref_squeeze %dma_wait3A_238 : memref<1x32xi32, #tpu.memory_space<vmem>> -> memref<32xi32, #tpu.memory_space<vmem>>
      %dma_wait3A_240 = arith.constant 0 : i32
      %dma_wait3A_241 = arith.constant 0 : i32
      %dma_wait3A_242 = tpu.memref_slice %arg2[%dma_wait3A_240, %dma_wait3A_241] : memref<10000x128xf32, #tpu.memory_space<hbm>> -> memref<10000x128xf32, #tpu.memory_space<hbm>>
      tpu.wait_indirect_dma semaphore(%arg12 : memref<!tpu.dma_semaphore, #tpu.memory_space<semaphore_mem>>) src(%dma_wait3A_242 : memref<10000x128xf32, #tpu.memory_space<hbm>>) dst(%dma_wait3A_236 : memref<32x128xf32, #tpu.memory_space<vmem>>)
      %dma_start3A_243 = arith.constant 1 : i32
      %dma_start3A_244 = arith.constant 0 : i32
      %dma_start3A_245 = arith.constant 0 : i32
      %dma_start3A_246 = tpu.memref_slice %arg10[%dma_start3A_243, %dma_start3A_244, %dma_start3A_245] : memref<2x128x128xf32, #tpu.memory_space<vmem>> -> memref<1x128x128xf32, #tpu.memory_space<vmem>>
      %dma_start3A_247 = tpu.memref_squeeze %dma_start3A_246 : memref<1x128x128xf32, #tpu.memory_space<vmem>> -> memref<128x128xf32, #tpu.memory_space<vmem>>
      %dma_start3A_248 = arith.constant 0 : i32
      %dma_start3A_249 = tpu.memref_slice %arg8[%add3A_194, %dma_start3A_248] : memref<96x128xi32, #tpu.memory_space<vmem>> -> memref<1x128xi32, #tpu.memory_space<vmem>>
      %dma_start3A_250 = tpu.memref_squeeze %dma_start3A_249 : memref<1x128xi32, #tpu.memory_space<vmem>> -> memref<128xi32, #tpu.memory_space<vmem>>
      %dma_start3A_251 = arith.constant 0 : i32
      %dma_start3A_252 = arith.constant 0 : i32
      %dma_start3A_253 = tpu.memref_slice %arg7[%dma_start3A_251, %dma_start3A_252] : memref<10240x128xf32, #tpu.memory_space<vmem_shared>> -> memref<10240x128xf32, #tpu.memory_space<vmem_shared>>
      tpu.enqueue_indirect_dma source(%dma_start3A_247 : memref<128x128xf32, #tpu.memory_space<vmem>>) target(%dma_start3A_253 : memref<10240x128xf32, #tpu.memory_space<vmem_shared>>) offsets(%dma_start3A_250 : memref<128xi32, #tpu.memory_space<vmem>>) semaphore(%arg13 : memref<!tpu.dma_semaphore, #tpu.memory_space<semaphore_mem>>) {add = true}
      %add3A_254 = arith.constant 2 : i32
      %add3A_255 = arith.addi %add3A_194, %add3A_254 : i32
      %lt3A_256 = arith.cmpi slt, %add3A_255, %select_n3A : i32
      %convert_element_type3A_257 = arith.extui %lt3A_256 : i1 to i32
      %cond3A_258 = arith.constant 0 : i32
      %cond3A_259 = arith.cmpi ne, %convert_element_type3A_257, %cond3A_258 : i32
      scf.if %cond3A_259 {
        %add3A_271 = arith.constant 2 : i32
        %add3A_272 = arith.addi %add3A_194, %add3A_271 : i32
        %add3A_273 = arith.addi %select_n3A_8, %add3A_272 : i32
        %dma_start3A_274 = arith.constant 1 : i32
        %dma_start3A_275 = arith.constant 0 : i32
        %dma_start3A_276 = tpu.memref_slice %arg9[%dma_start3A_274, %dma_start3A_275] : memref<2x128xi32, #tpu.memory_space<vmem>> -> memref<1x128xi32, #tpu.memory_space<vmem>>
        %dma_start3A_277 = tpu.memref_squeeze %dma_start3A_276 : memref<1x128xi32, #tpu.memory_space<vmem>> -> memref<128xi32, #tpu.memory_space<vmem>>
        %dma_start3A_278 = arith.constant 0 : i32
        %dma_start3A_279 = tpu.memref_slice %arg3[%add3A_273, %dma_start3A_278] : memref<2656x128xi32, #tpu.memory_space<hbm>> -> memref<1x128xi32, #tpu.memory_space<hbm>>
        %dma_start3A_280 = tpu.memref_squeeze %dma_start3A_279 : memref<1x128xi32, #tpu.memory_space<hbm>> -> memref<128xi32, #tpu.memory_space<hbm>>
        %dma_start3A_281 = arith.constant 0 : i32
        %dma_start3A_282 = tpu.memref_slice %arg9[%dma_start3A_274, %dma_start3A_281] : memref<2x128xi32, #tpu.memory_space<vmem>> -> memref<1x128xi32, #tpu.memory_space<vmem>>
        %dma_start3A_283 = tpu.memref_squeeze %dma_start3A_282 : memref<1x128xi32, #tpu.memory_space<vmem>> -> memref<128xi32, #tpu.memory_space<vmem>>
        %dma_start3A_284 = arith.constant 0 : i32
        %dma_start3A_285 = tpu.memref_slice %arg3[%add3A_273, %dma_start3A_284] : memref<2656x128xi32, #tpu.memory_space<hbm>> -> memref<1x128xi32, #tpu.memory_space<hbm>>
        %dma_start3A_286 = tpu.memref_squeeze %dma_start3A_285 : memref<1x128xi32, #tpu.memory_space<hbm>> -> memref<128xi32, #tpu.memory_space<hbm>>
        tpu.enqueue_dma source(%dma_start3A_286 : memref<128xi32, #tpu.memory_space<hbm>>) target(%dma_start3A_283 : memref<128xi32, #tpu.memory_space<vmem>>) target_semaphore(%arg11 : memref<!tpu.dma_semaphore, #tpu.memory_space<semaphore_mem>>)
      } else {
      }
      %ge3A_260 = arith.constant 1 : i32
      %ge3A_261 = arith.cmpi sge, %add3A_194, %ge3A_260 : i32
      %convert_element_type3A_262 = arith.extui %ge3A_261 : i1 to i32
      %cond3A_263 = arith.constant 0 : i32
      %cond3A_264 = arith.cmpi ne, %convert_element_type3A_262, %cond3A_263 : i32
      scf.if %cond3A_264 {
        %dma_wait3A_271 = arith.constant 0 : i32
        %dma_wait3A_272 = arith.constant 0 : i32
        %dma_wait3A_273 = arith.constant 0 : i32
        %dma_wait3A_274 = arith.constant 0 : i32
        %dma_wait3A_275 = tpu.memref_slice %arg10[%dma_wait3A_271, %dma_wait3A_273, %dma_wait3A_274] : memref<2x128x128xf32, #tpu.memory_space<vmem>> -> memref<1x128x128xf32, #tpu.memory_space<vmem>>
        %dma_wait3A_276 = tpu.memref_squeeze %dma_wait3A_275 : memref<1x128x128xf32, #tpu.memory_space<vmem>> -> memref<128x128xf32, #tpu.memory_space<vmem>>
        %dma_wait3A_277 = arith.constant 0 : i32
        %dma_wait3A_278 = tpu.memref_slice %arg8[%dma_wait3A_272, %dma_wait3A_277] : memref<96x128xi32, #tpu.memory_space<vmem>> -> memref<1x128xi32, #tpu.memory_space<vmem>>
        %dma_wait3A_279 = tpu.memref_squeeze %dma_wait3A_278 : memref<1x128xi32, #tpu.memory_space<vmem>> -> memref<128xi32, #tpu.memory_space<vmem>>
        %dma_wait3A_280 = arith.constant 0 : i32
        %dma_wait3A_281 = arith.constant 0 : i32
        %dma_wait3A_282 = tpu.memref_slice %arg7[%dma_wait3A_280, %dma_wait3A_281] : memref<10240x128xf32, #tpu.memory_space<vmem_shared>> -> memref<10240x128xf32, #tpu.memory_space<vmem_shared>>
        tpu.wait_indirect_dma semaphore(%arg13 : memref<!tpu.dma_semaphore, #tpu.memory_space<semaphore_mem>>) src(%dma_wait3A_276 : memref<128x128xf32, #tpu.memory_space<vmem>>) dst(%dma_wait3A_282 : memref<10240x128xf32, #tpu.memory_space<vmem_shared>>)
      } else {
      }
      %add3A_265 = arith.constant 1 : i32
      %add3A_266 = arith.addi %add3A_194, %add3A_265 : i32
      %lt3A_267 = arith.cmpi slt, %add3A_266, %select_n3A : i32
      %convert_element_type3A_268 = arith.extui %lt3A_267 : i1 to i32
      %cond3A_269 = arith.constant 0 : i32
      %cond3A_270 = arith.cmpi ne, %convert_element_type3A_268, %cond3A_269 : i32
      scf.if %cond3A_270 {
        %dma_wait3A_271 = arith.constant 0 : i32
        %dma_wait3A_272 = arith.constant 0 : i32
        %dma_wait3A_273 = tpu.memref_slice %arg9[%dma_wait3A_271, %dma_wait3A_272] : memref<2x128xi32, #tpu.memory_space<vmem>> -> memref<1x128xi32, #tpu.memory_space<vmem>>
        %dma_wait3A_274 = tpu.memref_squeeze %dma_wait3A_273 : memref<1x128xi32, #tpu.memory_space<vmem>> -> memref<128xi32, #tpu.memory_space<vmem>>
        %dma_wait3A_275 = arith.constant 0 : i32
        %dma_wait3A_276 = tpu.memref_slice %arg3[%select_n3A_8, %dma_wait3A_275] : memref<2656x128xi32, #tpu.memory_space<hbm>> -> memref<1x128xi32, #tpu.memory_space<hbm>>
        %dma_wait3A_277 = tpu.memref_squeeze %dma_wait3A_276 : memref<1x128xi32, #tpu.memory_space<hbm>> -> memref<128xi32, #tpu.memory_space<hbm>>
        %dma_wait3A_278 = arith.constant 0 : i32
        %dma_wait3A_279 = tpu.memref_slice %arg9[%dma_wait3A_271, %dma_wait3A_278] : memref<2x128xi32, #tpu.memory_space<vmem>> -> memref<1x128xi32, #tpu.memory_space<vmem>>
        %dma_wait3A_280 = tpu.memref_squeeze %dma_wait3A_279 : memref<1x128xi32, #tpu.memory_space<vmem>> -> memref<128xi32, #tpu.memory_space<vmem>>
        %dma_wait3A_281 = arith.constant 0 : i32
        %dma_wait3A_282 = tpu.memref_slice %arg3[%select_n3A_8, %dma_wait3A_281] : memref<2656x128xi32, #tpu.memory_space<hbm>> -> memref<1x128xi32, #tpu.memory_space<hbm>>
        %dma_wait3A_283 = tpu.memref_squeeze %dma_wait3A_282 : memref<1x128xi32, #tpu.memory_space<hbm>> -> memref<128xi32, #tpu.memory_space<hbm>>
        tpu.wait_dma2 semaphore(%arg11 : memref<!tpu.dma_semaphore, #tpu.memory_space<semaphore_mem>>) src(%dma_wait3A_283 : memref<128xi32, #tpu.memory_space<hbm>>) dst(%dma_wait3A_280 : memref<128xi32, #tpu.memory_space<vmem>>)
        %dma_start3A_284 = arith.constant 0 : i32
        %dma_start3A_285 = arith.constant 0 : i32
        %dma_start3A_286 = arith.constant 0 : i32
        %dma_start3A_287 = arith.constant 0 : i32
        %dma_start3A_288 = tpu.memref_slice %arg10[%dma_start3A_285, %dma_start3A_286, %dma_start3A_287] : memref<2x128x128xf32, #tpu.memory_space<vmem>> -> memref<1x32x128xf32, #tpu.memory_space<vmem>>
        %dma_start3A_289 = tpu.memref_squeeze %dma_start3A_288 : memref<1x32x128xf32, #tpu.memory_space<vmem>> -> memref<32x128xf32, #tpu.memory_space<vmem>>
        %dma_start3A_290 = arith.constant 0 : i32
        %dma_start3A_291 = tpu.memref_slice %arg9[%dma_start3A_284, %dma_start3A_290] : memref<2x128xi32, #tpu.memory_space<vmem>> -> memref<1x32xi32, #tpu.memory_space<vmem>>
        %dma_start3A_292 = tpu.memref_squeeze %dma_start3A_291 : memref<1x32xi32, #tpu.memory_space<vmem>> -> memref<32xi32, #tpu.memory_space<vmem>>
        %dma_start3A_293 = arith.constant 0 : i32
        %dma_start3A_294 = arith.constant 0 : i32
        %dma_start3A_295 = tpu.memref_slice %arg2[%dma_start3A_293, %dma_start3A_294] : memref<10000x128xf32, #tpu.memory_space<hbm>> -> memref<10000x128xf32, #tpu.memory_space<hbm>>
        tpu.enqueue_indirect_dma source(%dma_start3A_295 : memref<10000x128xf32, #tpu.memory_space<hbm>>) target(%dma_start3A_289 : memref<32x128xf32, #tpu.memory_space<vmem>>) offsets(%dma_start3A_292 : memref<32xi32, #tpu.memory_space<vmem>>) semaphore(%arg12 : memref<!tpu.dma_semaphore, #tpu.memory_space<semaphore_mem>>)
        %dma_start3A_296 = arith.constant 0 : i32
        %dma_start3A_297 = arith.constant 0 : i32
        %dma_start3A_298 = arith.constant 32 : i32
        %dma_start3A_299 = arith.constant 0 : i32
        %dma_start3A_300 = tpu.memref_slice %arg10[%dma_start3A_297, %dma_start3A_298, %dma_start3A_299] : memref<2x128x128xf32, #tpu.memory_space<vmem>> -> memref<1x32x128xf32, #tpu.memory_space<vmem>>
        %dma_start3A_301 = tpu.memref_squeeze %dma_start3A_300 : memref<1x32x128xf32, #tpu.memory_space<vmem>> -> memref<32x128xf32, #tpu.memory_space<vmem>>
        %dma_start3A_302 = arith.constant 32 : i32
        %dma_start3A_303 = tpu.memref_slice %arg9[%dma_start3A_296, %dma_start3A_302] : memref<2x128xi32, #tpu.memory_space<vmem>> -> memref<1x32xi32, #tpu.memory_space<vmem>>
        %dma_start3A_304 = tpu.memref_squeeze %dma_start3A_303 : memref<1x32xi32, #tpu.memory_space<vmem>> -> memref<32xi32, #tpu.memory_space<vmem>>
        %dma_start3A_305 = arith.constant 0 : i32
        %dma_start3A_306 = arith.constant 0 : i32
        %dma_start3A_307 = tpu.memref_slice %arg2[%dma_start3A_305, %dma_start3A_306] : memref<10000x128xf32, #tpu.memory_space<hbm>> -> memref<10000x128xf32, #tpu.memory_space<hbm>>
        tpu.enqueue_indirect_dma source(%dma_start3A_307 : memref<10000x128xf32, #tpu.memory_space<hbm>>) target(%dma_start3A_301 : memref<32x128xf32, #tpu.memory_space<vmem>>) offsets(%dma_start3A_304 : memref<32xi32, #tpu.memory_space<vmem>>) semaphore(%arg12 : memref<!tpu.dma_semaphore, #tpu.memory_space<semaphore_mem>>)
        %dma_start3A_308 = arith.constant 0 : i32
        %dma_start3A_309 = arith.constant 0 : i32
        %dma_start3A_310 = arith.constant 64 : i32
        %dma_start3A_311 = arith.constant 0 : i32
        %dma_start3A_312 = tpu.memref_slice %arg10[%dma_start3A_309, %dma_start3A_310, %dma_start3A_311] : memref<2x128x128xf32, #tpu.memory_space<vmem>> -> memref<1x32x128xf32, #tpu.memory_space<vmem>>
        %dma_start3A_313 = tpu.memref_squeeze %dma_start3A_312 : memref<1x32x128xf32, #tpu.memory_space<vmem>> -> memref<32x128xf32, #tpu.memory_space<vmem>>
        %dma_start3A_314 = arith.constant 64 : i32
        %dma_start3A_315 = tpu.memref_slice %arg9[%dma_start3A_308, %dma_start3A_314] : memref<2x128xi32, #tpu.memory_space<vmem>> -> memref<1x32xi32, #tpu.memory_space<vmem>>
        %dma_start3A_316 = tpu.memref_squeeze %dma_start3A_315 : memref<1x32xi32, #tpu.memory_space<vmem>> -> memref<32xi32, #tpu.memory_space<vmem>>
        %dma_start3A_317 = arith.constant 0 : i32
        %dma_start3A_318 = arith.constant 0 : i32
        %dma_start3A_319 = tpu.memref_slice %arg2[%dma_start3A_317, %dma_start3A_318] : memref<10000x128xf32, #tpu.memory_space<hbm>> -> memref<10000x128xf32, #tpu.memory_space<hbm>>
        tpu.enqueue_indirect_dma source(%dma_start3A_319 : memref<10000x128xf32, #tpu.memory_space<hbm>>) target(%dma_start3A_313 : memref<32x128xf32, #tpu.memory_space<vmem>>) offsets(%dma_start3A_316 : memref<32xi32, #tpu.memory_space<vmem>>) semaphore(%arg12 : memref<!tpu.dma_semaphore, #tpu.memory_space<semaphore_mem>>)
        %dma_start3A_320 = arith.constant 0 : i32
        %dma_start3A_321 = arith.constant 0 : i32
        %dma_start3A_322 = arith.constant 96 : i32
        %dma_start3A_323 = arith.constant 0 : i32
        %dma_start3A_324 = tpu.memref_slice %arg10[%dma_start3A_321, %dma_start3A_322, %dma_start3A_323] : memref<2x128x128xf32, #tpu.memory_space<vmem>> -> memref<1x32x128xf32, #tpu.memory_space<vmem>>
        %dma_start3A_325 = tpu.memref_squeeze %dma_start3A_324 : memref<1x32x128xf32, #tpu.memory_space<vmem>> -> memref<32x128xf32, #tpu.memory_space<vmem>>
        %dma_start3A_326 = arith.constant 96 : i32
        %dma_start3A_327 = tpu.memref_slice %arg9[%dma_start3A_320, %dma_start3A_326] : memref<2x128xi32, #tpu.memory_space<vmem>> -> memref<1x32xi32, #tpu.memory_space<vmem>>
        %dma_start3A_328 = tpu.memref_squeeze %dma_start3A_327 : memref<1x32xi32, #tpu.memory_space<vmem>> -> memref<32xi32, #tpu.memory_space<vmem>>
        %dma_start3A_329 = arith.constant 0 : i32
        %dma_start3A_330 = arith.constant 0 : i32
        %dma_start3A_331 = tpu.memref_slice %arg2[%dma_start3A_329, %dma_start3A_330] : memref<10000x128xf32, #tpu.memory_space<hbm>> -> memref<10000x128xf32, #tpu.memory_space<hbm>>
        tpu.enqueue_indirect_dma source(%dma_start3A_331 : memref<10000x128xf32, #tpu.memory_space<hbm>>) target(%dma_start3A_325 : memref<32x128xf32, #tpu.memory_space<vmem>>) offsets(%dma_start3A_328 : memref<32xi32, #tpu.memory_space<vmem>>) semaphore(%arg12 : memref<!tpu.dma_semaphore, #tpu.memory_space<semaphore_mem>>)
      } else {
      }
    }
    %while3A_99 = arith.constant 1 : i32
    scf.for %while3A_114 = %while3A_97 to %while3A_93 step %while3A_99  : i32 {
      %mul3A_115 = arith.constant 2 : i32
      %mul3A_116 = arith.muli %while3A_114, %mul3A_115 : i32
      %add3A_117 = arith.constant 0 : i32
      %add3A_118 = arith.addi %mul3A_116, %add3A_117 : i32
      %dma_wait3A_119 = arith.constant 0 : i32
      %dma_wait3A_120 = arith.constant 0 : i32
      %dma_wait3A_121 = arith.constant 0 : i32
      %dma_wait3A_122 = arith.constant 0 : i32
      %dma_wait3A_123 = tpu.memref_slice %arg10[%dma_wait3A_120, %dma_wait3A_121, %dma_wait3A_122] : memref<2x128x128xf32, #tpu.memory_space<vmem>> -> memref<1x32x128xf32, #tpu.memory_space<vmem>>
      %dma_wait3A_124 = tpu.memref_squeeze %dma_wait3A_123 : memref<1x32x128xf32, #tpu.memory_space<vmem>> -> memref<32x128xf32, #tpu.memory_space<vmem>>
      %dma_wait3A_125 = arith.constant 0 : i32
      %dma_wait3A_126 = tpu.memref_slice %arg9[%dma_wait3A_119, %dma_wait3A_125] : memref<2x128xi32, #tpu.memory_space<vmem>> -> memref<1x32xi32, #tpu.memory_space<vmem>>
      %dma_wait3A_127 = tpu.memref_squeeze %dma_wait3A_126 : memref<1x32xi32, #tpu.memory_space<vmem>> -> memref<32xi32, #tpu.memory_space<vmem>>
      %dma_wait3A_128 = arith.constant 0 : i32
      %dma_wait3A_129 = arith.constant 0 : i32
      %dma_wait3A_130 = tpu.memref_slice %arg2[%dma_wait3A_128, %dma_wait3A_129] : memref<10000x128xf32, #tpu.memory_space<hbm>> -> memref<10000x128xf32, #tpu.memory_space<hbm>>
      tpu.wait_indirect_dma semaphore(%arg12 : memref<!tpu.dma_semaphore, #tpu.memory_space<semaphore_mem>>) src(%dma_wait3A_130 : memref<10000x128xf32, #tpu.memory_space<hbm>>) dst(%dma_wait3A_124 : memref<32x128xf32, #tpu.memory_space<vmem>>)
      %dma_wait3A_131 = arith.constant 0 : i32
      %dma_wait3A_132 = arith.constant 0 : i32
      %dma_wait3A_133 = arith.constant 0 : i32
      %dma_wait3A_134 = arith.constant 0 : i32
      %dma_wait3A_135 = tpu.memref_slice %arg10[%dma_wait3A_132, %dma_wait3A_133, %dma_wait3A_134] : memref<2x128x128xf32, #tpu.memory_space<vmem>> -> memref<1x32x128xf32, #tpu.memory_space<vmem>>
      %dma_wait3A_136 = tpu.memref_squeeze %dma_wait3A_135 : memref<1x32x128xf32, #tpu.memory_space<vmem>> -> memref<32x128xf32, #tpu.memory_space<vmem>>
      %dma_wait3A_137 = arith.constant 0 : i32
      %dma_wait3A_138 = tpu.memref_slice %arg9[%dma_wait3A_131, %dma_wait3A_137] : memref<2x128xi32, #tpu.memory_space<vmem>> -> memref<1x32xi32, #tpu.memory_space<vmem>>
      %dma_wait3A_139 = tpu.memref_squeeze %dma_wait3A_138 : memref<1x32xi32, #tpu.memory_space<vmem>> -> memref<32xi32, #tpu.memory_space<vmem>>
      %dma_wait3A_140 = arith.constant 0 : i32
      %dma_wait3A_141 = arith.constant 0 : i32
      %dma_wait3A_142 = tpu.memref_slice %arg2[%dma_wait3A_140, %dma_wait3A_141] : memref<10000x128xf32, #tpu.memory_space<hbm>> -> memref<10000x128xf32, #tpu.memory_space<hbm>>
      tpu.wait_indirect_dma semaphore(%arg12 : memref<!tpu.dma_semaphore, #tpu.memory_space<semaphore_mem>>) src(%dma_wait3A_142 : memref<10000x128xf32, #tpu.memory_space<hbm>>) dst(%dma_wait3A_136 : memref<32x128xf32, #tpu.memory_space<vmem>>)
      %dma_wait3A_143 = arith.constant 0 : i32
      %dma_wait3A_144 = arith.constant 0 : i32
      %dma_wait3A_145 = arith.constant 0 : i32
      %dma_wait3A_146 = arith.constant 0 : i32
      %dma_wait3A_147 = tpu.memref_slice %arg10[%dma_wait3A_144, %dma_wait3A_145, %dma_wait3A_146] : memref<2x128x128xf32, #tpu.memory_space<vmem>> -> memref<1x32x128xf32, #tpu.memory_space<vmem>>
      %dma_wait3A_148 = tpu.memref_squeeze %dma_wait3A_147 : memref<1x32x128xf32, #tpu.memory_space<vmem>> -> memref<32x128xf32, #tpu.memory_space<vmem>>
      %dma_wait3A_149 = arith.constant 0 : i32
      %dma_wait3A_150 = tpu.memref_slice %arg9[%dma_wait3A_143, %dma_wait3A_149] : memref<2x128xi32, #tpu.memory_space<vmem>> -> memref<1x32xi32, #tpu.memory_space<vmem>>
      %dma_wait3A_151 = tpu.memref_squeeze %dma_wait3A_150 : memref<1x32xi32, #tpu.memory_space<vmem>> -> memref<32xi32, #tpu.memory_space<vmem>>
      %dma_wait3A_152 = arith.constant 0 : i32
      %dma_wait3A_153 = arith.constant 0 : i32
      %dma_wait3A_154 = tpu.memref_slice %arg2[%dma_wait3A_152, %dma_wait3A_153] : memref<10000x128xf32, #tpu.memory_space<hbm>> -> memref<10000x128xf32, #tpu.memory_space<hbm>>
      tpu.wait_indirect_dma semaphore(%arg12 : memref<!tpu.dma_semaphore, #tpu.memory_space<semaphore_mem>>) src(%dma_wait3A_154 : memref<10000x128xf32, #tpu.memory_space<hbm>>) dst(%dma_wait3A_148 : memref<32x128xf32, #tpu.memory_space<vmem>>)
      %dma_wait3A_155 = arith.constant 0 : i32
      %dma_wait3A_156 = arith.constant 0 : i32
      %dma_wait3A_157 = arith.constant 0 : i32
      %dma_wait3A_158 = arith.constant 0 : i32
      %dma_wait3A_159 = tpu.memref_slice %arg10[%dma_wait3A_156, %dma_wait3A_157, %dma_wait3A_158] : memref<2x128x128xf32, #tpu.memory_space<vmem>> -> memref<1x32x128xf32, #tpu.memory_space<vmem>>
      %dma_wait3A_160 = tpu.memref_squeeze %dma_wait3A_159 : memref<1x32x128xf32, #tpu.memory_space<vmem>> -> memref<32x128xf32, #tpu.memory_space<vmem>>
      %dma_wait3A_161 = arith.constant 0 : i32
      %dma_wait3A_162 = tpu.memref_slice %arg9[%dma_wait3A_155, %dma_wait3A_161] : memref<2x128xi32, #tpu.memory_space<vmem>> -> memref<1x32xi32, #tpu.memory_space<vmem>>
      %dma_wait3A_163 = tpu.memref_squeeze %dma_wait3A_162 : memref<1x32xi32, #tpu.memory_space<vmem>> -> memref<32xi32, #tpu.memory_space<vmem>>
      %dma_wait3A_164 = arith.constant 0 : i32
      %dma_wait3A_165 = arith.constant 0 : i32
      %dma_wait3A_166 = tpu.memref_slice %arg2[%dma_wait3A_164, %dma_wait3A_165] : memref<10000x128xf32, #tpu.memory_space<hbm>> -> memref<10000x128xf32, #tpu.memory_space<hbm>>
      tpu.wait_indirect_dma semaphore(%arg12 : memref<!tpu.dma_semaphore, #tpu.memory_space<semaphore_mem>>) src(%dma_wait3A_166 : memref<10000x128xf32, #tpu.memory_space<hbm>>) dst(%dma_wait3A_160 : memref<32x128xf32, #tpu.memory_space<vmem>>)
      %dma_start3A_167 = arith.constant 0 : i32
      %dma_start3A_168 = arith.constant 0 : i32
      %dma_start3A_169 = arith.constant 0 : i32
      %dma_start3A_170 = tpu.memref_slice %arg10[%dma_start3A_167, %dma_start3A_168, %dma_start3A_169] : memref<2x128x128xf32, #tpu.memory_space<vmem>> -> memref<1x128x128xf32, #tpu.memory_space<vmem>>
      %dma_start3A_171 = tpu.memref_squeeze %dma_start3A_170 : memref<1x128x128xf32, #tpu.memory_space<vmem>> -> memref<128x128xf32, #tpu.memory_space<vmem>>
      %dma_start3A_172 = arith.constant 0 : i32
      %dma_start3A_173 = tpu.memref_slice %arg8[%add3A_118, %dma_start3A_172] : memref<96x128xi32, #tpu.memory_space<vmem>> -> memref<1x128xi32, #tpu.memory_space<vmem>>
      %dma_start3A_174 = tpu.memref_squeeze %dma_start3A_173 : memref<1x128xi32, #tpu.memory_space<vmem>> -> memref<128xi32, #tpu.memory_space<vmem>>
      %dma_start3A_175 = arith.constant 0 : i32
      %dma_start3A_176 = arith.constant 0 : i32
      %dma_start3A_177 = tpu.memref_slice %arg7[%dma_start3A_175, %dma_start3A_176] : memref<10240x128xf32, #tpu.memory_space<vmem_shared>> -> memref<10240x128xf32, #tpu.memory_space<vmem_shared>>
      tpu.enqueue_indirect_dma source(%dma_start3A_171 : memref<128x128xf32, #tpu.memory_space<vmem>>) target(%dma_start3A_177 : memref<10240x128xf32, #tpu.memory_space<vmem_shared>>) offsets(%dma_start3A_174 : memref<128xi32, #tpu.memory_space<vmem>>) semaphore(%arg13 : memref<!tpu.dma_semaphore, #tpu.memory_space<semaphore_mem>>) {add = true}
      %add3A_178 = arith.constant 2 : i32
      %add3A_179 = arith.addi %add3A_118, %add3A_178 : i32
      %lt3A = arith.cmpi slt, %add3A_179, %select_n3A : i32
      %convert_element_type3A = arith.extui %lt3A : i1 to i32
      %cond3A = arith.constant 0 : i32
      %cond3A_180 = arith.cmpi ne, %convert_element_type3A, %cond3A : i32
      scf.if %cond3A_180 {
        %add3A_271 = arith.constant 2 : i32
        %add3A_272 = arith.addi %add3A_118, %add3A_271 : i32
        %add3A_273 = arith.addi %select_n3A_8, %add3A_272 : i32
        %dma_start3A_274 = arith.constant 0 : i32
        %dma_start3A_275 = arith.constant 0 : i32
        %dma_start3A_276 = tpu.memref_slice %arg9[%dma_start3A_274, %dma_start3A_275] : memref<2x128xi32, #tpu.memory_space<vmem>> -> memref<1x128xi32, #tpu.memory_space<vmem>>
        %dma_start3A_277 = tpu.memref_squeeze %dma_start3A_276 : memref<1x128xi32, #tpu.memory_space<vmem>> -> memref<128xi32, #tpu.memory_space<vmem>>
        %dma_start3A_278 = arith.constant 0 : i32
        %dma_start3A_279 = tpu.memref_slice %arg3[%add3A_273, %dma_start3A_278] : memref<2656x128xi32, #tpu.memory_space<hbm>> -> memref<1x128xi32, #tpu.memory_space<hbm>>
        %dma_start3A_280 = tpu.memref_squeeze %dma_start3A_279 : memref<1x128xi32, #tpu.memory_space<hbm>> -> memref<128xi32, #tpu.memory_space<hbm>>
        %dma_start3A_281 = arith.constant 0 : i32
        %dma_start3A_282 = tpu.memref_slice %arg9[%dma_start3A_274, %dma_start3A_281] : memref<2x128xi32, #tpu.memory_space<vmem>> -> memref<1x128xi32, #tpu.memory_space<vmem>>
        %dma_start3A_283 = tpu.memref_squeeze %dma_start3A_282 : memref<1x128xi32, #tpu.memory_space<vmem>> -> memref<128xi32, #tpu.memory_space<vmem>>
        %dma_start3A_284 = arith.constant 0 : i32
        %dma_start3A_285 = tpu.memref_slice %arg3[%add3A_273, %dma_start3A_284] : memref<2656x128xi32, #tpu.memory_space<hbm>> -> memref<1x128xi32, #tpu.memory_space<hbm>>
        %dma_start3A_286 = tpu.memref_squeeze %dma_start3A_285 : memref<1x128xi32, #tpu.memory_space<hbm>> -> memref<128xi32, #tpu.memory_space<hbm>>
        tpu.enqueue_dma source(%dma_start3A_286 : memref<128xi32, #tpu.memory_space<hbm>>) target(%dma_start3A_283 : memref<128xi32, #tpu.memory_space<vmem>>) target_semaphore(%arg11 : memref<!tpu.dma_semaphore, #tpu.memory_space<semaphore_mem>>)
      } else {
      }
      %ge3A = arith.constant 1 : i32
      %ge3A_181 = arith.cmpi sge, %add3A_118, %ge3A : i32
      %convert_element_type3A_182 = arith.extui %ge3A_181 : i1 to i32
      %cond3A_183 = arith.constant 0 : i32
      %cond3A_184 = arith.cmpi ne, %convert_element_type3A_182, %cond3A_183 : i32
      scf.if %cond3A_184 {
        %dma_wait3A_271 = arith.constant 0 : i32
        %dma_wait3A_272 = arith.constant 0 : i32
        %dma_wait3A_273 = arith.constant 0 : i32
        %dma_wait3A_274 = arith.constant 0 : i32
        %dma_wait3A_275 = tpu.memref_slice %arg10[%dma_wait3A_271, %dma_wait3A_273, %dma_wait3A_274] : memref<2x128x128xf32, #tpu.memory_space<vmem>> -> memref<1x128x128xf32, #tpu.memory_space<vmem>>
        %dma_wait3A_276 = tpu.memref_squeeze %dma_wait3A_275 : memref<1x128x128xf32, #tpu.memory_space<vmem>> -> memref<128x128xf32, #tpu.memory_space<vmem>>
        %dma_wait3A_277 = arith.constant 0 : i32
        %dma_wait3A_278 = tpu.memref_slice %arg8[%dma_wait3A_272, %dma_wait3A_277] : memref<96x128xi32, #tpu.memory_space<vmem>> -> memref<1x128xi32, #tpu.memory_space<vmem>>
        %dma_wait3A_279 = tpu.memref_squeeze %dma_wait3A_278 : memref<1x128xi32, #tpu.memory_space<vmem>> -> memref<128xi32, #tpu.memory_space<vmem>>
        %dma_wait3A_280 = arith.constant 0 : i32
        %dma_wait3A_281 = arith.constant 0 : i32
        %dma_wait3A_282 = tpu.memref_slice %arg7[%dma_wait3A_280, %dma_wait3A_281] : memref<10240x128xf32, #tpu.memory_space<vmem_shared>> -> memref<10240x128xf32, #tpu.memory_space<vmem_shared>>
        tpu.wait_indirect_dma semaphore(%arg13 : memref<!tpu.dma_semaphore, #tpu.memory_space<semaphore_mem>>) src(%dma_wait3A_276 : memref<128x128xf32, #tpu.memory_space<vmem>>) dst(%dma_wait3A_282 : memref<10240x128xf32, #tpu.memory_space<vmem_shared>>)
      } else {
      }
      %add3A_185 = arith.constant 1 : i32
      %add3A_186 = arith.addi %add3A_118, %add3A_185 : i32
      %lt3A_187 = arith.cmpi slt, %add3A_186, %select_n3A : i32
      %convert_element_type3A_188 = arith.extui %lt3A_187 : i1 to i32
      %cond3A_189 = arith.constant 0 : i32
      %cond3A_190 = arith.cmpi ne, %convert_element_type3A_188, %cond3A_189 : i32
      scf.if %cond3A_190 {
        %dma_wait3A_271 = arith.constant 0 : i32
        %dma_wait3A_272 = arith.constant 0 : i32
        %dma_wait3A_273 = tpu.memref_slice %arg9[%dma_wait3A_271, %dma_wait3A_272] : memref<2x128xi32, #tpu.memory_space<vmem>> -> memref<1x128xi32, #tpu.memory_space<vmem>>
        %dma_wait3A_274 = tpu.memref_squeeze %dma_wait3A_273 : memref<1x128xi32, #tpu.memory_space<vmem>> -> memref<128xi32, #tpu.memory_space<vmem>>
        %dma_wait3A_275 = arith.constant 0 : i32
        %dma_wait3A_276 = tpu.memref_slice %arg3[%select_n3A_8, %dma_wait3A_275] : memref<2656x128xi32, #tpu.memory_space<hbm>> -> memref<1x128xi32, #tpu.memory_space<hbm>>
        %dma_wait3A_277 = tpu.memref_squeeze %dma_wait3A_276 : memref<1x128xi32, #tpu.memory_space<hbm>> -> memref<128xi32, #tpu.memory_space<hbm>>
        %dma_wait3A_278 = arith.constant 0 : i32
        %dma_wait3A_279 = tpu.memref_slice %arg9[%dma_wait3A_271, %dma_wait3A_278] : memref<2x128xi32, #tpu.memory_space<vmem>> -> memref<1x128xi32, #tpu.memory_space<vmem>>
        %dma_wait3A_280 = tpu.memref_squeeze %dma_wait3A_279 : memref<1x128xi32, #tpu.memory_space<vmem>> -> memref<128xi32, #tpu.memory_space<vmem>>
        %dma_wait3A_281 = arith.constant 0 : i32
        %dma_wait3A_282 = tpu.memref_slice %arg3[%select_n3A_8, %dma_wait3A_281] : memref<2656x128xi32, #tpu.memory_space<hbm>> -> memref<1x128xi32, #tpu.memory_space<hbm>>
        %dma_wait3A_283 = tpu.memref_squeeze %dma_wait3A_282 : memref<1x128xi32, #tpu.memory_space<hbm>> -> memref<128xi32, #tpu.memory_space<hbm>>
        tpu.wait_dma2 semaphore(%arg11 : memref<!tpu.dma_semaphore, #tpu.memory_space<semaphore_mem>>) src(%dma_wait3A_283 : memref<128xi32, #tpu.memory_space<hbm>>) dst(%dma_wait3A_280 : memref<128xi32, #tpu.memory_space<vmem>>)
        %dma_start3A_284 = arith.constant 1 : i32
        %dma_start3A_285 = arith.constant 1 : i32
        %dma_start3A_286 = arith.constant 0 : i32
        %dma_start3A_287 = arith.constant 0 : i32
        %dma_start3A_288 = tpu.memref_slice %arg10[%dma_start3A_285, %dma_start3A_286, %dma_start3A_287] : memref<2x128x128xf32, #tpu.memory_space<vmem>> -> memref<1x32x128xf32, #tpu.memory_space<vmem>>
        %dma_start3A_289 = tpu.memref_squeeze %dma_start3A_288 : memref<1x32x128xf32, #tpu.memory_space<vmem>> -> memref<32x128xf32, #tpu.memory_space<vmem>>
        %dma_start3A_290 = arith.constant 0 : i32
        %dma_start3A_291 = tpu.memref_slice %arg9[%dma_start3A_284, %dma_start3A_290] : memref<2x128xi32, #tpu.memory_space<vmem>> -> memref<1x32xi32, #tpu.memory_space<vmem>>
        %dma_start3A_292 = tpu.memref_squeeze %dma_start3A_291 : memref<1x32xi32, #tpu.memory_space<vmem>> -> memref<32xi32, #tpu.memory_space<vmem>>
        %dma_start3A_293 = arith.constant 0 : i32
        %dma_start3A_294 = arith.constant 0 : i32
        %dma_start3A_295 = tpu.memref_slice %arg2[%dma_start3A_293, %dma_start3A_294] : memref<10000x128xf32, #tpu.memory_space<hbm>> -> memref<10000x128xf32, #tpu.memory_space<hbm>>
        tpu.enqueue_indirect_dma source(%dma_start3A_295 : memref<10000x128xf32, #tpu.memory_space<hbm>>) target(%dma_start3A_289 : memref<32x128xf32, #tpu.memory_space<vmem>>) offsets(%dma_start3A_292 : memref<32xi32, #tpu.memory_space<vmem>>) semaphore(%arg12 : memref<!tpu.dma_semaphore, #tpu.memory_space<semaphore_mem>>)
        %dma_start3A_296 = arith.constant 1 : i32
        %dma_start3A_297 = arith.constant 1 : i32
        %dma_start3A_298 = arith.constant 32 : i32
        %dma_start3A_299 = arith.constant 0 : i32
        %dma_start3A_300 = tpu.memref_slice %arg10[%dma_start3A_297, %dma_start3A_298, %dma_start3A_299] : memref<2x128x128xf32, #tpu.memory_space<vmem>> -> memref<1x32x128xf32, #tpu.memory_space<vmem>>
        %dma_start3A_301 = tpu.memref_squeeze %dma_start3A_300 : memref<1x32x128xf32, #tpu.memory_space<vmem>> -> memref<32x128xf32, #tpu.memory_space<vmem>>
        %dma_start3A_302 = arith.constant 32 : i32
        %dma_start3A_303 = tpu.memref_slice %arg9[%dma_start3A_296, %dma_start3A_302] : memref<2x128xi32, #tpu.memory_space<vmem>> -> memref<1x32xi32, #tpu.memory_space<vmem>>
        %dma_start3A_304 = tpu.memref_squeeze %dma_start3A_303 : memref<1x32xi32, #tpu.memory_space<vmem>> -> memref<32xi32, #tpu.memory_space<vmem>>
        %dma_start3A_305 = arith.constant 0 : i32
        %dma_start3A_306 = arith.constant 0 : i32
        %dma_start3A_307 = tpu.memref_slice %arg2[%dma_start3A_305, %dma_start3A_306] : memref<10000x128xf32, #tpu.memory_space<hbm>> -> memref<10000x128xf32, #tpu.memory_space<hbm>>
        tpu.enqueue_indirect_dma source(%dma_start3A_307 : memref<10000x128xf32, #tpu.memory_space<hbm>>) target(%dma_start3A_301 : memref<32x128xf32, #tpu.memory_space<vmem>>) offsets(%dma_start3A_304 : memref<32xi32, #tpu.memory_space<vmem>>) semaphore(%arg12 : memref<!tpu.dma_semaphore, #tpu.memory_space<semaphore_mem>>)
        %dma_start3A_308 = arith.constant 1 : i32
        %dma_start3A_309 = arith.constant 1 : i32
        %dma_start3A_310 = arith.constant 64 : i32
        %dma_start3A_311 = arith.constant 0 : i32
        %dma_start3A_312 = tpu.memref_slice %arg10[%dma_start3A_309, %dma_start3A_310, %dma_start3A_311] : memref<2x128x128xf32, #tpu.memory_space<vmem>> -> memref<1x32x128xf32, #tpu.memory_space<vmem>>
        %dma_start3A_313 = tpu.memref_squeeze %dma_start3A_312 : memref<1x32x128xf32, #tpu.memory_space<vmem>> -> memref<32x128xf32, #tpu.memory_space<vmem>>
        %dma_start3A_314 = arith.constant 64 : i32
        %dma_start3A_315 = tpu.memref_slice %arg9[%dma_start3A_308, %dma_start3A_314] : memref<2x128xi32, #tpu.memory_space<vmem>> -> memref<1x32xi32, #tpu.memory_space<vmem>>
        %dma_start3A_316 = tpu.memref_squeeze %dma_start3A_315 : memref<1x32xi32, #tpu.memory_space<vmem>> -> memref<32xi32, #tpu.memory_space<vmem>>
        %dma_start3A_317 = arith.constant 0 : i32
        %dma_start3A_318 = arith.constant 0 : i32
        %dma_start3A_319 = tpu.memref_slice %arg2[%dma_start3A_317, %dma_start3A_318] : memref<10000x128xf32, #tpu.memory_space<hbm>> -> memref<10000x128xf32, #tpu.memory_space<hbm>>
        tpu.enqueue_indirect_dma source(%dma_start3A_319 : memref<10000x128xf32, #tpu.memory_space<hbm>>) target(%dma_start3A_313 : memref<32x128xf32, #tpu.memory_space<vmem>>) offsets(%dma_start3A_316 : memref<32xi32, #tpu.memory_space<vmem>>) semaphore(%arg12 : memref<!tpu.dma_semaphore, #tpu.memory_space<semaphore_mem>>)
        %dma_start3A_320 = arith.constant 1 : i32
        %dma_start3A_321 = arith.constant 1 : i32
        %dma_start3A_322 = arith.constant 96 : i32
        %dma_start3A_323 = arith.constant 0 : i32
        %dma_start3A_324 = tpu.memref_slice %arg10[%dma_start3A_321, %dma_start3A_322, %dma_start3A_323] : memref<2x128x128xf32, #tpu.memory_space<vmem>> -> memref<1x32x128xf32, #tpu.memory_space<vmem>>
        %dma_start3A_325 = tpu.memref_squeeze %dma_start3A_324 : memref<1x32x128xf32, #tpu.memory_space<vmem>> -> memref<32x128xf32, #tpu.memory_space<vmem>>
        %dma_start3A_326 = arith.constant 96 : i32
        %dma_start3A_327 = tpu.memref_slice %arg9[%dma_start3A_320, %dma_start3A_326] : memref<2x128xi32, #tpu.memory_space<vmem>> -> memref<1x32xi32, #tpu.memory_space<vmem>>
        %dma_start3A_328 = tpu.memref_squeeze %dma_start3A_327 : memref<1x32xi32, #tpu.memory_space<vmem>> -> memref<32xi32, #tpu.memory_space<vmem>>
        %dma_start3A_329 = arith.constant 0 : i32
        %dma_start3A_330 = arith.constant 0 : i32
        %dma_start3A_331 = tpu.memref_slice %arg2[%dma_start3A_329, %dma_start3A_330] : memref<10000x128xf32, #tpu.memory_space<hbm>> -> memref<10000x128xf32, #tpu.memory_space<hbm>>
        tpu.enqueue_indirect_dma source(%dma_start3A_331 : memref<10000x128xf32, #tpu.memory_space<hbm>>) target(%dma_start3A_325 : memref<32x128xf32, #tpu.memory_space<vmem>>) offsets(%dma_start3A_328 : memref<32xi32, #tpu.memory_space<vmem>>) semaphore(%arg12 : memref<!tpu.dma_semaphore, #tpu.memory_space<semaphore_mem>>)
      } else {
      }
      %mul3A_191 = arith.constant 2 : i32
      %mul3A_192 = arith.muli %while3A_114, %mul3A_191 : i32
      %add3A_193 = arith.constant 1 : i32
      %add3A_194 = arith.addi %mul3A_192, %add3A_193 : i32
      %dma_wait3A_195 = arith.constant 0 : i32
      %dma_wait3A_196 = arith.constant 0 : i32
      %dma_wait3A_197 = arith.constant 0 : i32
      %dma_wait3A_198 = arith.constant 0 : i32
      %dma_wait3A_199 = tpu.memref_slice %arg10[%dma_wait3A_196, %dma_wait3A_197, %dma_wait3A_198] : memref<2x128x128xf32, #tpu.memory_space<vmem>> -> memref<1x32x128xf32, #tpu.memory_space<vmem>>
      %dma_wait3A_200 = tpu.memref_squeeze %dma_wait3A_199 : memref<1x32x128xf32, #tpu.memory_space<vmem>> -> memref<32x128xf32, #tpu.memory_space<vmem>>
      %dma_wait3A_201 = arith.constant 0 : i32
      %dma_wait3A_202 = tpu.memref_slice %arg9[%dma_wait3A_195, %dma_wait3A_201] : memref<2x128xi32, #tpu.memory_space<vmem>> -> memref<1x32xi32, #tpu.memory_space<vmem>>
      %dma_wait3A_203 = tpu.memref_squeeze %dma_wait3A_202 : memref<1x32xi32, #tpu.memory_space<vmem>> -> memref<32xi32, #tpu.memory_space<vmem>>
      %dma_wait3A_204 = arith.constant 0 : i32
      %dma_wait3A_205 = arith.constant 0 : i32
      %dma_wait3A_206 = tpu.memref_slice %arg2[%dma_wait3A_204, %dma_wait3A_205] : memref<10000x128xf32, #tpu.memory_space<hbm>> -> memref<10000x128xf32, #tpu.memory_space<hbm>>
      tpu.wait_indirect_dma semaphore(%arg12 : memref<!tpu.dma_semaphore, #tpu.memory_space<semaphore_mem>>) src(%dma_wait3A_206 : memref<10000x128xf32, #tpu.memory_space<hbm>>) dst(%dma_wait3A_200 : memref<32x128xf32, #tpu.memory_space<vmem>>)
      %dma_wait3A_207 = arith.constant 0 : i32
      %dma_wait3A_208 = arith.constant 0 : i32
      %dma_wait3A_209 = arith.constant 0 : i32
      %dma_wait3A_210 = arith.constant 0 : i32
      %dma_wait3A_211 = tpu.memref_slice %arg10[%dma_wait3A_208, %dma_wait3A_209, %dma_wait3A_210] : memref<2x128x128xf32, #tpu.memory_space<vmem>> -> memref<1x32x128xf32, #tpu.memory_space<vmem>>
      %dma_wait3A_212 = tpu.memref_squeeze %dma_wait3A_211 : memref<1x32x128xf32, #tpu.memory_space<vmem>> -> memref<32x128xf32, #tpu.memory_space<vmem>>
      %dma_wait3A_213 = arith.constant 0 : i32
      %dma_wait3A_214 = tpu.memref_slice %arg9[%dma_wait3A_207, %dma_wait3A_213] : memref<2x128xi32, #tpu.memory_space<vmem>> -> memref<1x32xi32, #tpu.memory_space<vmem>>
      %dma_wait3A_215 = tpu.memref_squeeze %dma_wait3A_214 : memref<1x32xi32, #tpu.memory_space<vmem>> -> memref<32xi32, #tpu.memory_space<vmem>>
      %dma_wait3A_216 = arith.constant 0 : i32
      %dma_wait3A_217 = arith.constant 0 : i32
      %dma_wait3A_218 = tpu.memref_slice %arg2[%dma_wait3A_216, %dma_wait3A_217] : memref<10000x128xf32, #tpu.memory_space<hbm>> -> memref<10000x128xf32, #tpu.memory_space<hbm>>
      tpu.wait_indirect_dma semaphore(%arg12 : memref<!tpu.dma_semaphore, #tpu.memory_space<semaphore_mem>>) src(%dma_wait3A_218 : memref<10000x128xf32, #tpu.memory_space<hbm>>) dst(%dma_wait3A_212 : memref<32x128xf32, #tpu.memory_space<vmem>>)
      %dma_wait3A_219 = arith.constant 0 : i32
      %dma_wait3A_220 = arith.constant 0 : i32
      %dma_wait3A_221 = arith.constant 0 : i32
      %dma_wait3A_222 = arith.constant 0 : i32
      %dma_wait3A_223 = tpu.memref_slice %arg10[%dma_wait3A_220, %dma_wait3A_221, %dma_wait3A_222] : memref<2x128x128xf32, #tpu.memory_space<vmem>> -> memref<1x32x128xf32, #tpu.memory_space<vmem>>
      %dma_wait3A_224 = tpu.memref_squeeze %dma_wait3A_223 : memref<1x32x128xf32, #tpu.memory_space<vmem>> -> memref<32x128xf32, #tpu.memory_space<vmem>>
      %dma_wait3A_225 = arith.constant 0 : i32
      %dma_wait3A_226 = tpu.memref_slice %arg9[%dma_wait3A_219, %dma_wait3A_225] : memref<2x128xi32, #tpu.memory_space<vmem>> -> memref<1x32xi32, #tpu.memory_space<vmem>>
      %dma_wait3A_227 = tpu.memref_squeeze %dma_wait3A_226 : memref<1x32xi32, #tpu.memory_space<vmem>> -> memref<32xi32, #tpu.memory_space<vmem>>
      %dma_wait3A_228 = arith.constant 0 : i32
      %dma_wait3A_229 = arith.constant 0 : i32
      %dma_wait3A_230 = tpu.memref_slice %arg2[%dma_wait3A_228, %dma_wait3A_229] : memref<10000x128xf32, #tpu.memory_space<hbm>> -> memref<10000x128xf32, #tpu.memory_space<hbm>>
      tpu.wait_indirect_dma semaphore(%arg12 : memref<!tpu.dma_semaphore, #tpu.memory_space<semaphore_mem>>) src(%dma_wait3A_230 : memref<10000x128xf32, #tpu.memory_space<hbm>>) dst(%dma_wait3A_224 : memref<32x128xf32, #tpu.memory_space<vmem>>)
      %dma_wait3A_231 = arith.constant 0 : i32
      %dma_wait3A_232 = arith.constant 0 : i32
      %dma_wait3A_233 = arith.constant 0 : i32
      %dma_wait3A_234 = arith.constant 0 : i32
      %dma_wait3A_235 = tpu.memref_slice %arg10[%dma_wait3A_232, %dma_wait3A_233, %dma_wait3A_234] : memref<2x128x128xf32, #tpu.memory_space<vmem>> -> memref<1x32x128xf32, #tpu.memory_space<vmem>>
      %dma_wait3A_236 = tpu.memref_squeeze %dma_wait3A_235 : memref<1x32x128xf32, #tpu.memory_space<vmem>> -> memref<32x128xf32, #tpu.memory_space<vmem>>
      %dma_wait3A_237 = arith.constant 0 : i32
      %dma_wait3A_238 = tpu.memref_slice %arg9[%dma_wait3A_231, %dma_wait3A_237] : memref<2x128xi32, #tpu.memory_space<vmem>> -> memref<1x32xi32, #tpu.memory_space<vmem>>
      %dma_wait3A_239 = tpu.memref_squeeze %dma_wait3A_238 : memref<1x32xi32, #tpu.memory_space<vmem>> -> memref<32xi32, #tpu.memory_space<vmem>>
      %dma_wait3A_240 = arith.constant 0 : i32
      %dma_wait3A_241 = arith.constant 0 : i32
      %dma_wait3A_242 = tpu.memref_slice %arg2[%dma_wait3A_240, %dma_wait3A_241] : memref<10000x128xf32, #tpu.memory_space<hbm>> -> memref<10000x128xf32, #tpu.memory_space<hbm>>
      tpu.wait_indirect_dma semaphore(%arg12 : memref<!tpu.dma_semaphore, #tpu.memory_space<semaphore_mem>>) src(%dma_wait3A_242 : memref<10000x128xf32, #tpu.memory_space<hbm>>) dst(%dma_wait3A_236 : memref<32x128xf32, #tpu.memory_space<vmem>>)
      %dma_start3A_243 = arith.constant 1 : i32
      %dma_start3A_244 = arith.constant 0 : i32
      %dma_start3A_245 = arith.constant 0 : i32
      %dma_start3A_246 = tpu.memref_slice %arg10[%dma_start3A_243, %dma_start3A_244, %dma_start3A_245] : memref<2x128x128xf32, #tpu.memory_space<vmem>> -> memref<1x128x128xf32, #tpu.memory_space<vmem>>
      %dma_start3A_247 = tpu.memref_squeeze %dma_start3A_246 : memref<1x128x128xf32, #tpu.memory_space<vmem>> -> memref<128x128xf32, #tpu.memory_space<vmem>>
      %dma_start3A_248 = arith.constant 0 : i32
      %dma_start3A_249 = tpu.memref_slice %arg8[%add3A_194, %dma_start3A_248] : memref<96x128xi32, #tpu.memory_space<vmem>> -> memref<1x128xi32, #tpu.memory_space<vmem>>
      %dma_start3A_250 = tpu.memref_squeeze %dma_start3A_249 : memref<1x128xi32, #tpu.memory_space<vmem>> -> memref<128xi32, #tpu.memory_space<vmem>>
      %dma_start3A_251 = arith.constant 0 : i32
      %dma_start3A_252 = arith.constant 0 : i32
      %dma_start3A_253 = tpu.memref_slice %arg7[%dma_start3A_251, %dma_start3A_252] : memref<10240x128xf32, #tpu.memory_space<vmem_shared>> -> memref<10240x128xf32, #tpu.memory_space<vmem_shared>>
      tpu.enqueue_indirect_dma source(%dma_start3A_247 : memref<128x128xf32, #tpu.memory_space<vmem>>) target(%dma_start3A_253 : memref<10240x128xf32, #tpu.memory_space<vmem_shared>>) offsets(%dma_start3A_250 : memref<128xi32, #tpu.memory_space<vmem>>) semaphore(%arg13 : memref<!tpu.dma_semaphore, #tpu.memory_space<semaphore_mem>>) {add = true}
      %add3A_254 = arith.constant 2 : i32
      %add3A_255 = arith.addi %add3A_194, %add3A_254 : i32
      %lt3A_256 = arith.cmpi slt, %add3A_255, %select_n3A : i32
      %convert_element_type3A_257 = arith.extui %lt3A_256 : i1 to i32
      %cond3A_258 = arith.constant 0 : i32
      %cond3A_259 = arith.cmpi ne, %convert_element_type3A_257, %cond3A_258 : i32
      scf.if %cond3A_259 {
        %add3A_271 = arith.constant 2 : i32
        %add3A_272 = arith.addi %add3A_194, %add3A_271 : i32
        %add3A_273 = arith.addi %select_n3A_8, %add3A_272 : i32
        %dma_start3A_274 = arith.constant 1 : i32
        %dma_start3A_275 = arith.constant 0 : i32
        %dma_start3A_276 = tpu.memref_slice %arg9[%dma_start3A_274, %dma_start3A_275] : memref<2x128xi32, #tpu.memory_space<vmem>> -> memref<1x128xi32, #tpu.memory_space<vmem>>
        %dma_start3A_277 = tpu.memref_squeeze %dma_start3A_276 : memref<1x128xi32, #tpu.memory_space<vmem>> -> memref<128xi32, #tpu.memory_space<vmem>>
        %dma_start3A_278 = arith.constant 0 : i32
        %dma_start3A_279 = tpu.memref_slice %arg3[%add3A_273, %dma_start3A_278] : memref<2656x128xi32, #tpu.memory_space<hbm>> -> memref<1x128xi32, #tpu.memory_space<hbm>>
        %dma_start3A_280 = tpu.memref_squeeze %dma_start3A_279 : memref<1x128xi32, #tpu.memory_space<hbm>> -> memref<128xi32, #tpu.memory_space<hbm>>
        %dma_start3A_281 = arith.constant 0 : i32
        %dma_start3A_282 = tpu.memref_slice %arg9[%dma_start3A_274, %dma_start3A_281] : memref<2x128xi32, #tpu.memory_space<vmem>> -> memref<1x128xi32, #tpu.memory_space<vmem>>
        %dma_start3A_283 = tpu.memref_squeeze %dma_start3A_282 : memref<1x128xi32, #tpu.memory_space<vmem>> -> memref<128xi32, #tpu.memory_space<vmem>>
        %dma_start3A_284 = arith.constant 0 : i32
        %dma_start3A_285 = tpu.memref_slice %arg3[%add3A_273, %dma_start3A_284] : memref<2656x128xi32, #tpu.memory_space<hbm>> -> memref<1x128xi32, #tpu.memory_space<hbm>>
        %dma_start3A_286 = tpu.memref_squeeze %dma_start3A_285 : memref<1x128xi32, #tpu.memory_space<hbm>> -> memref<128xi32, #tpu.memory_space<hbm>>
        tpu.enqueue_dma source(%dma_start3A_286 : memref<128xi32, #tpu.memory_space<hbm>>) target(%dma_start3A_283 : memref<128xi32, #tpu.memory_space<vmem>>) target_semaphore(%arg11 : memref<!tpu.dma_semaphore, #tpu.memory_space<semaphore_mem>>)
      } else {
      }
      %ge3A_260 = arith.constant 1 : i32
      %ge3A_261 = arith.cmpi sge, %add3A_194, %ge3A_260 : i32
      %convert_element_type3A_262 = arith.extui %ge3A_261 : i1 to i32
      %cond3A_263 = arith.constant 0 : i32
      %cond3A_264 = arith.cmpi ne, %convert_element_type3A_262, %cond3A_263 : i32
      scf.if %cond3A_264 {
        %dma_wait3A_271 = arith.constant 0 : i32
        %dma_wait3A_272 = arith.constant 0 : i32
        %dma_wait3A_273 = arith.constant 0 : i32
        %dma_wait3A_274 = arith.constant 0 : i32
        %dma_wait3A_275 = tpu.memref_slice %arg10[%dma_wait3A_271, %dma_wait3A_273, %dma_wait3A_274] : memref<2x128x128xf32, #tpu.memory_space<vmem>> -> memref<1x128x128xf32, #tpu.memory_space<vmem>>
        %dma_wait3A_276 = tpu.memref_squeeze %dma_wait3A_275 : memref<1x128x128xf32, #tpu.memory_space<vmem>> -> memref<128x128xf32, #tpu.memory_space<vmem>>
        %dma_wait3A_277 = arith.constant 0 : i32
        %dma_wait3A_278 = tpu.memref_slice %arg8[%dma_wait3A_272, %dma_wait3A_277] : memref<96x128xi32, #tpu.memory_space<vmem>> -> memref<1x128xi32, #tpu.memory_space<vmem>>
        %dma_wait3A_279 = tpu.memref_squeeze %dma_wait3A_278 : memref<1x128xi32, #tpu.memory_space<vmem>> -> memref<128xi32, #tpu.memory_space<vmem>>
        %dma_wait3A_280 = arith.constant 0 : i32
        %dma_wait3A_281 = arith.constant 0 : i32
        %dma_wait3A_282 = tpu.memref_slice %arg7[%dma_wait3A_280, %dma_wait3A_281] : memref<10240x128xf32, #tpu.memory_space<vmem_shared>> -> memref<10240x128xf32, #tpu.memory_space<vmem_shared>>
        tpu.wait_indirect_dma semaphore(%arg13 : memref<!tpu.dma_semaphore, #tpu.memory_space<semaphore_mem>>) src(%dma_wait3A_276 : memref<128x128xf32, #tpu.memory_space<vmem>>) dst(%dma_wait3A_282 : memref<10240x128xf32, #tpu.memory_space<vmem_shared>>)
      } else {
      }
      %add3A_265 = arith.constant 1 : i32
      %add3A_266 = arith.addi %add3A_194, %add3A_265 : i32
      %lt3A_267 = arith.cmpi slt, %add3A_266, %select_n3A : i32
      %convert_element_type3A_268 = arith.extui %lt3A_267 : i1 to i32
      %cond3A_269 = arith.constant 0 : i32
      %cond3A_270 = arith.cmpi ne, %convert_element_type3A_268, %cond3A_269 : i32
      scf.if %cond3A_270 {
        %dma_wait3A_271 = arith.constant 0 : i32
        %dma_wait3A_272 = arith.constant 0 : i32
        %dma_wait3A_273 = tpu.memref_slice %arg9[%dma_wait3A_271, %dma_wait3A_272] : memref<2x128xi32, #tpu.memory_space<vmem>> -> memref<1x128xi32, #tpu.memory_space<vmem>>
        %dma_wait3A_274 = tpu.memref_squeeze %dma_wait3A_273 : memref<1x128xi32, #tpu.memory_space<vmem>> -> memref<128xi32, #tpu.memory_space<vmem>>
        %dma_wait3A_275 = arith.constant 0 : i32
        %dma_wait3A_276 = tpu.memref_slice %arg3[%select_n3A_8, %dma_wait3A_275] : memref<2656x128xi32, #tpu.memory_space<hbm>> -> memref<1x128xi32, #tpu.memory_space<hbm>>
        %dma_wait3A_277 = tpu.memref_squeeze %dma_wait3A_276 : memref<1x128xi32, #tpu.memory_space<hbm>> -> memref<128xi32, #tpu.memory_space<hbm>>
        %dma_wait3A_278 = arith.constant 0 : i32
        %dma_wait3A_279 = tpu.memref_slice %arg9[%dma_wait3A_271, %dma_wait3A_278] : memref<2x128xi32, #tpu.memory_space<vmem>> -> memref<1x128xi32, #tpu.memory_space<vmem>>
        %dma_wait3A_280 = tpu.memref_squeeze %dma_wait3A_279 : memref<1x128xi32, #tpu.memory_space<vmem>> -> memref<128xi32, #tpu.memory_space<vmem>>
        %dma_wait3A_281 = arith.constant 0 : i32
        %dma_wait3A_282 = tpu.memref_slice %arg3[%select_n3A_8, %dma_wait3A_281] : memref<2656x128xi32, #tpu.memory_space<hbm>> -> memref<1x128xi32, #tpu.memory_space<hbm>>
        %dma_wait3A_283 = tpu.memref_squeeze %dma_wait3A_282 : memref<1x128xi32, #tpu.memory_space<hbm>> -> memref<128xi32, #tpu.memory_space<hbm>>
        tpu.wait_dma2 semaphore(%arg11 : memref<!tpu.dma_semaphore, #tpu.memory_space<semaphore_mem>>) src(%dma_wait3A_283 : memref<128xi32, #tpu.memory_space<hbm>>) dst(%dma_wait3A_280 : memref<128xi32, #tpu.memory_space<vmem>>)
        %dma_start3A_284 = arith.constant 0 : i32
        %dma_start3A_285 = arith.constant 0 : i32
        %dma_start3A_286 = arith.constant 0 : i32
        %dma_start3A_287 = arith.constant 0 : i32
        %dma_start3A_288 = tpu.memref_slice %arg10[%dma_start3A_285, %dma_start3A_286, %dma_start3A_287] : memref<2x128x128xf32, #tpu.memory_space<vmem>> -> memref<1x32x128xf32, #tpu.memory_space<vmem>>
        %dma_start3A_289 = tpu.memref_squeeze %dma_start3A_288 : memref<1x32x128xf32, #tpu.memory_space<vmem>> -> memref<32x128xf32, #tpu.memory_space<vmem>>
        %dma_start3A_290 = arith.constant 0 : i32
        %dma_start3A_291 = tpu.memref_slice %arg9[%dma_start3A_284, %dma_start3A_290] : memref<2x128xi32, #tpu.memory_space<vmem>> -> memref<1x32xi32, #tpu.memory_space<vmem>>
        %dma_start3A_292 = tpu.memref_squeeze %dma_start3A_291 : memref<1x32xi32, #tpu.memory_space<vmem>> -> memref<32xi32, #tpu.memory_space<vmem>>
        %dma_start3A_293 = arith.constant 0 : i32
        %dma_start3A_294 = arith.constant 0 : i32
        %dma_start3A_295 = tpu.memref_slice %arg2[%dma_start3A_293, %dma_start3A_294] : memref<10000x128xf32, #tpu.memory_space<hbm>> -> memref<10000x128xf32, #tpu.memory_space<hbm>>
        tpu.enqueue_indirect_dma source(%dma_start3A_295 : memref<10000x128xf32, #tpu.memory_space<hbm>>) target(%dma_start3A_289 : memref<32x128xf32, #tpu.memory_space<vmem>>) offsets(%dma_start3A_292 : memref<32xi32, #tpu.memory_space<vmem>>) semaphore(%arg12 : memref<!tpu.dma_semaphore, #tpu.memory_space<semaphore_mem>>)
        %dma_start3A_296 = arith.constant 0 : i32
        %dma_start3A_297 = arith.constant 0 : i32
        %dma_start3A_298 = arith.constant 32 : i32
        %dma_start3A_299 = arith.constant 0 : i32
        %dma_start3A_300 = tpu.memref_slice %arg10[%dma_start3A_297, %dma_start3A_298, %dma_start3A_299] : memref<2x128x128xf32, #tpu.memory_space<vmem>> -> memref<1x32x128xf32, #tpu.memory_space<vmem>>
        %dma_start3A_301 = tpu.memref_squeeze %dma_start3A_300 : memref<1x32x128xf32, #tpu.memory_space<vmem>> -> memref<32x128xf32, #tpu.memory_space<vmem>>
        %dma_start3A_302 = arith.constant 32 : i32
        %dma_start3A_303 = tpu.memref_slice %arg9[%dma_start3A_296, %dma_start3A_302] : memref<2x128xi32, #tpu.memory_space<vmem>> -> memref<1x32xi32, #tpu.memory_space<vmem>>
        %dma_start3A_304 = tpu.memref_squeeze %dma_start3A_303 : memref<1x32xi32, #tpu.memory_space<vmem>> -> memref<32xi32, #tpu.memory_space<vmem>>
        %dma_start3A_305 = arith.constant 0 : i32
        %dma_start3A_306 = arith.constant 0 : i32
        %dma_start3A_307 = tpu.memref_slice %arg2[%dma_start3A_305, %dma_start3A_306] : memref<10000x128xf32, #tpu.memory_space<hbm>> -> memref<10000x128xf32, #tpu.memory_space<hbm>>
        tpu.enqueue_indirect_dma source(%dma_start3A_307 : memref<10000x128xf32, #tpu.memory_space<hbm>>) target(%dma_start3A_301 : memref<32x128xf32, #tpu.memory_space<vmem>>) offsets(%dma_start3A_304 : memref<32xi32, #tpu.memory_space<vmem>>) semaphore(%arg12 : memref<!tpu.dma_semaphore, #tpu.memory_space<semaphore_mem>>)
        %dma_start3A_308 = arith.constant 0 : i32
        %dma_start3A_309 = arith.constant 0 : i32
        %dma_start3A_310 = arith.constant 64 : i32
        %dma_start3A_311 = arith.constant 0 : i32
        %dma_start3A_312 = tpu.memref_slice %arg10[%dma_start3A_309, %dma_start3A_310, %dma_start3A_311] : memref<2x128x128xf32, #tpu.memory_space<vmem>> -> memref<1x32x128xf32, #tpu.memory_space<vmem>>
        %dma_start3A_313 = tpu.memref_squeeze %dma_start3A_312 : memref<1x32x128xf32, #tpu.memory_space<vmem>> -> memref<32x128xf32, #tpu.memory_space<vmem>>
        %dma_start3A_314 = arith.constant 64 : i32
        %dma_start3A_315 = tpu.memref_slice %arg9[%dma_start3A_308, %dma_start3A_314] : memref<2x128xi32, #tpu.memory_space<vmem>> -> memref<1x32xi32, #tpu.memory_space<vmem>>
        %dma_start3A_316 = tpu.memref_squeeze %dma_start3A_315 : memref<1x32xi32, #tpu.memory_space<vmem>> -> memref<32xi32, #tpu.memory_space<vmem>>
        %dma_start3A_317 = arith.constant 0 : i32
        %dma_start3A_318 = arith.constant 0 : i32
        %dma_start3A_319 = tpu.memref_slice %arg2[%dma_start3A_317, %dma_start3A_318] : memref<10000x128xf32, #tpu.memory_space<hbm>> -> memref<10000x128xf32, #tpu.memory_space<hbm>>
        tpu.enqueue_indirect_dma source(%dma_start3A_319 : memref<10000x128xf32, #tpu.memory_space<hbm>>) target(%dma_start3A_313 : memref<32x128xf32, #tpu.memory_space<vmem>>) offsets(%dma_start3A_316 : memref<32xi32, #tpu.memory_space<vmem>>) semaphore(%arg12 : memref<!tpu.dma_semaphore, #tpu.memory_space<semaphore_mem>>)
        %dma_start3A_320 = arith.constant 0 : i32
        %dma_start3A_321 = arith.constant 0 : i32
        %dma_start3A_322 = arith.constant 96 : i32
        %dma_start3A_323 = arith.constant 0 : i32
        %dma_start3A_324 = tpu.memref_slice %arg10[%dma_start3A_321, %dma_start3A_322, %dma_start3A_323] : memref<2x128x128xf32, #tpu.memory_space<vmem>> -> memref<1x32x128xf32, #tpu.memory_space<vmem>>
        %dma_start3A_325 = tpu.memref_squeeze %dma_start3A_324 : memref<1x32x128xf32, #tpu.memory_space<vmem>> -> memref<32x128xf32, #tpu.memory_space<vmem>>
        %dma_start3A_326 = arith.constant 96 : i32
        %dma_start3A_327 = tpu.memref_slice %arg9[%dma_start3A_320, %dma_start3A_326] : memref<2x128xi32, #tpu.memory_space<vmem>> -> memref<1x32xi32, #tpu.memory_space<vmem>>
        %dma_start3A_328 = tpu.memref_squeeze %dma_start3A_327 : memref<1x32xi32, #tpu.memory_space<vmem>> -> memref<32xi32, #tpu.memory_space<vmem>>
        %dma_start3A_329 = arith.constant 0 : i32
        %dma_start3A_330 = arith.constant 0 : i32
        %dma_start3A_331 = tpu.memref_slice %arg2[%dma_start3A_329, %dma_start3A_330] : memref<10000x128xf32, #tpu.memory_space<hbm>> -> memref<10000x128xf32, #tpu.memory_space<hbm>>
        tpu.enqueue_indirect_dma source(%dma_start3A_331 : memref<10000x128xf32, #tpu.memory_space<hbm>>) target(%dma_start3A_325 : memref<32x128xf32, #tpu.memory_space<vmem>>) offsets(%dma_start3A_328 : memref<32xi32, #tpu.memory_space<vmem>>) semaphore(%arg12 : memref<!tpu.dma_semaphore, #tpu.memory_space<semaphore_mem>>)
      } else {
      }
    }
    %dma_wait3A = arith.constant 0 : i32
    %dma_wait3A_100 = arith.constant 0 : i32
    %dma_wait3A_101 = arith.constant 0 : i32
    %dma_wait3A_102 = arith.constant 0 : i32
    %dma_wait3A_103 = tpu.memref_slice %arg10[%dma_wait3A, %dma_wait3A_101, %dma_wait3A_102] : memref<2x128x128xf32, #tpu.memory_space<vmem>> -> memref<1x128x128xf32, #tpu.memory_space<vmem>>
    %dma_wait3A_104 = tpu.memref_squeeze %dma_wait3A_103 : memref<1x128x128xf32, #tpu.memory_space<vmem>> -> memref<128x128xf32, #tpu.memory_space<vmem>>
    %dma_wait3A_105 = arith.constant 0 : i32
    %dma_wait3A_106 = tpu.memref_slice %arg8[%dma_wait3A_100, %dma_wait3A_105] : memref<96x128xi32, #tpu.memory_space<vmem>> -> memref<1x128xi32, #tpu.memory_space<vmem>>
    %dma_wait3A_107 = tpu.memref_squeeze %dma_wait3A_106 : memref<1x128xi32, #tpu.memory_space<vmem>> -> memref<128xi32, #tpu.memory_space<vmem>>
    %dma_wait3A_108 = arith.constant 0 : i32
    %dma_wait3A_109 = arith.constant 0 : i32
    %dma_wait3A_110 = tpu.memref_slice %arg7[%dma_wait3A_108, %dma_wait3A_109] : memref<10240x128xf32, #tpu.memory_space<vmem_shared>> -> memref<10240x128xf32, #tpu.memory_space<vmem_shared>>
    tpu.wait_indirect_dma semaphore(%arg13 : memref<!tpu.dma_semaphore, #tpu.memory_space<semaphore_mem>>) src(%dma_wait3A_104 : memref<128x128xf32, #tpu.memory_space<vmem>>) dst(%dma_wait3A_110 : memref<10240x128xf32, #tpu.memory_space<vmem_shared>>)
    %barrier3A_111 = arith.constant 0 : index
    tpu.barrier barrier_id(%barrier3A_111)
    %mul3A_112 = arith.constant 640 : i32
    %mul3A_113 = arith.muli %arg1, %mul3A_112 : i32
    "tpu.region"() ({
      %run_scoped3A_114 = tpu.sem_alloc : memref<!tpu.dma_semaphore, #tpu.memory_space<semaphore_mem>>
      %dma_start3A_115 = arith.constant 0 : i32
      %dma_start3A_116 = tpu.memref_slice %arg6[%arg0, %mul3A_113, %dma_start3A_115] : memref<2x10240x128xf32, #tpu.memory_space<hbm>> -> memref<1x640x128xf32, #tpu.memory_space<hbm>>
      %dma_start3A_117 = tpu.memref_squeeze %dma_start3A_116 : memref<1x640x128xf32, #tpu.memory_space<hbm>> -> memref<640x128xf32, #tpu.memory_space<hbm>>
      %dma_start3A_118 = arith.constant 0 : i32
      %dma_start3A_119 = tpu.memref_slice %arg7[%mul3A_113, %dma_start3A_118] : memref<10240x128xf32, #tpu.memory_space<vmem_shared>> -> memref<640x128xf32, #tpu.memory_space<vmem_shared>>
      tpu.enqueue_dma source(%dma_start3A_119 : memref<640x128xf32, #tpu.memory_space<vmem_shared>>) target(%dma_start3A_117 : memref<640x128xf32, #tpu.memory_space<hbm>>) target_semaphore(%run_scoped3A_114 : memref<!tpu.dma_semaphore, #tpu.memory_space<semaphore_mem>>)
      %dma_wait3A_120 = arith.constant 0 : i32
      %dma_wait3A_121 = tpu.memref_slice %arg6[%arg0, %mul3A_113, %dma_wait3A_120] : memref<2x10240x128xf32, #tpu.memory_space<hbm>> -> memref<1x640x128xf32, #tpu.memory_space<hbm>>
      %dma_wait3A_122 = tpu.memref_squeeze %dma_wait3A_121 : memref<1x640x128xf32, #tpu.memory_space<hbm>> -> memref<640x128xf32, #tpu.memory_space<hbm>>
      %dma_wait3A_123 = arith.constant 0 : i32
      %dma_wait3A_124 = tpu.memref_slice %arg7[%mul3A_113, %dma_wait3A_123] : memref<10240x128xf32, #tpu.memory_space<vmem_shared>> -> memref<640x128xf32, #tpu.memory_space<vmem_shared>>
      tpu.wait_dma2 semaphore(%run_scoped3A_114 : memref<!tpu.dma_semaphore, #tpu.memory_space<semaphore_mem>>) src(%dma_wait3A_124 : memref<640x128xf32, #tpu.memory_space<vmem_shared>>) dst(%dma_wait3A_122 : memref<640x128xf32, #tpu.memory_space<hbm>>)
      tpu.yield
    }) : () -> ()
    return
  }
}

module attributes {stable_mosaic.version = 14 : i64} {
  func.func @_combine_body(%arg0: i32, %arg1: memref<2x1000x128xf32, #tpu.memory_space<vmem>>, %arg2: memref<2x1000x128xf32, #tpu.memory_space<vmem>>, %arg3: memref<1000x128xf32, #tpu.memory_space<vmem>>, %arg4: memref<128x128xf32, #tpu.memory_space<vmem>>, %arg5: memref<128x128xf32, #tpu.memory_space<vmem>>, %arg6: memref<1x128xf32, #tpu.memory_space<vmem>>, %arg7: memref<1000x128xf32, #tpu.memory_space<vmem>>) attributes {dimension_semantics = [#tpu.dimension_semantics<arbitrary>], iteration_bounds = array<i64: 10>, scalar_prefetch = 0 : i64, scratch_operands = 0 : i64, tpu.core_type = #tpu.core_type<tc>, window_params = [{transform_indices = @transform_0, window_bounds = array<i64: 2, 1000, 128>}, {transform_indices = @transform_1, window_bounds = array<i64: 2, 1000, 128>}, {transform_indices = @transform_2, window_bounds = array<i64: 1000, 128>}, {pipeline_mode = #tpu.pipeline_mode<synchronous>, transform_indices = @transform_3, window_bounds = array<i64: 128, 128>}, {pipeline_mode = #tpu.pipeline_mode<synchronous>, transform_indices = @transform_4, window_bounds = array<i64: 128, 128>}, {pipeline_mode = #tpu.pipeline_mode<synchronous>, transform_indices = @transform_5, window_bounds = array<i64: 1, 128>}, {transform_indices = @transform_6, window_bounds = array<i64: 1000, 128>}]} {
    %get3A = arith.constant 0 : index
    %get3A_0 = arith.constant 0 : index
    %get3A_1 = arith.constant 0 : index
    %get3A_2 = vector.load %arg2[%get3A, %get3A_0, %get3A_1] : memref<2x1000x128xf32, #tpu.memory_space<vmem>>, vector<1x1000x1xf32>
    %get3A_3 = vector.shape_cast %get3A_2 : vector<1x1000x1xf32> to vector<1000x1xf32>
    %get3A_4 = arith.constant 1 : index
    %get3A_5 = arith.constant 0 : index
    %get3A_6 = arith.constant 0 : index
    %get3A_7 = vector.load %arg2[%get3A_4, %get3A_5, %get3A_6] : memref<2x1000x128xf32, #tpu.memory_space<vmem>>, vector<1x1000x1xf32>
    %get3A_8 = vector.shape_cast %get3A_7 : vector<1x1000x1xf32> to vector<1000x1xf32>
    %add3A = arith.addf %get3A_3, %get3A_8 : vector<1000x1xf32>
    %max3A = arith.constant 1.000000e+00 : f32
    %max3A_9 = vector.broadcast %max3A : f32 to vector<1000x1xf32>
    %max3A_10 = arith.maximumf %add3A, %max3A_9 : vector<1000x1xf32>
    %div3A = arith.constant 1.000000e+00 : f32
    %div3A_11 = vector.broadcast %div3A : f32 to vector<1000x1xf32>
    %div3A_12 = arith.divf %div3A_11, %max3A_10 : vector<1000x1xf32>
    %get3A_13 = arith.constant 0 : index
    %get3A_14 = arith.constant 0 : index
    %get3A_15 = arith.constant 0 : index
    %get3A_16 = vector.load %arg1[%get3A_13, %get3A_14, %get3A_15] : memref<2x1000x128xf32, #tpu.memory_space<vmem>>, vector<1x1000x128xf32>
    %get3A_17 = vector.shape_cast %get3A_16 : vector<1x1000x128xf32> to vector<1000x128xf32>
    %get3A_18 = arith.constant 1 : index
    %get3A_19 = arith.constant 0 : index
    %get3A_20 = arith.constant 0 : index
    %get3A_21 = vector.load %arg1[%get3A_18, %get3A_19, %get3A_20] : memref<2x1000x128xf32, #tpu.memory_space<vmem>>, vector<1x1000x128xf32>
    %get3A_22 = vector.shape_cast %get3A_21 : vector<1x1000x128xf32> to vector<1000x128xf32>
    %add3A_23 = arith.addf %get3A_17, %get3A_22 : vector<1000x128xf32>
    %mul3A = vector.broadcast %div3A_12 : vector<1000x1xf32> to vector<1000x128xf32>
    %mul3A_24 = arith.mulf %add3A_23, %mul3A : vector<1000x128xf32>
    %get3A_25 = arith.constant 0 : index
    %get3A_26 = arith.constant 0 : index
    %get3A_27 = vector.load %arg4[%get3A_25, %get3A_26] : memref<128x128xf32, #tpu.memory_space<vmem>>, vector<128x128xf32>
    %dot_general3A = arith.constant dense<0.000000e+00> : vector<1000x128xf32>
    %dot_general3A_28 = tpu.matmul %mul3A_24, %get3A_27, %dot_general3A {dimension_numbers = #tpu.dot_dimension_numbers<[1], [1], [0], [0], [0, 0, 1, 0], [], []>, transpose_lhs_hint = false} : vector<1000x128xf32>, vector<128x128xf32>, vector<1000x128xf32> -> vector<1000x128xf32>
    %get3A_29 = arith.constant 0 : index
    %get3A_30 = arith.constant 0 : index
    %get3A_31 = vector.load %arg3[%get3A_29, %get3A_30] : memref<1000x128xf32, #tpu.memory_space<vmem>>, vector<1000x128xf32>
    %get3A_32 = arith.constant 0 : index
    %get3A_33 = arith.constant 0 : index
    %get3A_34 = vector.load %arg5[%get3A_32, %get3A_33] : memref<128x128xf32, #tpu.memory_space<vmem>>, vector<128x128xf32>
    %dot_general3A_35 = arith.constant dense<0.000000e+00> : vector<1000x128xf32>
    %dot_general3A_36 = tpu.matmul %get3A_31, %get3A_34, %dot_general3A_35 {dimension_numbers = #tpu.dot_dimension_numbers<[1], [1], [0], [0], [0, 0, 1, 0], [], []>, transpose_lhs_hint = false} : vector<1000x128xf32>, vector<128x128xf32>, vector<1000x128xf32> -> vector<1000x128xf32>
    %add3A_37 = arith.addf %dot_general3A_28, %dot_general3A_36 : vector<1000x128xf32>
    %get3A_38 = arith.constant 0 : index
    %get3A_39 = arith.constant 0 : index
    %get3A_40 = vector.load %arg6[%get3A_38, %get3A_39] : memref<1x128xf32, #tpu.memory_space<vmem>>, vector<1x128xf32>
    %add3A_41 = vector.broadcast %get3A_40 : vector<1x128xf32> to vector<1000x128xf32>
    %add3A_42 = arith.addf %add3A_37, %add3A_41 : vector<1000x128xf32>
    %swap3A = arith.constant 0 : index
    %swap3A_43 = arith.constant 0 : index
    %swap3A_44 = vector.load %arg7[%swap3A, %swap3A_43] : memref<1000x128xf32, #tpu.memory_space<vmem>>, vector<1000x128xf32>
    tpu.vector_store %arg7[%swap3A, %swap3A_43], %add3A_42 {strides = array<i32>} : memref<1000x128xf32, #tpu.memory_space<vmem>>, vector<1000x128xf32>,
    return
  }
  func.func @transform_0(%arg0: i32) -> (i32, i32, i32) {
    %c0_i32 = arith.constant 0 : i32
    %c0_i32_0 = arith.constant 0 : i32
    %c0_i32_1 = arith.constant 0 : i32
    return %c0_i32, %arg0, %c0_i32_0 : i32, i32, i32
  }
  func.func @transform_1(%arg0: i32) -> (i32, i32, i32) {
    %c0_i32 = arith.constant 0 : i32
    %c0_i32_0 = arith.constant 0 : i32
    %c0_i32_1 = arith.constant 0 : i32
    return %c0_i32, %arg0, %c0_i32_0 : i32, i32, i32
  }
  func.func @transform_2(%arg0: i32) -> (i32, i32) {
    %c0_i32 = arith.constant 0 : i32
    %c0_i32_0 = arith.constant 0 : i32
    return %arg0, %c0_i32 : i32, i32
  }
  func.func @transform_3(%arg0: i32) -> (i32, i32) {
    %c0_i32 = arith.constant 0 : i32
    %c0_i32_0 = arith.constant 0 : i32
    %c0_i32_1 = arith.constant 0 : i32
    return %c0_i32, %c0_i32_0 : i32, i32
  }
  func.func @transform_4(%arg0: i32) -> (i32, i32) {
    %c0_i32 = arith.constant 0 : i32
    %c0_i32_0 = arith.constant 0 : i32
    %c0_i32_1 = arith.constant 0 : i32
    return %c0_i32, %c0_i32_0 : i32, i32
  }
  func.func @transform_5(%arg0: i32) -> (i32, i32) {
    %c0_i32 = arith.constant 0 : i32
    %c0_i32_0 = arith.constant 0 : i32
    %c0_i32_1 = arith.constant 0 : i32
    return %c0_i32, %c0_i32_0 : i32, i32
  }
  func.func @transform_6(%arg0: i32) -> (i32, i32) {
    %c0_i32 = arith.constant 0 : i32
    %c0_i32_0 = arith.constant 0 : i32
    return %arg0, %c0_i32 : i32, i32
  }
}

module attributes {stable_mosaic.version = 14 : i64} {
  func.func @_combine_body(%arg0: i32, %arg1: memref<2x1000x128xf32, #tpu.memory_space<vmem>>, %arg2: memref<2x1000x128xf32, #tpu.memory_space<vmem>>, %arg3: memref<1000x128xf32, #tpu.memory_space<vmem>>, %arg4: memref<128x128xf32, #tpu.memory_space<vmem>>, %arg5: memref<128x128xf32, #tpu.memory_space<vmem>>, %arg6: memref<1x128xf32, #tpu.memory_space<vmem>>, %arg7: memref<1000x128xf32, #tpu.memory_space<vmem>>) attributes {dimension_semantics = [#tpu.dimension_semantics<arbitrary>], iteration_bounds = array<i64: 10>, scalar_prefetch = 0 : i64, scratch_operands = 0 : i64, tpu.core_type = #tpu.core_type<tc>, window_params = [{transform_indices = @transform_0, window_bounds = array<i64: 2, 1000, 128>}, {transform_indices = @transform_1, window_bounds = array<i64: 2, 1000, 128>}, {transform_indices = @transform_2, window_bounds = array<i64: 1000, 128>}, {pipeline_mode = #tpu.pipeline_mode<synchronous>, transform_indices = @transform_3, window_bounds = array<i64: 128, 128>}, {pipeline_mode = #tpu.pipeline_mode<synchronous>, transform_indices = @transform_4, window_bounds = array<i64: 128, 128>}, {pipeline_mode = #tpu.pipeline_mode<synchronous>, transform_indices = @transform_5, window_bounds = array<i64: 1, 128>}, {transform_indices = @transform_6, window_bounds = array<i64: 1000, 128>}]} {
    %get3A = arith.constant 0 : index
    %get3A_0 = arith.constant 0 : index
    %get3A_1 = arith.constant 0 : index
    %get3A_2 = vector.load %arg2[%get3A, %get3A_0, %get3A_1] : memref<2x1000x128xf32, #tpu.memory_space<vmem>>, vector<1x1000x1xf32>
    %get3A_3 = vector.shape_cast %get3A_2 : vector<1x1000x1xf32> to vector<1000x1xf32>
    %get3A_4 = arith.constant 1 : index
    %get3A_5 = arith.constant 0 : index
    %get3A_6 = arith.constant 0 : index
    %get3A_7 = vector.load %arg2[%get3A_4, %get3A_5, %get3A_6] : memref<2x1000x128xf32, #tpu.memory_space<vmem>>, vector<1x1000x1xf32>
    %get3A_8 = vector.shape_cast %get3A_7 : vector<1x1000x1xf32> to vector<1000x1xf32>
    %add3A = arith.addf %get3A_3, %get3A_8 : vector<1000x1xf32>
    %max3A = arith.constant 1.000000e+00 : f32
    %max3A_9 = vector.broadcast %max3A : f32 to vector<1000x1xf32>
    %max3A_10 = arith.maximumf %add3A, %max3A_9 : vector<1000x1xf32>
    %div3A = arith.constant 1.000000e+00 : f32
    %div3A_11 = vector.broadcast %div3A : f32 to vector<1000x1xf32>
    %div3A_12 = arith.divf %div3A_11, %max3A_10 : vector<1000x1xf32>
    %get3A_13 = arith.constant 0 : index
    %get3A_14 = arith.constant 0 : index
    %get3A_15 = arith.constant 0 : index
    %get3A_16 = vector.load %arg1[%get3A_13, %get3A_14, %get3A_15] : memref<2x1000x128xf32, #tpu.memory_space<vmem>>, vector<1x1000x128xf32>
    %get3A_17 = vector.shape_cast %get3A_16 : vector<1x1000x128xf32> to vector<1000x128xf32>
    %get3A_18 = arith.constant 1 : index
    %get3A_19 = arith.constant 0 : index
    %get3A_20 = arith.constant 0 : index
    %get3A_21 = vector.load %arg1[%get3A_18, %get3A_19, %get3A_20] : memref<2x1000x128xf32, #tpu.memory_space<vmem>>, vector<1x1000x128xf32>
    %get3A_22 = vector.shape_cast %get3A_21 : vector<1x1000x128xf32> to vector<1000x128xf32>
    %add3A_23 = arith.addf %get3A_17, %get3A_22 : vector<1000x128xf32>
    %mul3A = vector.broadcast %div3A_12 : vector<1000x1xf32> to vector<1000x128xf32>
    %mul3A_24 = arith.mulf %add3A_23, %mul3A : vector<1000x128xf32>
    %get3A_25 = arith.constant 0 : index
    %get3A_26 = arith.constant 0 : index
    %get3A_27 = vector.load %arg4[%get3A_25, %get3A_26] : memref<128x128xf32, #tpu.memory_space<vmem>>, vector<128x128xf32>
    %dot_general3A = arith.constant dense<0.000000e+00> : vector<1000x128xf32>
    %dot_general3A_28 = tpu.matmul %mul3A_24, %get3A_27, %dot_general3A {dimension_numbers = #tpu.dot_dimension_numbers<[1], [1], [0], [0], [0, 0, 1, 0], [], []>, transpose_lhs_hint = false} : vector<1000x128xf32>, vector<128x128xf32>, vector<1000x128xf32> -> vector<1000x128xf32>
    %get3A_29 = arith.constant 0 : index
    %get3A_30 = arith.constant 0 : index
    %get3A_31 = vector.load %arg3[%get3A_29, %get3A_30] : memref<1000x128xf32, #tpu.memory_space<vmem>>, vector<1000x128xf32>
    %get3A_32 = arith.constant 0 : index
    %get3A_33 = arith.constant 0 : index
    %get3A_34 = vector.load %arg5[%get3A_32, %get3A_33] : memref<128x128xf32, #tpu.memory_space<vmem>>, vector<128x128xf32>
    %dot_general3A_35 = arith.constant dense<0.000000e+00> : vector<1000x128xf32>
    %dot_general3A_36 = tpu.matmul %get3A_31, %get3A_34, %dot_general3A_35 {dimension_numbers = #tpu.dot_dimension_numbers<[1], [1], [0], [0], [0, 0, 1, 0], [], []>, transpose_lhs_hint = false} : vector<1000x128xf32>, vector<128x128xf32>, vector<1000x128xf32> -> vector<1000x128xf32>
    %add3A_37 = arith.addf %dot_general3A_28, %dot_general3A_36 : vector<1000x128xf32>
    %get3A_38 = arith.constant 0 : index
    %get3A_39 = arith.constant 0 : index
    %get3A_40 = vector.load %arg6[%get3A_38, %get3A_39] : memref<1x128xf32, #tpu.memory_space<vmem>>, vector<1x128xf32>
    %add3A_41 = vector.broadcast %get3A_40 : vector<1x128xf32> to vector<1000x128xf32>
    %add3A_42 = arith.addf %add3A_37, %add3A_41 : vector<1000x128xf32>
    %max3A_43 = arith.constant 0.000000e+00 : f32
    %max3A_44 = vector.broadcast %max3A_43 : f32 to vector<1000x128xf32>
    %max3A_45 = arith.maximumf %add3A_42, %max3A_44 : vector<1000x128xf32>
    %swap3A = arith.constant 0 : index
    %swap3A_46 = arith.constant 0 : index
    %swap3A_47 = vector.load %arg7[%swap3A, %swap3A_46] : memref<1000x128xf32, #tpu.memory_space<vmem>>, vector<1000x128xf32>
    tpu.vector_store %arg7[%swap3A, %swap3A_46], %max3A_45 {strides = array<i32>} : memref<1000x128xf32, #tpu.memory_space<vmem>>, vector<1000x128xf32>,
    return
  }
  func.func @transform_0(%arg0: i32) -> (i32, i32, i32) {
    %c0_i32 = arith.constant 0 : i32
    %c0_i32_0 = arith.constant 0 : i32
    %c0_i32_1 = arith.constant 0 : i32
    return %c0_i32, %arg0, %c0_i32_0 : i32, i32, i32
  }
  func.func @transform_1(%arg0: i32) -> (i32, i32, i32) {
    %c0_i32 = arith.constant 0 : i32
    %c0_i32_0 = arith.constant 0 : i32
    %c0_i32_1 = arith.constant 0 : i32
    return %c0_i32, %arg0, %c0_i32_0 : i32, i32, i32
  }
  func.func @transform_2(%arg0: i32) -> (i32, i32) {
    %c0_i32 = arith.constant 0 : i32
    %c0_i32_0 = arith.constant 0 : i32
    return %arg0, %c0_i32 : i32, i32
  }
  func.func @transform_3(%arg0: i32) -> (i32, i32) {
    %c0_i32 = arith.constant 0 : i32
    %c0_i32_0 = arith.constant 0 : i32
    %c0_i32_1 = arith.constant 0 : i32
    return %c0_i32, %c0_i32_0 : i32, i32
  }
  func.func @transform_4(%arg0: i32) -> (i32, i32) {
    %c0_i32 = arith.constant 0 : i32
    %c0_i32_0 = arith.constant 0 : i32
    %c0_i32_1 = arith.constant 0 : i32
    return %c0_i32, %c0_i32_0 : i32, i32
  }
  func.func @transform_5(%arg0: i32) -> (i32, i32) {
    %c0_i32 = arith.constant 0 : i32
    %c0_i32_0 = arith.constant 0 : i32
    %c0_i32_1 = arith.constant 0 : i32
    return %c0_i32, %c0_i32_0 : i32, i32
  }
  func.func @transform_6(%arg0: i32) -> (i32, i32) {
    %c0_i32 = arith.constant 0 : i32
    %c0_i32_0 = arith.constant 0 : i32
    return %arg0, %c0_i32 : i32, i32
  }
}

</mosaic_0001>

<sc_bundles>
// kernel: kernel.12.cloned.1.call-start
scs
__scs_entry_jumppad:
0x0: {  	(pc) =	sbr.rel $0x88, $3  }
0x1: {  	(tag) =	ssettag $0x0;
	lr =	simm.s32 $0x1  }
0x2: {  	[smem:$0x3F96] =	sst lr;
	_ =	strace $0xD0000000  }
0x3: {  	_ = 	snop  }
0x4: {  	_ = 	snop  }
0x5: {  	_ = 	snop  }
0x6: {  	_ = 	snop  }
0x7: {  	_ = 	snop  }
__scs_overlays_trampoline_lowered:
0x8: {  	[smem:$0x3FA5] =	sst s0  }
0x9: {  	[smem:$0x3FA6] =	sst s1  }
0xa: {  	[smem:$0x3FA7] =	sst s2  }
0xb: {  	[smem:$0x3FA8] =	sst s3  }
0xc: {  	[smem:$0x3FA9] =	sst s4  }
0xd: {  	[smem:$0x3FAA] =	sst s5  }
0xe: {  	[smem:$0x3FAB] =	sst s6  }
0xf: {  	[smem:$0x3FAC] =	sst s7  }
0x10: {  	[smem:$0x3FAD] =	sst s8  }
0x11: {  	[smem:$0x3FAE] =	sst s9;
	s0 =	simm.s32 @!p0 $0x0  }
0x12: {  	s1 =	sld [smem:$0x3F94];
	s0 =	simm.s32 @p0 $0x1  }
0x13: {  	[smem:$0x3FAF] =	sst s0;
	s0 =	simm.s32 @!p1 $0x0  }
0x14: {  	s2 =	sld [smem:$0x3F93];
	s0 =	simm.s32 @p1 $0x1  }
0x15: {  	[smem:$0x3FB0] =	sst s0;
	s0 =	simm.s32 @!p2 $0x0  }
0x16: {  	s3 =	sld [smem:$0x3FDB];
	s0 =	simm.s32 @p2 $0x1  }
0x17: {  	s4 =	simm.s32 $0x1BF5;
	[smem:$0x3FB2] =	sst s0  }
0x18: {  	s0 =	sld [smem:$0x3F95];
	_ =	swait.ge [sflag:s4], $0x0  }
0x19: {  	s7 =	sld [smem:$0x3F96]  }
0x1a: {  	s8 =	sadd.s32 $0xFFFFE003, lr  }
0x1b: {  	s9 =	sadd.s32 $0xFFFFFEF7, lr;
	s5 =	simm.s32 $0xFFFFFFFF;
	p2 =	slt.u32 s8, $0xFFFFF086  }
0x1c: {  	p1 =	slt.u32 s9, $0xF7A;
	s5 =	simm.s32 @!p2 $0x0  }
0x1d: {  	s5 =	simm.s32 @p1 $0x1;
	p0 =	seq.s32 s7, s2  }
0x1e: {  	s7 =	smul.u32 @!p0 $0xF7A, s2;
	p2 =	seq.s32 @!p0 s5, $0x0  }
0x1f: {  	s9 =	smul.u32 $0xF7A, s1;
	s8 =	simm.s32 @!p0 $0x1BF5;
	p2 =	por !p2, p0  }
0x20: {  	[sflag:s8] =	ssyncset.s32 @!p0 $0xFFFFF086;
	s6 =	sadd.s32 @!p0 s3, s7;
	s7 =	simm.s32 @!p0 $0x108  }
0x21: {  	s3 =	sadd.s32 s3, s9;
	s6 =	sadd.s32 @!p0 $0x88, s6;
	s7 =	simm.s32 @p2 $0x1082  }
0x22: {  	[simem:s7], [sflag:s8] =	dma.local @!p0 [hbm:s6], $0xF7A  }
0x23: {  	s9 =	sor.u32 $0xD0000000, s2;
	s6 =	simm.s32 $0x108;
	_ =	swait.ge @!p0 [sflag:s8], $0x0  }
0x24: {  	s3 =	sadd.s32 $0x88, s3;
	s6 =	simm.s32 @!p1 $0x1082;
	[sflag:s4] =	ssyncset.s32 $0xFFFFF086  }
0x25: {  	[simem:s6], [sflag:s4] =	dma.local [hbm:s3], $0xF7A  }
0x26: {  	[smem:$0x3F96] =	sst s1;
	(tag) =	ssettag s2;
	_ =	strace s9  }
0x27: {  	s1 =	sld [smem:$0x3FA6]  }
0x28: {  	s2 =	sld [smem:$0x3FA7]  }
0x29: {  	s4 =	sld [smem:$0x3FA9]  }
0x2a: {  	p0 =	seq.s32 s5, $0x0;
	s5 =	sld [smem:$0x3FAA]  }
0x2b: {  	s6 =	sld [smem:$0x3FAB]  }
0x2c: {  	s7 =	sld [smem:$0x3FAC]  }
0x2d: {  	s3 =	simm.s32 $0x108;
	s8 =	sld [smem:$0x3FAD]  }
0x2e: {  	s3 =	simm.s32 @!p0 $0x1082;
	s9 =	sld [smem:$0x3FAE]  }
0x2f: {  	lr =	sadd.s32 s0, s3;
	s0 =	sld [smem:$0x3FA5]  }
0x30: {  	s3 =	sld [smem:$0x3FA8]  }
0x31: {  	[smem:$0x3FB1] =	sst s10  }
0x32: {  	s10 =	sld [smem:$0x3FAF];
	_ =	sdelay $0x3  }
0x33: {  	p0 =	seq.s32 s10, $0x1;
	s10 =	sld [smem:$0x3FB1];
	_ =	sdelay $0x3  }
0x34: {  	[smem:$0x3FB1] =	sst s10  }
0x35: {  	s10 =	sld [smem:$0x3FB0];
	_ =	sdelay $0x3  }
0x36: {  	p1 =	seq.s32 s10, $0x1;
	s10 =	sld [smem:$0x3FB1];
	_ =	sdelay $0x3  }
0x37: {  	[smem:$0x3FB1] =	sst s10  }
0x38: {  	s10 =	sld [smem:$0x3FB2]  }
0x39: {  	_ = 	snop;
	(pc) =	sbr.ind lr, $3  }
0x3a: {  	_ = 	snop  }
0x3b: {  	_ = 	snop  }
0x3c: {  	p2 =	seq.s32 s10, $0x1;
	s10 =	sld [smem:$0x3FB1]  }
0x3d: {  	_ =	shalt  }
0x3e: {  	_ =	shalt  }
0x3f: {  	_ =	shalt  }
0x40: {  	_ =	shalt  }
0x41: {  	_ =	shalt  }
0x42: {  	_ =	shalt  }
0x43: {  	_ =	shalt  }
0x44: {  	_ =	shalt  }
0x45: {  	_ =	shalt  }
0x46: {  	_ =	shalt  }
0x47: {  	_ =	shalt  }
0x48: {  	_ =	shalt  }
0x49: {  	_ =	shalt  }
0x4a: {  	_ =	shalt  }
0x4b: {  	_ =	shalt  }
0x4c: {  	_ =	shalt  }
0x4d: {  	_ =	shalt  }
0x4e: {  	_ =	shalt  }
0x4f: {  	_ =	shalt  }
0x50: {  	_ =	shalt  }
0x51: {  	_ =	shalt  }
0x52: {  	_ =	shalt  }
0x53: {  	_ =	shalt  }
0x54: {  	_ =	shalt  }
0x55: {  	_ =	shalt  }
0x56: {  	_ =	shalt  }
0x57: {  	_ =	shalt  }
0x58: {  	_ =	shalt  }
0x59: {  	_ =	shalt  }
0x5a: {  	_ =	shalt  }
0x5b: {  	_ =	shalt  }
0x5c: {  	_ =	shalt  }
0x5d: {  	_ =	shalt  }
0x5e: {  	_ =	shalt  }
0x5f: {  	_ =	shalt  }
0x60: {  	_ =	shalt  }
0x61: {  	_ =	shalt  }
0x62: {  	_ =	shalt  }
0x63: {  	_ =	shalt  }
0x64: {  	_ =	shalt  }
0x65: {  	_ =	shalt  }
0x66: {  	_ =	shalt  }
0x67: {  	_ =	shalt  }
0x68: {  	_ =	shalt  }
0x69: {  	_ =	shalt  }
0x6a: {  	_ =	shalt  }
0x6b: {  	_ =	shalt  }
0x6c: {  	_ =	shalt  }
0x6d: {  	_ =	shalt  }
0x6e: {  	_ =	shalt  }
0x6f: {  	_ =	shalt  }
0x70: {  	_ =	shalt  }
0x71: {  	_ =	shalt  }
0x72: {  	_ =	shalt  }
0x73: {  	_ =	shalt  }
0x74: {  	_ =	shalt  }
0x75: {  	_ =	shalt  }
0x76: {  	_ =	shalt  }
0x77: {  	_ =	shalt  }
0x78: {  	_ =	shalt  }
0x79: {  	_ =	shalt  }
0x7a: {  	_ =	shalt  }
0x7b: {  	_ =	shalt  }
0x7c: {  	_ =	shalt  }
0x7d: {  	_ =	shalt  }
0x7e: {  	_ =	shalt  }
0x7f: {  	_ =	shalt  }
0x80: {  	_ =	shalt  }
0x81: {  	_ =	shalt  }
0x82: {  	_ =	shalt  }
0x83: {  	_ =	shalt  }
0x84: {  	_ =	shalt  }
0x85: {  	_ =	shalt  }
0x86: {  	_ =	shalt  }
0x87: {  	_ =	shalt  }
.Lfunc_end0:
.L_simem_size_0:
called_computation.1_lowered:
.L_overlay_start_0:
0x88: {  	s2 =	sld [smem:$0x3FD9]  }
0x89: {  	s3 =	sld [smem:$0x3FFE];
	_ =	sdelay $0x1  }
0x8a: {  	s1 =	srdreg.scid  }
0x8b: {  	s0 =	sand.u32 $0x1, s1  }
0x8c: {  	s17 =	sshll.u32 s0, $0xA;
	s2 =	sadd.s32 s3, s2  }
0x8d: {  	s2 =	sadd.s32 s2, s17  }
0x8e: {  	[smem:$0x3FBD] =	sst s2  }
0x8f: {  	_ = 	snop  }
0x90: {  	s2 =	sld [smem:$0x3FC9];
	(tm) =	ssettm $0x1  }
0x91: {  	s18 =	sld [smem:$0x3FFB];
	_ =	sdelay $0x3  }
0x92: {  	_ =	strace s18  }
0x93: {  	s3 =	sld [smem:$0x3FFC];
	_ =	sdelay $0x3  }
0x94: {  	_ =	strace s3  }
0x95: {  	s3 =	sld [smem:$0x3FFD];
	_ =	sdelay $0x3  }
0x96: {  	_ =	strace s3  }
0x97: {  	_ =	strace $0x8FFFFFFF  }
0x98: {  	s19 =	sld [smem:$0x3FDB];
	_ =	sdelay $0x1  }
0x99: {  	s4 =	simm.s32 $_scs_section_size  }
0x9a: {  	s5 =	simm.s32 $_size__tile_overlayer_lowered;
	s6 =	simm.s32 $_tile_overlayer_lowered  }
0x9b: {  	s22 =	simm.s32 $0x1BFF;
	s21 =	sshll.u32 s6, $0x1;
	s3 =	sadd.s32 s4, s19  }
0x9c: {  	s7 =	simm.s32 $0x0;
	s20 =	sshll.u32 s5, $0x1;
	s5 =	sadd.s32 s21, s3  }
0x9d: {  	[timem:s7], [sflag:s22] =	dma.local [hbm:s5], s20  }
0x9e: {  	_ =	swait.ge [sflag:s22], s20  }
0x9f: {  	s4 =	ssub.s32 $0x0, s20;
	[sflag:s22] =	ssyncset.done $0x0  }
0xa0: {  	[sflag:s22] =	ssyncadd.s32 s4;
	_ =	sdelay $0x1  }
0xa1: {  	s23 =	simm.s32 $0x1B8B  }
0xa2: {  	_ =	swait.ge [sflag:s23], $0x1  }
0xa3: {  	[sflag:s23] =	ssyncset.done $0x0  }
0xa4: {  	s25 =	simm.s32 $0x1B8E;
	s24 =	sld [smem:$0x3FFE];
	[sflag:s23] =	ssyncadd.s32 $0xFFFFFFFF  }
0xa5: {  	s26 =	simm.s32 $execute0_lowered;
	[smem:$0x3FD2] =	sst s25  }
0xa6: {  	s5 =	sshll.u32 s26, $0x1;
	_ =	strace $0x80000046;
	[dreg:$0x1] =	wrdreg $0xFFFFFFFF  }
0xa7: {  	s28 =	simm.s32 $_size_execute0_lowered;
	s3 =	sadd.s32 s3, s5;
	[dreg:$0x0] =	wrdreg $0x0  }
0xa8: {  	s5 =	sshll.u32 s28, $0x1;
	[dreg:$0x2] =	wrdreg s3  }
0xa9: {  	[dreg:$0x3] =	wrdreg s5  }
0xaa: {  	[dreg:$0x4] =	wrdreg $0xC0  }
0xab: {  	_ =	task [dreg:s7], $0x5FFFF  }
0xac: {  	[dreg:$0x1] =	wrdreg $0xFFFFFFFF  }
0xad: {  	[dreg:$0x0] =	wrdreg $0x60  }
0xae: {  	[dreg:$0x2] =	wrdreg s2  }
0xaf: {  	[dreg:$0x3] =	wrdreg s24  }
0xb0: {  	[dreg:$0x4] =	wrdreg $0x0  }
0xb1: {  	[dreg:$0x5] =	wrdreg $0xA  }
0xb2: {  	_ =	task.clear_ibuf [dreg:s7], $0x6FFFF;
	_ =	strace $0x90000046  }
0xb3: {  	s29 =	simm.s32 $0xA;
	_ =	strace $0x80000048  }
0xb4: {  	_ =	swait.ge [sflag:s29], $0x1  }
0xb5: {  	[sflag:s29] =	ssyncadd.s32 $0xFFFFFFFF  }
0xb6: {  	_ =	strace $0x90000048  }
0xb7: {  	_ =	sfence  }
0xb8: {  	s30 =	sld [smem:$0x0];
	_ =	sdelay $0x2  }
0xb9: {  	s31 =	sshll.u32 s1, $0xD;
	s1 =	sshrl.u32 s1, $0x2  }
0xba: {  	s3 =	sand.u32 $0x4000, s31;
	s1 =	sadd.s32 s1, s30  }
0xbb: {  	s0 =	sor.u32 s3, s0;
	s1 =	sshll.u32 s1, $0x11  }
0xbc: {  	s0 =	sor.u32 s1, s0  }
0xbd: {  	s0 =	sadd.s32 $0x8F2B, s0  }
0xbe: {  	[sflag:s0] =	ssyncadd.remote.s32 $0x1  }
0xbf: {  	_ =	sfence.sel $0xFFFF  }
0xc0: {  	[dreg:$0x0] =	wrdreg $0xFFFFFFFF;
	(pc) =	sbr.abs _section_cstart, $3  }
0xc1: {  	[dreg:$0x1] =	wrdreg $0xFFFFFFFF  }
0xc2: {  	_ =	task.clear_ibuf [dreg:s7], $0x2FFFF;
	_ =	strace $0x9FFFFFFF  }
0xc3: {  	(tm) =	ssettm $0x7FFFFFFF  }
tec
execute0_lowered:
.L_overlay_start_1:
0x0: {  	(tag) =	ssettag $0x1  }
0x1: {  	s1 =	rddreg [dreg:$0x0]  }
0x2: {  	s0 =	rddreg [dreg:$0x1]  }
0x3: {  	s3 =	rddreg [dreg:$0x2];
	s2 =	srdreg.scid  }
0x4: {  	s11 =	stileid.u32;
	s4 =	simm.s32 $0x0;
	s16 =	simm.s32 $0x4  }
0x5: {  	s17 =	simm.s32 $0x17000;
	s18 =	simm.s32 $0x20;
	s19 =	simm.s32 $0x17100  }
0x6: {  	s26 =	simm.s32 $0x1B100;
	s28 =	simm.s32 $0x2;
	s29 =	simm.s32 $0x80  }
0x7: {  	s30 =	simm.s32 $0x3;
	s31 =	simm.s32 $0x0;
	s5 =	smul.u32 $0x60, s11  }
0x8: {  	s2 =	sand.u32 $0x1, s2;
	[smem:$0x7FF] =	sst s4;
	s7 =	smul.u32 $0x14000, s11  }
0x9: {  	s8 =	sshll.u32 s11, $0x6;
	s11 =	smul.u32 $0x50000, s11;
	s24 =	sadd.s32 $0x17E00, s0  }
0xa: {  	s6 =	smul.u32 $0x140000, s2;
	p0 =	seq.s32 s2, $0x0;
	s14 =	sadd.s32 $0x600, s8  }
0xb: {  	_ =	strace $0x80000047;
	[dreg:$0x6] =	wrdreg s24;
	s2 =	ssub.s32 $0x2, s2  }
0xc: {  	s8 =	sor.u32 $0x1C04, s8;
	[dreg:$0x4] =	wrdreg s26;
	s14 =	smov.u32 @p0 s5  }
0xd: {  	s5 =	sadd.s32 $0xD800, s0;
	s12 =	sshrl.u32 s2, $0x1;
	s11 =	sshrl.u32 s11, $0x2  }
0xe: {  	s10 =	sshll.u32 s14, $0x4;
	s6 =	sadd.s32 s7, s6;
	s2 =	ssub.s32 s2, s12  }
0xf: {  	s15 =	sadd.s32 s11, s3;
	s14 =	sshll.u32 s14, $0x7;
	s7 =	sshrl.u32 s6, $0x3  }
0x10: {  	s9 =	sadd.s32 s10, s0;
	s0 =	sadd.s32 s7, s0;
	s7 =	simm.s32 $0x60  }
0x11: {  	s10 =	sadd.s32 s5, s10;
	s13 =	smax.u32 s2, $0x1;
	s7 =	simm.s32 @!p0 $0x40  }
0x12: {  	s15 =	sshrl.u32 s15, $0x3;
	s9 =	sadd.s32 $0x3200, s9;
	s25 =	sshll.u32 s7, $0x7  }
0x13: {  	s11 =	sadd.s32 $0x10, s10;
	s12 =	sadd.s32 $0x1A600, s0;
	[dreg:$0x5] =	wrdreg s25  }
.LBB2_1:
0x14: {  	s0 =	rddreg [dreg:$0x6]  }
0x15: {  	[spmem:s15], [sflag:s8] =	dma.local [hbm:s0], $0x2800  }
0x16: {  	_ =	swait.ge [sflag:s16], $0x2800  }
0x17: {  	[sflag:s16] =	ssyncset.done $0x0  }
0x18: {  	s0 =	simm.s32 $0x14000;
	[sflag:s16] =	ssyncadd.s32 $0xFFFFD800  }
0x19: {  	[tilespmem:s0], [sflag:$0x4] =	stream.linear.gather [hbm4b:s9+s4], $0x3000, $0x38;
	[tilespmem:$0x1F100] =	vst v63  }
0x1a: {  	_ =	swait.ge [sflag:s16], $0x3000  }
0x1b: {  	[sflag:s16] =	ssyncset.done $0x0  }
0x1c: {  	[sflag:s16] =	ssyncadd.s32 $0xFFFFD000  }
0x1d: {  	[tilespmem:s17], [sflag:$0x4] =	stream.linear.gather [hbm4b:s10+s4], $0x80, $0x38;
	[tilespmem:$0x1F100] =	vst v63  }
0x1e: {  	_ =	swait.ge [sflag:s16], $0x80  }
0x1f: {  	[sflag:s16] =	ssyncset.done $0x0  }
0x20: {  	[sflag:s16] =	ssyncadd.s32 $0xFFFFFF80  }
0x21: {  	[bflag:$0x0] =	sbarrier.arrive $0xFFFF  }
0x22: {  	[tilespmem:s19], [sflag:$0x2] =	stream.indirect.gather [hbm4b:s1+s18], $0x80, s17, s18, $0xb8;
	[tilespmem:$0x1F100] =	vst v63  }
0x23: {  	s2 =	simm.s32 $0x17020;
	s6 =	simm.s32 $0x18100  }
0x24: {  	[tilespmem:s6], [sflag:$0x2] =	stream.indirect.gather [hbm4b:s1+s18], $0x80, s2, s18, $0xb8;
	[tilespmem:$0x1F100] =	vst v63  }
0x25: {  	s20 =	simm.s32 $0x19100;
	s6 =	simm.s32 $0x17040  }
0x26: {  	[tilespmem:s20], [sflag:$0x2] =	stream.indirect.gather [hbm4b:s1+s18], $0x80, s6, s18, $0xb8;
	[tilespmem:$0x1F100] =	vst v63  }
0x27: {  	s21 =	simm.s32 $0x17060;
	s22 =	simm.s32 $0x1A100  }
0x28: {  	[tilespmem:s22], [sflag:$0x2] =	stream.indirect.gather [hbm4b:s1+s18], $0x80, s21, s18, $0xb8;
	[tilespmem:$0x1F100] =	vst v63  }
0x29: {  	s23 =	simm.s32 $0x17080  }
0x2a: {  	[tilespmem:s23], [sflag:$0x1] =	stream.linear.gather [hbm4b:s11+s4], $0x80, $0x38;
	[tilespmem:$0x1F100] =	vst v63  }
0x2b: {  	_ =	swait.ge [sflag:s28], $0x1000  }
0x2c: {  	[sflag:s28] =	ssyncset.done $0x0  }
0x2d: {  	[sflag:s28] =	ssyncadd.s32 $0xFFFFF000  }
0x2e: {  	_ =	swait.ge [sflag:s28], $0x1000  }
0x2f: {  	[sflag:s28] =	ssyncset.done $0x0  }
0x30: {  	[sflag:s28] =	ssyncadd.s32 $0xFFFFF000  }
0x31: {  	_ =	swait.ge [sflag:s28], $0x1000  }
0x32: {  	p0 =	sle.u32 s7, $0x2;
	[sflag:s28] =	ssyncset.done $0x0  }
0x33: {  	s2 =	simm.s32 @!p0 $0x100;
	s20 =	sadd.s32 @!p0 $0x100, s14;
	[sflag:s28] =	ssyncadd.s32 $0xFFFFF000  }
0x34: {  	s2 =	sand.u32 @!p0 $0x300, s2;
	s20 =	sand.u32 @!p0 $0x7FFFFC00, s20;
	_ =	swait.ge [sflag:s28], $0x1000  }
0x35: {  	p2 =	por $0x1, $0x1;
	s2 =	sor.u32 @!p0 s2, s20;
	[sflag:s28] =	ssyncset.done $0x0  }
0x36: {  	s20 =	simm.s32 @!p0 $0x0;
	s2 =	sshrl.u32 @!p0 s2, $0x3;
	[sflag:s28] =	ssyncadd.s32 $0xFFFFF000  }
0x37: {  	[spmem:s3] =	stream.indirect.scatter.add.f32 [tilespmem:s19], [sflag:$0x3], $0x80, s0, s29, $0xb8;
	[tilespmem:$0x1F100] =	vst v63  }
0x38: {  	s21 =	simm.s32 @!p0 $0x17000;
	s22 =	simm.s32 @!p2 $0x3;
	s2 =	sadd.s32 @!p0 s5, s2  }
0x39: {  	[tilespmem:s21], [sflag:$0x1] =	stream.linear.gather @!p0 [hbm4b:s2+s20], $0x80, $0x38;
	[tilespmem:$0x1F100] =	vst v63  }
0x3a: {  	_ =	swait.ge @!p2 [sflag:s22], $0x4000  }
0x3b: {  	p1 =	sle.u32 s7, $0x1;
	[sflag:s22] =	ssyncset.done @!p2 $0x0  }
0x3c: {  	s2 =	simm.s32 @!p1 $0x1;
	[sflag:s22] =	ssyncadd.s32 @!p2 $0xFFFFC000  }
0x3d: {  	_ =	swait.ge @!p1 [sflag:s2], $0x80  }
0x3e: {  	s23 =	simm.s32 @!p1 $0x17080;
	[sflag:s2] =	ssyncset.done @!p1 $0x0  }
0x3f: {  	s20 =	simm.s32 @!p1 $0x1B100;
	s22 =	simm.s32 @!p1 $0x20;
	[sflag:s2] =	ssyncadd.s32 @!p1 $0xFFFFFF80  }
0x40: {  	[tilespmem:s20], [sflag:$0x2] =	stream.indirect.gather @!p1 [hbm4b:s1+s22], $0x80, s23, s22, $0xb8;
	[tilespmem:$0x1F100] =	vst v63  }
0x41: {  	s2 =	simm.s32 @!p1 $0x170A0;
	s20 =	simm.s32 @!p1 $0x1C100  }
0x42: {  	[tilespmem:s20], [sflag:$0x2] =	stream.indirect.gather @!p1 [hbm4b:s1+s22], $0x80, s2, s22, $0xb8;
	[tilespmem:$0x1F100] =	vst v63  }
0x43: {  	s2 =	simm.s32 @!p1 $0x170C0;
	s20 =	simm.s32 @!p1 $0x1D100  }
0x44: {  	[tilespmem:s20], [sflag:$0x2] =	stream.indirect.gather @!p1 [hbm4b:s1+s22], $0x80, s2, s22, $0xb8;
	[tilespmem:$0x1F100] =	vst v63  }
0x45: {  	s2 =	simm.s32 @!p1 $0x170E0;
	s20 =	simm.s32 @!p1 $0x1E100  }
0x46: {  	[tilespmem:s20], [sflag:$0x2] =	stream.indirect.gather @!p1 [hbm4b:s1+s22], $0x80, s2, s22, $0xb8;
	[tilespmem:$0x1F100] =	vst v63  }
0x47: {  	_ =	swait.ge [sflag:s28], $0x1000  }
0x48: {  	[sflag:s28] =	ssyncset.done $0x0  }
0x49: {  	[sflag:s28] =	ssyncadd.s32 $0xFFFFF000  }
0x4a: {  	_ =	swait.ge [sflag:s28], $0x1000  }
0x4b: {  	[sflag:s28] =	ssyncset.done $0x0  }
0x4c: {  	[sflag:s28] =	ssyncadd.s32 $0xFFFFF000  }
0x4d: {  	_ =	swait.ge [sflag:s28], $0x1000  }
0x4e: {  	p1 =	sle.u32 s7, $0x3;
	[sflag:s28] =	ssyncset.done $0x0  }
0x4f: {  	s2 =	simm.s32 @!p1 $0x180;
	s20 =	sadd.s32 @!p1 $0x180, s14;
	[sflag:s28] =	ssyncadd.s32 $0xFFFFF000  }
0x50: {  	s2 =	sand.u32 @!p1 $0x380, s2;
	s20 =	sand.u32 @!p1 $0x7FFFFC00, s20;
	_ =	swait.ge [sflag:s28], $0x1000  }
0x51: {  	s25 =	simm.s32 $0x14080;
	s2 =	sor.u32 @!p1 s2, s20;
	[sflag:s28] =	ssyncset.done $0x0  }
0x52: {  	s2 =	sshrl.u32 @!p1 s2, $0x3;
	s24 =	rddreg [dreg:$0x4];
	[sflag:s28] =	ssyncadd.s32 $0xFFFFF000  }
0x53: {  	[spmem:s3] =	stream.indirect.scatter.add.f32 [tilespmem:s24], [sflag:$0x3], $0x80, s25, s29, $0xb8;
	[tilespmem:$0x1F100] =	vst v63  }
0x54: {  	s22 =	simm.s32 @!p1 $0x17080;
	s20 =	simm.s32 @!p1 $0x0;
	s2 =	sadd.s32 @!p1 s5, s2  }
0x55: {  	[tilespmem:s22], [sflag:$0x1] =	stream.linear.gather @!p1 [hbm4b:s2+s20], $0x80, $0x38;
	[tilespmem:$0x1F100] =	vst v63  }
0x56: {  	_ =	swait.ge [sflag:s30], $0x4000  }
0x57: {  	[sflag:s30] =	ssyncset.done $0x0  }
0x58: {  	s2 =	simm.s32 @!p0 $0x1;
	[sflag:s30] =	ssyncadd.s32 $0xFFFFC000  }
0x59: {  	_ =	swait.ge @!p0 [sflag:s2], $0x80  }
0x5a: {  	s23 =	simm.s32 @!p0 $0x20;
	[sflag:s2] =	ssyncset.done @!p0 $0x0;
	s26 =	rddreg [dreg:$0x5]  }
0x5b: {  	s20 =	simm.s32 @!p0 $0x17100;
	[sflag:s2] =	ssyncadd.s32 @!p0 $0xFFFFFF80;
	p1 =	sne.s32 s26, $0x100  }
0x5c: {  	[tilespmem:s20], [sflag:$0x2] =	stream.indirect.gather @!p0 [hbm4b:s1+s23], $0x80, s21, s23, $0xb8;
	[tilespmem:$0x1F100] =	vst v63  }
.Ltmp0:
0x5d: {  	s2 =	simm.s32 @!p0 $0x17020;
	s21 =	simm.s32 @!p0 $0x18100;
	(pc) =	sbr.rel @!p1 .LBB2_3-.Ltmp0, $4  }
0x5e: {  	[tilespmem:s21], [sflag:$0x2] =	stream.indirect.gather @!p0 [hbm4b:s1+s23], $0x80, s2, s23, $0xb8;
	[tilespmem:$0x1F100] =	vst v63  }
0x5f: {  	s24 =	simm.s32 @!p0 $0x1A100;
	s2 =	simm.s32 @!p0 $0x17040;
	s21 =	simm.s32 @!p0 $0x19100  }
0x60: {  	[tilespmem:s21], [sflag:$0x2] =	stream.indirect.gather @!p0 [hbm4b:s1+s23], $0x80, s2, s23, $0xb8;
	[tilespmem:$0x1F100] =	vst v63  }
0x61: {  	s20 =	simm.s32 $0x3;
	s2 =	simm.s32 $0x100;
	s21 =	simm.s32 @!p0 $0x17060  }
.LBB2_2:
0x62: {  	[tilespmem:s24], [sflag:$0x2] =	stream.indirect.gather @!p0 [hbm4b:s1+s23], $0x80, s21, s23, $0xb8;
	[tilespmem:$0x1F100] =	vst v63  }
0x63: {  	_ =	swait.ge [sflag:s28], $0x1000  }
0x64: {  	[sflag:s28] =	ssyncset.done $0x0  }
0x65: {  	[sflag:s28] =	ssyncadd.s32 $0xFFFFF000  }
0x66: {  	_ =	swait.ge [sflag:s28], $0x1000  }
0x67: {  	[sflag:s28] =	ssyncset.done $0x0  }
0x68: {  	s23 =	sadd.s32 $0x1, s20;
	[sflag:s28] =	ssyncadd.s32 $0xFFFFF000  }
0x69: {  	s22 =	smov.u32 s2;
	p0 =	sge.u32 s23, s7;
	_ =	swait.ge [sflag:s28], $0x1000  }
0x6a: {  	s21 =	sadd.s32 @!p0 $0x100, s22;
	[sflag:s28] =	ssyncset.done $0x0  }
0x6b: {  	s0 =	sadd.s32 $0x100, s0;
	s23 =	sadd.s32 @!p0 s14, s21;
	[sflag:s28] =	ssyncadd.s32 $0xFFFFF000  }
0x6c: {  	s21 =	sand.u32 @!p0 $0x300, s21;
	s23 =	sand.u32 @!p0 $0x7FFFFC00, s23;
	_ =	swait.ge [sflag:s28], $0x1000  }
0x6d: {  	p2 =	seq.s32 s22, $0x0;
	s21 =	sor.u32 @!p0 s21, s23;
	[sflag:s28] =	ssyncset.done $0x0  }
0x6e: {  	s24 =	simm.s32 @!p0 $0x0;
	s23 =	sshrl.u32 @!p0 s21, $0x3;
	[sflag:s28] =	ssyncadd.s32 $0xFFFFF000  }
0x6f: {  	[spmem:s3] =	stream.indirect.scatter.add.f32 [tilespmem:s19], [sflag:$0x3], $0x80, s0, s29, $0xb8;
	[tilespmem:$0x1F100] =	vst v63  }
0x70: {  	s25 =	simm.s32 @!p2 $0x3;
	s21 =	simm.s32 @!p0 $0x17000;
	s23 =	sadd.s32 @!p0 s5, s23  }
0x71: {  	[tilespmem:s21], [sflag:$0x1] =	stream.linear.gather @!p0 [hbm4b:s23+s24], $0x80, $0x38;
	[tilespmem:$0x1F100] =	vst v63  }
0x72: {  	_ =	swait.ge @!p2 [sflag:s25], $0x4000  }
0x73: {  	p1 =	sge.u32 s20, s7;
	[sflag:s25] =	ssyncset.done @!p2 $0x0  }
0x74: {  	s23 =	simm.s32 @!p1 $0x1;
	[sflag:s25] =	ssyncadd.s32 @!p2 $0xFFFFC000  }
0x75: {  	_ =	swait.ge @!p1 [sflag:s23], $0x80  }
0x76: {  	s26 =	simm.s32 @!p1 $0x17080;
	[sflag:s23] =	ssyncset.done @!p1 $0x0  }
0x77: {  	s24 =	simm.s32 @!p1 $0x1B100;
	s25 =	simm.s32 @!p1 $0x20;
	[sflag:s23] =	ssyncadd.s32 @!p1 $0xFFFFFF80  }
0x78: {  	[tilespmem:s24], [sflag:$0x2] =	stream.indirect.gather @!p1 [hbm4b:s1+s25], $0x80, s26, s25, $0xb8;
	[tilespmem:$0x1F100] =	vst v63  }
0x79: {  	s6 =	simm.s32 @!p1 $0x1C100;
	s23 =	simm.s32 @!p1 $0x170A0  }
0x7a: {  	[tilespmem:s6], [sflag:$0x2] =	stream.indirect.gather @!p1 [hbm4b:s1+s25], $0x80, s23, s25, $0xb8;
	[tilespmem:$0x1F100] =	vst v63  }
0x7b: {  	s24 =	simm.s32 @!p1 $0x170C0;
	s26 =	simm.s32 @!p1 $0x1D100  }
0x7c: {  	[tilespmem:s26], [sflag:$0x2] =	stream.indirect.gather @!p1 [hbm4b:s1+s25], $0x80, s24, s25, $0xb8;
	[tilespmem:$0x1F100] =	vst v63  }
0x7d: {  	s6 =	simm.s32 @!p1 $0x170E0;
	s23 =	simm.s32 @!p1 $0x1E100  }
0x7e: {  	[tilespmem:s23], [sflag:$0x2] =	stream.indirect.gather @!p1 [hbm4b:s1+s25], $0x80, s6, s25, $0xb8;
	[tilespmem:$0x1F100] =	vst v63  }
0x7f: {  	_ =	swait.ge [sflag:s28], $0x1000  }
0x80: {  	[sflag:s28] =	ssyncset.done $0x0  }
0x81: {  	[sflag:s28] =	ssyncadd.s32 $0xFFFFF000  }
0x82: {  	_ =	swait.ge [sflag:s28], $0x1000  }
0x83: {  	[sflag:s28] =	ssyncset.done $0x0  }
0x84: {  	s20 =	sadd.s32 $0x2, s20;
	[sflag:s28] =	ssyncadd.s32 $0xFFFFF000  }
0x85: {  	p1 =	sge.u32 s20, s7;
	_ =	swait.ge [sflag:s28], $0x1000  }
0x86: {  	s6 =	sadd.s32 @!p1 $0x180, s22;
	[sflag:s28] =	ssyncset.done $0x0  }
0x87: {  	s22 =	sadd.s32 @!p1 s14, s6;
	[sflag:s28] =	ssyncadd.s32 $0xFFFFF000  }
0x88: {  	s6 =	sand.u32 @!p1 $0x380, s6;
	s22 =	sand.u32 @!p1 $0x7FFFFC00, s22;
	_ =	swait.ge [sflag:s28], $0x1000  }
0x89: {  	s26 =	sadd.s32 $0x80, s0;
	s6 =	sor.u32 @!p1 s6, s22;
	[sflag:s28] =	ssyncset.done $0x0  }
0x8a: {  	s6 =	sshrl.u32 @!p1 s6, $0x3;
	s24 =	rddreg [dreg:$0x4];
	[sflag:s28] =	ssyncadd.s32 $0xFFFFF000  }
0x8b: {  	[spmem:s3] =	stream.indirect.scatter.add.f32 [tilespmem:s24], [sflag:$0x3], $0x80, s26, s29, $0xb8;
	[tilespmem:$0x1F100] =	vst v63  }
0x8c: {  	s25 =	simm.s32 @!p1 $0x17080;
	s22 =	simm.s32 @!p1 $0x0;
	s6 =	sadd.s32 @!p1 s5, s6  }
0x8d: {  	[tilespmem:s25], [sflag:$0x1] =	stream.linear.gather @!p1 [hbm4b:s6+s22], $0x80, $0x38;
	[tilespmem:$0x1F100] =	vst v63  }
0x8e: {  	_ =	swait.ge [sflag:s30], $0x4000  }
0x8f: {  	[sflag:s30] =	ssyncset.done $0x0  }
0x90: {  	s6 =	simm.s32 @!p0 $0x1;
	[sflag:s30] =	ssyncadd.s32 $0xFFFFC000  }
0x91: {  	s2 =	sadd.s32 $0x100, s2;
	_ =	swait.ge @!p0 [sflag:s6], $0x80  }
0x92: {  	s23 =	simm.s32 @!p0 $0x20;
	[sflag:s6] =	ssyncset.done @!p0 $0x0;
	s24 =	rddreg [dreg:$0x5]  }
0x93: {  	s22 =	simm.s32 @!p0 $0x17100;
	[sflag:s6] =	ssyncadd.s32 @!p0 $0xFFFFFF80;
	p1 =	sne.s32 s24, s2  }
0x94: {  	[tilespmem:s22], [sflag:$0x2] =	stream.indirect.gather @!p0 [hbm4b:s1+s23], $0x80, s21, s23, $0xb8;
	[tilespmem:$0x1F100] =	vst v63  }
.Ltmp1:
0x95: {  	_ = 	snop;
	(pc) =	sbr.rel @p1 .LBB2_2-.Ltmp1, $4  }
0x96: {  	s26 =	simm.s32 @!p0 $0x19100;
	s25 =	simm.s32 @!p0 $0x18100;
	s6 =	simm.s32 @!p0 $0x17020  }
0x97: {  	[tilespmem:s25], [sflag:$0x2] =	stream.indirect.gather @!p0 [hbm4b:s1+s23], $0x80, s6, s23, $0xb8;
	[tilespmem:$0x1F100] =	vst v63  }
0x98: {  	s24 =	simm.s32 @!p0 $0x1A100;
	s22 =	simm.s32 @!p0 $0x17040;
	s21 =	simm.s32 @!p0 $0x17060  }
0x99: {  	[tilespmem:s26], [sflag:$0x2] =	stream.indirect.gather @!p0 [hbm4b:s1+s23], $0x80, s22, s23, $0xb8;
	[tilespmem:$0x1F100] =	vst v63  }
.LBB2_3:
0x9a: {  	[tilespmem:s24], [sflag:$0x2] =	stream.indirect.gather @!p0 [hbm4b:s1+s23], $0x80, s21, s23, $0xb8;
	[tilespmem:$0x1F100] =	vst v63  }
0x9b: {  	_ =	swait.ge [sflag:s30], $0x4000  }
0x9c: {  	s31 =	sadd.s32 $0x1, s31;
	[sflag:s30] =	ssyncset.done $0x0  }
0x9d: {  	p0 =	sne.s32 s31, s13;
	[sflag:s30] =	ssyncadd.s32 $0xFFFFC000  }
.Ltmp2:
0x9e: {  	[bflag:$0x0] =	sbarrier.arrive $0xFFFF;
	(pc) =	sbr.rel @p0 .LBB2_1-.Ltmp2, $4  }
0x9f: {  	[hbm:s12], [sflag:s8] =	dma.local [spmem:s15], $0x2800  }
0xa0: {  	_ =	swait.ge [sflag:s16], $0x2800  }
0xa1: {  	[sflag:s16] =	ssyncset.done $0x0  }
0xa2: {  	[sflag:s16] =	ssyncadd.s32 $0xFFFFD800  }
0xa3: {  	_ =	sfence.sel $0x180000  }
0xa4: {  	[bflag:$0x0] =	sbarrier.arrive $0xFFFF  }
0xa5: {  	_ =	strace $0x90000047  }
0xa6: {  	s0 =	stileid.u32;
	[bflag:$0x2] =	sbarrier.arrive $0xFFFF  }
0xa7: {  	p0 =	sne.s32 s0, $0x0;
	s0 =	rddreg [dreg:$0x3]  }
0xa8: {  	s0 =	sadd.s32 @!p0 $0x100000, s0  }
0xa9: {  	[sflag:s0] =	ssyncadd.tile.s32 @!p0 $0x1;
	_ =	shalt  }
.Lfunc_end2:
_tile_overlayer_lowered:
.L_overlay_start_2:
0xaa: {  	(tag) =	ssettag $0x2  }
0xab: {  	s0 =	rddreg [dreg:$0x0];
	s2 =	stileid.u32  }
0xac: {  	s1 =	rddreg [dreg:$0x1];
	p0 =	sne.s32 s2, $0x0  }
0xad: {  	s3 =	rddreg [dreg:$0x2];
	[bflag:$0x3] =	sbarrier.arrive $0xFFFF;
	s2 =	simm.s32 @!p0 $0x1C04  }
0xae: {  	[timem:s3], [sflag:s2] =	dma.local @!p0 [hbm:s0], s1  }
0xaf: {  	s0 =	simm.s32 @!p0 $0x4  }
0xb0: {  	_ =	swait.ge @!p0 [sflag:s0], s1  }
0xb1: {  	s1 =	ssub.s32 @!p0 $0x0, s1;
	[sflag:s0] =	ssyncset.done @!p0 $0x0  }
0xb2: {  	[sflag:s0] =	ssyncadd.s32 @!p0 s1  }
0xb3: {  	[bflag:$0x3] =	sbarrier.arrive $0xFFFF  }
0xb4: {  	_ =	shalt  }

// kernel: kernel.15.cloned.1.call-start
scs
__scs_entry_jumppad:
0x0: {  	(pc) =	sbr.rel $0x88, $3  }
0x1: {  	(tag) =	ssettag $0x0;
	lr =	simm.s32 $0x1  }
0x2: {  	[smem:$0x3F96] =	sst lr;
	_ =	strace $0xD0000000  }
0x3: {  	_ = 	snop  }
0x4: {  	_ = 	snop  }
0x5: {  	_ = 	snop  }
0x6: {  	_ = 	snop  }
0x7: {  	_ = 	snop  }
__scs_overlays_trampoline_lowered:
0x8: {  	[smem:$0x3FA5] =	sst s0  }
0x9: {  	[smem:$0x3FA6] =	sst s1  }
0xa: {  	[smem:$0x3FA7] =	sst s2  }
0xb: {  	[smem:$0x3FA8] =	sst s3  }
0xc: {  	[smem:$0x3FA9] =	sst s4  }
0xd: {  	[smem:$0x3FAA] =	sst s5  }
0xe: {  	[smem:$0x3FAB] =	sst s6  }
0xf: {  	[smem:$0x3FAC] =	sst s7  }
0x10: {  	[smem:$0x3FAD] =	sst s8  }
0x11: {  	[smem:$0x3FAE] =	sst s9;
	s0 =	simm.s32 @!p0 $0x0  }
0x12: {  	s1 =	sld [smem:$0x3F94];
	s0 =	simm.s32 @p0 $0x1  }
0x13: {  	[smem:$0x3FAF] =	sst s0;
	s0 =	simm.s32 @!p1 $0x0  }
0x14: {  	s2 =	sld [smem:$0x3F93];
	s0 =	simm.s32 @p1 $0x1  }
0x15: {  	[smem:$0x3FB0] =	sst s0;
	s0 =	simm.s32 @!p2 $0x0  }
0x16: {  	s3 =	sld [smem:$0x3FDB];
	s0 =	simm.s32 @p2 $0x1  }
0x17: {  	s4 =	simm.s32 $0x1BF5;
	[smem:$0x3FB2] =	sst s0  }
0x18: {  	s0 =	sld [smem:$0x3F95];
	_ =	swait.ge [sflag:s4], $0x0  }
0x19: {  	s7 =	sld [smem:$0x3F96]  }
0x1a: {  	s8 =	sadd.s32 $0xFFFFE003, lr  }
0x1b: {  	s9 =	sadd.s32 $0xFFFFFEF7, lr;
	s5 =	simm.s32 $0xFFFFFFFF;
	p2 =	slt.u32 s8, $0xFFFFF086  }
0x1c: {  	p1 =	slt.u32 s9, $0xF7A;
	s5 =	simm.s32 @!p2 $0x0  }
0x1d: {  	s5 =	simm.s32 @p1 $0x1;
	p0 =	seq.s32 s7, s2  }
0x1e: {  	s7 =	smul.u32 @!p0 $0xF7A, s2;
	p2 =	seq.s32 @!p0 s5, $0x0  }
0x1f: {  	s9 =	smul.u32 $0xF7A, s1;
	s8 =	simm.s32 @!p0 $0x1BF5;
	p2 =	por !p2, p0  }
0x20: {  	[sflag:s8] =	ssyncset.s32 @!p0 $0xFFFFF086;
	s6 =	sadd.s32 @!p0 s3, s7;
	s7 =	simm.s32 @!p0 $0x108  }
0x21: {  	s3 =	sadd.s32 s3, s9;
	s6 =	sadd.s32 @!p0 $0x88, s6;
	s7 =	simm.s32 @p2 $0x1082  }
0x22: {  	[simem:s7], [sflag:s8] =	dma.local @!p0 [hbm:s6], $0xF7A  }
0x23: {  	s9 =	sor.u32 $0xD0000000, s2;
	s6 =	simm.s32 $0x108;
	_ =	swait.ge @!p0 [sflag:s8], $0x0  }
0x24: {  	s3 =	sadd.s32 $0x88, s3;
	s6 =	simm.s32 @!p1 $0x1082;
	[sflag:s4] =	ssyncset.s32 $0xFFFFF086  }
0x25: {  	[simem:s6], [sflag:s4] =	dma.local [hbm:s3], $0xF7A  }
0x26: {  	[smem:$0x3F96] =	sst s1;
	(tag) =	ssettag s2;
	_ =	strace s9  }
0x27: {  	s1 =	sld [smem:$0x3FA6]  }
0x28: {  	s2 =	sld [smem:$0x3FA7]  }
0x29: {  	s4 =	sld [smem:$0x3FA9]  }
0x2a: {  	p0 =	seq.s32 s5, $0x0;
	s5 =	sld [smem:$0x3FAA]  }
0x2b: {  	s6 =	sld [smem:$0x3FAB]  }
0x2c: {  	s7 =	sld [smem:$0x3FAC]  }
0x2d: {  	s3 =	simm.s32 $0x108;
	s8 =	sld [smem:$0x3FAD]  }
0x2e: {  	s3 =	simm.s32 @!p0 $0x1082;
	s9 =	sld [smem:$0x3FAE]  }
0x2f: {  	lr =	sadd.s32 s0, s3;
	s0 =	sld [smem:$0x3FA5]  }
0x30: {  	s3 =	sld [smem:$0x3FA8]  }
0x31: {  	[smem:$0x3FB1] =	sst s10  }
0x32: {  	s10 =	sld [smem:$0x3FAF];
	_ =	sdelay $0x3  }
0x33: {  	p0 =	seq.s32 s10, $0x1;
	s10 =	sld [smem:$0x3FB1];
	_ =	sdelay $0x3  }
0x34: {  	[smem:$0x3FB1] =	sst s10  }
0x35: {  	s10 =	sld [smem:$0x3FB0];
	_ =	sdelay $0x3  }
0x36: {  	p1 =	seq.s32 s10, $0x1;
	s10 =	sld [smem:$0x3FB1];
	_ =	sdelay $0x3  }
0x37: {  	[smem:$0x3FB1] =	sst s10  }
0x38: {  	s10 =	sld [smem:$0x3FB2]  }
0x39: {  	_ = 	snop;
	(pc) =	sbr.ind lr, $3  }
0x3a: {  	_ = 	snop  }
0x3b: {  	_ = 	snop  }
0x3c: {  	p2 =	seq.s32 s10, $0x1;
	s10 =	sld [smem:$0x3FB1]  }
0x3d: {  	_ =	shalt  }
0x3e: {  	_ =	shalt  }
0x3f: {  	_ =	shalt  }
0x40: {  	_ =	shalt  }
0x41: {  	_ =	shalt  }
0x42: {  	_ =	shalt  }
0x43: {  	_ =	shalt  }
0x44: {  	_ =	shalt  }
0x45: {  	_ =	shalt  }
0x46: {  	_ =	shalt  }
0x47: {  	_ =	shalt  }
0x48: {  	_ =	shalt  }
0x49: {  	_ =	shalt  }
0x4a: {  	_ =	shalt  }
0x4b: {  	_ =	shalt  }
0x4c: {  	_ =	shalt  }
0x4d: {  	_ =	shalt  }
0x4e: {  	_ =	shalt  }
0x4f: {  	_ =	shalt  }
0x50: {  	_ =	shalt  }
0x51: {  	_ =	shalt  }
0x52: {  	_ =	shalt  }
0x53: {  	_ =	shalt  }
0x54: {  	_ =	shalt  }
0x55: {  	_ =	shalt  }
0x56: {  	_ =	shalt  }
0x57: {  	_ =	shalt  }
0x58: {  	_ =	shalt  }
0x59: {  	_ =	shalt  }
0x5a: {  	_ =	shalt  }
0x5b: {  	_ =	shalt  }
0x5c: {  	_ =	shalt  }
0x5d: {  	_ =	shalt  }
0x5e: {  	_ =	shalt  }
0x5f: {  	_ =	shalt  }
0x60: {  	_ =	shalt  }
0x61: {  	_ =	shalt  }
0x62: {  	_ =	shalt  }
0x63: {  	_ =	shalt  }
0x64: {  	_ =	shalt  }
0x65: {  	_ =	shalt  }
0x66: {  	_ =	shalt  }
0x67: {  	_ =	shalt  }
0x68: {  	_ =	shalt  }
0x69: {  	_ =	shalt  }
0x6a: {  	_ =	shalt  }
0x6b: {  	_ =	shalt  }
0x6c: {  	_ =	shalt  }
0x6d: {  	_ =	shalt  }
0x6e: {  	_ =	shalt  }
0x6f: {  	_ =	shalt  }
0x70: {  	_ =	shalt  }
0x71: {  	_ =	shalt  }
0x72: {  	_ =	shalt  }
0x73: {  	_ =	shalt  }
0x74: {  	_ =	shalt  }
0x75: {  	_ =	shalt  }
0x76: {  	_ =	shalt  }
0x77: {  	_ =	shalt  }
0x78: {  	_ =	shalt  }
0x79: {  	_ =	shalt  }
0x7a: {  	_ =	shalt  }
0x7b: {  	_ =	shalt  }
0x7c: {  	_ =	shalt  }
0x7d: {  	_ =	shalt  }
0x7e: {  	_ =	shalt  }
0x7f: {  	_ =	shalt  }
0x80: {  	_ =	shalt  }
0x81: {  	_ =	shalt  }
0x82: {  	_ =	shalt  }
0x83: {  	_ =	shalt  }
0x84: {  	_ =	shalt  }
0x85: {  	_ =	shalt  }
0x86: {  	_ =	shalt  }
0x87: {  	_ =	shalt  }
.Lfunc_end0:
.L_simem_size_0:
called_computation.2_lowered:
.L_overlay_start_0:
0x88: {  	s2 =	sld [smem:$0x3FD9]  }
0x89: {  	s3 =	sld [smem:$0x3FFE];
	_ =	sdelay $0x1  }
0x8a: {  	s1 =	srdreg.scid  }
0x8b: {  	s0 =	sand.u32 $0x1, s1  }
0x8c: {  	s17 =	sshll.u32 s0, $0xA;
	s2 =	sadd.s32 s3, s2  }
0x8d: {  	s2 =	sadd.s32 s2, s17  }
0x8e: {  	[smem:$0x3FBD] =	sst s2  }
0x8f: {  	_ = 	snop  }
0x90: {  	s2 =	sld [smem:$0x3FD0];
	(tm) =	ssettm $0x1  }
0x91: {  	s18 =	sld [smem:$0x3FFB];
	_ =	sdelay $0x3  }
0x92: {  	_ =	strace s18  }
0x93: {  	s3 =	sld [smem:$0x3FFC];
	_ =	sdelay $0x3  }
0x94: {  	_ =	strace s3  }
0x95: {  	s3 =	sld [smem:$0x3FFD];
	_ =	sdelay $0x3  }
0x96: {  	_ =	strace s3  }
0x97: {  	_ =	strace $0x8FFFFFFF  }
0x98: {  	s19 =	sld [smem:$0x3FDB];
	_ =	sdelay $0x1  }
0x99: {  	s4 =	simm.s32 $_scs_section_size  }
0x9a: {  	s5 =	simm.s32 $_size__tile_overlayer_lowered;
	s6 =	simm.s32 $_tile_overlayer_lowered  }
0x9b: {  	s22 =	simm.s32 $0x1BFF;
	s21 =	sshll.u32 s6, $0x1;
	s3 =	sadd.s32 s4, s19  }
0x9c: {  	s7 =	simm.s32 $0x0;
	s20 =	sshll.u32 s5, $0x1;
	s5 =	sadd.s32 s21, s3  }
0x9d: {  	[timem:s7], [sflag:s22] =	dma.local [hbm:s5], s20  }
0x9e: {  	_ =	swait.ge [sflag:s22], s20  }
0x9f: {  	s4 =	ssub.s32 $0x0, s20;
	[sflag:s22] =	ssyncset.done $0x0  }
0xa0: {  	[sflag:s22] =	ssyncadd.s32 s4;
	_ =	sdelay $0x1  }
0xa1: {  	s23 =	simm.s32 $0x1B8B  }
0xa2: {  	_ =	swait.ge [sflag:s23], $0x1  }
0xa3: {  	[sflag:s23] =	ssyncset.done $0x0  }
0xa4: {  	s25 =	simm.s32 $0x1B8E;
	s24 =	sld [smem:$0x3FFE];
	[sflag:s23] =	ssyncadd.s32 $0xFFFFFFFF  }
0xa5: {  	s26 =	simm.s32 $execute0_lowered;
	[smem:$0x3FD2] =	sst s25  }
0xa6: {  	s5 =	sshll.u32 s26, $0x1;
	_ =	strace $0x8000004C;
	[dreg:$0x1] =	wrdreg $0xFFFFFFFF  }
0xa7: {  	s28 =	simm.s32 $_size_execute0_lowered;
	s3 =	sadd.s32 s3, s5;
	[dreg:$0x0] =	wrdreg $0x0  }
0xa8: {  	s5 =	sshll.u32 s28, $0x1;
	[dreg:$0x2] =	wrdreg s3  }
0xa9: {  	[dreg:$0x3] =	wrdreg s5  }
0xaa: {  	[dreg:$0x4] =	wrdreg $0xC0  }
0xab: {  	_ =	task [dreg:s7], $0x5FFFF  }
0xac: {  	[dreg:$0x1] =	wrdreg $0xFFFFFFFF  }
0xad: {  	[dreg:$0x0] =	wrdreg $0x60  }
0xae: {  	[dreg:$0x2] =	wrdreg s2  }
0xaf: {  	[dreg:$0x3] =	wrdreg s24  }
0xb0: {  	[dreg:$0x4] =	wrdreg $0x0  }
0xb1: {  	[dreg:$0x5] =	wrdreg $0x9  }
0xb2: {  	_ =	task.clear_ibuf [dreg:s7], $0x6FFFF;
	_ =	strace $0x9000004C  }
0xb3: {  	s29 =	simm.s32 $0x9;
	_ =	strace $0x8000004E  }
0xb4: {  	_ =	swait.ge [sflag:s29], $0x1  }
0xb5: {  	[sflag:s29] =	ssyncadd.s32 $0xFFFFFFFF  }
0xb6: {  	_ =	strace $0x9000004E  }
0xb7: {  	_ =	sfence  }
0xb8: {  	s30 =	sld [smem:$0x0];
	_ =	sdelay $0x2  }
0xb9: {  	s31 =	sshll.u32 s1, $0xD;
	s1 =	sshrl.u32 s1, $0x2  }
0xba: {  	s3 =	sand.u32 $0x4000, s31;
	s1 =	sadd.s32 s1, s30  }
0xbb: {  	s0 =	sor.u32 s3, s0;
	s1 =	sshll.u32 s1, $0x11  }
0xbc: {  	s0 =	sor.u32 s1, s0  }
0xbd: {  	s0 =	sadd.s32 $0x8F2B, s0  }
0xbe: {  	[sflag:s0] =	ssyncadd.remote.s32 $0x1  }
0xbf: {  	_ =	sfence.sel $0xFFFF  }
0xc0: {  	[dreg:$0x0] =	wrdreg $0xFFFFFFFF;
	(pc) =	sbr.abs _section_cstart, $3  }
0xc1: {  	[dreg:$0x1] =	wrdreg $0xFFFFFFFF  }
0xc2: {  	_ =	task.clear_ibuf [dreg:s7], $0x2FFFF;
	_ =	strace $0x9FFFFFFF  }
0xc3: {  	(tm) =	ssettm $0x7FFFFFFF  }
tec
execute0_lowered:
.L_overlay_start_1:
0x0: {  	(tag) =	ssettag $0x1  }
0x1: {  	s1 =	rddreg [dreg:$0x0]  }
0x2: {  	s0 =	rddreg [dreg:$0x1]  }
0x3: {  	s3 =	rddreg [dreg:$0x2];
	s2 =	srdreg.scid  }
0x4: {  	s11 =	stileid.u32;
	s4 =	simm.s32 $0x0;
	s16 =	simm.s32 $0x4  }
0x5: {  	s17 =	simm.s32 $0x17000;
	s18 =	simm.s32 $0x20;
	s19 =	simm.s32 $0x17100  }
0x6: {  	s26 =	simm.s32 $0x1B100;
	s28 =	simm.s32 $0x2;
	s29 =	simm.s32 $0x80  }
0x7: {  	s30 =	simm.s32 $0x3;
	s31 =	simm.s32 $0x0;
	s5 =	smul.u32 $0x60, s11  }
0x8: {  	s2 =	sand.u32 $0x1, s2;
	[smem:$0x7FF] =	sst s4;
	s7 =	smul.u32 $0x14000, s11  }
0x9: {  	s8 =	sshll.u32 s11, $0x6;
	s11 =	smul.u32 $0x50000, s11;
	s24 =	sadd.s32 $0x17E00, s0  }
0xa: {  	s6 =	smul.u32 $0x140000, s2;
	p0 =	seq.s32 s2, $0x0;
	s14 =	sadd.s32 $0x600, s8  }
0xb: {  	_ =	strace $0x8000004D;
	[dreg:$0x6] =	wrdreg s24;
	s2 =	ssub.s32 $0x2, s2  }
0xc: {  	s8 =	sor.u32 $0x1C04, s8;
	[dreg:$0x4] =	wrdreg s26;
	s14 =	smov.u32 @p0 s5  }
0xd: {  	s5 =	sadd.s32 $0xD800, s0;
	s12 =	sshrl.u32 s2, $0x1;
	s11 =	sshrl.u32 s11, $0x2  }
0xe: {  	s10 =	sshll.u32 s14, $0x4;
	s6 =	sadd.s32 s7, s6;
	s2 =	ssub.s32 s2, s12  }
0xf: {  	s15 =	sadd.s32 s11, s3;
	s14 =	sshll.u32 s14, $0x7;
	s7 =	sshrl.u32 s6, $0x3  }
0x10: {  	s9 =	sadd.s32 s10, s0;
	s0 =	sadd.s32 s7, s0;
	s7 =	simm.s32 $0x60  }
0x11: {  	s10 =	sadd.s32 s5, s10;
	s13 =	smax.u32 s2, $0x1;
	s7 =	simm.s32 @!p0 $0x40  }
0x12: {  	s15 =	sshrl.u32 s15, $0x3;
	s9 =	sadd.s32 $0x3200, s9;
	s25 =	sshll.u32 s7, $0x7  }
0x13: {  	s11 =	sadd.s32 $0x10, s10;
	s12 =	sadd.s32 $0x1A600, s0;
	[dreg:$0x5] =	wrdreg s25  }
.LBB2_1:
0x14: {  	s0 =	rddreg [dreg:$0x6]  }
0x15: {  	[spmem:s15], [sflag:s8] =	dma.local [hbm:s0], $0x2800  }
0x16: {  	_ =	swait.ge [sflag:s16], $0x2800  }
0x17: {  	[sflag:s16] =	ssyncset.done $0x0  }
0x18: {  	s0 =	simm.s32 $0x14000;
	[sflag:s16] =	ssyncadd.s32 $0xFFFFD800  }
0x19: {  	[tilespmem:s0], [sflag:$0x4] =	stream.linear.gather [hbm4b:s9+s4], $0x3000, $0x38;
	[tilespmem:$0x1F100] =	vst v63  }
0x1a: {  	_ =	swait.ge [sflag:s16], $0x3000  }
0x1b: {  	[sflag:s16] =	ssyncset.done $0x0  }
0x1c: {  	[sflag:s16] =	ssyncadd.s32 $0xFFFFD000  }
0x1d: {  	[tilespmem:s17], [sflag:$0x4] =	stream.linear.gather [hbm4b:s10+s4], $0x80, $0x38;
	[tilespmem:$0x1F100] =	vst v63  }
0x1e: {  	_ =	swait.ge [sflag:s16], $0x80  }
0x1f: {  	[sflag:s16] =	ssyncset.done $0x0  }
0x20: {  	[sflag:s16] =	ssyncadd.s32 $0xFFFFFF80  }
0x21: {  	[bflag:$0x0] =	sbarrier.arrive $0xFFFF  }
0x22: {  	[tilespmem:s19], [sflag:$0x2] =	stream.indirect.gather [hbm4b:s1+s18], $0x80, s17, s18, $0xb8;
	[tilespmem:$0x1F100] =	vst v63  }
0x23: {  	s2 =	simm.s32 $0x17020;
	s6 =	simm.s32 $0x18100  }
0x24: {  	[tilespmem:s6], [sflag:$0x2] =	stream.indirect.gather [hbm4b:s1+s18], $0x80, s2, s18, $0xb8;
	[tilespmem:$0x1F100] =	vst v63  }
0x25: {  	s20 =	simm.s32 $0x19100;
	s6 =	simm.s32 $0x17040  }
0x26: {  	[tilespmem:s20], [sflag:$0x2] =	stream.indirect.gather [hbm4b:s1+s18], $0x80, s6, s18, $0xb8;
	[tilespmem:$0x1F100] =	vst v63  }
0x27: {  	s21 =	simm.s32 $0x17060;
	s22 =	simm.s32 $0x1A100  }
0x28: {  	[tilespmem:s22], [sflag:$0x2] =	stream.indirect.gather [hbm4b:s1+s18], $0x80, s21, s18, $0xb8;
	[tilespmem:$0x1F100] =	vst v63  }
0x29: {  	s23 =	simm.s32 $0x17080  }
0x2a: {  	[tilespmem:s23], [sflag:$0x1] =	stream.linear.gather [hbm4b:s11+s4], $0x80, $0x38;
	[tilespmem:$0x1F100] =	vst v63  }
0x2b: {  	_ =	swait.ge [sflag:s28], $0x1000  }
0x2c: {  	[sflag:s28] =	ssyncset.done $0x0  }
0x2d: {  	[sflag:s28] =	ssyncadd.s32 $0xFFFFF000  }
0x2e: {  	_ =	swait.ge [sflag:s28], $0x1000  }
0x2f: {  	[sflag:s28] =	ssyncset.done $0x0  }
0x30: {  	[sflag:s28] =	ssyncadd.s32 $0xFFFFF000  }
0x31: {  	_ =	swait.ge [sflag:s28], $0x1000  }
0x32: {  	p0 =	sle.u32 s7, $0x2;
	[sflag:s28] =	ssyncset.done $0x0  }
0x33: {  	s2 =	simm.s32 @!p0 $0x100;
	s20 =	sadd.s32 @!p0 $0x100, s14;
	[sflag:s28] =	ssyncadd.s32 $0xFFFFF000  }
0x34: {  	s2 =	sand.u32 @!p0 $0x300, s2;
	s20 =	sand.u32 @!p0 $0x7FFFFC00, s20;
	_ =	swait.ge [sflag:s28], $0x1000  }
0x35: {  	p2 =	por $0x1, $0x1;
	s2 =	sor.u32 @!p0 s2, s20;
	[sflag:s28] =	ssyncset.done $0x0  }
0x36: {  	s20 =	simm.s32 @!p0 $0x0;
	s2 =	sshrl.u32 @!p0 s2, $0x3;
	[sflag:s28] =	ssyncadd.s32 $0xFFFFF000  }
0x37: {  	[spmem:s3] =	stream.indirect.scatter.add.f32 [tilespmem:s19], [sflag:$0x3], $0x80, s0, s29, $0xb8;
	[tilespmem:$0x1F100] =	vst v63  }
0x38: {  	s21 =	simm.s32 @!p0 $0x17000;
	s22 =	simm.s32 @!p2 $0x3;
	s2 =	sadd.s32 @!p0 s5, s2  }
0x39: {  	[tilespmem:s21], [sflag:$0x1] =	stream.linear.gather @!p0 [hbm4b:s2+s20], $0x80, $0x38;
	[tilespmem:$0x1F100] =	vst v63  }
0x3a: {  	_ =	swait.ge @!p2 [sflag:s22], $0x4000  }
0x3b: {  	p1 =	sle.u32 s7, $0x1;
	[sflag:s22] =	ssyncset.done @!p2 $0x0  }
0x3c: {  	s2 =	simm.s32 @!p1 $0x1;
	[sflag:s22] =	ssyncadd.s32 @!p2 $0xFFFFC000  }
0x3d: {  	_ =	swait.ge @!p1 [sflag:s2], $0x80  }
0x3e: {  	s23 =	simm.s32 @!p1 $0x17080;
	[sflag:s2] =	ssyncset.done @!p1 $0x0  }
0x3f: {  	s20 =	simm.s32 @!p1 $0x1B100;
	s22 =	simm.s32 @!p1 $0x20;
	[sflag:s2] =	ssyncadd.s32 @!p1 $0xFFFFFF80  }
0x40: {  	[tilespmem:s20], [sflag:$0x2] =	stream.indirect.gather @!p1 [hbm4b:s1+s22], $0x80, s23, s22, $0xb8;
	[tilespmem:$0x1F100] =	vst v63  }
0x41: {  	s2 =	simm.s32 @!p1 $0x170A0;
	s20 =	simm.s32 @!p1 $0x1C100  }
0x42: {  	[tilespmem:s20], [sflag:$0x2] =	stream.indirect.gather @!p1 [hbm4b:s1+s22], $0x80, s2, s22, $0xb8;
	[tilespmem:$0x1F100] =	vst v63  }
0x43: {  	s2 =	simm.s32 @!p1 $0x170C0;
	s20 =	simm.s32 @!p1 $0x1D100  }
0x44: {  	[tilespmem:s20], [sflag:$0x2] =	stream.indirect.gather @!p1 [hbm4b:s1+s22], $0x80, s2, s22, $0xb8;
	[tilespmem:$0x1F100] =	vst v63  }
0x45: {  	s2 =	simm.s32 @!p1 $0x170E0;
	s20 =	simm.s32 @!p1 $0x1E100  }
0x46: {  	[tilespmem:s20], [sflag:$0x2] =	stream.indirect.gather @!p1 [hbm4b:s1+s22], $0x80, s2, s22, $0xb8;
	[tilespmem:$0x1F100] =	vst v63  }
0x47: {  	_ =	swait.ge [sflag:s28], $0x1000  }
0x48: {  	[sflag:s28] =	ssyncset.done $0x0  }
0x49: {  	[sflag:s28] =	ssyncadd.s32 $0xFFFFF000  }
0x4a: {  	_ =	swait.ge [sflag:s28], $0x1000  }
0x4b: {  	[sflag:s28] =	ssyncset.done $0x0  }
0x4c: {  	[sflag:s28] =	ssyncadd.s32 $0xFFFFF000  }
0x4d: {  	_ =	swait.ge [sflag:s28], $0x1000  }
0x4e: {  	p1 =	sle.u32 s7, $0x3;
	[sflag:s28] =	ssyncset.done $0x0  }
0x4f: {  	s2 =	simm.s32 @!p1 $0x180;
	s20 =	sadd.s32 @!p1 $0x180, s14;
	[sflag:s28] =	ssyncadd.s32 $0xFFFFF000  }
0x50: {  	s2 =	sand.u32 @!p1 $0x380, s2;
	s20 =	sand.u32 @!p1 $0x7FFFFC00, s20;
	_ =	swait.ge [sflag:s28], $0x1000  }
0x51: {  	s25 =	simm.s32 $0x14080;
	s2 =	sor.u32 @!p1 s2, s20;
	[sflag:s28] =	ssyncset.done $0x0  }
0x52: {  	s2 =	sshrl.u32 @!p1 s2, $0x3;
	s24 =	rddreg [dreg:$0x4];
	[sflag:s28] =	ssyncadd.s32 $0xFFFFF000  }
0x53: {  	[spmem:s3] =	stream.indirect.scatter.add.f32 [tilespmem:s24], [sflag:$0x3], $0x80, s25, s29, $0xb8;
	[tilespmem:$0x1F100] =	vst v63  }
0x54: {  	s22 =	simm.s32 @!p1 $0x17080;
	s20 =	simm.s32 @!p1 $0x0;
	s2 =	sadd.s32 @!p1 s5, s2  }
0x55: {  	[tilespmem:s22], [sflag:$0x1] =	stream.linear.gather @!p1 [hbm4b:s2+s20], $0x80, $0x38;
	[tilespmem:$0x1F100] =	vst v63  }
0x56: {  	_ =	swait.ge [sflag:s30], $0x4000  }
0x57: {  	[sflag:s30] =	ssyncset.done $0x0  }
0x58: {  	s2 =	simm.s32 @!p0 $0x1;
	[sflag:s30] =	ssyncadd.s32 $0xFFFFC000  }
0x59: {  	_ =	swait.ge @!p0 [sflag:s2], $0x80  }
0x5a: {  	s23 =	simm.s32 @!p0 $0x20;
	[sflag:s2] =	ssyncset.done @!p0 $0x0;
	s26 =	rddreg [dreg:$0x5]  }
0x5b: {  	s20 =	simm.s32 @!p0 $0x17100;
	[sflag:s2] =	ssyncadd.s32 @!p0 $0xFFFFFF80;
	p1 =	sne.s32 s26, $0x100  }
0x5c: {  	[tilespmem:s20], [sflag:$0x2] =	stream.indirect.gather @!p0 [hbm4b:s1+s23], $0x80, s21, s23, $0xb8;
	[tilespmem:$0x1F100] =	vst v63  }
.Ltmp0:
0x5d: {  	s2 =	simm.s32 @!p0 $0x17020;
	s21 =	simm.s32 @!p0 $0x18100;
	(pc) =	sbr.rel @!p1 .LBB2_3-.Ltmp0, $4  }
0x5e: {  	[tilespmem:s21], [sflag:$0x2] =	stream.indirect.gather @!p0 [hbm4b:s1+s23], $0x80, s2, s23, $0xb8;
	[tilespmem:$0x1F100] =	vst v63  }
0x5f: {  	s24 =	simm.s32 @!p0 $0x1A100;
	s2 =	simm.s32 @!p0 $0x17040;
	s21 =	simm.s32 @!p0 $0x19100  }
0x60: {  	[tilespmem:s21], [sflag:$0x2] =	stream.indirect.gather @!p0 [hbm4b:s1+s23], $0x80, s2, s23, $0xb8;
	[tilespmem:$0x1F100] =	vst v63  }
0x61: {  	s20 =	simm.s32 $0x3;
	s2 =	simm.s32 $0x100;
	s21 =	simm.s32 @!p0 $0x17060  }
.LBB2_2:
0x62: {  	[tilespmem:s24], [sflag:$0x2] =	stream.indirect.gather @!p0 [hbm4b:s1+s23], $0x80, s21, s23, $0xb8;
	[tilespmem:$0x1F100] =	vst v63  }
0x63: {  	_ =	swait.ge [sflag:s28], $0x1000  }
0x64: {  	[sflag:s28] =	ssyncset.done $0x0  }
0x65: {  	[sflag:s28] =	ssyncadd.s32 $0xFFFFF000  }
0x66: {  	_ =	swait.ge [sflag:s28], $0x1000  }
0x67: {  	[sflag:s28] =	ssyncset.done $0x0  }
0x68: {  	s23 =	sadd.s32 $0x1, s20;
	[sflag:s28] =	ssyncadd.s32 $0xFFFFF000  }
0x69: {  	s22 =	smov.u32 s2;
	p0 =	sge.u32 s23, s7;
	_ =	swait.ge [sflag:s28], $0x1000  }
0x6a: {  	s21 =	sadd.s32 @!p0 $0x100, s22;
	[sflag:s28] =	ssyncset.done $0x0  }
0x6b: {  	s0 =	sadd.s32 $0x100, s0;
	s23 =	sadd.s32 @!p0 s14, s21;
	[sflag:s28] =	ssyncadd.s32 $0xFFFFF000  }
0x6c: {  	s21 =	sand.u32 @!p0 $0x300, s21;
	s23 =	sand.u32 @!p0 $0x7FFFFC00, s23;
	_ =	swait.ge [sflag:s28], $0x1000  }
0x6d: {  	p2 =	seq.s32 s22, $0x0;
	s21 =	sor.u32 @!p0 s21, s23;
	[sflag:s28] =	ssyncset.done $0x0  }
0x6e: {  	s24 =	simm.s32 @!p0 $0x0;
	s23 =	sshrl.u32 @!p0 s21, $0x3;
	[sflag:s28] =	ssyncadd.s32 $0xFFFFF000  }
0x6f: {  	[spmem:s3] =	stream.indirect.scatter.add.f32 [tilespmem:s19], [sflag:$0x3], $0x80, s0, s29, $0xb8;
	[tilespmem:$0x1F100] =	vst v63  }
0x70: {  	s25 =	simm.s32 @!p2 $0x3;
	s21 =	simm.s32 @!p0 $0x17000;
	s23 =	sadd.s32 @!p0 s5, s23  }
0x71: {  	[tilespmem:s21], [sflag:$0x1] =	stream.linear.gather @!p0 [hbm4b:s23+s24], $0x80, $0x38;
	[tilespmem:$0x1F100] =	vst v63  }
0x72: {  	_ =	swait.ge @!p2 [sflag:s25], $0x4000  }
0x73: {  	p1 =	sge.u32 s20, s7;
	[sflag:s25] =	ssyncset.done @!p2 $0x0  }
0x74: {  	s23 =	simm.s32 @!p1 $0x1;
	[sflag:s25] =	ssyncadd.s32 @!p2 $0xFFFFC000  }
0x75: {  	_ =	swait.ge @!p1 [sflag:s23], $0x80  }
0x76: {  	s26 =	simm.s32 @!p1 $0x17080;
	[sflag:s23] =	ssyncset.done @!p1 $0x0  }
0x77: {  	s24 =	simm.s32 @!p1 $0x1B100;
	s25 =	simm.s32 @!p1 $0x20;
	[sflag:s23] =	ssyncadd.s32 @!p1 $0xFFFFFF80  }
0x78: {  	[tilespmem:s24], [sflag:$0x2] =	stream.indirect.gather @!p1 [hbm4b:s1+s25], $0x80, s26, s25, $0xb8;
	[tilespmem:$0x1F100] =	vst v63  }
0x79: {  	s6 =	simm.s32 @!p1 $0x1C100;
	s23 =	simm.s32 @!p1 $0x170A0  }
0x7a: {  	[tilespmem:s6], [sflag:$0x2] =	stream.indirect.gather @!p1 [hbm4b:s1+s25], $0x80, s23, s25, $0xb8;
	[tilespmem:$0x1F100] =	vst v63  }
0x7b: {  	s24 =	simm.s32 @!p1 $0x170C0;
	s26 =	simm.s32 @!p1 $0x1D100  }
0x7c: {  	[tilespmem:s26], [sflag:$0x2] =	stream.indirect.gather @!p1 [hbm4b:s1+s25], $0x80, s24, s25, $0xb8;
	[tilespmem:$0x1F100] =	vst v63  }
0x7d: {  	s6 =	simm.s32 @!p1 $0x170E0;
	s23 =	simm.s32 @!p1 $0x1E100  }
0x7e: {  	[tilespmem:s23], [sflag:$0x2] =	stream.indirect.gather @!p1 [hbm4b:s1+s25], $0x80, s6, s25, $0xb8;
	[tilespmem:$0x1F100] =	vst v63  }
0x7f: {  	_ =	swait.ge [sflag:s28], $0x1000  }
0x80: {  	[sflag:s28] =	ssyncset.done $0x0  }
0x81: {  	[sflag:s28] =	ssyncadd.s32 $0xFFFFF000  }
0x82: {  	_ =	swait.ge [sflag:s28], $0x1000  }
0x83: {  	[sflag:s28] =	ssyncset.done $0x0  }
0x84: {  	s20 =	sadd.s32 $0x2, s20;
	[sflag:s28] =	ssyncadd.s32 $0xFFFFF000  }
0x85: {  	p1 =	sge.u32 s20, s7;
	_ =	swait.ge [sflag:s28], $0x1000  }
0x86: {  	s6 =	sadd.s32 @!p1 $0x180, s22;
	[sflag:s28] =	ssyncset.done $0x0  }
0x87: {  	s22 =	sadd.s32 @!p1 s14, s6;
	[sflag:s28] =	ssyncadd.s32 $0xFFFFF000  }
0x88: {  	s6 =	sand.u32 @!p1 $0x380, s6;
	s22 =	sand.u32 @!p1 $0x7FFFFC00, s22;
	_ =	swait.ge [sflag:s28], $0x1000  }
0x89: {  	s26 =	sadd.s32 $0x80, s0;
	s6 =	sor.u32 @!p1 s6, s22;
	[sflag:s28] =	ssyncset.done $0x0  }
0x8a: {  	s6 =	sshrl.u32 @!p1 s6, $0x3;
	s24 =	rddreg [dreg:$0x4];
	[sflag:s28] =	ssyncadd.s32 $0xFFFFF000  }
0x8b: {  	[spmem:s3] =	stream.indirect.scatter.add.f32 [tilespmem:s24], [sflag:$0x3], $0x80, s26, s29, $0xb8;
	[tilespmem:$0x1F100] =	vst v63  }
0x8c: {  	s25 =	simm.s32 @!p1 $0x17080;
	s22 =	simm.s32 @!p1 $0x0;
	s6 =	sadd.s32 @!p1 s5, s6  }
0x8d: {  	[tilespmem:s25], [sflag:$0x1] =	stream.linear.gather @!p1 [hbm4b:s6+s22], $0x80, $0x38;
	[tilespmem:$0x1F100] =	vst v63  }
0x8e: {  	_ =	swait.ge [sflag:s30], $0x4000  }
0x8f: {  	[sflag:s30] =	ssyncset.done $0x0  }
0x90: {  	s6 =	simm.s32 @!p0 $0x1;
	[sflag:s30] =	ssyncadd.s32 $0xFFFFC000  }
0x91: {  	s2 =	sadd.s32 $0x100, s2;
	_ =	swait.ge @!p0 [sflag:s6], $0x80  }
0x92: {  	s23 =	simm.s32 @!p0 $0x20;
	[sflag:s6] =	ssyncset.done @!p0 $0x0;
	s24 =	rddreg [dreg:$0x5]  }
0x93: {  	s22 =	simm.s32 @!p0 $0x17100;
	[sflag:s6] =	ssyncadd.s32 @!p0 $0xFFFFFF80;
	p1 =	sne.s32 s24, s2  }
0x94: {  	[tilespmem:s22], [sflag:$0x2] =	stream.indirect.gather @!p0 [hbm4b:s1+s23], $0x80, s21, s23, $0xb8;
	[tilespmem:$0x1F100] =	vst v63  }
.Ltmp1:
0x95: {  	_ = 	snop;
	(pc) =	sbr.rel @p1 .LBB2_2-.Ltmp1, $4  }
0x96: {  	s26 =	simm.s32 @!p0 $0x19100;
	s25 =	simm.s32 @!p0 $0x18100;
	s6 =	simm.s32 @!p0 $0x17020  }
0x97: {  	[tilespmem:s25], [sflag:$0x2] =	stream.indirect.gather @!p0 [hbm4b:s1+s23], $0x80, s6, s23, $0xb8;
	[tilespmem:$0x1F100] =	vst v63  }
0x98: {  	s24 =	simm.s32 @!p0 $0x1A100;
	s22 =	simm.s32 @!p0 $0x17040;
	s21 =	simm.s32 @!p0 $0x17060  }
0x99: {  	[tilespmem:s26], [sflag:$0x2] =	stream.indirect.gather @!p0 [hbm4b:s1+s23], $0x80, s22, s23, $0xb8;
	[tilespmem:$0x1F100] =	vst v63  }
.LBB2_3:
0x9a: {  	[tilespmem:s24], [sflag:$0x2] =	stream.indirect.gather @!p0 [hbm4b:s1+s23], $0x80, s21, s23, $0xb8;
	[tilespmem:$0x1F100] =	vst v63  }
0x9b: {  	_ =	swait.ge [sflag:s30], $0x4000  }
0x9c: {  	s31 =	sadd.s32 $0x1, s31;
	[sflag:s30] =	ssyncset.done $0x0  }
0x9d: {  	p0 =	sne.s32 s31, s13;
	[sflag:s30] =	ssyncadd.s32 $0xFFFFC000  }
.Ltmp2:
0x9e: {  	[bflag:$0x0] =	sbarrier.arrive $0xFFFF;
	(pc) =	sbr.rel @p0 .LBB2_1-.Ltmp2, $4  }
0x9f: {  	[hbm:s12], [sflag:s8] =	dma.local [spmem:s15], $0x2800  }
0xa0: {  	_ =	swait.ge [sflag:s16], $0x2800  }
0xa1: {  	[sflag:s16] =	ssyncset.done $0x0  }
0xa2: {  	[sflag:s16] =	ssyncadd.s32 $0xFFFFD800  }
0xa3: {  	_ =	sfence.sel $0x180000  }
0xa4: {  	[bflag:$0x0] =	sbarrier.arrive $0xFFFF  }
0xa5: {  	_ =	strace $0x9000004D  }
0xa6: {  	s0 =	stileid.u32;
	[bflag:$0x2] =	sbarrier.arrive $0xFFFF  }
0xa7: {  	p0 =	sne.s32 s0, $0x0;
	s0 =	rddreg [dreg:$0x3]  }
0xa8: {  	s0 =	sadd.s32 @!p0 $0x100000, s0  }
0xa9: {  	[sflag:s0] =	ssyncadd.tile.s32 @!p0 $0x1;
	_ =	shalt  }
.Lfunc_end2:
_tile_overlayer_lowered:
.L_overlay_start_2:
0xaa: {  	(tag) =	ssettag $0x2  }
0xab: {  	s0 =	rddreg [dreg:$0x0];
	s2 =	stileid.u32  }
0xac: {  	s1 =	rddreg [dreg:$0x1];
	p0 =	sne.s32 s2, $0x0  }
0xad: {  	s3 =	rddreg [dreg:$0x2];
	[bflag:$0x3] =	sbarrier.arrive $0xFFFF;
	s2 =	simm.s32 @!p0 $0x1C04  }
0xae: {  	[timem:s3], [sflag:s2] =	dma.local @!p0 [hbm:s0], s1  }
0xaf: {  	s0 =	simm.s32 @!p0 $0x4  }
0xb0: {  	_ =	swait.ge @!p0 [sflag:s0], s1  }
0xb1: {  	s1 =	ssub.s32 @!p0 $0x0, s1;
	[sflag:s0] =	ssyncset.done @!p0 $0x0  }
0xb2: {  	[sflag:s0] =	ssyncadd.s32 @!p0 s1  }
0xb3: {  	[bflag:$0x3] =	sbarrier.arrive $0xFFFF  }
0xb4: {  	_ =	shalt  }

// kernel: kernel.18.cloned.1.call-start
scs
__scs_entry_jumppad:
0x0: {  	(pc) =	sbr.rel $0x88, $3  }
0x1: {  	(tag) =	ssettag $0x0;
	lr =	simm.s32 $0x1  }
0x2: {  	[smem:$0x3F96] =	sst lr;
	_ =	strace $0xD0000000  }
0x3: {  	_ = 	snop  }
0x4: {  	_ = 	snop  }
0x5: {  	_ = 	snop  }
0x6: {  	_ = 	snop  }
0x7: {  	_ = 	snop  }
__scs_overlays_trampoline_lowered:
0x8: {  	[smem:$0x3FA5] =	sst s0  }
0x9: {  	[smem:$0x3FA6] =	sst s1  }
0xa: {  	[smem:$0x3FA7] =	sst s2  }
0xb: {  	[smem:$0x3FA8] =	sst s3  }
0xc: {  	[smem:$0x3FA9] =	sst s4  }
0xd: {  	[smem:$0x3FAA] =	sst s5  }
0xe: {  	[smem:$0x3FAB] =	sst s6  }
0xf: {  	[smem:$0x3FAC] =	sst s7  }
0x10: {  	[smem:$0x3FAD] =	sst s8  }
0x11: {  	[smem:$0x3FAE] =	sst s9;
	s0 =	simm.s32 @!p0 $0x0  }
0x12: {  	s1 =	sld [smem:$0x3F94];
	s0 =	simm.s32 @p0 $0x1  }
0x13: {  	[smem:$0x3FAF] =	sst s0;
	s0 =	simm.s32 @!p1 $0x0  }
0x14: {  	s2 =	sld [smem:$0x3F93];
	s0 =	simm.s32 @p1 $0x1  }
0x15: {  	[smem:$0x3FB0] =	sst s0;
	s0 =	simm.s32 @!p2 $0x0  }
0x16: {  	s3 =	sld [smem:$0x3FDB];
	s0 =	simm.s32 @p2 $0x1  }
0x17: {  	s4 =	simm.s32 $0x1BF5;
	[smem:$0x3FB2] =	sst s0  }
0x18: {  	s0 =	sld [smem:$0x3F95];
	_ =	swait.ge [sflag:s4], $0x0  }
0x19: {  	s7 =	sld [smem:$0x3F96]  }
0x1a: {  	s8 =	sadd.s32 $0xFFFFE003, lr  }
0x1b: {  	s9 =	sadd.s32 $0xFFFFFEF7, lr;
	s5 =	simm.s32 $0xFFFFFFFF;
	p2 =	slt.u32 s8, $0xFFFFF086  }
0x1c: {  	p1 =	slt.u32 s9, $0xF7A;
	s5 =	simm.s32 @!p2 $0x0  }
0x1d: {  	s5 =	simm.s32 @p1 $0x1;
	p0 =	seq.s32 s7, s2  }
0x1e: {  	s7 =	smul.u32 @!p0 $0xF7A, s2;
	p2 =	seq.s32 @!p0 s5, $0x0  }
0x1f: {  	s9 =	smul.u32 $0xF7A, s1;
	s8 =	simm.s32 @!p0 $0x1BF5;
	p2 =	por !p2, p0  }
0x20: {  	[sflag:s8] =	ssyncset.s32 @!p0 $0xFFFFF086;
	s6 =	sadd.s32 @!p0 s3, s7;
	s7 =	simm.s32 @!p0 $0x108  }
0x21: {  	s3 =	sadd.s32 s3, s9;
	s6 =	sadd.s32 @!p0 $0x88, s6;
	s7 =	simm.s32 @p2 $0x1082  }
0x22: {  	[simem:s7], [sflag:s8] =	dma.local @!p0 [hbm:s6], $0xF7A  }
0x23: {  	s9 =	sor.u32 $0xD0000000, s2;
	s6 =	simm.s32 $0x108;
	_ =	swait.ge @!p0 [sflag:s8], $0x0  }
0x24: {  	s3 =	sadd.s32 $0x88, s3;
	s6 =	simm.s32 @!p1 $0x1082;
	[sflag:s4] =	ssyncset.s32 $0xFFFFF086  }
0x25: {  	[simem:s6], [sflag:s4] =	dma.local [hbm:s3], $0xF7A  }
0x26: {  	[smem:$0x3F96] =	sst s1;
	(tag) =	ssettag s2;
	_ =	strace s9  }
0x27: {  	s1 =	sld [smem:$0x3FA6]  }
0x28: {  	s2 =	sld [smem:$0x3FA7]  }
0x29: {  	s4 =	sld [smem:$0x3FA9]  }
0x2a: {  	p0 =	seq.s32 s5, $0x0;
	s5 =	sld [smem:$0x3FAA]  }
0x2b: {  	s6 =	sld [smem:$0x3FAB]  }
0x2c: {  	s7 =	sld [smem:$0x3FAC]  }
0x2d: {  	s3 =	simm.s32 $0x108;
	s8 =	sld [smem:$0x3FAD]  }
0x2e: {  	s3 =	simm.s32 @!p0 $0x1082;
	s9 =	sld [smem:$0x3FAE]  }
0x2f: {  	lr =	sadd.s32 s0, s3;
	s0 =	sld [smem:$0x3FA5]  }
0x30: {  	s3 =	sld [smem:$0x3FA8]  }
0x31: {  	[smem:$0x3FB1] =	sst s10  }
0x32: {  	s10 =	sld [smem:$0x3FAF];
	_ =	sdelay $0x3  }
0x33: {  	p0 =	seq.s32 s10, $0x1;
	s10 =	sld [smem:$0x3FB1];
	_ =	sdelay $0x3  }
0x34: {  	[smem:$0x3FB1] =	sst s10  }
0x35: {  	s10 =	sld [smem:$0x3FB0];
	_ =	sdelay $0x3  }
0x36: {  	p1 =	seq.s32 s10, $0x1;
	s10 =	sld [smem:$0x3FB1];
	_ =	sdelay $0x3  }
0x37: {  	[smem:$0x3FB1] =	sst s10  }
0x38: {  	s10 =	sld [smem:$0x3FB2]  }
0x39: {  	_ = 	snop;
	(pc) =	sbr.ind lr, $3  }
0x3a: {  	_ = 	snop  }
0x3b: {  	_ = 	snop  }
0x3c: {  	p2 =	seq.s32 s10, $0x1;
	s10 =	sld [smem:$0x3FB1]  }
0x3d: {  	_ =	shalt  }
0x3e: {  	_ =	shalt  }
0x3f: {  	_ =	shalt  }
0x40: {  	_ =	shalt  }
0x41: {  	_ =	shalt  }
0x42: {  	_ =	shalt  }
0x43: {  	_ =	shalt  }
0x44: {  	_ =	shalt  }
0x45: {  	_ =	shalt  }
0x46: {  	_ =	shalt  }
0x47: {  	_ =	shalt  }
0x48: {  	_ =	shalt  }
0x49: {  	_ =	shalt  }
0x4a: {  	_ =	shalt  }
0x4b: {  	_ =	shalt  }
0x4c: {  	_ =	shalt  }
0x4d: {  	_ =	shalt  }
0x4e: {  	_ =	shalt  }
0x4f: {  	_ =	shalt  }
0x50: {  	_ =	shalt  }
0x51: {  	_ =	shalt  }
0x52: {  	_ =	shalt  }
0x53: {  	_ =	shalt  }
0x54: {  	_ =	shalt  }
0x55: {  	_ =	shalt  }
0x56: {  	_ =	shalt  }
0x57: {  	_ =	shalt  }
0x58: {  	_ =	shalt  }
0x59: {  	_ =	shalt  }
0x5a: {  	_ =	shalt  }
0x5b: {  	_ =	shalt  }
0x5c: {  	_ =	shalt  }
0x5d: {  	_ =	shalt  }
0x5e: {  	_ =	shalt  }
0x5f: {  	_ =	shalt  }
0x60: {  	_ =	shalt  }
0x61: {  	_ =	shalt  }
0x62: {  	_ =	shalt  }
0x63: {  	_ =	shalt  }
0x64: {  	_ =	shalt  }
0x65: {  	_ =	shalt  }
0x66: {  	_ =	shalt  }
0x67: {  	_ =	shalt  }
0x68: {  	_ =	shalt  }
0x69: {  	_ =	shalt  }
0x6a: {  	_ =	shalt  }
0x6b: {  	_ =	shalt  }
0x6c: {  	_ =	shalt  }
0x6d: {  	_ =	shalt  }
0x6e: {  	_ =	shalt  }
0x6f: {  	_ =	shalt  }
0x70: {  	_ =	shalt  }
0x71: {  	_ =	shalt  }
0x72: {  	_ =	shalt  }
0x73: {  	_ =	shalt  }
0x74: {  	_ =	shalt  }
0x75: {  	_ =	shalt  }
0x76: {  	_ =	shalt  }
0x77: {  	_ =	shalt  }
0x78: {  	_ =	shalt  }
0x79: {  	_ =	shalt  }
0x7a: {  	_ =	shalt  }
0x7b: {  	_ =	shalt  }
0x7c: {  	_ =	shalt  }
0x7d: {  	_ =	shalt  }
0x7e: {  	_ =	shalt  }
0x7f: {  	_ =	shalt  }
0x80: {  	_ =	shalt  }
0x81: {  	_ =	shalt  }
0x82: {  	_ =	shalt  }
0x83: {  	_ =	shalt  }
0x84: {  	_ =	shalt  }
0x85: {  	_ =	shalt  }
0x86: {  	_ =	shalt  }
0x87: {  	_ =	shalt  }
.Lfunc_end0:
.L_simem_size_0:
called_computation.3_lowered:
.L_overlay_start_0:
0x88: {  	s2 =	sld [smem:$0x3FD9]  }
0x89: {  	s3 =	sld [smem:$0x3FFE];
	_ =	sdelay $0x1  }
0x8a: {  	s1 =	srdreg.scid  }
0x8b: {  	s0 =	sand.u32 $0x1, s1  }
0x8c: {  	s17 =	sshll.u32 s0, $0xA;
	s2 =	sadd.s32 s3, s2  }
0x8d: {  	s2 =	sadd.s32 s2, s17  }
0x8e: {  	[smem:$0x3FBD] =	sst s2  }
0x8f: {  	_ = 	snop  }
0x90: {  	s2 =	sld [smem:$0x3FD0];
	(tm) =	ssettm $0x1  }
0x91: {  	s18 =	sld [smem:$0x3FFB];
	_ =	sdelay $0x3  }
0x92: {  	_ =	strace s18  }
0x93: {  	s3 =	sld [smem:$0x3FFC];
	_ =	sdelay $0x3  }
0x94: {  	_ =	strace s3  }
0x95: {  	s3 =	sld [smem:$0x3FFD];
	_ =	sdelay $0x3  }
0x96: {  	_ =	strace s3  }
0x97: {  	_ =	strace $0x8FFFFFFF  }
0x98: {  	s19 =	sld [smem:$0x3FDB];
	_ =	sdelay $0x1  }
0x99: {  	s4 =	simm.s32 $_scs_section_size  }
0x9a: {  	s5 =	simm.s32 $_size__tile_overlayer_lowered;
	s6 =	simm.s32 $_tile_overlayer_lowered  }
0x9b: {  	s22 =	simm.s32 $0x1BFF;
	s21 =	sshll.u32 s6, $0x1;
	s3 =	sadd.s32 s4, s19  }
0x9c: {  	s7 =	simm.s32 $0x0;
	s20 =	sshll.u32 s5, $0x1;
	s5 =	sadd.s32 s21, s3  }
0x9d: {  	[timem:s7], [sflag:s22] =	dma.local [hbm:s5], s20  }
0x9e: {  	_ =	swait.ge [sflag:s22], s20  }
0x9f: {  	s4 =	ssub.s32 $0x0, s20;
	[sflag:s22] =	ssyncset.done $0x0  }
0xa0: {  	[sflag:s22] =	ssyncadd.s32 s4;
	_ =	sdelay $0x1  }
0xa1: {  	s23 =	simm.s32 $0x1B8B  }
0xa2: {  	_ =	swait.ge [sflag:s23], $0x1  }
0xa3: {  	[sflag:s23] =	ssyncset.done $0x0  }
0xa4: {  	s25 =	simm.s32 $0x1B8E;
	s24 =	sld [smem:$0x3FFE];
	[sflag:s23] =	ssyncadd.s32 $0xFFFFFFFF  }
0xa5: {  	s26 =	simm.s32 $execute0_lowered;
	[smem:$0x3FD2] =	sst s25  }
0xa6: {  	s5 =	sshll.u32 s26, $0x1;
	_ =	strace $0x8000004F;
	[dreg:$0x1] =	wrdreg $0xFFFFFFFF  }
0xa7: {  	s28 =	simm.s32 $_size_execute0_lowered;
	s3 =	sadd.s32 s3, s5;
	[dreg:$0x0] =	wrdreg $0x0  }
0xa8: {  	s5 =	sshll.u32 s28, $0x1;
	[dreg:$0x2] =	wrdreg s3  }
0xa9: {  	[dreg:$0x3] =	wrdreg s5  }
0xaa: {  	[dreg:$0x4] =	wrdreg $0xC0  }
0xab: {  	_ =	task [dreg:s7], $0x5FFFF  }
0xac: {  	[dreg:$0x1] =	wrdreg $0xFFFFFFFF  }
0xad: {  	[dreg:$0x0] =	wrdreg $0x60  }
0xae: {  	[dreg:$0x2] =	wrdreg s2  }
0xaf: {  	[dreg:$0x3] =	wrdreg s24  }
0xb0: {  	[dreg:$0x4] =	wrdreg $0x0  }
0xb1: {  	[dreg:$0x5] =	wrdreg $0x9  }
0xb2: {  	_ =	task.clear_ibuf [dreg:s7], $0x6FFFF;
	_ =	strace $0x9000004F  }
0xb3: {  	s29 =	simm.s32 $0x9;
	_ =	strace $0x80000051  }
0xb4: {  	_ =	swait.ge [sflag:s29], $0x1  }
0xb5: {  	[sflag:s29] =	ssyncadd.s32 $0xFFFFFFFF  }
0xb6: {  	_ =	strace $0x90000051  }
0xb7: {  	_ =	sfence  }
0xb8: {  	s30 =	sld [smem:$0x0];
	_ =	sdelay $0x2  }
0xb9: {  	s31 =	sshll.u32 s1, $0xD;
	s1 =	sshrl.u32 s1, $0x2  }
0xba: {  	s3 =	sand.u32 $0x4000, s31;
	s1 =	sadd.s32 s1, s30  }
0xbb: {  	s0 =	sor.u32 s3, s0;
	s1 =	sshll.u32 s1, $0x11  }
0xbc: {  	s0 =	sor.u32 s1, s0  }
0xbd: {  	s0 =	sadd.s32 $0x8F2B, s0  }
0xbe: {  	[sflag:s0] =	ssyncadd.remote.s32 $0x1  }
0xbf: {  	_ =	sfence.sel $0xFFFF  }
0xc0: {  	[dreg:$0x0] =	wrdreg $0xFFFFFFFF;
	(pc) =	sbr.abs _section_cstart, $3  }
0xc1: {  	[dreg:$0x1] =	wrdreg $0xFFFFFFFF  }
0xc2: {  	_ =	task.clear_ibuf [dreg:s7], $0x2FFFF;
	_ =	strace $0x9FFFFFFF  }
0xc3: {  	(tm) =	ssettm $0x7FFFFFFF  }
tec
execute0_lowered:
.L_overlay_start_1:
0x0: {  	(tag) =	ssettag $0x1  }
0x1: {  	s1 =	rddreg [dreg:$0x0]  }
0x2: {  	s0 =	rddreg [dreg:$0x1]  }
0x3: {  	s3 =	rddreg [dreg:$0x2];
	s2 =	srdreg.scid  }
0x4: {  	s11 =	stileid.u32;
	s4 =	simm.s32 $0x0;
	s16 =	simm.s32 $0x4  }
0x5: {  	s17 =	simm.s32 $0x17000;
	s18 =	simm.s32 $0x20;
	s19 =	simm.s32 $0x17100  }
0x6: {  	s26 =	simm.s32 $0x1B100;
	s28 =	simm.s32 $0x2;
	s29 =	simm.s32 $0x80  }
0x7: {  	s30 =	simm.s32 $0x3;
	s31 =	simm.s32 $0x0;
	s5 =	smul.u32 $0x60, s11  }
0x8: {  	s2 =	sand.u32 $0x1, s2;
	[smem:$0x7FF] =	sst s4;
	s7 =	smul.u32 $0x14000, s11  }
0x9: {  	s8 =	sshll.u32 s11, $0x6;
	s11 =	smul.u32 $0x50000, s11;
	s24 =	sadd.s32 $0x17E00, s0  }
0xa: {  	s6 =	smul.u32 $0x140000, s2;
	p0 =	seq.s32 s2, $0x0;
	s14 =	sadd.s32 $0x600, s8  }
0xb: {  	_ =	strace $0x80000050;
	[dreg:$0x6] =	wrdreg s24;
	s2 =	ssub.s32 $0x2, s2  }
0xc: {  	s8 =	sor.u32 $0x1C04, s8;
	[dreg:$0x4] =	wrdreg s26;
	s14 =	smov.u32 @p0 s5  }
0xd: {  	s5 =	sadd.s32 $0xD800, s0;
	s12 =	sshrl.u32 s2, $0x1;
	s11 =	sshrl.u32 s11, $0x2  }
0xe: {  	s10 =	sshll.u32 s14, $0x4;
	s6 =	sadd.s32 s7, s6;
	s2 =	ssub.s32 s2, s12  }
0xf: {  	s15 =	sadd.s32 s11, s3;
	s14 =	sshll.u32 s14, $0x7;
	s7 =	sshrl.u32 s6, $0x3  }
0x10: {  	s9 =	sadd.s32 s10, s0;
	s0 =	sadd.s32 s7, s0;
	s7 =	simm.s32 $0x60  }
0x11: {  	s10 =	sadd.s32 s5, s10;
	s13 =	smax.u32 s2, $0x1;
	s7 =	simm.s32 @!p0 $0x40  }
0x12: {  	s15 =	sshrl.u32 s15, $0x3;
	s9 =	sadd.s32 $0x3200, s9;
	s25 =	sshll.u32 s7, $0x7  }
0x13: {  	s11 =	sadd.s32 $0x10, s10;
	s12 =	sadd.s32 $0x1A600, s0;
	[dreg:$0x5] =	wrdreg s25  }
.LBB2_1:
0x14: {  	s0 =	rddreg [dreg:$0x6]  }
0x15: {  	[spmem:s15], [sflag:s8] =	dma.local [hbm:s0], $0x2800  }
0x16: {  	_ =	swait.ge [sflag:s16], $0x2800  }
0x17: {  	[sflag:s16] =	ssyncset.done $0x0  }
0x18: {  	s0 =	simm.s32 $0x14000;
	[sflag:s16] =	ssyncadd.s32 $0xFFFFD800  }
0x19: {  	[tilespmem:s0], [sflag:$0x4] =	stream.linear.gather [hbm4b:s9+s4], $0x3000, $0x38;
	[tilespmem:$0x1F100] =	vst v63  }
0x1a: {  	_ =	swait.ge [sflag:s16], $0x3000  }
0x1b: {  	[sflag:s16] =	ssyncset.done $0x0  }
0x1c: {  	[sflag:s16] =	ssyncadd.s32 $0xFFFFD000  }
0x1d: {  	[tilespmem:s17], [sflag:$0x4] =	stream.linear.gather [hbm4b:s10+s4], $0x80, $0x38;
	[tilespmem:$0x1F100] =	vst v63  }
0x1e: {  	_ =	swait.ge [sflag:s16], $0x80  }
0x1f: {  	[sflag:s16] =	ssyncset.done $0x0  }
0x20: {  	[sflag:s16] =	ssyncadd.s32 $0xFFFFFF80  }
0x21: {  	[bflag:$0x0] =	sbarrier.arrive $0xFFFF  }
0x22: {  	[tilespmem:s19], [sflag:$0x2] =	stream.indirect.gather [hbm4b:s1+s18], $0x80, s17, s18, $0xb8;
	[tilespmem:$0x1F100] =	vst v63  }
0x23: {  	s2 =	simm.s32 $0x17020;
	s6 =	simm.s32 $0x18100  }
0x24: {  	[tilespmem:s6], [sflag:$0x2] =	stream.indirect.gather [hbm4b:s1+s18], $0x80, s2, s18, $0xb8;
	[tilespmem:$0x1F100] =	vst v63  }
0x25: {  	s20 =	simm.s32 $0x19100;
	s6 =	simm.s32 $0x17040  }
0x26: {  	[tilespmem:s20], [sflag:$0x2] =	stream.indirect.gather [hbm4b:s1+s18], $0x80, s6, s18, $0xb8;
	[tilespmem:$0x1F100] =	vst v63  }
0x27: {  	s21 =	simm.s32 $0x17060;
	s22 =	simm.s32 $0x1A100  }
0x28: {  	[tilespmem:s22], [sflag:$0x2] =	stream.indirect.gather [hbm4b:s1+s18], $0x80, s21, s18, $0xb8;
	[tilespmem:$0x1F100] =	vst v63  }
0x29: {  	s23 =	simm.s32 $0x17080  }
0x2a: {  	[tilespmem:s23], [sflag:$0x1] =	stream.linear.gather [hbm4b:s11+s4], $0x80, $0x38;
	[tilespmem:$0x1F100] =	vst v63  }
0x2b: {  	_ =	swait.ge [sflag:s28], $0x1000  }
0x2c: {  	[sflag:s28] =	ssyncset.done $0x0  }
0x2d: {  	[sflag:s28] =	ssyncadd.s32 $0xFFFFF000  }
0x2e: {  	_ =	swait.ge [sflag:s28], $0x1000  }
0x2f: {  	[sflag:s28] =	ssyncset.done $0x0  }
0x30: {  	[sflag:s28] =	ssyncadd.s32 $0xFFFFF000  }
0x31: {  	_ =	swait.ge [sflag:s28], $0x1000  }
0x32: {  	p0 =	sle.u32 s7, $0x2;
	[sflag:s28] =	ssyncset.done $0x0  }
0x33: {  	s2 =	simm.s32 @!p0 $0x100;
	s20 =	sadd.s32 @!p0 $0x100, s14;
	[sflag:s28] =	ssyncadd.s32 $0xFFFFF000  }
0x34: {  	s2 =	sand.u32 @!p0 $0x300, s2;
	s20 =	sand.u32 @!p0 $0x7FFFFC00, s20;
	_ =	swait.ge [sflag:s28], $0x1000  }
0x35: {  	p2 =	por $0x1, $0x1;
	s2 =	sor.u32 @!p0 s2, s20;
	[sflag:s28] =	ssyncset.done $0x0  }
0x36: {  	s20 =	simm.s32 @!p0 $0x0;
	s2 =	sshrl.u32 @!p0 s2, $0x3;
	[sflag:s28] =	ssyncadd.s32 $0xFFFFF000  }
0x37: {  	[spmem:s3] =	stream.indirect.scatter.add.f32 [tilespmem:s19], [sflag:$0x3], $0x80, s0, s29, $0xb8;
	[tilespmem:$0x1F100] =	vst v63  }
0x38: {  	s21 =	simm.s32 @!p0 $0x17000;
	s22 =	simm.s32 @!p2 $0x3;
	s2 =	sadd.s32 @!p0 s5, s2  }
0x39: {  	[tilespmem:s21], [sflag:$0x1] =	stream.linear.gather @!p0 [hbm4b:s2+s20], $0x80, $0x38;
	[tilespmem:$0x1F100] =	vst v63  }
0x3a: {  	_ =	swait.ge @!p2 [sflag:s22], $0x4000  }
0x3b: {  	p1 =	sle.u32 s7, $0x1;
	[sflag:s22] =	ssyncset.done @!p2 $0x0  }
0x3c: {  	s2 =	simm.s32 @!p1 $0x1;
	[sflag:s22] =	ssyncadd.s32 @!p2 $0xFFFFC000  }
0x3d: {  	_ =	swait.ge @!p1 [sflag:s2], $0x80  }
0x3e: {  	s23 =	simm.s32 @!p1 $0x17080;
	[sflag:s2] =	ssyncset.done @!p1 $0x0  }
0x3f: {  	s20 =	simm.s32 @!p1 $0x1B100;
	s22 =	simm.s32 @!p1 $0x20;
	[sflag:s2] =	ssyncadd.s32 @!p1 $0xFFFFFF80  }
0x40: {  	[tilespmem:s20], [sflag:$0x2] =	stream.indirect.gather @!p1 [hbm4b:s1+s22], $0x80, s23, s22, $0xb8;
	[tilespmem:$0x1F100] =	vst v63  }
0x41: {  	s2 =	simm.s32 @!p1 $0x170A0;
	s20 =	simm.s32 @!p1 $0x1C100  }
0x42: {  	[tilespmem:s20], [sflag:$0x2] =	stream.indirect.gather @!p1 [hbm4b:s1+s22], $0x80, s2, s22, $0xb8;
	[tilespmem:$0x1F100] =	vst v63  }
0x43: {  	s2 =	simm.s32 @!p1 $0x170C0;
	s20 =	simm.s32 @!p1 $0x1D100  }
0x44: {  	[tilespmem:s20], [sflag:$0x2] =	stream.indirect.gather @!p1 [hbm4b:s1+s22], $0x80, s2, s22, $0xb8;
	[tilespmem:$0x1F100] =	vst v63  }
0x45: {  	s2 =	simm.s32 @!p1 $0x170E0;
	s20 =	simm.s32 @!p1 $0x1E100  }
0x46: {  	[tilespmem:s20], [sflag:$0x2] =	stream.indirect.gather @!p1 [hbm4b:s1+s22], $0x80, s2, s22, $0xb8;
	[tilespmem:$0x1F100] =	vst v63  }
0x47: {  	_ =	swait.ge [sflag:s28], $0x1000  }
0x48: {  	[sflag:s28] =	ssyncset.done $0x0  }
0x49: {  	[sflag:s28] =	ssyncadd.s32 $0xFFFFF000  }
0x4a: {  	_ =	swait.ge [sflag:s28], $0x1000  }
0x4b: {  	[sflag:s28] =	ssyncset.done $0x0  }
0x4c: {  	[sflag:s28] =	ssyncadd.s32 $0xFFFFF000  }
0x4d: {  	_ =	swait.ge [sflag:s28], $0x1000  }
0x4e: {  	p1 =	sle.u32 s7, $0x3;
	[sflag:s28] =	ssyncset.done $0x0  }
0x4f: {  	s2 =	simm.s32 @!p1 $0x180;
	s20 =	sadd.s32 @!p1 $0x180, s14;
	[sflag:s28] =	ssyncadd.s32 $0xFFFFF000  }
0x50: {  	s2 =	sand.u32 @!p1 $0x380, s2;
	s20 =	sand.u32 @!p1 $0x7FFFFC00, s20;
	_ =	swait.ge [sflag:s28], $0x1000  }
0x51: {  	s25 =	simm.s32 $0x14080;
	s2 =	sor.u32 @!p1 s2, s20;
	[sflag:s28] =	ssyncset.done $0x0  }
0x52: {  	s2 =	sshrl.u32 @!p1 s2, $0x3;
	s24 =	rddreg [dreg:$0x4];
	[sflag:s28] =	ssyncadd.s32 $0xFFFFF000  }
0x53: {  	[spmem:s3] =	stream.indirect.scatter.add.f32 [tilespmem:s24], [sflag:$0x3], $0x80, s25, s29, $0xb8;
	[tilespmem:$0x1F100] =	vst v63  }
0x54: {  	s22 =	simm.s32 @!p1 $0x17080;
	s20 =	simm.s32 @!p1 $0x0;
	s2 =	sadd.s32 @!p1 s5, s2  }
0x55: {  	[tilespmem:s22], [sflag:$0x1] =	stream.linear.gather @!p1 [hbm4b:s2+s20], $0x80, $0x38;
	[tilespmem:$0x1F100] =	vst v63  }
0x56: {  	_ =	swait.ge [sflag:s30], $0x4000  }
0x57: {  	[sflag:s30] =	ssyncset.done $0x0  }
0x58: {  	s2 =	simm.s32 @!p0 $0x1;
	[sflag:s30] =	ssyncadd.s32 $0xFFFFC000  }
0x59: {  	_ =	swait.ge @!p0 [sflag:s2], $0x80  }
0x5a: {  	s23 =	simm.s32 @!p0 $0x20;
	[sflag:s2] =	ssyncset.done @!p0 $0x0;
	s26 =	rddreg [dreg:$0x5]  }
0x5b: {  	s20 =	simm.s32 @!p0 $0x17100;
	[sflag:s2] =	ssyncadd.s32 @!p0 $0xFFFFFF80;
	p1 =	sne.s32 s26, $0x100  }
0x5c: {  	[tilespmem:s20], [sflag:$0x2] =	stream.indirect.gather @!p0 [hbm4b:s1+s23], $0x80, s21, s23, $0xb8;
	[tilespmem:$0x1F100] =	vst v63  }
.Ltmp0:
0x5d: {  	s2 =	simm.s32 @!p0 $0x17020;
	s21 =	simm.s32 @!p0 $0x18100;
	(pc) =	sbr.rel @!p1 .LBB2_3-.Ltmp0, $4  }
0x5e: {  	[tilespmem:s21], [sflag:$0x2] =	stream.indirect.gather @!p0 [hbm4b:s1+s23], $0x80, s2, s23, $0xb8;
	[tilespmem:$0x1F100] =	vst v63  }
0x5f: {  	s24 =	simm.s32 @!p0 $0x1A100;
	s2 =	simm.s32 @!p0 $0x17040;
	s21 =	simm.s32 @!p0 $0x19100  }
0x60: {  	[tilespmem:s21], [sflag:$0x2] =	stream.indirect.gather @!p0 [hbm4b:s1+s23], $0x80, s2, s23, $0xb8;
	[tilespmem:$0x1F100] =	vst v63  }
0x61: {  	s20 =	simm.s32 $0x3;
	s2 =	simm.s32 $0x100;
	s21 =	simm.s32 @!p0 $0x17060  }
.LBB2_2:
0x62: {  	[tilespmem:s24], [sflag:$0x2] =	stream.indirect.gather @!p0 [hbm4b:s1+s23], $0x80, s21, s23, $0xb8;
	[tilespmem:$0x1F100] =	vst v63  }
0x63: {  	_ =	swait.ge [sflag:s28], $0x1000  }
0x64: {  	[sflag:s28] =	ssyncset.done $0x0  }
0x65: {  	[sflag:s28] =	ssyncadd.s32 $0xFFFFF000  }
0x66: {  	_ =	swait.ge [sflag:s28], $0x1000  }
0x67: {  	[sflag:s28] =	ssyncset.done $0x0  }
0x68: {  	s23 =	sadd.s32 $0x1, s20;
	[sflag:s28] =	ssyncadd.s32 $0xFFFFF000  }
0x69: {  	s22 =	smov.u32 s2;
	p0 =	sge.u32 s23, s7;
	_ =	swait.ge [sflag:s28], $0x1000  }
0x6a: {  	s21 =	sadd.s32 @!p0 $0x100, s22;
	[sflag:s28] =	ssyncset.done $0x0  }
0x6b: {  	s0 =	sadd.s32 $0x100, s0;
	s23 =	sadd.s32 @!p0 s14, s21;
	[sflag:s28] =	ssyncadd.s32 $0xFFFFF000  }
0x6c: {  	s21 =	sand.u32 @!p0 $0x300, s21;
	s23 =	sand.u32 @!p0 $0x7FFFFC00, s23;
	_ =	swait.ge [sflag:s28], $0x1000  }
0x6d: {  	p2 =	seq.s32 s22, $0x0;
	s21 =	sor.u32 @!p0 s21, s23;
	[sflag:s28] =	ssyncset.done $0x0  }
0x6e: {  	s24 =	simm.s32 @!p0 $0x0;
	s23 =	sshrl.u32 @!p0 s21, $0x3;
	[sflag:s28] =	ssyncadd.s32 $0xFFFFF000  }
0x6f: {  	[spmem:s3] =	stream.indirect.scatter.add.f32 [tilespmem:s19], [sflag:$0x3], $0x80, s0, s29, $0xb8;
	[tilespmem:$0x1F100] =	vst v63  }
0x70: {  	s25 =	simm.s32 @!p2 $0x3;
	s21 =	simm.s32 @!p0 $0x17000;
	s23 =	sadd.s32 @!p0 s5, s23  }
0x71: {  	[tilespmem:s21], [sflag:$0x1] =	stream.linear.gather @!p0 [hbm4b:s23+s24], $0x80, $0x38;
	[tilespmem:$0x1F100] =	vst v63  }
0x72: {  	_ =	swait.ge @!p2 [sflag:s25], $0x4000  }
0x73: {  	p1 =	sge.u32 s20, s7;
	[sflag:s25] =	ssyncset.done @!p2 $0x0  }
0x74: {  	s23 =	simm.s32 @!p1 $0x1;
	[sflag:s25] =	ssyncadd.s32 @!p2 $0xFFFFC000  }
0x75: {  	_ =	swait.ge @!p1 [sflag:s23], $0x80  }
0x76: {  	s26 =	simm.s32 @!p1 $0x17080;
	[sflag:s23] =	ssyncset.done @!p1 $0x0  }
0x77: {  	s24 =	simm.s32 @!p1 $0x1B100;
	s25 =	simm.s32 @!p1 $0x20;
	[sflag:s23] =	ssyncadd.s32 @!p1 $0xFFFFFF80  }
0x78: {  	[tilespmem:s24], [sflag:$0x2] =	stream.indirect.gather @!p1 [hbm4b:s1+s25], $0x80, s26, s25, $0xb8;
	[tilespmem:$0x1F100] =	vst v63  }
0x79: {  	s6 =	simm.s32 @!p1 $0x1C100;
	s23 =	simm.s32 @!p1 $0x170A0  }
0x7a: {  	[tilespmem:s6], [sflag:$0x2] =	stream.indirect.gather @!p1 [hbm4b:s1+s25], $0x80, s23, s25, $0xb8;
	[tilespmem:$0x1F100] =	vst v63  }
0x7b: {  	s24 =	simm.s32 @!p1 $0x170C0;
	s26 =	simm.s32 @!p1 $0x1D100  }
0x7c: {  	[tilespmem:s26], [sflag:$0x2] =	stream.indirect.gather @!p1 [hbm4b:s1+s25], $0x80, s24, s25, $0xb8;
	[tilespmem:$0x1F100] =	vst v63  }
0x7d: {  	s6 =	simm.s32 @!p1 $0x170E0;
	s23 =	simm.s32 @!p1 $0x1E100  }
0x7e: {  	[tilespmem:s23], [sflag:$0x2] =	stream.indirect.gather @!p1 [hbm4b:s1+s25], $0x80, s6, s25, $0xb8;
	[tilespmem:$0x1F100] =	vst v63  }
0x7f: {  	_ =	swait.ge [sflag:s28], $0x1000  }
0x80: {  	[sflag:s28] =	ssyncset.done $0x0  }
0x81: {  	[sflag:s28] =	ssyncadd.s32 $0xFFFFF000  }
0x82: {  	_ =	swait.ge [sflag:s28], $0x1000  }
0x83: {  	[sflag:s28] =	ssyncset.done $0x0  }
0x84: {  	s20 =	sadd.s32 $0x2, s20;
	[sflag:s28] =	ssyncadd.s32 $0xFFFFF000  }
0x85: {  	p1 =	sge.u32 s20, s7;
	_ =	swait.ge [sflag:s28], $0x1000  }
0x86: {  	s6 =	sadd.s32 @!p1 $0x180, s22;
	[sflag:s28] =	ssyncset.done $0x0  }
0x87: {  	s22 =	sadd.s32 @!p1 s14, s6;
	[sflag:s28] =	ssyncadd.s32 $0xFFFFF000  }
0x88: {  	s6 =	sand.u32 @!p1 $0x380, s6;
	s22 =	sand.u32 @!p1 $0x7FFFFC00, s22;
	_ =	swait.ge [sflag:s28], $0x1000  }
0x89: {  	s26 =	sadd.s32 $0x80, s0;
	s6 =	sor.u32 @!p1 s6, s22;
	[sflag:s28] =	ssyncset.done $0x0  }
0x8a: {  	s6 =	sshrl.u32 @!p1 s6, $0x3;
	s24 =	rddreg [dreg:$0x4];
	[sflag:s28] =	ssyncadd.s32 $0xFFFFF000  }
0x8b: {  	[spmem:s3] =	stream.indirect.scatter.add.f32 [tilespmem:s24], [sflag:$0x3], $0x80, s26, s29, $0xb8;
	[tilespmem:$0x1F100] =	vst v63  }
0x8c: {  	s25 =	simm.s32 @!p1 $0x17080;
	s22 =	simm.s32 @!p1 $0x0;
	s6 =	sadd.s32 @!p1 s5, s6  }
0x8d: {  	[tilespmem:s25], [sflag:$0x1] =	stream.linear.gather @!p1 [hbm4b:s6+s22], $0x80, $0x38;
	[tilespmem:$0x1F100] =	vst v63  }
0x8e: {  	_ =	swait.ge [sflag:s30], $0x4000  }
0x8f: {  	[sflag:s30] =	ssyncset.done $0x0  }
0x90: {  	s6 =	simm.s32 @!p0 $0x1;
	[sflag:s30] =	ssyncadd.s32 $0xFFFFC000  }
0x91: {  	s2 =	sadd.s32 $0x100, s2;
	_ =	swait.ge @!p0 [sflag:s6], $0x80  }
0x92: {  	s23 =	simm.s32 @!p0 $0x20;
	[sflag:s6] =	ssyncset.done @!p0 $0x0;
	s24 =	rddreg [dreg:$0x5]  }
0x93: {  	s22 =	simm.s32 @!p0 $0x17100;
	[sflag:s6] =	ssyncadd.s32 @!p0 $0xFFFFFF80;
	p1 =	sne.s32 s24, s2  }
0x94: {  	[tilespmem:s22], [sflag:$0x2] =	stream.indirect.gather @!p0 [hbm4b:s1+s23], $0x80, s21, s23, $0xb8;
	[tilespmem:$0x1F100] =	vst v63  }
.Ltmp1:
0x95: {  	_ = 	snop;
	(pc) =	sbr.rel @p1 .LBB2_2-.Ltmp1, $4  }
0x96: {  	s26 =	simm.s32 @!p0 $0x19100;
	s25 =	simm.s32 @!p0 $0x18100;
	s6 =	simm.s32 @!p0 $0x17020  }
0x97: {  	[tilespmem:s25], [sflag:$0x2] =	stream.indirect.gather @!p0 [hbm4b:s1+s23], $0x80, s6, s23, $0xb8;
	[tilespmem:$0x1F100] =	vst v63  }
0x98: {  	s24 =	simm.s32 @!p0 $0x1A100;
	s22 =	simm.s32 @!p0 $0x17040;
	s21 =	simm.s32 @!p0 $0x17060  }
0x99: {  	[tilespmem:s26], [sflag:$0x2] =	stream.indirect.gather @!p0 [hbm4b:s1+s23], $0x80, s22, s23, $0xb8;
	[tilespmem:$0x1F100] =	vst v63  }
.LBB2_3:
0x9a: {  	[tilespmem:s24], [sflag:$0x2] =	stream.indirect.gather @!p0 [hbm4b:s1+s23], $0x80, s21, s23, $0xb8;
	[tilespmem:$0x1F100] =	vst v63  }
0x9b: {  	_ =	swait.ge [sflag:s30], $0x4000  }
0x9c: {  	s31 =	sadd.s32 $0x1, s31;
	[sflag:s30] =	ssyncset.done $0x0  }
0x9d: {  	p0 =	sne.s32 s31, s13;
	[sflag:s30] =	ssyncadd.s32 $0xFFFFC000  }
.Ltmp2:
0x9e: {  	[bflag:$0x0] =	sbarrier.arrive $0xFFFF;
	(pc) =	sbr.rel @p0 .LBB2_1-.Ltmp2, $4  }
0x9f: {  	[hbm:s12], [sflag:s8] =	dma.local [spmem:s15], $0x2800  }
0xa0: {  	_ =	swait.ge [sflag:s16], $0x2800  }
0xa1: {  	[sflag:s16] =	ssyncset.done $0x0  }
0xa2: {  	[sflag:s16] =	ssyncadd.s32 $0xFFFFD800  }
0xa3: {  	_ =	sfence.sel $0x180000  }
0xa4: {  	[bflag:$0x0] =	sbarrier.arrive $0xFFFF  }
0xa5: {  	_ =	strace $0x90000050  }
0xa6: {  	s0 =	stileid.u32;
	[bflag:$0x2] =	sbarrier.arrive $0xFFFF  }
0xa7: {  	p0 =	sne.s32 s0, $0x0;
	s0 =	rddreg [dreg:$0x3]  }
0xa8: {  	s0 =	sadd.s32 @!p0 $0x100000, s0  }
0xa9: {  	[sflag:s0] =	ssyncadd.tile.s32 @!p0 $0x1;
	_ =	shalt  }
.Lfunc_end2:
_tile_overlayer_lowered:
.L_overlay_start_2:
0xaa: {  	(tag) =	ssettag $0x2  }
0xab: {  	s0 =	rddreg [dreg:$0x0];
	s2 =	stileid.u32  }
0xac: {  	s1 =	rddreg [dreg:$0x1];
	p0 =	sne.s32 s2, $0x0  }
0xad: {  	s3 =	rddreg [dreg:$0x2];
	[bflag:$0x3] =	sbarrier.arrive $0xFFFF;
	s2 =	simm.s32 @!p0 $0x1C04  }
0xae: {  	[timem:s3], [sflag:s2] =	dma.local @!p0 [hbm:s0], s1  }
0xaf: {  	s0 =	simm.s32 @!p0 $0x4  }
0xb0: {  	_ =	swait.ge @!p0 [sflag:s0], s1  }
0xb1: {  	s1 =	ssub.s32 @!p0 $0x0, s1;
	[sflag:s0] =	ssyncset.done @!p0 $0x0  }
0xb2: {  	[sflag:s0] =	ssyncadd.s32 @!p0 s1  }
0xb3: {  	[bflag:$0x3] =	sbarrier.arrive $0xFFFF  }
0xb4: {  	_ =	shalt  }

// kernel: kernel.9.cloned.1.call-start
scs
__scs_entry_jumppad:
0x0: {  	(pc) =	sbr.rel $0x88, $3  }
0x1: {  	(tag) =	ssettag $0x0;
	lr =	simm.s32 $0x1  }
0x2: {  	[smem:$0x3F96] =	sst lr;
	_ =	strace $0xD0000000  }
0x3: {  	_ = 	snop  }
0x4: {  	_ = 	snop  }
0x5: {  	_ = 	snop  }
0x6: {  	_ = 	snop  }
0x7: {  	_ = 	snop  }
__scs_overlays_trampoline_lowered:
0x8: {  	[smem:$0x3FA5] =	sst s0  }
0x9: {  	[smem:$0x3FA6] =	sst s1  }
0xa: {  	[smem:$0x3FA7] =	sst s2  }
0xb: {  	[smem:$0x3FA8] =	sst s3  }
0xc: {  	[smem:$0x3FA9] =	sst s4  }
0xd: {  	[smem:$0x3FAA] =	sst s5  }
0xe: {  	[smem:$0x3FAB] =	sst s6  }
0xf: {  	[smem:$0x3FAC] =	sst s7  }
0x10: {  	[smem:$0x3FAD] =	sst s8  }
0x11: {  	[smem:$0x3FAE] =	sst s9;
	s0 =	simm.s32 @!p0 $0x0  }
0x12: {  	s1 =	sld [smem:$0x3F94];
	s0 =	simm.s32 @p0 $0x1  }
0x13: {  	[smem:$0x3FAF] =	sst s0;
	s0 =	simm.s32 @!p1 $0x0  }
0x14: {  	s2 =	sld [smem:$0x3F93];
	s0 =	simm.s32 @p1 $0x1  }
0x15: {  	[smem:$0x3FB0] =	sst s0;
	s0 =	simm.s32 @!p2 $0x0  }
0x16: {  	s3 =	sld [smem:$0x3FDB];
	s0 =	simm.s32 @p2 $0x1  }
0x17: {  	s4 =	simm.s32 $0x1BF5;
	[smem:$0x3FB2] =	sst s0  }
0x18: {  	s0 =	sld [smem:$0x3F95];
	_ =	swait.ge [sflag:s4], $0x0  }
0x19: {  	s7 =	sld [smem:$0x3F96]  }
0x1a: {  	s8 =	sadd.s32 $0xFFFFE003, lr  }
0x1b: {  	s9 =	sadd.s32 $0xFFFFFEF7, lr;
	s5 =	simm.s32 $0xFFFFFFFF;
	p2 =	slt.u32 s8, $0xFFFFF086  }
0x1c: {  	p1 =	slt.u32 s9, $0xF7A;
	s5 =	simm.s32 @!p2 $0x0  }
0x1d: {  	s5 =	simm.s32 @p1 $0x1;
	p0 =	seq.s32 s7, s2  }
0x1e: {  	s7 =	smul.u32 @!p0 $0xF7A, s2;
	p2 =	seq.s32 @!p0 s5, $0x0  }
0x1f: {  	s9 =	smul.u32 $0xF7A, s1;
	s8 =	simm.s32 @!p0 $0x1BF5;
	p2 =	por !p2, p0  }
0x20: {  	[sflag:s8] =	ssyncset.s32 @!p0 $0xFFFFF086;
	s6 =	sadd.s32 @!p0 s3, s7;
	s7 =	simm.s32 @!p0 $0x108  }
0x21: {  	s3 =	sadd.s32 s3, s9;
	s6 =	sadd.s32 @!p0 $0x88, s6;
	s7 =	simm.s32 @p2 $0x1082  }
0x22: {  	[simem:s7], [sflag:s8] =	dma.local @!p0 [hbm:s6], $0xF7A  }
0x23: {  	s9 =	sor.u32 $0xD0000000, s2;
	s6 =	simm.s32 $0x108;
	_ =	swait.ge @!p0 [sflag:s8], $0x0  }
0x24: {  	s3 =	sadd.s32 $0x88, s3;
	s6 =	simm.s32 @!p1 $0x1082;
	[sflag:s4] =	ssyncset.s32 $0xFFFFF086  }
0x25: {  	[simem:s6], [sflag:s4] =	dma.local [hbm:s3], $0xF7A  }
0x26: {  	[smem:$0x3F96] =	sst s1;
	(tag) =	ssettag s2;
	_ =	strace s9  }
0x27: {  	s1 =	sld [smem:$0x3FA6]  }
0x28: {  	s2 =	sld [smem:$0x3FA7]  }
0x29: {  	s4 =	sld [smem:$0x3FA9]  }
0x2a: {  	p0 =	seq.s32 s5, $0x0;
	s5 =	sld [smem:$0x3FAA]  }
0x2b: {  	s6 =	sld [smem:$0x3FAB]  }
0x2c: {  	s7 =	sld [smem:$0x3FAC]  }
0x2d: {  	s3 =	simm.s32 $0x108;
	s8 =	sld [smem:$0x3FAD]  }
0x2e: {  	s3 =	simm.s32 @!p0 $0x1082;
	s9 =	sld [smem:$0x3FAE]  }
0x2f: {  	lr =	sadd.s32 s0, s3;
	s0 =	sld [smem:$0x3FA5]  }
0x30: {  	s3 =	sld [smem:$0x3FA8]  }
0x31: {  	[smem:$0x3FB1] =	sst s10  }
0x32: {  	s10 =	sld [smem:$0x3FAF];
	_ =	sdelay $0x3  }
0x33: {  	p0 =	seq.s32 s10, $0x1;
	s10 =	sld [smem:$0x3FB1];
	_ =	sdelay $0x3  }
0x34: {  	[smem:$0x3FB1] =	sst s10  }
0x35: {  	s10 =	sld [smem:$0x3FB0];
	_ =	sdelay $0x3  }
0x36: {  	p1 =	seq.s32 s10, $0x1;
	s10 =	sld [smem:$0x3FB1];
	_ =	sdelay $0x3  }
0x37: {  	[smem:$0x3FB1] =	sst s10  }
0x38: {  	s10 =	sld [smem:$0x3FB2]  }
0x39: {  	_ = 	snop;
	(pc) =	sbr.ind lr, $3  }
0x3a: {  	_ = 	snop  }
0x3b: {  	_ = 	snop  }
0x3c: {  	p2 =	seq.s32 s10, $0x1;
	s10 =	sld [smem:$0x3FB1]  }
0x3d: {  	_ =	shalt  }
0x3e: {  	_ =	shalt  }
0x3f: {  	_ =	shalt  }
0x40: {  	_ =	shalt  }
0x41: {  	_ =	shalt  }
0x42: {  	_ =	shalt  }
0x43: {  	_ =	shalt  }
0x44: {  	_ =	shalt  }
0x45: {  	_ =	shalt  }
0x46: {  	_ =	shalt  }
0x47: {  	_ =	shalt  }
0x48: {  	_ =	shalt  }
0x49: {  	_ =	shalt  }
0x4a: {  	_ =	shalt  }
0x4b: {  	_ =	shalt  }
0x4c: {  	_ =	shalt  }
0x4d: {  	_ =	shalt  }
0x4e: {  	_ =	shalt  }
0x4f: {  	_ =	shalt  }
0x50: {  	_ =	shalt  }
0x51: {  	_ =	shalt  }
0x52: {  	_ =	shalt  }
0x53: {  	_ =	shalt  }
0x54: {  	_ =	shalt  }
0x55: {  	_ =	shalt  }
0x56: {  	_ =	shalt  }
0x57: {  	_ =	shalt  }
0x58: {  	_ =	shalt  }
0x59: {  	_ =	shalt  }
0x5a: {  	_ =	shalt  }
0x5b: {  	_ =	shalt  }
0x5c: {  	_ =	shalt  }
0x5d: {  	_ =	shalt  }
0x5e: {  	_ =	shalt  }
0x5f: {  	_ =	shalt  }
0x60: {  	_ =	shalt  }
0x61: {  	_ =	shalt  }
0x62: {  	_ =	shalt  }
0x63: {  	_ =	shalt  }
0x64: {  	_ =	shalt  }
0x65: {  	_ =	shalt  }
0x66: {  	_ =	shalt  }
0x67: {  	_ =	shalt  }
0x68: {  	_ =	shalt  }
0x69: {  	_ =	shalt  }
0x6a: {  	_ =	shalt  }
0x6b: {  	_ =	shalt  }
0x6c: {  	_ =	shalt  }
0x6d: {  	_ =	shalt  }
0x6e: {  	_ =	shalt  }
0x6f: {  	_ =	shalt  }
0x70: {  	_ =	shalt  }
0x71: {  	_ =	shalt  }
0x72: {  	_ =	shalt  }
0x73: {  	_ =	shalt  }
0x74: {  	_ =	shalt  }
0x75: {  	_ =	shalt  }
0x76: {  	_ =	shalt  }
0x77: {  	_ =	shalt  }
0x78: {  	_ =	shalt  }
0x79: {  	_ =	shalt  }
0x7a: {  	_ =	shalt  }
0x7b: {  	_ =	shalt  }
0x7c: {  	_ =	shalt  }
0x7d: {  	_ =	shalt  }
0x7e: {  	_ =	shalt  }
0x7f: {  	_ =	shalt  }
0x80: {  	_ =	shalt  }
0x81: {  	_ =	shalt  }
0x82: {  	_ =	shalt  }
0x83: {  	_ =	shalt  }
0x84: {  	_ =	shalt  }
0x85: {  	_ =	shalt  }
0x86: {  	_ =	shalt  }
0x87: {  	_ =	shalt  }
.Lfunc_end0:
.L_simem_size_0:
called_computation_lowered:
.L_overlay_start_0:
0x88: {  	s2 =	sld [smem:$0x3FD9]  }
0x89: {  	s3 =	sld [smem:$0x3FFE];
	_ =	sdelay $0x1  }
0x8a: {  	s1 =	srdreg.scid  }
0x8b: {  	s0 =	sand.u32 $0x1, s1  }
0x8c: {  	s17 =	sshll.u32 s0, $0xA;
	s2 =	sadd.s32 s3, s2  }
0x8d: {  	s2 =	sadd.s32 s2, s17  }
0x8e: {  	[smem:$0x3FBD] =	sst s2  }
0x8f: {  	_ = 	snop  }
0x90: {  	s18 =	sld [smem:$0x3FD0];
	(tm) =	ssettm $0x1  }
0x91: {  	s19 =	sld [smem:$0x3FFB];
	_ =	sdelay $0x3  }
0x92: {  	_ =	strace s19  }
0x93: {  	s2 =	sld [smem:$0x3FFC];
	_ =	sdelay $0x3  }
0x94: {  	_ =	strace s2  }
0x95: {  	s2 =	sld [smem:$0x3FFD];
	_ =	sdelay $0x3  }
0x96: {  	_ =	strace s2  }
0x97: {  	_ =	strace $0x8FFFFFFF  }
0x98: {  	s20 =	sld [smem:$0x3FDB];
	_ =	sdelay $0x1  }
0x99: {  	s4 =	simm.s32 $_scs_section_size  }
0x9a: {  	s5 =	simm.s32 $_size__tile_overlayer_lowered;
	s6 =	simm.s32 $_tile_overlayer_lowered  }
0x9b: {  	s7 =	simm.s32 $0x1BFF;
	s21 =	sshll.u32 s6, $0x1;
	s4 =	sadd.s32 s4, s20  }
0x9c: {  	s22 =	simm.s32 $0x0;
	s5 =	sshll.u32 s5, $0x1;
	s6 =	sadd.s32 s21, s4  }
0x9d: {  	[timem:s22], [sflag:s7] =	dma.local [hbm:s6], s5  }
0x9e: {  	_ =	swait.ge [sflag:s7], s5  }
0x9f: {  	s5 =	ssub.s32 $0x0, s5;
	[sflag:s7] =	ssyncset.done $0x0  }
0xa0: {  	[sflag:s7] =	ssyncadd.s32 s5;
	_ =	sdelay $0x1  }
0xa1: {  	s23 =	simm.s32 $0x1B8B  }
0xa2: {  	_ =	swait.ge [sflag:s23], $0x1  }
0xa3: {  	[sflag:s23] =	ssyncset.done $0x0  }
0xa4: {  	[sflag:s23] =	ssyncadd.s32 $0xFFFFFFFF  }
0xa5: {  	s5 =	sld [smem:$0x0]  }
0xa6: {  	s6 =	sand.u32 $0xFFFFFFFE, s1  }
0xa7: {  	p0 =	sne.s32 s1, s6  }
0xa8: {  	s6 =	sshll.u32 @p0 s6, $0xE  }
0xa9: {  	s6 =	sadd.s32 @p0 $0x11B8D, s6;
	s7 =	sshll.u32 @p0 s5, $0x11  }
0xaa: {  	s6 =	sor.u32 @p0 s7, s6  }
0xab: {  	[sflag:s6] =	ssyncadd.remote.s32 @p0 $0x1;
	_ =	sdelay $0x1  }
0xac: {  	s6 =	simm.s32 @p0 $0x1B8D  }
0xad: {  	_ =	swait.eq @p0 [sflag:s6], $0x1  }
0xae: {  	[sflag:s6] =	ssyncadd.s32 @p0 $0xFFFFFFFF  }
0xaf: {  	s7 =	sshll.u32 @!p0 s1, $0xE  }
0xb0: {  	s7 =	sor.u32 @!p0 $0x4000, s7;
	s6 =	simm.s32 @!p0 $0x1B8D  }
0xb1: {  	s5 =	sshll.u32 @!p0 s5, $0x11;
	s7 =	sadd.s32 @!p0 $0x11B8D, s7;
	_ =	swait.eq @!p0 [sflag:s6], $0x1  }
0xb2: {  	s5 =	sor.u32 @!p0 s5, s7;
	[sflag:s6] =	ssyncadd.s32 @!p0 $0xFFFFFFFF  }
0xb3: {  	s25 =	simm.s32 $0x1B8E;
	s24 =	sld [smem:$0x3FFE];
	[sflag:s5] =	ssyncadd.remote.s32 @!p0 $0x1  }
0xb4: {  	s26 =	simm.s32 $execute0_lowered;
	[smem:$0x3FD2] =	sst s25  }
0xb5: {  	s6 =	sshll.u32 s26, $0x1;
	_ =	strace $0x80000049;
	[dreg:$0x1] =	wrdreg $0xFFFFFFFF  }
0xb6: {  	s28 =	simm.s32 $_size_execute0_lowered;
	s4 =	sadd.s32 s4, s6;
	[dreg:$0x0] =	wrdreg $0x0  }
0xb7: {  	s6 =	sshll.u32 s28, $0x1;
	[dreg:$0x2] =	wrdreg s4  }
0xb8: {  	[dreg:$0x3] =	wrdreg s6  }
0xb9: {  	[dreg:$0x4] =	wrdreg $0xC0  }
0xba: {  	_ =	task [dreg:s22], $0x5FFFF  }
0xbb: {  	[dreg:$0x1] =	wrdreg $0xFFFFFFFF  }
0xbc: {  	[dreg:$0x0] =	wrdreg $0x60  }
0xbd: {  	[dreg:$0x2] =	wrdreg s24  }
0xbe: {  	[dreg:$0x3] =	wrdreg s18  }
0xbf: {  	[dreg:$0x4] =	wrdreg $0x0  }
0xc0: {  	[dreg:$0x5] =	wrdreg $0x9  }
0xc1: {  	_ =	task.clear_ibuf [dreg:s22], $0x6FFFF;
	_ =	strace $0x90000049  }
0xc2: {  	s29 =	simm.s32 $0x9;
	_ =	strace $0x8000004B  }
0xc3: {  	_ =	swait.ge [sflag:s29], $0x1  }
0xc4: {  	[sflag:s29] =	ssyncadd.s32 $0xFFFFFFFF  }
0xc5: {  	_ =	strace $0x9000004B  }
0xc6: {  	_ =	sfence  }
0xc7: {  	s30 =	sld [smem:$0x0];
	_ =	sdelay $0x2  }
0xc8: {  	s31 =	sshll.u32 s1, $0xD;
	s1 =	sshrl.u32 s1, $0x2  }
0xc9: {  	s4 =	sand.u32 $0x4000, s31;
	s1 =	sadd.s32 s1, s30  }
0xca: {  	s0 =	sor.u32 s4, s0;
	s1 =	sshll.u32 s1, $0x11  }
0xcb: {  	s0 =	sor.u32 s1, s0  }
0xcc: {  	s0 =	sadd.s32 $0x8F2B, s0  }
0xcd: {  	[sflag:s0] =	ssyncadd.remote.s32 $0x1  }
0xce: {  	_ =	sfence.sel $0xFFFF  }
0xcf: {  	[dreg:$0x0] =	wrdreg $0xFFFFFFFF;
	(pc) =	sbr.abs _section_cstart, $3  }
0xd0: {  	[dreg:$0x1] =	wrdreg $0xFFFFFFFF  }
0xd1: {  	_ =	task.clear_ibuf [dreg:s22], $0x2FFFF;
	_ =	strace $0x9FFFFFFF  }
0xd2: {  	(tm) =	ssettm $0x7FFFFFFF  }
0xd3: {  	_ =	shalt  }
tec
execute0_lowered:
.L_overlay_start_1:
0x0: {  	(tag) =	ssettag $0x1  }
0x1: {  	s6 =	rddreg [dreg:$0x0]  }
0x2: {  	s1 =	rddreg [dreg:$0x1]  }
0x3: {  	s3 =	rddreg [dreg:$0x2];
	s2 =	srdreg.scid  }
0x4: {  	s0 =	rddreg [dreg:$0x3];
	s4 =	simm.s32 $0x0;
	s13 =	simm.s32 $0x80  }
0x5: {  	s14 =	simm.s32 $0x1;
	s7 =	sand.u32 $0x1, s2;
	s2 =	stileid.u32  }
0x6: {  	s15 =	simm.s32 $0x0;
	[smem:$0x7FF] =	sst s4;
	s8 =	smul.u32 $0x140000, s7  }
0x7: {  	s5 =	sshll.u32 s7, $0x4;
	s9 =	smul.u32 $0x14000, s2;
	_ =	strace $0x8000004A  }
0x8: {  	s10 =	smul.u32 $0x50000, s2;
	s31 =	ssub.s32 $0x2, s7;
	s5 =	sor.u32 s2, s5  }
0x9: {  	s11 =	sshll.u32 s2, $0x6;
	s7 =	sshrl.u32 s31, $0x1;
	s5 =	smul.u32 $0x500, s5  }
0xa: {  	s8 =	sadd.s32 s9, s8;
	s10 =	sshrl.u32 s10, $0x2;
	s12 =	ssub.s32 s31, s7  }
0xb: {  	s8 =	sshrl.u32 s8, $0x3;
	s10 =	sadd.s32 s10, s3;
	s9 =	smax.u32 s12, $0x1  }
0xc: {  	s12 =	simm.s32 $0x16800;
	s30 =	sadd.s32 s5, s6;
	s5 =	sadd.s32 $0x17E00, s6  }
0xd: {  	s8 =	sadd.s32 s8, s6;
	s6 =	sor.u32 $0x1C02, s11;
	s10 =	sshrl.u32 s10, $0x3  }
0xe: {  	s11 =	simm.s32 $0x2;
	s7 =	sadd.s32 $0x3200, s30;
	s8 =	sadd.s32 $0x6A600, s8  }
.LBB2_1:
0xf: {  	[spmem:s10], [sflag:s6] =	dma.local [hbm:s5], $0x2800  }
0x10: {  	_ =	swait.ge [sflag:s11], $0x2800  }
0x11: {  	[sflag:s11] =	ssyncset.done $0x0  }
0x12: {  	[sflag:s11] =	ssyncadd.s32 $0xFFFFD800  }
0x13: {  	[tilespmem:s12], [sflag:$0x2] =	stream.linear.gather [hbm4b:s1+s4], $0x4000, $0x38;
	[tilespmem:$0x1A800] =	vst v63  }
0x14: {  	_ =	swait.ge [sflag:s11], $0x4000  }
0x15: {  	[sflag:s11] =	ssyncset.done $0x0  }
0x16: {  	s16 =	simm.s32 $0x14000;
	[sflag:s11] =	ssyncadd.s32 $0xFFFFC000  }
0x17: {  	[tilespmem:s16], [sflag:$0x2] =	stream.linear.gather [hbm4b:s7+s4], $0x2800, $0x38;
	[tilespmem:$0x1A800] =	vst v63  }
0x18: {  	_ =	swait.ge [sflag:s11], $0x2800  }
0x19: {  	[sflag:s11] =	ssyncset.done $0x0  }
0x1a: {  	p0 =	por $0x1, $0x1;
	[sflag:s11] =	ssyncadd.s32 $0xFFFFD800  }
0x1b: {  	s18 =	simm.s32 @!p0 $0x1;
	[bflag:$0x0] =	sbarrier.arrive $0xFFFF  }
0x1c: {  	[spmem:s3] =	stream.indirect.scatter.add.f32 [tilespmem:s12], [sflag:$0x1], $0x80, s16, s13, $0xb8;
	[tilespmem:$0x1A800] =	vst v63  }
0x1d: {  	_ =	swait.ge @!p0 [sflag:s18], $0x4000  }
0x1e: {  	s17 =	simm.s32 $0x1;
	[sflag:s18] =	ssyncset.done @!p0 $0x0  }
.LBB2_2:
0x1f: {  	[sflag:s18] =	ssyncadd.s32 @!p0 $0xFFFFC000  }
0x20: {  	s16 =	sadd.s32 $0x80, s16;
	s18 =	smov.u32 s17;
	s17 =	sadd.s32 $0x1, s17  }
0x21: {  	p1 =	sne.s32 s17, $0x50  }
0x22: {  	[spmem:s3] =	stream.indirect.scatter.add.f32 [tilespmem:s12], [sflag:$0x1], $0x80, s16, s13, $0xb8;
	[tilespmem:$0x1A800] =	vst v63  }
.Ltmp0:
0x23: {  	_ = 	snop;
	(pc) =	sbr.rel @p1 .LBB2_2-.Ltmp0, $4  }
0x24: {  	p0 =	slt.u32 s18, $0x8  }
0x25: {  	s18 =	simm.s32 @!p0 $0x1  }
0x26: {  	_ =	swait.ge @!p0 [sflag:s18], $0x4000  }
0x27: {  	[sflag:s18] =	ssyncset.done @!p0 $0x0  }
0x28: {  	[sflag:s18] =	ssyncadd.s32 @!p0 $0xFFFFC000  }
0x29: {  	_ =	swait.ge [sflag:s14], $0x4000  }
0x2a: {  	[sflag:s14] =	ssyncset.done $0x0  }
0x2b: {  	[sflag:s14] =	ssyncadd.s32 $0xFFFFC000  }
0x2c: {  	_ =	swait.ge [sflag:s14], $0x4000  }
0x2d: {  	[sflag:s14] =	ssyncset.done $0x0  }
0x2e: {  	[sflag:s14] =	ssyncadd.s32 $0xFFFFC000  }
0x2f: {  	_ =	swait.ge [sflag:s14], $0x4000  }
0x30: {  	[sflag:s14] =	ssyncset.done $0x0  }
0x31: {  	[sflag:s14] =	ssyncadd.s32 $0xFFFFC000  }
0x32: {  	_ =	swait.ge [sflag:s14], $0x4000  }
0x33: {  	[sflag:s14] =	ssyncset.done $0x0  }
0x34: {  	[sflag:s14] =	ssyncadd.s32 $0xFFFFC000  }
0x35: {  	_ =	swait.ge [sflag:s14], $0x4000  }
0x36: {  	[sflag:s14] =	ssyncset.done $0x0  }
0x37: {  	[sflag:s14] =	ssyncadd.s32 $0xFFFFC000  }
0x38: {  	_ =	swait.ge [sflag:s14], $0x4000  }
0x39: {  	[sflag:s14] =	ssyncset.done $0x0  }
0x3a: {  	[sflag:s14] =	ssyncadd.s32 $0xFFFFC000  }
0x3b: {  	_ =	swait.ge [sflag:s14], $0x4000  }
0x3c: {  	[sflag:s14] =	ssyncset.done $0x0  }
0x3d: {  	[sflag:s14] =	ssyncadd.s32 $0xFFFFC000  }
0x3e: {  	_ =	swait.ge [sflag:s14], $0x4000  }
0x3f: {  	s15 =	sadd.s32 $0x1, s15;
	[sflag:s14] =	ssyncset.done $0x0  }
0x40: {  	p0 =	sne.s32 s15, s9;
	[sflag:s14] =	ssyncadd.s32 $0xFFFFC000  }
.Ltmp1:
0x41: {  	[bflag:$0x0] =	sbarrier.arrive $0xFFFF;
	(pc) =	sbr.rel @p0 .LBB2_1-.Ltmp1, $4  }
0x42: {  	[hbm:s8], [sflag:s6] =	dma.local [spmem:s10], $0x2800  }
0x43: {  	_ =	swait.ge [sflag:s11], $0x2800  }
0x44: {  	[sflag:s11] =	ssyncset.done $0x0  }
0x45: {  	[sflag:s11] =	ssyncadd.s32 $0xFFFFD800  }
0x46: {  	_ =	sfence.sel $0x180000  }
0x47: {  	[bflag:$0x0] =	sbarrier.arrive $0xFFFF  }
0x48: {  	p0 =	sne.s32 s2, $0x0;
	_ =	strace $0x9000004A  }
0x49: {  	s0 =	sadd.s32 @!p0 $0x100000, s0;
	[bflag:$0x2] =	sbarrier.arrive $0xFFFF  }
0x4a: {  	[sflag:s0] =	ssyncadd.tile.s32 @!p0 $0x1;
	_ =	shalt  }
.Lfunc_end2:
_tile_overlayer_lowered:
.L_overlay_start_2:
0x4b: {  	(tag) =	ssettag $0x2  }
0x4c: {  	s0 =	rddreg [dreg:$0x0];
	s2 =	stileid.u32  }
0x4d: {  	s1 =	rddreg [dreg:$0x1];
	p0 =	sne.s32 s2, $0x0  }
0x4e: {  	s3 =	rddreg [dreg:$0x2];
	[bflag:$0x3] =	sbarrier.arrive $0xFFFF;
	s2 =	simm.s32 @!p0 $0x1C02  }
0x4f: {  	[timem:s3], [sflag:s2] =	dma.local @!p0 [hbm:s0], s1  }
0x50: {  	s0 =	simm.s32 @!p0 $0x2  }
0x51: {  	_ =	swait.ge @!p0 [sflag:s0], s1  }
0x52: {  	s1 =	ssub.s32 @!p0 $0x0, s1;
	[sflag:s0] =	ssyncset.done @!p0 $0x0  }
0x53: {  	[sflag:s0] =	ssyncadd.s32 @!p0 s1  }
0x54: {  	[bflag:$0x3] =	sbarrier.arrive $0xFFFF  }
0x55: {  	_ =	shalt  }

</sc_bundles>
